<compile_context>
chip_gen: v7x
topology: tpu7x:2x2x1
jax: 0.10.2.dev20260603
libtpu: 0.0.44.dev20260713+nightly
codegen_flags: <defaults>
</compile_context>

<pallas_src>
import functools

import jax
import jax.numpy as jnp
from jax import lax
from jax.experimental import pallas as pl
from jax.experimental.pallas import tpu as pltpu
from jax.experimental.pallas import tpu_sc as plsc

_KC = 32
_K = 9
_D = 2

_NC = 2
_NS = 16
_NW = _NC * _NS
_L = 16

_TW = 128
_STEPS = 5


def _make_dilated_copy(e, n2):
    npt = _TW // _KC
    wpe = _NW // e
    npw = (n2 // wpe) // (_L * _STEPS) * (_L * _STEPS)
    npw_last = n2 - (wpe - 1) * npw
    ch, ch_last = npw // _STEPS, npw_last // _STEPS
    assert ch % _L == 0 and ch_last % _L == 0

    mesh = plsc.VectorSubcoreMesh(core_axis_name="c", subcore_axis_name="s")

    @functools.partial(
        pl.kernel,
        mesh=mesh,
        out_type=jax.ShapeDtypeStruct((e, n2 * _K), jnp.uint32),
        scratch_types=[
            pltpu.VMEM((ch_last // npt, _TW), jnp.uint32),
            pltpu.VMEM((ch_last // npt, _TW), jnp.uint32),
            pltpu.VMEM((1, ch_last * _K), jnp.uint32),
            pltpu.VMEM((1, ch_last * _K), jnp.uint32),
            pltpu.SemaphoreType.DMA,
            pltpu.SemaphoreType.DMA,
            pltpu.SemaphoreType.DMA,
            pltpu.SemaphoreType.DMA,
        ],
        compiler_params=pltpu.CompilerParams(
            use_tc_tiling_on_sc=False, needs_layout_passes=False
        ),
    )
    def dilated_copy(in_hbm, out_hbm, a0, a1, b0, b1, sa0, sa1, sb0, sb1):
        bufs_a, bufs_b = (a0, a1), (b0, b1)
        sems_a, sems_b = (sa0, sa1), (sb0, sb1)
        wid = lax.axis_index("s") * _NC + lax.axis_index("c")
        row = wid % jnp.int32(e)
        widx = wid // jnp.int32(e)
        base_n = widx * jnp.int32(npw)
        lanes = lax.iota(jnp.int32, _L)
        zeros = lanes * jnp.int32(0)
        lanev = (lanes // jnp.int32(npt)) * jnp.int32(_TW) + (
            lanes % jnp.int32(npt)
        ) * jnp.int32(_KC)

        def copy_in(c, i, buf, s):
            n0 = base_n + jnp.int32(i * c)
            return pltpu.async_copy(
                in_hbm.at[
                    pl.ds(n0 // jnp.int32(npt), c // npt),
                    row,
                    pl.ds(0, _TW),
                ],
                buf.at[pl.ds(0, c // npt)],
                s,
            )

        def gather(c, buf_a, buf_b):
            def tbody(t, _):
                ibase = t * jnp.int32(_L * _KC) + lanev
                obase = t * jnp.int32(_L * _K) + lanes * jnp.int32(_K)
                for j in range(_K):
                    idx = ibase + jnp.int32(_D * j)
                    v = plsc.load_gather(
                        buf_a.bitcast(jnp.int32),
                        [
                            lax.shift_right_logical(idx, jnp.int32(7)),
                            lax.bitwise_and(idx, jnp.int32(_TW - 1)),
                        ],
                    )
                    plsc.store_scatter(
                        buf_b.bitcast(jnp.int32),
                        [zeros, obase + jnp.int32(j)],
                        v,
                    )
                return ()

            lax.fori_loop(jnp.int32(0), jnp.int32(c // _L), tbody, ())

        def copy_out(c, i, buf, s):
            n0 = base_n + jnp.int32(i * c)
            return pltpu.async_copy(
                buf.at[jnp.int32(0), pl.ds(0, c * _K)],
                out_hbm.at[row, pl.ds(n0 * jnp.int32(_K), c * _K)],
                s,
            )

        def run(c):
            ins = [None] * _STEPS
            outs = [None] * _STEPS
            ins[0] = copy_in(c, 0, bufs_a[0], sems_a[0])
            for i in range(_STEPS):
                if i + 1 < _STEPS:
                    ins[i + 1] = copy_in(
                        c, i + 1, bufs_a[(i + 1) % 2], sems_a[(i + 1) % 2]
                    )
                ins[i].wait()
                if i >= 2:
                    outs[i - 2].wait()
                gather(c, bufs_a[i % 2], bufs_b[i % 2])
                outs[i] = copy_out(c, i, bufs_b[i % 2], sems_b[i % 2])
            outs[_STEPS - 2].wait()
            outs[_STEPS - 1].wait()

        @pl.when(widx < wpe - 1)
        def _():
            run(ch)

        @pl.when(widx == wpe - 1)
        def _():
            run(ch_last)

    return dilated_copy


def kernel(edge_index, k_constructed):
    e, total = edge_index.shape
    n2 = total // _KC

    lo = edge_index.astype(jnp.uint32)
    src = lo.reshape(e, total // _TW, _TW).transpose(1, 0, 2)

    out32 = _make_dilated_copy(e, n2)(src)

    delta = (jnp.asarray(k_constructed, jnp.int64) - _KC).astype(jnp.int32)
    out_s32 = lax.bitcast_convert_type(out32, jnp.int32) + delta
    return out_s32.astype(jnp.int64)

# --- scband reference (transcript-rebuilt; emitter-appended) ---
"""Pipeline reference for scband-dilated-89816356094630 (READ-ONLY COPY).

The authoritative reference and input builder live on the scoring server;
editing this copy changes nothing except your own understanding.
"""

import jax, jax.numpy as jnp
import numpy as np
jax.config.update("jax_enable_x64", True)

K = 9
D = 2


def setup_inputs(seed: int = 0) -> dict:
    key = jax.random.key(seed)
    n_nodes = 100000
    k_constructed = 32
    edge_index = jax.random.randint(key, (2, n_nodes * k_constructed), 0, n_nodes, dtype=jnp.int64)
    return {"edge_index": edge_index, "k_constructed": k_constructed}


def reference(edge_index, k_constructed):
    # Dilated.forward with stochastic=False, hierarchical=False:
    # get_dilated_k: rearrange 'e (n2 kc) -> e n2 kc', stride by dilation, take first k, flatten back.
    kc_static = 32
    e = edge_index.reshape(2, -1, kc_static)
    e = e[:, :, ::D]
    e = e[:, :, :K]
    out = e.reshape(2, -1)
    out = out + (k_constructed - kc_static)
    return out

if __name__ == "__main__":
    import jax
    _d = setup_inputs()
    print(jax.jit(kernel)(*tuple(_d.values())))

</pallas_src>

<mosaic_0001>
#map = affine_map<(d0, d1) -> (0, 0, 0)>
#map1 = affine_map<(d0, d1) -> (0, 0)>
module attributes {stable_mosaic.version = 14 : i64} {
  func.func @dilated_copy(%arg0: i32, %arg1: i32, %arg2: memref<25000x2x128xi32, #tpu.memory_space<hbm>>, %arg3: memref<2x900000xi32, #tpu.memory_space<hbm>>, %arg4: memref<320x128xi32, #tpu.memory_space<vmem>>, %arg5: memref<320x128xi32, #tpu.memory_space<vmem>>, %arg6: memref<1x11520xi32, #tpu.memory_space<vmem>>, %arg7: memref<1x11520xi32, #tpu.memory_space<vmem>>, %arg8: memref<!tpu.dma_semaphore, #tpu.memory_space<semaphore_mem>>, %arg9: memref<!tpu.dma_semaphore, #tpu.memory_space<semaphore_mem>>, %arg10: memref<!tpu.dma_semaphore, #tpu.memory_space<semaphore_mem>>, %arg11: memref<!tpu.dma_semaphore, #tpu.memory_space<semaphore_mem>>) attributes {dimension_semantics = [#tpu.dimension_semantics<core_parallel>, #tpu.dimension_semantics<subcore_parallel>], iteration_bounds = array<i64: 2, 16>, scalar_prefetch = 0 : i64, scratch_operands = 8 : i64, tpu.core_type = #tpu.core_type<sc_vector_subcore>, window_params = [{transform_indices = #map}, {transform_indices = #map1}]} {
    %mul3A = arith.constant 2 : i32
    %mul3A_0 = arith.muli %arg1, %mul3A : i32
    %add3A = arith.addi %mul3A_0, %arg0 : i32
    %jit3A = arith.constant 2 : i32
    %eq3A = arith.constant 0 : i32
    %eq3A_1 = arith.cmpi eq, %jit3A, %eq3A : i32
    %jit3A_2 = arith.constant 1 : i32
    %select_n3A = arith.select %eq3A_1, %jit3A_2, %jit3A : i32
    %rem3A = arith.remsi %add3A, %select_n3A : i32
    %ne3A = arith.constant 0 : i32
    %ne3A_3 = arith.cmpi ne, %rem3A, %ne3A : i32
    %lt3A = arith.constant 0 : i32
    %lt3A_4 = arith.cmpi slt, %rem3A, %lt3A : i32
    %lt3A_5 = arith.constant 0 : i32
    %lt3A_6 = arith.cmpi slt, %select_n3A, %lt3A_5 : i32
    %ne3A_7 = arith.xori %lt3A_4, %lt3A_6 : i1
    %and3A = arith.andi %ne3A_7, %ne3A_3 : i1
    %add3A_8 = arith.addi %rem3A, %select_n3A : i32
    %select_n3A_9 = arith.select %and3A, %add3A_8, %rem3A : i32
    %jit3A_10 = arith.constant 2 : i32
    %div3A = arith.divsi %add3A, %jit3A_10 : i32
    %sign3A = arith.constant 0 : i32
    %sign3A_11 = arith.cmpi sgt, %add3A, %sign3A : i32
    %sign3A_12 = arith.extui %sign3A_11 : i1 to i32
    %sign3A_13 = arith.constant 0 : i32
    %sign3A_14 = arith.cmpi slt, %add3A, %sign3A_13 : i32
    %sign3A_15 = arith.extui %sign3A_14 : i1 to i32
    %sign3A_16 = arith.subi %sign3A_12, %sign3A_15 : i32
    %sign3A_17 = arith.constant 0 : i32
    %sign3A_18 = arith.cmpi sgt, %jit3A_10, %sign3A_17 : i32
    %sign3A_19 = arith.extui %sign3A_18 : i1 to i32
    %sign3A_20 = arith.constant 0 : i32
    %sign3A_21 = arith.cmpi slt, %jit3A_10, %sign3A_20 : i32
    %sign3A_22 = arith.extui %sign3A_21 : i1 to i32
    %sign3A_23 = arith.subi %sign3A_19, %sign3A_22 : i32
    %ne3A_24 = arith.cmpi ne, %sign3A_16, %sign3A_23 : i32
    %rem3A_25 = arith.remsi %add3A, %jit3A_10 : i32
    %ne3A_26 = arith.constant 0 : i32
    %ne3A_27 = arith.cmpi ne, %rem3A_25, %ne3A_26 : i32
    %and3A_28 = arith.andi %ne3A_24, %ne3A_27 : i1
    %sub3A = arith.constant 1 : i32
    %sub3A_29 = arith.subi %div3A, %sub3A : i32
    %select_n3A_30 = arith.select %and3A_28, %sub3A_29, %div3A : i32
    %mul3A_31 = arith.constant 6240 : i32
    %mul3A_32 = arith.muli %select_n3A_30, %mul3A_31 : i32
    %iota3A = tpu.iota {dimensions = array<i32: 0>} : vector<16xi32>
    %mul3A_33 = arith.constant 0 : i32
    %mul3A_34 = vector.broadcast %mul3A_33 : i32 to vector<16xi32>
    %mul3A_35 = arith.muli %iota3A, %mul3A_34 : vector<16xi32>
    %jit3A_36 = arith.constant 4 : i32
    %div3A_37 = vector.broadcast %jit3A_36 : i32 to vector<16xi32>
    %div3A_38 = arith.divsi %iota3A, %div3A_37 : vector<16xi32>
    %sign3A_39 = arith.constant 0 : i32
    %sign3A_40 = vector.broadcast %sign3A_39 : i32 to vector<16xi32>
    %sign3A_41 = arith.cmpi sgt, %iota3A, %sign3A_40 : vector<16xi32>
    %sign3A_42 = arith.extui %sign3A_41 : vector<16xi1> to vector<16xi32>
    %sign3A_43 = arith.constant 0 : i32
    %sign3A_44 = vector.broadcast %sign3A_43 : i32 to vector<16xi32>
    %sign3A_45 = arith.cmpi slt, %iota3A, %sign3A_44 : vector<16xi32>
    %sign3A_46 = arith.extui %sign3A_45 : vector<16xi1> to vector<16xi32>
    %sign3A_47 = arith.subi %sign3A_42, %sign3A_46 : vector<16xi32>
    %sign3A_48 = arith.constant 0 : i32
    %sign3A_49 = arith.cmpi sgt, %jit3A_36, %sign3A_48 : i32
    %sign3A_50 = arith.extui %sign3A_49 : i1 to i32
    %sign3A_51 = arith.constant 0 : i32
    %sign3A_52 = arith.cmpi slt, %jit3A_36, %sign3A_51 : i32
    %sign3A_53 = arith.extui %sign3A_52 : i1 to i32
    %sign3A_54 = arith.subi %sign3A_50, %sign3A_53 : i32
    %ne3A_55 = vector.broadcast %sign3A_54 : i32 to vector<16xi32>
    %ne3A_56 = arith.cmpi ne, %sign3A_47, %ne3A_55 : vector<16xi32>
    %rem3A_57 = vector.broadcast %jit3A_36 : i32 to vector<16xi32>
    %rem3A_58 = arith.remsi %iota3A, %rem3A_57 : vector<16xi32>
    %ne3A_59 = arith.constant 0 : i32
    %ne3A_60 = vector.broadcast %ne3A_59 : i32 to vector<16xi32>
    %ne3A_61 = arith.cmpi ne, %rem3A_58, %ne3A_60 : vector<16xi32>
    %and3A_62 = arith.andi %ne3A_56, %ne3A_61 : vector<16xi1>
    %sub3A_63 = arith.constant 1 : i32
    %sub3A_64 = vector.broadcast %sub3A_63 : i32 to vector<16xi32>
    %sub3A_65 = arith.subi %div3A_38, %sub3A_64 : vector<16xi32>
    %select_n3A_66 = arith.select %and3A_62, %sub3A_65, %div3A_38 : vector<16xi1>, vector<16xi32>
    %mul3A_67 = arith.constant 128 : i32
    %mul3A_68 = vector.broadcast %mul3A_67 : i32 to vector<16xi32>
    %mul3A_69 = arith.muli %select_n3A_66, %mul3A_68 : vector<16xi32>
    %jit3A_70 = arith.constant 4 : i32
    %eq3A_71 = arith.constant 0 : i32
    %eq3A_72 = arith.cmpi eq, %jit3A_70, %eq3A_71 : i32
    %jit3A_73 = arith.constant 1 : i32
    %select_n3A_74 = arith.select %eq3A_72, %jit3A_73, %jit3A_70 : i32
    %rem3A_75 = vector.broadcast %select_n3A_74 : i32 to vector<16xi32>
    %rem3A_76 = arith.remsi %iota3A, %rem3A_75 : vector<16xi32>
    %ne3A_77 = arith.constant 0 : i32
    %ne3A_78 = vector.broadcast %ne3A_77 : i32 to vector<16xi32>
    %ne3A_79 = arith.cmpi ne, %rem3A_76, %ne3A_78 : vector<16xi32>
    %lt3A_80 = arith.constant 0 : i32
    %lt3A_81 = vector.broadcast %lt3A_80 : i32 to vector<16xi32>
    %lt3A_82 = arith.cmpi slt, %rem3A_76, %lt3A_81 : vector<16xi32>
    %lt3A_83 = arith.constant 0 : i32
    %lt3A_84 = arith.cmpi slt, %select_n3A_74, %lt3A_83 : i32
    %ne3A_85 = vector.broadcast %lt3A_84 : i1 to vector<16xi1>
    %ne3A_86 = vector.broadcast %ne3A_85 : vector<16xi1> to vector<16xi1>
    %ne3A_87 = arith.xori %lt3A_82, %ne3A_86 : vector<16xi1>
    %and3A_88 = arith.andi %ne3A_87, %ne3A_79 : vector<16xi1>
    %add3A_89 = vector.broadcast %select_n3A_74 : i32 to vector<16xi32>
    %add3A_90 = arith.addi %rem3A_76, %add3A_89 : vector<16xi32>
    %select_n3A_91 = arith.select %and3A_88, %add3A_90, %rem3A_76 : vector<16xi1>, vector<16xi32>
    %mul3A_92 = arith.constant 32 : i32
    %mul3A_93 = vector.broadcast %mul3A_92 : i32 to vector<16xi32>
    %mul3A_94 = arith.muli %select_n3A_91, %mul3A_93 : vector<16xi32>
    %add3A_95 = arith.addi %mul3A_69, %mul3A_94 : vector<16xi32>
    %lt3A_96 = arith.constant 15 : i32
    %lt3A_97 = arith.cmpi slt, %select_n3A_30, %lt3A_96 : i32
    %convert_element_type3A = arith.extui %lt3A_97 : i1 to i32
    %cond3A = arith.constant 0 : i32
    %cond3A_98 = arith.cmpi ne, %convert_element_type3A, %cond3A : i32
    scf.if %cond3A_98 {
      %add3A_104 = arith.constant 0 : i32
      %add3A_105 = arith.addi %mul3A_32, %add3A_104 : i32
      %jit3A_106 = arith.constant 4 : i32
      %div3A_107 = arith.divsi %add3A_105, %jit3A_106 : i32
      %sign3A_108 = arith.constant 0 : i32
      %sign3A_109 = arith.cmpi sgt, %add3A_105, %sign3A_108 : i32
      %sign3A_110 = arith.extui %sign3A_109 : i1 to i32
      %sign3A_111 = arith.constant 0 : i32
      %sign3A_112 = arith.cmpi slt, %add3A_105, %sign3A_111 : i32
      %sign3A_113 = arith.extui %sign3A_112 : i1 to i32
      %sign3A_114 = arith.subi %sign3A_110, %sign3A_113 : i32
      %sign3A_115 = arith.constant 0 : i32
      %sign3A_116 = arith.cmpi sgt, %jit3A_106, %sign3A_115 : i32
      %sign3A_117 = arith.extui %sign3A_116 : i1 to i32
      %sign3A_118 = arith.constant 0 : i32
      %sign3A_119 = arith.cmpi slt, %jit3A_106, %sign3A_118 : i32
      %sign3A_120 = arith.extui %sign3A_119 : i1 to i32
      %sign3A_121 = arith.subi %sign3A_117, %sign3A_120 : i32
      %ne3A_122 = arith.cmpi ne, %sign3A_114, %sign3A_121 : i32
      %rem3A_123 = arith.remsi %add3A_105, %jit3A_106 : i32
      %ne3A_124 = arith.constant 0 : i32
      %ne3A_125 = arith.cmpi ne, %rem3A_123, %ne3A_124 : i32
      %and3A_126 = arith.andi %ne3A_122, %ne3A_125 : i1
      %sub3A_127 = arith.constant 1 : i32
      %sub3A_128 = arith.subi %div3A_107, %sub3A_127 : i32
      %select_n3A_129 = arith.select %and3A_126, %sub3A_128, %div3A_107 : i32
      %dma_start3A = arith.constant 0 : i32
      %dma_start3A_130 = arith.constant 0 : i32
      %dma_start3A_131 = tpu.memref_slice %arg4[%dma_start3A, %dma_start3A_130] : memref<320x128xi32, #tpu.memory_space<vmem>> -> memref<312x128xi32, #tpu.memory_space<vmem>>
      %dma_start3A_132 = arith.constant 0 : i32
      %dma_start3A_133 = tpu.memref_slice %arg2[%select_n3A_129, %select_n3A_9, %dma_start3A_132] : memref<25000x2x128xi32, #tpu.memory_space<hbm>> -> memref<312x1x128xi32, #tpu.memory_space<hbm>>
      %dma_start3A_134 = tpu.memref_squeeze %dma_start3A_133 : memref<312x1x128xi32, #tpu.memory_space<hbm>> -> memref<312x128xi32, #tpu.memory_space<hbm>>
      %dma_start3A_135 = arith.constant 0 : i32
      %dma_start3A_136 = arith.constant 0 : i32
      %dma_start3A_137 = tpu.memref_slice %arg4[%dma_start3A_135, %dma_start3A_136] : memref<320x128xi32, #tpu.memory_space<vmem>> -> memref<312x128xi32, #tpu.memory_space<vmem>>
      %dma_start3A_138 = arith.constant 0 : i32
      %dma_start3A_139 = tpu.memref_slice %arg2[%select_n3A_129, %select_n3A_9, %dma_start3A_138] : memref<25000x2x128xi32, #tpu.memory_space<hbm>> -> memref<312x1x128xi32, #tpu.memory_space<hbm>>
      %dma_start3A_140 = tpu.memref_squeeze %dma_start3A_139 : memref<312x1x128xi32, #tpu.memory_space<hbm>> -> memref<312x128xi32, #tpu.memory_space<hbm>>
      tpu.enqueue_dma source(%dma_start3A_140 : memref<312x128xi32, #tpu.memory_space<hbm>>) target(%dma_start3A_137 : memref<312x128xi32, #tpu.memory_space<vmem>>) target_semaphore(%arg8 : memref<!tpu.dma_semaphore, #tpu.memory_space<semaphore_mem>>)
      %add3A_141 = arith.constant 1248 : i32
      %add3A_142 = arith.addi %mul3A_32, %add3A_141 : i32
      %jit3A_143 = arith.constant 4 : i32
      %div3A_144 = arith.divsi %add3A_142, %jit3A_143 : i32
      %sign3A_145 = arith.constant 0 : i32
      %sign3A_146 = arith.cmpi sgt, %add3A_142, %sign3A_145 : i32
      %sign3A_147 = arith.extui %sign3A_146 : i1 to i32
      %sign3A_148 = arith.constant 0 : i32
      %sign3A_149 = arith.cmpi slt, %add3A_142, %sign3A_148 : i32
      %sign3A_150 = arith.extui %sign3A_149 : i1 to i32
      %sign3A_151 = arith.subi %sign3A_147, %sign3A_150 : i32
      %sign3A_152 = arith.constant 0 : i32
      %sign3A_153 = arith.cmpi sgt, %jit3A_143, %sign3A_152 : i32
      %sign3A_154 = arith.extui %sign3A_153 : i1 to i32
      %sign3A_155 = arith.constant 0 : i32
      %sign3A_156 = arith.cmpi slt, %jit3A_143, %sign3A_155 : i32
      %sign3A_157 = arith.extui %sign3A_156 : i1 to i32
      %sign3A_158 = arith.subi %sign3A_154, %sign3A_157 : i32
      %ne3A_159 = arith.cmpi ne, %sign3A_151, %sign3A_158 : i32
      %rem3A_160 = arith.remsi %add3A_142, %jit3A_143 : i32
      %ne3A_161 = arith.constant 0 : i32
      %ne3A_162 = arith.cmpi ne, %rem3A_160, %ne3A_161 : i32
      %and3A_163 = arith.andi %ne3A_159, %ne3A_162 : i1
      %sub3A_164 = arith.constant 1 : i32
      %sub3A_165 = arith.subi %div3A_144, %sub3A_164 : i32
      %select_n3A_166 = arith.select %and3A_163, %sub3A_165, %div3A_144 : i32
      %dma_start3A_167 = arith.constant 0 : i32
      %dma_start3A_168 = arith.constant 0 : i32
      %dma_start3A_169 = tpu.memref_slice %arg5[%dma_start3A_167, %dma_start3A_168] : memref<320x128xi32, #tpu.memory_space<vmem>> -> memref<312x128xi32, #tpu.memory_space<vmem>>
      %dma_start3A_170 = arith.constant 0 : i32
      %dma_start3A_171 = tpu.memref_slice %arg2[%select_n3A_166, %select_n3A_9, %dma_start3A_170] : memref<25000x2x128xi32, #tpu.memory_space<hbm>> -> memref<312x1x128xi32, #tpu.memory_space<hbm>>
      %dma_start3A_172 = tpu.memref_squeeze %dma_start3A_171 : memref<312x1x128xi32, #tpu.memory_space<hbm>> -> memref<312x128xi32, #tpu.memory_space<hbm>>
      %dma_start3A_173 = arith.constant 0 : i32
      %dma_start3A_174 = arith.constant 0 : i32
      %dma_start3A_175 = tpu.memref_slice %arg5[%dma_start3A_173, %dma_start3A_174] : memref<320x128xi32, #tpu.memory_space<vmem>> -> memref<312x128xi32, #tpu.memory_space<vmem>>
      %dma_start3A_176 = arith.constant 0 : i32
      %dma_start3A_177 = tpu.memref_slice %arg2[%select_n3A_166, %select_n3A_9, %dma_start3A_176] : memref<25000x2x128xi32, #tpu.memory_space<hbm>> -> memref<312x1x128xi32, #tpu.memory_space<hbm>>
      %dma_start3A_178 = tpu.memref_squeeze %dma_start3A_177 : memref<312x1x128xi32, #tpu.memory_space<hbm>> -> memref<312x128xi32, #tpu.memory_space<hbm>>
      tpu.enqueue_dma source(%dma_start3A_178 : memref<312x128xi32, #tpu.memory_space<hbm>>) target(%dma_start3A_175 : memref<312x128xi32, #tpu.memory_space<vmem>>) target_semaphore(%arg9 : memref<!tpu.dma_semaphore, #tpu.memory_space<semaphore_mem>>)
      %dma_wait3A = arith.constant 0 : i32
      %dma_wait3A_179 = arith.constant 0 : i32
      %dma_wait3A_180 = tpu.memref_slice %arg4[%dma_wait3A, %dma_wait3A_179] : memref<320x128xi32, #tpu.memory_space<vmem>> -> memref<312x128xi32, #tpu.memory_space<vmem>>
      %dma_wait3A_181 = arith.constant 0 : i32
      %dma_wait3A_182 = tpu.memref_slice %arg2[%select_n3A_129, %select_n3A_9, %dma_wait3A_181] : memref<25000x2x128xi32, #tpu.memory_space<hbm>> -> memref<312x1x128xi32, #tpu.memory_space<hbm>>
      %dma_wait3A_183 = tpu.memref_squeeze %dma_wait3A_182 : memref<312x1x128xi32, #tpu.memory_space<hbm>> -> memref<312x128xi32, #tpu.memory_space<hbm>>
      %dma_wait3A_184 = arith.constant 0 : i32
      %dma_wait3A_185 = arith.constant 0 : i32
      %dma_wait3A_186 = tpu.memref_slice %arg4[%dma_wait3A_184, %dma_wait3A_185] : memref<320x128xi32, #tpu.memory_space<vmem>> -> memref<312x128xi32, #tpu.memory_space<vmem>>
      %dma_wait3A_187 = arith.constant 0 : i32
      %dma_wait3A_188 = tpu.memref_slice %arg2[%select_n3A_129, %select_n3A_9, %dma_wait3A_187] : memref<25000x2x128xi32, #tpu.memory_space<hbm>> -> memref<312x1x128xi32, #tpu.memory_space<hbm>>
      %dma_wait3A_189 = tpu.memref_squeeze %dma_wait3A_188 : memref<312x1x128xi32, #tpu.memory_space<hbm>> -> memref<312x128xi32, #tpu.memory_space<hbm>>
      tpu.wait_dma2 semaphore(%arg8 : memref<!tpu.dma_semaphore, #tpu.memory_space<semaphore_mem>>) src(%dma_wait3A_189 : memref<312x128xi32, #tpu.memory_space<hbm>>) dst(%dma_wait3A_186 : memref<312x128xi32, #tpu.memory_space<vmem>>)
      %while3A = arith.constant 0 : i32
      %while3A_190 = arith.constant 78 : i32
      %while3A_191 = arith.subi %while3A_190, %while3A : i32
      %while3A_192 = arith.addi %while3A, %while3A_191 : i32
      %while3A_193 = arith.constant 1 : i32
      %while3A_194 = arith.divsi %while3A_191, %while3A_193 : i32
      %while3A_195 = arith.muli %while3A_194, %while3A_193 : i32
      %while3A_196 = arith.addi %while3A, %while3A_195 : i32
      %while3A_197 = arith.constant 1 : i32
      scf.for %while3A_531 = %while3A to %while3A_196 step %while3A_197  : i32 {
        %mul3A_532 = arith.constant 512 : i32
        %mul3A_533 = arith.muli %while3A_531, %mul3A_532 : i32
        %add3A_534 = vector.broadcast %mul3A_533 : i32 to vector<16xi32>
        %add3A_535 = arith.addi %add3A_534, %add3A_95 : vector<16xi32>
        %mul3A_536 = arith.constant 144 : i32
        %mul3A_537 = arith.muli %while3A_531, %mul3A_536 : i32
        %mul3A_538 = arith.constant 9 : i32
        %mul3A_539 = vector.broadcast %mul3A_538 : i32 to vector<16xi32>
        %mul3A_540 = arith.muli %iota3A, %mul3A_539 : vector<16xi32>
        %add3A_541 = vector.broadcast %mul3A_537 : i32 to vector<16xi32>
        %add3A_542 = arith.addi %add3A_541, %mul3A_540 : vector<16xi32>
        %add3A_543 = arith.constant 0 : i32
        %add3A_544 = vector.broadcast %add3A_543 : i32 to vector<16xi32>
        %add3A_545 = arith.addi %add3A_535, %add3A_544 : vector<16xi32>
        %shift_right_logical3A = arith.constant 7 : i32
        %shift_right_logical3A_546 = vector.broadcast %shift_right_logical3A : i32 to vector<16xi32>
        %shift_right_logical3A_547 = arith.shrui %add3A_545, %shift_right_logical3A_546 : vector<16xi32>
        %and3A_548 = arith.constant 127 : i32
        %and3A_549 = vector.broadcast %and3A_548 : i32 to vector<16xi32>
        %and3A_550 = arith.andi %add3A_545, %and3A_549 : vector<16xi32>
        %gather3A = tpu.memref_bitcast %arg4 : memref<320x128xi32, #tpu.memory_space<vmem>> -> memref<320x128xi32, #tpu.memory_space<vmem>>
        %gather3A_551 = tpu.vector_load_idx %gather3A[%shift_right_logical3A_547, %and3A_550] : memref<320x128xi32, #tpu.memory_space<vmem>>[vector<16xi32>, vector<16xi32>], vector<16xi32>,
        %add3A_552 = arith.constant 0 : i32
        %add3A_553 = vector.broadcast %add3A_552 : i32 to vector<16xi32>
        %add3A_554 = arith.addi %add3A_542, %add3A_553 : vector<16xi32>
        %scatter3A = tpu.memref_bitcast %arg6 : memref<1x11520xi32, #tpu.memory_space<vmem>> -> memref<1x11520xi32, #tpu.memory_space<vmem>>
        tpu.vector_store_idx %scatter3A[%mul3A_35, %add3A_554], %gather3A_551 : memref<1x11520xi32, #tpu.memory_space<vmem>>[vector<16xi32>, vector<16xi32>], vector<16xi32>,
        %add3A_555 = arith.constant 2 : i32
        %add3A_556 = vector.broadcast %add3A_555 : i32 to vector<16xi32>
        %add3A_557 = arith.addi %add3A_535, %add3A_556 : vector<16xi32>
        %shift_right_logical3A_558 = arith.constant 7 : i32
        %shift_right_logical3A_559 = vector.broadcast %shift_right_logical3A_558 : i32 to vector<16xi32>
        %shift_right_logical3A_560 = arith.shrui %add3A_557, %shift_right_logical3A_559 : vector<16xi32>
        %and3A_561 = arith.constant 127 : i32
        %and3A_562 = vector.broadcast %and3A_561 : i32 to vector<16xi32>
        %and3A_563 = arith.andi %add3A_557, %and3A_562 : vector<16xi32>
        %gather3A_564 = tpu.memref_bitcast %arg4 : memref<320x128xi32, #tpu.memory_space<vmem>> -> memref<320x128xi32, #tpu.memory_space<vmem>>
        %gather3A_565 = tpu.vector_load_idx %gather3A_564[%shift_right_logical3A_560, %and3A_563] : memref<320x128xi32, #tpu.memory_space<vmem>>[vector<16xi32>, vector<16xi32>], vector<16xi32>,
        %add3A_566 = arith.constant 1 : i32
        %add3A_567 = vector.broadcast %add3A_566 : i32 to vector<16xi32>
        %add3A_568 = arith.addi %add3A_542, %add3A_567 : vector<16xi32>
        %scatter3A_569 = tpu.memref_bitcast %arg6 : memref<1x11520xi32, #tpu.memory_space<vmem>> -> memref<1x11520xi32, #tpu.memory_space<vmem>>
        tpu.vector_store_idx %scatter3A_569[%mul3A_35, %add3A_568], %gather3A_565 : memref<1x11520xi32, #tpu.memory_space<vmem>>[vector<16xi32>, vector<16xi32>], vector<16xi32>,
        %add3A_570 = arith.constant 4 : i32
        %add3A_571 = vector.broadcast %add3A_570 : i32 to vector<16xi32>
        %add3A_572 = arith.addi %add3A_535, %add3A_571 : vector<16xi32>
        %shift_right_logical3A_573 = arith.constant 7 : i32
        %shift_right_logical3A_574 = vector.broadcast %shift_right_logical3A_573 : i32 to vector<16xi32>
        %shift_right_logical3A_575 = arith.shrui %add3A_572, %shift_right_logical3A_574 : vector<16xi32>
        %and3A_576 = arith.constant 127 : i32
        %and3A_577 = vector.broadcast %and3A_576 : i32 to vector<16xi32>
        %and3A_578 = arith.andi %add3A_572, %and3A_577 : vector<16xi32>
        %gather3A_579 = tpu.memref_bitcast %arg4 : memref<320x128xi32, #tpu.memory_space<vmem>> -> memref<320x128xi32, #tpu.memory_space<vmem>>
        %gather3A_580 = tpu.vector_load_idx %gather3A_579[%shift_right_logical3A_575, %and3A_578] : memref<320x128xi32, #tpu.memory_space<vmem>>[vector<16xi32>, vector<16xi32>], vector<16xi32>,
        %add3A_581 = arith.constant 2 : i32
        %add3A_582 = vector.broadcast %add3A_581 : i32 to vector<16xi32>
        %add3A_583 = arith.addi %add3A_542, %add3A_582 : vector<16xi32>
        %scatter3A_584 = tpu.memref_bitcast %arg6 : memref<1x11520xi32, #tpu.memory_space<vmem>> -> memref<1x11520xi32, #tpu.memory_space<vmem>>
        tpu.vector_store_idx %scatter3A_584[%mul3A_35, %add3A_583], %gather3A_580 : memref<1x11520xi32, #tpu.memory_space<vmem>>[vector<16xi32>, vector<16xi32>], vector<16xi32>,
        %add3A_585 = arith.constant 6 : i32
        %add3A_586 = vector.broadcast %add3A_585 : i32 to vector<16xi32>
        %add3A_587 = arith.addi %add3A_535, %add3A_586 : vector<16xi32>
        %shift_right_logical3A_588 = arith.constant 7 : i32
        %shift_right_logical3A_589 = vector.broadcast %shift_right_logical3A_588 : i32 to vector<16xi32>
        %shift_right_logical3A_590 = arith.shrui %add3A_587, %shift_right_logical3A_589 : vector<16xi32>
        %and3A_591 = arith.constant 127 : i32
        %and3A_592 = vector.broadcast %and3A_591 : i32 to vector<16xi32>
        %and3A_593 = arith.andi %add3A_587, %and3A_592 : vector<16xi32>
        %gather3A_594 = tpu.memref_bitcast %arg4 : memref<320x128xi32, #tpu.memory_space<vmem>> -> memref<320x128xi32, #tpu.memory_space<vmem>>
        %gather3A_595 = tpu.vector_load_idx %gather3A_594[%shift_right_logical3A_590, %and3A_593] : memref<320x128xi32, #tpu.memory_space<vmem>>[vector<16xi32>, vector<16xi32>], vector<16xi32>,
        %add3A_596 = arith.constant 3 : i32
        %add3A_597 = vector.broadcast %add3A_596 : i32 to vector<16xi32>
        %add3A_598 = arith.addi %add3A_542, %add3A_597 : vector<16xi32>
        %scatter3A_599 = tpu.memref_bitcast %arg6 : memref<1x11520xi32, #tpu.memory_space<vmem>> -> memref<1x11520xi32, #tpu.memory_space<vmem>>
        tpu.vector_store_idx %scatter3A_599[%mul3A_35, %add3A_598], %gather3A_595 : memref<1x11520xi32, #tpu.memory_space<vmem>>[vector<16xi32>, vector<16xi32>], vector<16xi32>,
        %add3A_600 = arith.constant 8 : i32
        %add3A_601 = vector.broadcast %add3A_600 : i32 to vector<16xi32>
        %add3A_602 = arith.addi %add3A_535, %add3A_601 : vector<16xi32>
        %shift_right_logical3A_603 = arith.constant 7 : i32
        %shift_right_logical3A_604 = vector.broadcast %shift_right_logical3A_603 : i32 to vector<16xi32>
        %shift_right_logical3A_605 = arith.shrui %add3A_602, %shift_right_logical3A_604 : vector<16xi32>
        %and3A_606 = arith.constant 127 : i32
        %and3A_607 = vector.broadcast %and3A_606 : i32 to vector<16xi32>
        %and3A_608 = arith.andi %add3A_602, %and3A_607 : vector<16xi32>
        %gather3A_609 = tpu.memref_bitcast %arg4 : memref<320x128xi32, #tpu.memory_space<vmem>> -> memref<320x128xi32, #tpu.memory_space<vmem>>
        %gather3A_610 = tpu.vector_load_idx %gather3A_609[%shift_right_logical3A_605, %and3A_608] : memref<320x128xi32, #tpu.memory_space<vmem>>[vector<16xi32>, vector<16xi32>], vector<16xi32>,
        %add3A_611 = arith.constant 4 : i32
        %add3A_612 = vector.broadcast %add3A_611 : i32 to vector<16xi32>
        %add3A_613 = arith.addi %add3A_542, %add3A_612 : vector<16xi32>
        %scatter3A_614 = tpu.memref_bitcast %arg6 : memref<1x11520xi32, #tpu.memory_space<vmem>> -> memref<1x11520xi32, #tpu.memory_space<vmem>>
        tpu.vector_store_idx %scatter3A_614[%mul3A_35, %add3A_613], %gather3A_610 : memref<1x11520xi32, #tpu.memory_space<vmem>>[vector<16xi32>, vector<16xi32>], vector<16xi32>,
        %add3A_615 = arith.constant 10 : i32
        %add3A_616 = vector.broadcast %add3A_615 : i32 to vector<16xi32>
        %add3A_617 = arith.addi %add3A_535, %add3A_616 : vector<16xi32>
        %shift_right_logical3A_618 = arith.constant 7 : i32
        %shift_right_logical3A_619 = vector.broadcast %shift_right_logical3A_618 : i32 to vector<16xi32>
        %shift_right_logical3A_620 = arith.shrui %add3A_617, %shift_right_logical3A_619 : vector<16xi32>
        %and3A_621 = arith.constant 127 : i32
        %and3A_622 = vector.broadcast %and3A_621 : i32 to vector<16xi32>
        %and3A_623 = arith.andi %add3A_617, %and3A_622 : vector<16xi32>
        %gather3A_624 = tpu.memref_bitcast %arg4 : memref<320x128xi32, #tpu.memory_space<vmem>> -> memref<320x128xi32, #tpu.memory_space<vmem>>
        %gather3A_625 = tpu.vector_load_idx %gather3A_624[%shift_right_logical3A_620, %and3A_623] : memref<320x128xi32, #tpu.memory_space<vmem>>[vector<16xi32>, vector<16xi32>], vector<16xi32>,
        %add3A_626 = arith.constant 5 : i32
        %add3A_627 = vector.broadcast %add3A_626 : i32 to vector<16xi32>
        %add3A_628 = arith.addi %add3A_542, %add3A_627 : vector<16xi32>
        %scatter3A_629 = tpu.memref_bitcast %arg6 : memref<1x11520xi32, #tpu.memory_space<vmem>> -> memref<1x11520xi32, #tpu.memory_space<vmem>>
        tpu.vector_store_idx %scatter3A_629[%mul3A_35, %add3A_628], %gather3A_625 : memref<1x11520xi32, #tpu.memory_space<vmem>>[vector<16xi32>, vector<16xi32>], vector<16xi32>,
        %add3A_630 = arith.constant 12 : i32
        %add3A_631 = vector.broadcast %add3A_630 : i32 to vector<16xi32>
        %add3A_632 = arith.addi %add3A_535, %add3A_631 : vector<16xi32>
        %shift_right_logical3A_633 = arith.constant 7 : i32
        %shift_right_logical3A_634 = vector.broadcast %shift_right_logical3A_633 : i32 to vector<16xi32>
        %shift_right_logical3A_635 = arith.shrui %add3A_632, %shift_right_logical3A_634 : vector<16xi32>
        %and3A_636 = arith.constant 127 : i32
        %and3A_637 = vector.broadcast %and3A_636 : i32 to vector<16xi32>
        %and3A_638 = arith.andi %add3A_632, %and3A_637 : vector<16xi32>
        %gather3A_639 = tpu.memref_bitcast %arg4 : memref<320x128xi32, #tpu.memory_space<vmem>> -> memref<320x128xi32, #tpu.memory_space<vmem>>
        %gather3A_640 = tpu.vector_load_idx %gather3A_639[%shift_right_logical3A_635, %and3A_638] : memref<320x128xi32, #tpu.memory_space<vmem>>[vector<16xi32>, vector<16xi32>], vector<16xi32>,
        %add3A_641 = arith.constant 6 : i32
        %add3A_642 = vector.broadcast %add3A_641 : i32 to vector<16xi32>
        %add3A_643 = arith.addi %add3A_542, %add3A_642 : vector<16xi32>
        %scatter3A_644 = tpu.memref_bitcast %arg6 : memref<1x11520xi32, #tpu.memory_space<vmem>> -> memref<1x11520xi32, #tpu.memory_space<vmem>>
        tpu.vector_store_idx %scatter3A_644[%mul3A_35, %add3A_643], %gather3A_640 : memref<1x11520xi32, #tpu.memory_space<vmem>>[vector<16xi32>, vector<16xi32>], vector<16xi32>,
        %add3A_645 = arith.constant 14 : i32
        %add3A_646 = vector.broadcast %add3A_645 : i32 to vector<16xi32>
        %add3A_647 = arith.addi %add3A_535, %add3A_646 : vector<16xi32>
        %shift_right_logical3A_648 = arith.constant 7 : i32
        %shift_right_logical3A_649 = vector.broadcast %shift_right_logical3A_648 : i32 to vector<16xi32>
        %shift_right_logical3A_650 = arith.shrui %add3A_647, %shift_right_logical3A_649 : vector<16xi32>
        %and3A_651 = arith.constant 127 : i32
        %and3A_652 = vector.broadcast %and3A_651 : i32 to vector<16xi32>
        %and3A_653 = arith.andi %add3A_647, %and3A_652 : vector<16xi32>
        %gather3A_654 = tpu.memref_bitcast %arg4 : memref<320x128xi32, #tpu.memory_space<vmem>> -> memref<320x128xi32, #tpu.memory_space<vmem>>
        %gather3A_655 = tpu.vector_load_idx %gather3A_654[%shift_right_logical3A_650, %and3A_653] : memref<320x128xi32, #tpu.memory_space<vmem>>[vector<16xi32>, vector<16xi32>], vector<16xi32>,
        %add3A_656 = arith.constant 7 : i32
        %add3A_657 = vector.broadcast %add3A_656 : i32 to vector<16xi32>
        %add3A_658 = arith.addi %add3A_542, %add3A_657 : vector<16xi32>
        %scatter3A_659 = tpu.memref_bitcast %arg6 : memref<1x11520xi32, #tpu.memory_space<vmem>> -> memref<1x11520xi32, #tpu.memory_space<vmem>>
        tpu.vector_store_idx %scatter3A_659[%mul3A_35, %add3A_658], %gather3A_655 : memref<1x11520xi32, #tpu.memory_space<vmem>>[vector<16xi32>, vector<16xi32>], vector<16xi32>,
        %add3A_660 = arith.constant 16 : i32
        %add3A_661 = vector.broadcast %add3A_660 : i32 to vector<16xi32>
        %add3A_662 = arith.addi %add3A_535, %add3A_661 : vector<16xi32>
        %shift_right_logical3A_663 = arith.constant 7 : i32
        %shift_right_logical3A_664 = vector.broadcast %shift_right_logical3A_663 : i32 to vector<16xi32>
        %shift_right_logical3A_665 = arith.shrui %add3A_662, %shift_right_logical3A_664 : vector<16xi32>
        %and3A_666 = arith.constant 127 : i32
        %and3A_667 = vector.broadcast %and3A_666 : i32 to vector<16xi32>
        %and3A_668 = arith.andi %add3A_662, %and3A_667 : vector<16xi32>
        %gather3A_669 = tpu.memref_bitcast %arg4 : memref<320x128xi32, #tpu.memory_space<vmem>> -> memref<320x128xi32, #tpu.memory_space<vmem>>
        %gather3A_670 = tpu.vector_load_idx %gather3A_669[%shift_right_logical3A_665, %and3A_668] : memref<320x128xi32, #tpu.memory_space<vmem>>[vector<16xi32>, vector<16xi32>], vector<16xi32>,
        %add3A_671 = arith.constant 8 : i32
        %add3A_672 = vector.broadcast %add3A_671 : i32 to vector<16xi32>
        %add3A_673 = arith.addi %add3A_542, %add3A_672 : vector<16xi32>
        %scatter3A_674 = tpu.memref_bitcast %arg6 : memref<1x11520xi32, #tpu.memory_space<vmem>> -> memref<1x11520xi32, #tpu.memory_space<vmem>>
        tpu.vector_store_idx %scatter3A_674[%mul3A_35, %add3A_673], %gather3A_670 : memref<1x11520xi32, #tpu.memory_space<vmem>>[vector<16xi32>, vector<16xi32>], vector<16xi32>,
      }
      %while3A_198 = arith.constant 1 : i32
      scf.for %while3A_531 = %while3A_196 to %while3A_192 step %while3A_198  : i32 {
        %mul3A_532 = arith.constant 512 : i32
        %mul3A_533 = arith.muli %while3A_531, %mul3A_532 : i32
        %add3A_534 = vector.broadcast %mul3A_533 : i32 to vector<16xi32>
        %add3A_535 = arith.addi %add3A_534, %add3A_95 : vector<16xi32>
        %mul3A_536 = arith.constant 144 : i32
        %mul3A_537 = arith.muli %while3A_531, %mul3A_536 : i32
        %mul3A_538 = arith.constant 9 : i32
        %mul3A_539 = vector.broadcast %mul3A_538 : i32 to vector<16xi32>
        %mul3A_540 = arith.muli %iota3A, %mul3A_539 : vector<16xi32>
        %add3A_541 = vector.broadcast %mul3A_537 : i32 to vector<16xi32>
        %add3A_542 = arith.addi %add3A_541, %mul3A_540 : vector<16xi32>
        %add3A_543 = arith.constant 0 : i32
        %add3A_544 = vector.broadcast %add3A_543 : i32 to vector<16xi32>
        %add3A_545 = arith.addi %add3A_535, %add3A_544 : vector<16xi32>
        %shift_right_logical3A = arith.constant 7 : i32
        %shift_right_logical3A_546 = vector.broadcast %shift_right_logical3A : i32 to vector<16xi32>
        %shift_right_logical3A_547 = arith.shrui %add3A_545, %shift_right_logical3A_546 : vector<16xi32>
        %and3A_548 = arith.constant 127 : i32
        %and3A_549 = vector.broadcast %and3A_548 : i32 to vector<16xi32>
        %and3A_550 = arith.andi %add3A_545, %and3A_549 : vector<16xi32>
        %gather3A = tpu.memref_bitcast %arg4 : memref<320x128xi32, #tpu.memory_space<vmem>> -> memref<320x128xi32, #tpu.memory_space<vmem>>
        %gather3A_551 = tpu.vector_load_idx %gather3A[%shift_right_logical3A_547, %and3A_550] : memref<320x128xi32, #tpu.memory_space<vmem>>[vector<16xi32>, vector<16xi32>], vector<16xi32>,
        %add3A_552 = arith.constant 0 : i32
        %add3A_553 = vector.broadcast %add3A_552 : i32 to vector<16xi32>
        %add3A_554 = arith.addi %add3A_542, %add3A_553 : vector<16xi32>
        %scatter3A = tpu.memref_bitcast %arg6 : memref<1x11520xi32, #tpu.memory_space<vmem>> -> memref<1x11520xi32, #tpu.memory_space<vmem>>
        tpu.vector_store_idx %scatter3A[%mul3A_35, %add3A_554], %gather3A_551 : memref<1x11520xi32, #tpu.memory_space<vmem>>[vector<16xi32>, vector<16xi32>], vector<16xi32>,
        %add3A_555 = arith.constant 2 : i32
        %add3A_556 = vector.broadcast %add3A_555 : i32 to vector<16xi32>
        %add3A_557 = arith.addi %add3A_535, %add3A_556 : vector<16xi32>
        %shift_right_logical3A_558 = arith.constant 7 : i32
        %shift_right_logical3A_559 = vector.broadcast %shift_right_logical3A_558 : i32 to vector<16xi32>
        %shift_right_logical3A_560 = arith.shrui %add3A_557, %shift_right_logical3A_559 : vector<16xi32>
        %and3A_561 = arith.constant 127 : i32
        %and3A_562 = vector.broadcast %and3A_561 : i32 to vector<16xi32>
        %and3A_563 = arith.andi %add3A_557, %and3A_562 : vector<16xi32>
        %gather3A_564 = tpu.memref_bitcast %arg4 : memref<320x128xi32, #tpu.memory_space<vmem>> -> memref<320x128xi32, #tpu.memory_space<vmem>>
        %gather3A_565 = tpu.vector_load_idx %gather3A_564[%shift_right_logical3A_560, %and3A_563] : memref<320x128xi32, #tpu.memory_space<vmem>>[vector<16xi32>, vector<16xi32>], vector<16xi32>,
        %add3A_566 = arith.constant 1 : i32
        %add3A_567 = vector.broadcast %add3A_566 : i32 to vector<16xi32>
        %add3A_568 = arith.addi %add3A_542, %add3A_567 : vector<16xi32>
        %scatter3A_569 = tpu.memref_bitcast %arg6 : memref<1x11520xi32, #tpu.memory_space<vmem>> -> memref<1x11520xi32, #tpu.memory_space<vmem>>
        tpu.vector_store_idx %scatter3A_569[%mul3A_35, %add3A_568], %gather3A_565 : memref<1x11520xi32, #tpu.memory_space<vmem>>[vector<16xi32>, vector<16xi32>], vector<16xi32>,
        %add3A_570 = arith.constant 4 : i32
        %add3A_571 = vector.broadcast %add3A_570 : i32 to vector<16xi32>
        %add3A_572 = arith.addi %add3A_535, %add3A_571 : vector<16xi32>
        %shift_right_logical3A_573 = arith.constant 7 : i32
        %shift_right_logical3A_574 = vector.broadcast %shift_right_logical3A_573 : i32 to vector<16xi32>
        %shift_right_logical3A_575 = arith.shrui %add3A_572, %shift_right_logical3A_574 : vector<16xi32>
        %and3A_576 = arith.constant 127 : i32
        %and3A_577 = vector.broadcast %and3A_576 : i32 to vector<16xi32>
        %and3A_578 = arith.andi %add3A_572, %and3A_577 : vector<16xi32>
        %gather3A_579 = tpu.memref_bitcast %arg4 : memref<320x128xi32, #tpu.memory_space<vmem>> -> memref<320x128xi32, #tpu.memory_space<vmem>>
        %gather3A_580 = tpu.vector_load_idx %gather3A_579[%shift_right_logical3A_575, %and3A_578] : memref<320x128xi32, #tpu.memory_space<vmem>>[vector<16xi32>, vector<16xi32>], vector<16xi32>,
        %add3A_581 = arith.constant 2 : i32
        %add3A_582 = vector.broadcast %add3A_581 : i32 to vector<16xi32>
        %add3A_583 = arith.addi %add3A_542, %add3A_582 : vector<16xi32>
        %scatter3A_584 = tpu.memref_bitcast %arg6 : memref<1x11520xi32, #tpu.memory_space<vmem>> -> memref<1x11520xi32, #tpu.memory_space<vmem>>
        tpu.vector_store_idx %scatter3A_584[%mul3A_35, %add3A_583], %gather3A_580 : memref<1x11520xi32, #tpu.memory_space<vmem>>[vector<16xi32>, vector<16xi32>], vector<16xi32>,
        %add3A_585 = arith.constant 6 : i32
        %add3A_586 = vector.broadcast %add3A_585 : i32 to vector<16xi32>
        %add3A_587 = arith.addi %add3A_535, %add3A_586 : vector<16xi32>
        %shift_right_logical3A_588 = arith.constant 7 : i32
        %shift_right_logical3A_589 = vector.broadcast %shift_right_logical3A_588 : i32 to vector<16xi32>
        %shift_right_logical3A_590 = arith.shrui %add3A_587, %shift_right_logical3A_589 : vector<16xi32>
        %and3A_591 = arith.constant 127 : i32
        %and3A_592 = vector.broadcast %and3A_591 : i32 to vector<16xi32>
        %and3A_593 = arith.andi %add3A_587, %and3A_592 : vector<16xi32>
        %gather3A_594 = tpu.memref_bitcast %arg4 : memref<320x128xi32, #tpu.memory_space<vmem>> -> memref<320x128xi32, #tpu.memory_space<vmem>>
        %gather3A_595 = tpu.vector_load_idx %gather3A_594[%shift_right_logical3A_590, %and3A_593] : memref<320x128xi32, #tpu.memory_space<vmem>>[vector<16xi32>, vector<16xi32>], vector<16xi32>,
        %add3A_596 = arith.constant 3 : i32
        %add3A_597 = vector.broadcast %add3A_596 : i32 to vector<16xi32>
        %add3A_598 = arith.addi %add3A_542, %add3A_597 : vector<16xi32>
        %scatter3A_599 = tpu.memref_bitcast %arg6 : memref<1x11520xi32, #tpu.memory_space<vmem>> -> memref<1x11520xi32, #tpu.memory_space<vmem>>
        tpu.vector_store_idx %scatter3A_599[%mul3A_35, %add3A_598], %gather3A_595 : memref<1x11520xi32, #tpu.memory_space<vmem>>[vector<16xi32>, vector<16xi32>], vector<16xi32>,
        %add3A_600 = arith.constant 8 : i32
        %add3A_601 = vector.broadcast %add3A_600 : i32 to vector<16xi32>
        %add3A_602 = arith.addi %add3A_535, %add3A_601 : vector<16xi32>
        %shift_right_logical3A_603 = arith.constant 7 : i32
        %shift_right_logical3A_604 = vector.broadcast %shift_right_logical3A_603 : i32 to vector<16xi32>
        %shift_right_logical3A_605 = arith.shrui %add3A_602, %shift_right_logical3A_604 : vector<16xi32>
        %and3A_606 = arith.constant 127 : i32
        %and3A_607 = vector.broadcast %and3A_606 : i32 to vector<16xi32>
        %and3A_608 = arith.andi %add3A_602, %and3A_607 : vector<16xi32>
        %gather3A_609 = tpu.memref_bitcast %arg4 : memref<320x128xi32, #tpu.memory_space<vmem>> -> memref<320x128xi32, #tpu.memory_space<vmem>>
        %gather3A_610 = tpu.vector_load_idx %gather3A_609[%shift_right_logical3A_605, %and3A_608] : memref<320x128xi32, #tpu.memory_space<vmem>>[vector<16xi32>, vector<16xi32>], vector<16xi32>,
        %add3A_611 = arith.constant 4 : i32
        %add3A_612 = vector.broadcast %add3A_611 : i32 to vector<16xi32>
        %add3A_613 = arith.addi %add3A_542, %add3A_612 : vector<16xi32>
        %scatter3A_614 = tpu.memref_bitcast %arg6 : memref<1x11520xi32, #tpu.memory_space<vmem>> -> memref<1x11520xi32, #tpu.memory_space<vmem>>
        tpu.vector_store_idx %scatter3A_614[%mul3A_35, %add3A_613], %gather3A_610 : memref<1x11520xi32, #tpu.memory_space<vmem>>[vector<16xi32>, vector<16xi32>], vector<16xi32>,
        %add3A_615 = arith.constant 10 : i32
        %add3A_616 = vector.broadcast %add3A_615 : i32 to vector<16xi32>
        %add3A_617 = arith.addi %add3A_535, %add3A_616 : vector<16xi32>
        %shift_right_logical3A_618 = arith.constant 7 : i32
        %shift_right_logical3A_619 = vector.broadcast %shift_right_logical3A_618 : i32 to vector<16xi32>
        %shift_right_logical3A_620 = arith.shrui %add3A_617, %shift_right_logical3A_619 : vector<16xi32>
        %and3A_621 = arith.constant 127 : i32
        %and3A_622 = vector.broadcast %and3A_621 : i32 to vector<16xi32>
        %and3A_623 = arith.andi %add3A_617, %and3A_622 : vector<16xi32>
        %gather3A_624 = tpu.memref_bitcast %arg4 : memref<320x128xi32, #tpu.memory_space<vmem>> -> memref<320x128xi32, #tpu.memory_space<vmem>>
        %gather3A_625 = tpu.vector_load_idx %gather3A_624[%shift_right_logical3A_620, %and3A_623] : memref<320x128xi32, #tpu.memory_space<vmem>>[vector<16xi32>, vector<16xi32>], vector<16xi32>,
        %add3A_626 = arith.constant 5 : i32
        %add3A_627 = vector.broadcast %add3A_626 : i32 to vector<16xi32>
        %add3A_628 = arith.addi %add3A_542, %add3A_627 : vector<16xi32>
        %scatter3A_629 = tpu.memref_bitcast %arg6 : memref<1x11520xi32, #tpu.memory_space<vmem>> -> memref<1x11520xi32, #tpu.memory_space<vmem>>
        tpu.vector_store_idx %scatter3A_629[%mul3A_35, %add3A_628], %gather3A_625 : memref<1x11520xi32, #tpu.memory_space<vmem>>[vector<16xi32>, vector<16xi32>], vector<16xi32>,
        %add3A_630 = arith.constant 12 : i32
        %add3A_631 = vector.broadcast %add3A_630 : i32 to vector<16xi32>
        %add3A_632 = arith.addi %add3A_535, %add3A_631 : vector<16xi32>
        %shift_right_logical3A_633 = arith.constant 7 : i32
        %shift_right_logical3A_634 = vector.broadcast %shift_right_logical3A_633 : i32 to vector<16xi32>
        %shift_right_logical3A_635 = arith.shrui %add3A_632, %shift_right_logical3A_634 : vector<16xi32>
        %and3A_636 = arith.constant 127 : i32
        %and3A_637 = vector.broadcast %and3A_636 : i32 to vector<16xi32>
        %and3A_638 = arith.andi %add3A_632, %and3A_637 : vector<16xi32>
        %gather3A_639 = tpu.memref_bitcast %arg4 : memref<320x128xi32, #tpu.memory_space<vmem>> -> memref<320x128xi32, #tpu.memory_space<vmem>>
        %gather3A_640 = tpu.vector_load_idx %gather3A_639[%shift_right_logical3A_635, %and3A_638] : memref<320x128xi32, #tpu.memory_space<vmem>>[vector<16xi32>, vector<16xi32>], vector<16xi32>,
        %add3A_641 = arith.constant 6 : i32
        %add3A_642 = vector.broadcast %add3A_641 : i32 to vector<16xi32>
        %add3A_643 = arith.addi %add3A_542, %add3A_642 : vector<16xi32>
        %scatter3A_644 = tpu.memref_bitcast %arg6 : memref<1x11520xi32, #tpu.memory_space<vmem>> -> memref<1x11520xi32, #tpu.memory_space<vmem>>
        tpu.vector_store_idx %scatter3A_644[%mul3A_35, %add3A_643], %gather3A_640 : memref<1x11520xi32, #tpu.memory_space<vmem>>[vector<16xi32>, vector<16xi32>], vector<16xi32>,
        %add3A_645 = arith.constant 14 : i32
        %add3A_646 = vector.broadcast %add3A_645 : i32 to vector<16xi32>
        %add3A_647 = arith.addi %add3A_535, %add3A_646 : vector<16xi32>
        %shift_right_logical3A_648 = arith.constant 7 : i32
        %shift_right_logical3A_649 = vector.broadcast %shift_right_logical3A_648 : i32 to vector<16xi32>
        %shift_right_logical3A_650 = arith.shrui %add3A_647, %shift_right_logical3A_649 : vector<16xi32>
        %and3A_651 = arith.constant 127 : i32
        %and3A_652 = vector.broadcast %and3A_651 : i32 to vector<16xi32>
        %and3A_653 = arith.andi %add3A_647, %and3A_652 : vector<16xi32>
        %gather3A_654 = tpu.memref_bitcast %arg4 : memref<320x128xi32, #tpu.memory_space<vmem>> -> memref<320x128xi32, #tpu.memory_space<vmem>>
        %gather3A_655 = tpu.vector_load_idx %gather3A_654[%shift_right_logical3A_650, %and3A_653] : memref<320x128xi32, #tpu.memory_space<vmem>>[vector<16xi32>, vector<16xi32>], vector<16xi32>,
        %add3A_656 = arith.constant 7 : i32
        %add3A_657 = vector.broadcast %add3A_656 : i32 to vector<16xi32>
        %add3A_658 = arith.addi %add3A_542, %add3A_657 : vector<16xi32>
        %scatter3A_659 = tpu.memref_bitcast %arg6 : memref<1x11520xi32, #tpu.memory_space<vmem>> -> memref<1x11520xi32, #tpu.memory_space<vmem>>
        tpu.vector_store_idx %scatter3A_659[%mul3A_35, %add3A_658], %gather3A_655 : memref<1x11520xi32, #tpu.memory_space<vmem>>[vector<16xi32>, vector<16xi32>], vector<16xi32>,
        %add3A_660 = arith.constant 16 : i32
        %add3A_661 = vector.broadcast %add3A_660 : i32 to vector<16xi32>
        %add3A_662 = arith.addi %add3A_535, %add3A_661 : vector<16xi32>
        %shift_right_logical3A_663 = arith.constant 7 : i32
        %shift_right_logical3A_664 = vector.broadcast %shift_right_logical3A_663 : i32 to vector<16xi32>
        %shift_right_logical3A_665 = arith.shrui %add3A_662, %shift_right_logical3A_664 : vector<16xi32>
        %and3A_666 = arith.constant 127 : i32
        %and3A_667 = vector.broadcast %and3A_666 : i32 to vector<16xi32>
        %and3A_668 = arith.andi %add3A_662, %and3A_667 : vector<16xi32>
        %gather3A_669 = tpu.memref_bitcast %arg4 : memref<320x128xi32, #tpu.memory_space<vmem>> -> memref<320x128xi32, #tpu.memory_space<vmem>>
        %gather3A_670 = tpu.vector_load_idx %gather3A_669[%shift_right_logical3A_665, %and3A_668] : memref<320x128xi32, #tpu.memory_space<vmem>>[vector<16xi32>, vector<16xi32>], vector<16xi32>,
        %add3A_671 = arith.constant 8 : i32
        %add3A_672 = vector.broadcast %add3A_671 : i32 to vector<16xi32>
        %add3A_673 = arith.addi %add3A_542, %add3A_672 : vector<16xi32>
        %scatter3A_674 = tpu.memref_bitcast %arg6 : memref<1x11520xi32, #tpu.memory_space<vmem>> -> memref<1x11520xi32, #tpu.memory_space<vmem>>
        tpu.vector_store_idx %scatter3A_674[%mul3A_35, %add3A_673], %gather3A_670 : memref<1x11520xi32, #tpu.memory_space<vmem>>[vector<16xi32>, vector<16xi32>], vector<16xi32>,
      }
      %add3A_199 = arith.constant 0 : i32
      %add3A_200 = arith.addi %mul3A_32, %add3A_199 : i32
      %mul3A_201 = arith.constant 9 : i32
      %mul3A_202 = arith.muli %add3A_200, %mul3A_201 : i32
      %dma_start3A_203 = arith.constant 0 : i32
      %dma_start3A_204 = arith.constant 0 : i32
      %dma_start3A_205 = tpu.memref_slice %arg6[%dma_start3A_203, %dma_start3A_204] : memref<1x11520xi32, #tpu.memory_space<vmem>> -> memref<1x11232xi32, #tpu.memory_space<vmem>>
      %dma_start3A_206 = tpu.memref_squeeze %dma_start3A_205 : memref<1x11232xi32, #tpu.memory_space<vmem>> -> memref<11232xi32, #tpu.memory_space<vmem>>
      %dma_start3A_207 = tpu.memref_slice %arg3[%select_n3A_9, %mul3A_202] : memref<2x900000xi32, #tpu.memory_space<hbm>> -> memref<1x11232xi32, #tpu.memory_space<hbm>>
      %dma_start3A_208 = tpu.memref_squeeze %dma_start3A_207 : memref<1x11232xi32, #tpu.memory_space<hbm>> -> memref<11232xi32, #tpu.memory_space<hbm>>
      %dma_start3A_209 = tpu.memref_slice %arg3[%select_n3A_9, %mul3A_202] : memref<2x900000xi32, #tpu.memory_space<hbm>> -> memref<1x11232xi32, #tpu.memory_space<hbm>>
      %dma_start3A_210 = tpu.memref_squeeze %dma_start3A_209 : memref<1x11232xi32, #tpu.memory_space<hbm>> -> memref<11232xi32, #tpu.memory_space<hbm>>
      %dma_start3A_211 = arith.constant 0 : i32
      %dma_start3A_212 = tpu.memref_slice %arg6[%dma_start3A_203, %dma_start3A_211] : memref<1x11520xi32, #tpu.memory_space<vmem>> -> memref<1x11232xi32, #tpu.memory_space<vmem>>
      %dma_start3A_213 = tpu.memref_squeeze %dma_start3A_212 : memref<1x11232xi32, #tpu.memory_space<vmem>> -> memref<11232xi32, #tpu.memory_space<vmem>>
      tpu.enqueue_dma source(%dma_start3A_213 : memref<11232xi32, #tpu.memory_space<vmem>>) target(%dma_start3A_210 : memref<11232xi32, #tpu.memory_space<hbm>>) target_semaphore(%arg10 : memref<!tpu.dma_semaphore, #tpu.memory_space<semaphore_mem>>)
      %add3A_214 = arith.constant 2496 : i32
      %add3A_215 = arith.addi %mul3A_32, %add3A_214 : i32
      %jit3A_216 = arith.constant 4 : i32
      %div3A_217 = arith.divsi %add3A_215, %jit3A_216 : i32
      %sign3A_218 = arith.constant 0 : i32
      %sign3A_219 = arith.cmpi sgt, %add3A_215, %sign3A_218 : i32
      %sign3A_220 = arith.extui %sign3A_219 : i1 to i32
      %sign3A_221 = arith.constant 0 : i32
      %sign3A_222 = arith.cmpi slt, %add3A_215, %sign3A_221 : i32
      %sign3A_223 = arith.extui %sign3A_222 : i1 to i32
      %sign3A_224 = arith.subi %sign3A_220, %sign3A_223 : i32
      %sign3A_225 = arith.constant 0 : i32
      %sign3A_226 = arith.cmpi sgt, %jit3A_216, %sign3A_225 : i32
      %sign3A_227 = arith.extui %sign3A_226 : i1 to i32
      %sign3A_228 = arith.constant 0 : i32
      %sign3A_229 = arith.cmpi slt, %jit3A_216, %sign3A_228 : i32
      %sign3A_230 = arith.extui %sign3A_229 : i1 to i32
      %sign3A_231 = arith.subi %sign3A_227, %sign3A_230 : i32
      %ne3A_232 = arith.cmpi ne, %sign3A_224, %sign3A_231 : i32
      %rem3A_233 = arith.remsi %add3A_215, %jit3A_216 : i32
      %ne3A_234 = arith.constant 0 : i32
      %ne3A_235 = arith.cmpi ne, %rem3A_233, %ne3A_234 : i32
      %and3A_236 = arith.andi %ne3A_232, %ne3A_235 : i1
      %sub3A_237 = arith.constant 1 : i32
      %sub3A_238 = arith.subi %div3A_217, %sub3A_237 : i32
      %select_n3A_239 = arith.select %and3A_236, %sub3A_238, %div3A_217 : i32
      %dma_start3A_240 = arith.constant 0 : i32
      %dma_start3A_241 = arith.constant 0 : i32
      %dma_start3A_242 = tpu.memref_slice %arg4[%dma_start3A_240, %dma_start3A_241] : memref<320x128xi32, #tpu.memory_space<vmem>> -> memref<312x128xi32, #tpu.memory_space<vmem>>
      %dma_start3A_243 = arith.constant 0 : i32
      %dma_start3A_244 = tpu.memref_slice %arg2[%select_n3A_239, %select_n3A_9, %dma_start3A_243] : memref<25000x2x128xi32, #tpu.memory_space<hbm>> -> memref<312x1x128xi32, #tpu.memory_space<hbm>>
      %dma_start3A_245 = tpu.memref_squeeze %dma_start3A_244 : memref<312x1x128xi32, #tpu.memory_space<hbm>> -> memref<312x128xi32, #tpu.memory_space<hbm>>
      %dma_start3A_246 = arith.constant 0 : i32
      %dma_start3A_247 = arith.constant 0 : i32
      %dma_start3A_248 = tpu.memref_slice %arg4[%dma_start3A_246, %dma_start3A_247] : memref<320x128xi32, #tpu.memory_space<vmem>> -> memref<312x128xi32, #tpu.memory_space<vmem>>
      %dma_start3A_249 = arith.constant 0 : i32
      %dma_start3A_250 = tpu.memref_slice %arg2[%select_n3A_239, %select_n3A_9, %dma_start3A_249] : memref<25000x2x128xi32, #tpu.memory_space<hbm>> -> memref<312x1x128xi32, #tpu.memory_space<hbm>>
      %dma_start3A_251 = tpu.memref_squeeze %dma_start3A_250 : memref<312x1x128xi32, #tpu.memory_space<hbm>> -> memref<312x128xi32, #tpu.memory_space<hbm>>
      tpu.enqueue_dma source(%dma_start3A_251 : memref<312x128xi32, #tpu.memory_space<hbm>>) target(%dma_start3A_248 : memref<312x128xi32, #tpu.memory_space<vmem>>) target_semaphore(%arg8 : memref<!tpu.dma_semaphore, #tpu.memory_space<semaphore_mem>>)
      %dma_wait3A_252 = arith.constant 0 : i32
      %dma_wait3A_253 = arith.constant 0 : i32
      %dma_wait3A_254 = tpu.memref_slice %arg5[%dma_wait3A_252, %dma_wait3A_253] : memref<320x128xi32, #tpu.memory_space<vmem>> -> memref<312x128xi32, #tpu.memory_space<vmem>>
      %dma_wait3A_255 = arith.constant 0 : i32
      %dma_wait3A_256 = tpu.memref_slice %arg2[%select_n3A_166, %select_n3A_9, %dma_wait3A_255] : memref<25000x2x128xi32, #tpu.memory_space<hbm>> -> memref<312x1x128xi32, #tpu.memory_space<hbm>>
      %dma_wait3A_257 = tpu.memref_squeeze %dma_wait3A_256 : memref<312x1x128xi32, #tpu.memory_space<hbm>> -> memref<312x128xi32, #tpu.memory_space<hbm>>
      %dma_wait3A_258 = arith.constant 0 : i32
      %dma_wait3A_259 = arith.constant 0 : i32
      %dma_wait3A_260 = tpu.memref_slice %arg5[%dma_wait3A_258, %dma_wait3A_259] : memref<320x128xi32, #tpu.memory_space<vmem>> -> memref<312x128xi32, #tpu.memory_space<vmem>>
      %dma_wait3A_261 = arith.constant 0 : i32
      %dma_wait3A_262 = tpu.memref_slice %arg2[%select_n3A_166, %select_n3A_9, %dma_wait3A_261] : memref<25000x2x128xi32, #tpu.memory_space<hbm>> -> memref<312x1x128xi32, #tpu.memory_space<hbm>>
      %dma_wait3A_263 = tpu.memref_squeeze %dma_wait3A_262 : memref<312x1x128xi32, #tpu.memory_space<hbm>> -> memref<312x128xi32, #tpu.memory_space<hbm>>
      tpu.wait_dma2 semaphore(%arg9 : memref<!tpu.dma_semaphore, #tpu.memory_space<semaphore_mem>>) src(%dma_wait3A_263 : memref<312x128xi32, #tpu.memory_space<hbm>>) dst(%dma_wait3A_260 : memref<312x128xi32, #tpu.memory_space<vmem>>)
      %while3A_264 = arith.constant 0 : i32
      %while3A_265 = arith.constant 78 : i32
      %while3A_266 = arith.subi %while3A_265, %while3A_264 : i32
      %while3A_267 = arith.addi %while3A_264, %while3A_266 : i32
      %while3A_268 = arith.constant 1 : i32
      %while3A_269 = arith.divsi %while3A_266, %while3A_268 : i32
      %while3A_270 = arith.muli %while3A_269, %while3A_268 : i32
      %while3A_271 = arith.addi %while3A_264, %while3A_270 : i32
      %while3A_272 = arith.constant 1 : i32
      scf.for %while3A_531 = %while3A_264 to %while3A_271 step %while3A_272  : i32 {
        %mul3A_532 = arith.constant 512 : i32
        %mul3A_533 = arith.muli %while3A_531, %mul3A_532 : i32
        %add3A_534 = vector.broadcast %mul3A_533 : i32 to vector<16xi32>
        %add3A_535 = arith.addi %add3A_534, %add3A_95 : vector<16xi32>
        %mul3A_536 = arith.constant 144 : i32
        %mul3A_537 = arith.muli %while3A_531, %mul3A_536 : i32
        %mul3A_538 = arith.constant 9 : i32
        %mul3A_539 = vector.broadcast %mul3A_538 : i32 to vector<16xi32>
        %mul3A_540 = arith.muli %iota3A, %mul3A_539 : vector<16xi32>
        %add3A_541 = vector.broadcast %mul3A_537 : i32 to vector<16xi32>
        %add3A_542 = arith.addi %add3A_541, %mul3A_540 : vector<16xi32>
        %add3A_543 = arith.constant 0 : i32
        %add3A_544 = vector.broadcast %add3A_543 : i32 to vector<16xi32>
        %add3A_545 = arith.addi %add3A_535, %add3A_544 : vector<16xi32>
        %shift_right_logical3A = arith.constant 7 : i32
        %shift_right_logical3A_546 = vector.broadcast %shift_right_logical3A : i32 to vector<16xi32>
        %shift_right_logical3A_547 = arith.shrui %add3A_545, %shift_right_logical3A_546 : vector<16xi32>
        %and3A_548 = arith.constant 127 : i32
        %and3A_549 = vector.broadcast %and3A_548 : i32 to vector<16xi32>
        %and3A_550 = arith.andi %add3A_545, %and3A_549 : vector<16xi32>
        %gather3A = tpu.memref_bitcast %arg5 : memref<320x128xi32, #tpu.memory_space<vmem>> -> memref<320x128xi32, #tpu.memory_space<vmem>>
        %gather3A_551 = tpu.vector_load_idx %gather3A[%shift_right_logical3A_547, %and3A_550] : memref<320x128xi32, #tpu.memory_space<vmem>>[vector<16xi32>, vector<16xi32>], vector<16xi32>,
        %add3A_552 = arith.constant 0 : i32
        %add3A_553 = vector.broadcast %add3A_552 : i32 to vector<16xi32>
        %add3A_554 = arith.addi %add3A_542, %add3A_553 : vector<16xi32>
        %scatter3A = tpu.memref_bitcast %arg7 : memref<1x11520xi32, #tpu.memory_space<vmem>> -> memref<1x11520xi32, #tpu.memory_space<vmem>>
        tpu.vector_store_idx %scatter3A[%mul3A_35, %add3A_554], %gather3A_551 : memref<1x11520xi32, #tpu.memory_space<vmem>>[vector<16xi32>, vector<16xi32>], vector<16xi32>,
        %add3A_555 = arith.constant 2 : i32
        %add3A_556 = vector.broadcast %add3A_555 : i32 to vector<16xi32>
        %add3A_557 = arith.addi %add3A_535, %add3A_556 : vector<16xi32>
        %shift_right_logical3A_558 = arith.constant 7 : i32
        %shift_right_logical3A_559 = vector.broadcast %shift_right_logical3A_558 : i32 to vector<16xi32>
        %shift_right_logical3A_560 = arith.shrui %add3A_557, %shift_right_logical3A_559 : vector<16xi32>
        %and3A_561 = arith.constant 127 : i32
        %and3A_562 = vector.broadcast %and3A_561 : i32 to vector<16xi32>
        %and3A_563 = arith.andi %add3A_557, %and3A_562 : vector<16xi32>
        %gather3A_564 = tpu.memref_bitcast %arg5 : memref<320x128xi32, #tpu.memory_space<vmem>> -> memref<320x128xi32, #tpu.memory_space<vmem>>
        %gather3A_565 = tpu.vector_load_idx %gather3A_564[%shift_right_logical3A_560, %and3A_563] : memref<320x128xi32, #tpu.memory_space<vmem>>[vector<16xi32>, vector<16xi32>], vector<16xi32>,
        %add3A_566 = arith.constant 1 : i32
        %add3A_567 = vector.broadcast %add3A_566 : i32 to vector<16xi32>
        %add3A_568 = arith.addi %add3A_542, %add3A_567 : vector<16xi32>
        %scatter3A_569 = tpu.memref_bitcast %arg7 : memref<1x11520xi32, #tpu.memory_space<vmem>> -> memref<1x11520xi32, #tpu.memory_space<vmem>>
        tpu.vector_store_idx %scatter3A_569[%mul3A_35, %add3A_568], %gather3A_565 : memref<1x11520xi32, #tpu.memory_space<vmem>>[vector<16xi32>, vector<16xi32>], vector<16xi32>,
        %add3A_570 = arith.constant 4 : i32
        %add3A_571 = vector.broadcast %add3A_570 : i32 to vector<16xi32>
        %add3A_572 = arith.addi %add3A_535, %add3A_571 : vector<16xi32>
        %shift_right_logical3A_573 = arith.constant 7 : i32
        %shift_right_logical3A_574 = vector.broadcast %shift_right_logical3A_573 : i32 to vector<16xi32>
        %shift_right_logical3A_575 = arith.shrui %add3A_572, %shift_right_logical3A_574 : vector<16xi32>
        %and3A_576 = arith.constant 127 : i32
        %and3A_577 = vector.broadcast %and3A_576 : i32 to vector<16xi32>
        %and3A_578 = arith.andi %add3A_572, %and3A_577 : vector<16xi32>
        %gather3A_579 = tpu.memref_bitcast %arg5 : memref<320x128xi32, #tpu.memory_space<vmem>> -> memref<320x128xi32, #tpu.memory_space<vmem>>
        %gather3A_580 = tpu.vector_load_idx %gather3A_579[%shift_right_logical3A_575, %and3A_578] : memref<320x128xi32, #tpu.memory_space<vmem>>[vector<16xi32>, vector<16xi32>], vector<16xi32>,
        %add3A_581 = arith.constant 2 : i32
        %add3A_582 = vector.broadcast %add3A_581 : i32 to vector<16xi32>
        %add3A_583 = arith.addi %add3A_542, %add3A_582 : vector<16xi32>
        %scatter3A_584 = tpu.memref_bitcast %arg7 : memref<1x11520xi32, #tpu.memory_space<vmem>> -> memref<1x11520xi32, #tpu.memory_space<vmem>>
        tpu.vector_store_idx %scatter3A_584[%mul3A_35, %add3A_583], %gather3A_580 : memref<1x11520xi32, #tpu.memory_space<vmem>>[vector<16xi32>, vector<16xi32>], vector<16xi32>,
        %add3A_585 = arith.constant 6 : i32
        %add3A_586 = vector.broadcast %add3A_585 : i32 to vector<16xi32>
        %add3A_587 = arith.addi %add3A_535, %add3A_586 : vector<16xi32>
        %shift_right_logical3A_588 = arith.constant 7 : i32
        %shift_right_logical3A_589 = vector.broadcast %shift_right_logical3A_588 : i32 to vector<16xi32>
        %shift_right_logical3A_590 = arith.shrui %add3A_587, %shift_right_logical3A_589 : vector<16xi32>
        %and3A_591 = arith.constant 127 : i32
        %and3A_592 = vector.broadcast %and3A_591 : i32 to vector<16xi32>
        %and3A_593 = arith.andi %add3A_587, %and3A_592 : vector<16xi32>
        %gather3A_594 = tpu.memref_bitcast %arg5 : memref<320x128xi32, #tpu.memory_space<vmem>> -> memref<320x128xi32, #tpu.memory_space<vmem>>
        %gather3A_595 = tpu.vector_load_idx %gather3A_594[%shift_right_logical3A_590, %and3A_593] : memref<320x128xi32, #tpu.memory_space<vmem>>[vector<16xi32>, vector<16xi32>], vector<16xi32>,
        %add3A_596 = arith.constant 3 : i32
        %add3A_597 = vector.broadcast %add3A_596 : i32 to vector<16xi32>
        %add3A_598 = arith.addi %add3A_542, %add3A_597 : vector<16xi32>
        %scatter3A_599 = tpu.memref_bitcast %arg7 : memref<1x11520xi32, #tpu.memory_space<vmem>> -> memref<1x11520xi32, #tpu.memory_space<vmem>>
        tpu.vector_store_idx %scatter3A_599[%mul3A_35, %add3A_598], %gather3A_595 : memref<1x11520xi32, #tpu.memory_space<vmem>>[vector<16xi32>, vector<16xi32>], vector<16xi32>,
        %add3A_600 = arith.constant 8 : i32
        %add3A_601 = vector.broadcast %add3A_600 : i32 to vector<16xi32>
        %add3A_602 = arith.addi %add3A_535, %add3A_601 : vector<16xi32>
        %shift_right_logical3A_603 = arith.constant 7 : i32
        %shift_right_logical3A_604 = vector.broadcast %shift_right_logical3A_603 : i32 to vector<16xi32>
        %shift_right_logical3A_605 = arith.shrui %add3A_602, %shift_right_logical3A_604 : vector<16xi32>
        %and3A_606 = arith.constant 127 : i32
        %and3A_607 = vector.broadcast %and3A_606 : i32 to vector<16xi32>
        %and3A_608 = arith.andi %add3A_602, %and3A_607 : vector<16xi32>
        %gather3A_609 = tpu.memref_bitcast %arg5 : memref<320x128xi32, #tpu.memory_space<vmem>> -> memref<320x128xi32, #tpu.memory_space<vmem>>
        %gather3A_610 = tpu.vector_load_idx %gather3A_609[%shift_right_logical3A_605, %and3A_608] : memref<320x128xi32, #tpu.memory_space<vmem>>[vector<16xi32>, vector<16xi32>], vector<16xi32>,
        %add3A_611 = arith.constant 4 : i32
        %add3A_612 = vector.broadcast %add3A_611 : i32 to vector<16xi32>
        %add3A_613 = arith.addi %add3A_542, %add3A_612 : vector<16xi32>
        %scatter3A_614 = tpu.memref_bitcast %arg7 : memref<1x11520xi32, #tpu.memory_space<vmem>> -> memref<1x11520xi32, #tpu.memory_space<vmem>>
        tpu.vector_store_idx %scatter3A_614[%mul3A_35, %add3A_613], %gather3A_610 : memref<1x11520xi32, #tpu.memory_space<vmem>>[vector<16xi32>, vector<16xi32>], vector<16xi32>,
        %add3A_615 = arith.constant 10 : i32
        %add3A_616 = vector.broadcast %add3A_615 : i32 to vector<16xi32>
        %add3A_617 = arith.addi %add3A_535, %add3A_616 : vector<16xi32>
        %shift_right_logical3A_618 = arith.constant 7 : i32
        %shift_right_logical3A_619 = vector.broadcast %shift_right_logical3A_618 : i32 to vector<16xi32>
        %shift_right_logical3A_620 = arith.shrui %add3A_617, %shift_right_logical3A_619 : vector<16xi32>
        %and3A_621 = arith.constant 127 : i32
        %and3A_622 = vector.broadcast %and3A_621 : i32 to vector<16xi32>
        %and3A_623 = arith.andi %add3A_617, %and3A_622 : vector<16xi32>
        %gather3A_624 = tpu.memref_bitcast %arg5 : memref<320x128xi32, #tpu.memory_space<vmem>> -> memref<320x128xi32, #tpu.memory_space<vmem>>
        %gather3A_625 = tpu.vector_load_idx %gather3A_624[%shift_right_logical3A_620, %and3A_623] : memref<320x128xi32, #tpu.memory_space<vmem>>[vector<16xi32>, vector<16xi32>], vector<16xi32>,
        %add3A_626 = arith.constant 5 : i32
        %add3A_627 = vector.broadcast %add3A_626 : i32 to vector<16xi32>
        %add3A_628 = arith.addi %add3A_542, %add3A_627 : vector<16xi32>
        %scatter3A_629 = tpu.memref_bitcast %arg7 : memref<1x11520xi32, #tpu.memory_space<vmem>> -> memref<1x11520xi32, #tpu.memory_space<vmem>>
        tpu.vector_store_idx %scatter3A_629[%mul3A_35, %add3A_628], %gather3A_625 : memref<1x11520xi32, #tpu.memory_space<vmem>>[vector<16xi32>, vector<16xi32>], vector<16xi32>,
        %add3A_630 = arith.constant 12 : i32
        %add3A_631 = vector.broadcast %add3A_630 : i32 to vector<16xi32>
        %add3A_632 = arith.addi %add3A_535, %add3A_631 : vector<16xi32>
        %shift_right_logical3A_633 = arith.constant 7 : i32
        %shift_right_logical3A_634 = vector.broadcast %shift_right_logical3A_633 : i32 to vector<16xi32>
        %shift_right_logical3A_635 = arith.shrui %add3A_632, %shift_right_logical3A_634 : vector<16xi32>
        %and3A_636 = arith.constant 127 : i32
        %and3A_637 = vector.broadcast %and3A_636 : i32 to vector<16xi32>
        %and3A_638 = arith.andi %add3A_632, %and3A_637 : vector<16xi32>
        %gather3A_639 = tpu.memref_bitcast %arg5 : memref<320x128xi32, #tpu.memory_space<vmem>> -> memref<320x128xi32, #tpu.memory_space<vmem>>
        %gather3A_640 = tpu.vector_load_idx %gather3A_639[%shift_right_logical3A_635, %and3A_638] : memref<320x128xi32, #tpu.memory_space<vmem>>[vector<16xi32>, vector<16xi32>], vector<16xi32>,
        %add3A_641 = arith.constant 6 : i32
        %add3A_642 = vector.broadcast %add3A_641 : i32 to vector<16xi32>
        %add3A_643 = arith.addi %add3A_542, %add3A_642 : vector<16xi32>
        %scatter3A_644 = tpu.memref_bitcast %arg7 : memref<1x11520xi32, #tpu.memory_space<vmem>> -> memref<1x11520xi32, #tpu.memory_space<vmem>>
        tpu.vector_store_idx %scatter3A_644[%mul3A_35, %add3A_643], %gather3A_640 : memref<1x11520xi32, #tpu.memory_space<vmem>>[vector<16xi32>, vector<16xi32>], vector<16xi32>,
        %add3A_645 = arith.constant 14 : i32
        %add3A_646 = vector.broadcast %add3A_645 : i32 to vector<16xi32>
        %add3A_647 = arith.addi %add3A_535, %add3A_646 : vector<16xi32>
        %shift_right_logical3A_648 = arith.constant 7 : i32
        %shift_right_logical3A_649 = vector.broadcast %shift_right_logical3A_648 : i32 to vector<16xi32>
        %shift_right_logical3A_650 = arith.shrui %add3A_647, %shift_right_logical3A_649 : vector<16xi32>
        %and3A_651 = arith.constant 127 : i32
        %and3A_652 = vector.broadcast %and3A_651 : i32 to vector<16xi32>
        %and3A_653 = arith.andi %add3A_647, %and3A_652 : vector<16xi32>
        %gather3A_654 = tpu.memref_bitcast %arg5 : memref<320x128xi32, #tpu.memory_space<vmem>> -> memref<320x128xi32, #tpu.memory_space<vmem>>
        %gather3A_655 = tpu.vector_load_idx %gather3A_654[%shift_right_logical3A_650, %and3A_653] : memref<320x128xi32, #tpu.memory_space<vmem>>[vector<16xi32>, vector<16xi32>], vector<16xi32>,
        %add3A_656 = arith.constant 7 : i32
        %add3A_657 = vector.broadcast %add3A_656 : i32 to vector<16xi32>
        %add3A_658 = arith.addi %add3A_542, %add3A_657 : vector<16xi32>
        %scatter3A_659 = tpu.memref_bitcast %arg7 : memref<1x11520xi32, #tpu.memory_space<vmem>> -> memref<1x11520xi32, #tpu.memory_space<vmem>>
        tpu.vector_store_idx %scatter3A_659[%mul3A_35, %add3A_658], %gather3A_655 : memref<1x11520xi32, #tpu.memory_space<vmem>>[vector<16xi32>, vector<16xi32>], vector<16xi32>,
        %add3A_660 = arith.constant 16 : i32
        %add3A_661 = vector.broadcast %add3A_660 : i32 to vector<16xi32>
        %add3A_662 = arith.addi %add3A_535, %add3A_661 : vector<16xi32>
        %shift_right_logical3A_663 = arith.constant 7 : i32
        %shift_right_logical3A_664 = vector.broadcast %shift_right_logical3A_663 : i32 to vector<16xi32>
        %shift_right_logical3A_665 = arith.shrui %add3A_662, %shift_right_logical3A_664 : vector<16xi32>
        %and3A_666 = arith.constant 127 : i32
        %and3A_667 = vector.broadcast %and3A_666 : i32 to vector<16xi32>
        %and3A_668 = arith.andi %add3A_662, %and3A_667 : vector<16xi32>
        %gather3A_669 = tpu.memref_bitcast %arg5 : memref<320x128xi32, #tpu.memory_space<vmem>> -> memref<320x128xi32, #tpu.memory_space<vmem>>
        %gather3A_670 = tpu.vector_load_idx %gather3A_669[%shift_right_logical3A_665, %and3A_668] : memref<320x128xi32, #tpu.memory_space<vmem>>[vector<16xi32>, vector<16xi32>], vector<16xi32>,
        %add3A_671 = arith.constant 8 : i32
        %add3A_672 = vector.broadcast %add3A_671 : i32 to vector<16xi32>
        %add3A_673 = arith.addi %add3A_542, %add3A_672 : vector<16xi32>
        %scatter3A_674 = tpu.memref_bitcast %arg7 : memref<1x11520xi32, #tpu.memory_space<vmem>> -> memref<1x11520xi32, #tpu.memory_space<vmem>>
        tpu.vector_store_idx %scatter3A_674[%mul3A_35, %add3A_673], %gather3A_670 : memref<1x11520xi32, #tpu.memory_space<vmem>>[vector<16xi32>, vector<16xi32>], vector<16xi32>,
      }
      %while3A_273 = arith.constant 1 : i32
      scf.for %while3A_531 = %while3A_271 to %while3A_267 step %while3A_273  : i32 {
        %mul3A_532 = arith.constant 512 : i32
        %mul3A_533 = arith.muli %while3A_531, %mul3A_532 : i32
        %add3A_534 = vector.broadcast %mul3A_533 : i32 to vector<16xi32>
        %add3A_535 = arith.addi %add3A_534, %add3A_95 : vector<16xi32>
        %mul3A_536 = arith.constant 144 : i32
        %mul3A_537 = arith.muli %while3A_531, %mul3A_536 : i32
        %mul3A_538 = arith.constant 9 : i32
        %mul3A_539 = vector.broadcast %mul3A_538 : i32 to vector<16xi32>
        %mul3A_540 = arith.muli %iota3A, %mul3A_539 : vector<16xi32>
        %add3A_541 = vector.broadcast %mul3A_537 : i32 to vector<16xi32>
        %add3A_542 = arith.addi %add3A_541, %mul3A_540 : vector<16xi32>
        %add3A_543 = arith.constant 0 : i32
        %add3A_544 = vector.broadcast %add3A_543 : i32 to vector<16xi32>
        %add3A_545 = arith.addi %add3A_535, %add3A_544 : vector<16xi32>
        %shift_right_logical3A = arith.constant 7 : i32
        %shift_right_logical3A_546 = vector.broadcast %shift_right_logical3A : i32 to vector<16xi32>
        %shift_right_logical3A_547 = arith.shrui %add3A_545, %shift_right_logical3A_546 : vector<16xi32>
        %and3A_548 = arith.constant 127 : i32
        %and3A_549 = vector.broadcast %and3A_548 : i32 to vector<16xi32>
        %and3A_550 = arith.andi %add3A_545, %and3A_549 : vector<16xi32>
        %gather3A = tpu.memref_bitcast %arg5 : memref<320x128xi32, #tpu.memory_space<vmem>> -> memref<320x128xi32, #tpu.memory_space<vmem>>
        %gather3A_551 = tpu.vector_load_idx %gather3A[%shift_right_logical3A_547, %and3A_550] : memref<320x128xi32, #tpu.memory_space<vmem>>[vector<16xi32>, vector<16xi32>], vector<16xi32>,
        %add3A_552 = arith.constant 0 : i32
        %add3A_553 = vector.broadcast %add3A_552 : i32 to vector<16xi32>
        %add3A_554 = arith.addi %add3A_542, %add3A_553 : vector<16xi32>
        %scatter3A = tpu.memref_bitcast %arg7 : memref<1x11520xi32, #tpu.memory_space<vmem>> -> memref<1x11520xi32, #tpu.memory_space<vmem>>
        tpu.vector_store_idx %scatter3A[%mul3A_35, %add3A_554], %gather3A_551 : memref<1x11520xi32, #tpu.memory_space<vmem>>[vector<16xi32>, vector<16xi32>], vector<16xi32>,
        %add3A_555 = arith.constant 2 : i32
        %add3A_556 = vector.broadcast %add3A_555 : i32 to vector<16xi32>
        %add3A_557 = arith.addi %add3A_535, %add3A_556 : vector<16xi32>
        %shift_right_logical3A_558 = arith.constant 7 : i32
        %shift_right_logical3A_559 = vector.broadcast %shift_right_logical3A_558 : i32 to vector<16xi32>
        %shift_right_logical3A_560 = arith.shrui %add3A_557, %shift_right_logical3A_559 : vector<16xi32>
        %and3A_561 = arith.constant 127 : i32
        %and3A_562 = vector.broadcast %and3A_561 : i32 to vector<16xi32>
        %and3A_563 = arith.andi %add3A_557, %and3A_562 : vector<16xi32>
        %gather3A_564 = tpu.memref_bitcast %arg5 : memref<320x128xi32, #tpu.memory_space<vmem>> -> memref<320x128xi32, #tpu.memory_space<vmem>>
        %gather3A_565 = tpu.vector_load_idx %gather3A_564[%shift_right_logical3A_560, %and3A_563] : memref<320x128xi32, #tpu.memory_space<vmem>>[vector<16xi32>, vector<16xi32>], vector<16xi32>,
        %add3A_566 = arith.constant 1 : i32
        %add3A_567 = vector.broadcast %add3A_566 : i32 to vector<16xi32>
        %add3A_568 = arith.addi %add3A_542, %add3A_567 : vector<16xi32>
        %scatter3A_569 = tpu.memref_bitcast %arg7 : memref<1x11520xi32, #tpu.memory_space<vmem>> -> memref<1x11520xi32, #tpu.memory_space<vmem>>
        tpu.vector_store_idx %scatter3A_569[%mul3A_35, %add3A_568], %gather3A_565 : memref<1x11520xi32, #tpu.memory_space<vmem>>[vector<16xi32>, vector<16xi32>], vector<16xi32>,
        %add3A_570 = arith.constant 4 : i32
        %add3A_571 = vector.broadcast %add3A_570 : i32 to vector<16xi32>
        %add3A_572 = arith.addi %add3A_535, %add3A_571 : vector<16xi32>
        %shift_right_logical3A_573 = arith.constant 7 : i32
        %shift_right_logical3A_574 = vector.broadcast %shift_right_logical3A_573 : i32 to vector<16xi32>
        %shift_right_logical3A_575 = arith.shrui %add3A_572, %shift_right_logical3A_574 : vector<16xi32>
        %and3A_576 = arith.constant 127 : i32
        %and3A_577 = vector.broadcast %and3A_576 : i32 to vector<16xi32>
        %and3A_578 = arith.andi %add3A_572, %and3A_577 : vector<16xi32>
        %gather3A_579 = tpu.memref_bitcast %arg5 : memref<320x128xi32, #tpu.memory_space<vmem>> -> memref<320x128xi32, #tpu.memory_space<vmem>>
        %gather3A_580 = tpu.vector_load_idx %gather3A_579[%shift_right_logical3A_575, %and3A_578] : memref<320x128xi32, #tpu.memory_space<vmem>>[vector<16xi32>, vector<16xi32>], vector<16xi32>,
        %add3A_581 = arith.constant 2 : i32
        %add3A_582 = vector.broadcast %add3A_581 : i32 to vector<16xi32>
        %add3A_583 = arith.addi %add3A_542, %add3A_582 : vector<16xi32>
        %scatter3A_584 = tpu.memref_bitcast %arg7 : memref<1x11520xi32, #tpu.memory_space<vmem>> -> memref<1x11520xi32, #tpu.memory_space<vmem>>
        tpu.vector_store_idx %scatter3A_584[%mul3A_35, %add3A_583], %gather3A_580 : memref<1x11520xi32, #tpu.memory_space<vmem>>[vector<16xi32>, vector<16xi32>], vector<16xi32>,
        %add3A_585 = arith.constant 6 : i32
        %add3A_586 = vector.broadcast %add3A_585 : i32 to vector<16xi32>
        %add3A_587 = arith.addi %add3A_535, %add3A_586 : vector<16xi32>
        %shift_right_logical3A_588 = arith.constant 7 : i32
        %shift_right_logical3A_589 = vector.broadcast %shift_right_logical3A_588 : i32 to vector<16xi32>
        %shift_right_logical3A_590 = arith.shrui %add3A_587, %shift_right_logical3A_589 : vector<16xi32>
        %and3A_591 = arith.constant 127 : i32
        %and3A_592 = vector.broadcast %and3A_591 : i32 to vector<16xi32>
        %and3A_593 = arith.andi %add3A_587, %and3A_592 : vector<16xi32>
        %gather3A_594 = tpu.memref_bitcast %arg5 : memref<320x128xi32, #tpu.memory_space<vmem>> -> memref<320x128xi32, #tpu.memory_space<vmem>>
        %gather3A_595 = tpu.vector_load_idx %gather3A_594[%shift_right_logical3A_590, %and3A_593] : memref<320x128xi32, #tpu.memory_space<vmem>>[vector<16xi32>, vector<16xi32>], vector<16xi32>,
        %add3A_596 = arith.constant 3 : i32
        %add3A_597 = vector.broadcast %add3A_596 : i32 to vector<16xi32>
        %add3A_598 = arith.addi %add3A_542, %add3A_597 : vector<16xi32>
        %scatter3A_599 = tpu.memref_bitcast %arg7 : memref<1x11520xi32, #tpu.memory_space<vmem>> -> memref<1x11520xi32, #tpu.memory_space<vmem>>
        tpu.vector_store_idx %scatter3A_599[%mul3A_35, %add3A_598], %gather3A_595 : memref<1x11520xi32, #tpu.memory_space<vmem>>[vector<16xi32>, vector<16xi32>], vector<16xi32>,
        %add3A_600 = arith.constant 8 : i32
        %add3A_601 = vector.broadcast %add3A_600 : i32 to vector<16xi32>
        %add3A_602 = arith.addi %add3A_535, %add3A_601 : vector<16xi32>
        %shift_right_logical3A_603 = arith.constant 7 : i32
        %shift_right_logical3A_604 = vector.broadcast %shift_right_logical3A_603 : i32 to vector<16xi32>
        %shift_right_logical3A_605 = arith.shrui %add3A_602, %shift_right_logical3A_604 : vector<16xi32>
        %and3A_606 = arith.constant 127 : i32
        %and3A_607 = vector.broadcast %and3A_606 : i32 to vector<16xi32>
        %and3A_608 = arith.andi %add3A_602, %and3A_607 : vector<16xi32>
        %gather3A_609 = tpu.memref_bitcast %arg5 : memref<320x128xi32, #tpu.memory_space<vmem>> -> memref<320x128xi32, #tpu.memory_space<vmem>>
        %gather3A_610 = tpu.vector_load_idx %gather3A_609[%shift_right_logical3A_605, %and3A_608] : memref<320x128xi32, #tpu.memory_space<vmem>>[vector<16xi32>, vector<16xi32>], vector<16xi32>,
        %add3A_611 = arith.constant 4 : i32
        %add3A_612 = vector.broadcast %add3A_611 : i32 to vector<16xi32>
        %add3A_613 = arith.addi %add3A_542, %add3A_612 : vector<16xi32>
        %scatter3A_614 = tpu.memref_bitcast %arg7 : memref<1x11520xi32, #tpu.memory_space<vmem>> -> memref<1x11520xi32, #tpu.memory_space<vmem>>
        tpu.vector_store_idx %scatter3A_614[%mul3A_35, %add3A_613], %gather3A_610 : memref<1x11520xi32, #tpu.memory_space<vmem>>[vector<16xi32>, vector<16xi32>], vector<16xi32>,
        %add3A_615 = arith.constant 10 : i32
        %add3A_616 = vector.broadcast %add3A_615 : i32 to vector<16xi32>
        %add3A_617 = arith.addi %add3A_535, %add3A_616 : vector<16xi32>
        %shift_right_logical3A_618 = arith.constant 7 : i32
        %shift_right_logical3A_619 = vector.broadcast %shift_right_logical3A_618 : i32 to vector<16xi32>
        %shift_right_logical3A_620 = arith.shrui %add3A_617, %shift_right_logical3A_619 : vector<16xi32>
        %and3A_621 = arith.constant 127 : i32
        %and3A_622 = vector.broadcast %and3A_621 : i32 to vector<16xi32>
        %and3A_623 = arith.andi %add3A_617, %and3A_622 : vector<16xi32>
        %gather3A_624 = tpu.memref_bitcast %arg5 : memref<320x128xi32, #tpu.memory_space<vmem>> -> memref<320x128xi32, #tpu.memory_space<vmem>>
        %gather3A_625 = tpu.vector_load_idx %gather3A_624[%shift_right_logical3A_620, %and3A_623] : memref<320x128xi32, #tpu.memory_space<vmem>>[vector<16xi32>, vector<16xi32>], vector<16xi32>,
        %add3A_626 = arith.constant 5 : i32
        %add3A_627 = vector.broadcast %add3A_626 : i32 to vector<16xi32>
        %add3A_628 = arith.addi %add3A_542, %add3A_627 : vector<16xi32>
        %scatter3A_629 = tpu.memref_bitcast %arg7 : memref<1x11520xi32, #tpu.memory_space<vmem>> -> memref<1x11520xi32, #tpu.memory_space<vmem>>
        tpu.vector_store_idx %scatter3A_629[%mul3A_35, %add3A_628], %gather3A_625 : memref<1x11520xi32, #tpu.memory_space<vmem>>[vector<16xi32>, vector<16xi32>], vector<16xi32>,
        %add3A_630 = arith.constant 12 : i32
        %add3A_631 = vector.broadcast %add3A_630 : i32 to vector<16xi32>
        %add3A_632 = arith.addi %add3A_535, %add3A_631 : vector<16xi32>
        %shift_right_logical3A_633 = arith.constant 7 : i32
        %shift_right_logical3A_634 = vector.broadcast %shift_right_logical3A_633 : i32 to vector<16xi32>
        %shift_right_logical3A_635 = arith.shrui %add3A_632, %shift_right_logical3A_634 : vector<16xi32>
        %and3A_636 = arith.constant 127 : i32
        %and3A_637 = vector.broadcast %and3A_636 : i32 to vector<16xi32>
        %and3A_638 = arith.andi %add3A_632, %and3A_637 : vector<16xi32>
        %gather3A_639 = tpu.memref_bitcast %arg5 : memref<320x128xi32, #tpu.memory_space<vmem>> -> memref<320x128xi32, #tpu.memory_space<vmem>>
        %gather3A_640 = tpu.vector_load_idx %gather3A_639[%shift_right_logical3A_635, %and3A_638] : memref<320x128xi32, #tpu.memory_space<vmem>>[vector<16xi32>, vector<16xi32>], vector<16xi32>,
        %add3A_641 = arith.constant 6 : i32
        %add3A_642 = vector.broadcast %add3A_641 : i32 to vector<16xi32>
        %add3A_643 = arith.addi %add3A_542, %add3A_642 : vector<16xi32>
        %scatter3A_644 = tpu.memref_bitcast %arg7 : memref<1x11520xi32, #tpu.memory_space<vmem>> -> memref<1x11520xi32, #tpu.memory_space<vmem>>
        tpu.vector_store_idx %scatter3A_644[%mul3A_35, %add3A_643], %gather3A_640 : memref<1x11520xi32, #tpu.memory_space<vmem>>[vector<16xi32>, vector<16xi32>], vector<16xi32>,
        %add3A_645 = arith.constant 14 : i32
        %add3A_646 = vector.broadcast %add3A_645 : i32 to vector<16xi32>
        %add3A_647 = arith.addi %add3A_535, %add3A_646 : vector<16xi32>
        %shift_right_logical3A_648 = arith.constant 7 : i32
        %shift_right_logical3A_649 = vector.broadcast %shift_right_logical3A_648 : i32 to vector<16xi32>
        %shift_right_logical3A_650 = arith.shrui %add3A_647, %shift_right_logical3A_649 : vector<16xi32>
        %and3A_651 = arith.constant 127 : i32
        %and3A_652 = vector.broadcast %and3A_651 : i32 to vector<16xi32>
        %and3A_653 = arith.andi %add3A_647, %and3A_652 : vector<16xi32>
        %gather3A_654 = tpu.memref_bitcast %arg5 : memref<320x128xi32, #tpu.memory_space<vmem>> -> memref<320x128xi32, #tpu.memory_space<vmem>>
        %gather3A_655 = tpu.vector_load_idx %gather3A_654[%shift_right_logical3A_650, %and3A_653] : memref<320x128xi32, #tpu.memory_space<vmem>>[vector<16xi32>, vector<16xi32>], vector<16xi32>,
        %add3A_656 = arith.constant 7 : i32
        %add3A_657 = vector.broadcast %add3A_656 : i32 to vector<16xi32>
        %add3A_658 = arith.addi %add3A_542, %add3A_657 : vector<16xi32>
        %scatter3A_659 = tpu.memref_bitcast %arg7 : memref<1x11520xi32, #tpu.memory_space<vmem>> -> memref<1x11520xi32, #tpu.memory_space<vmem>>
        tpu.vector_store_idx %scatter3A_659[%mul3A_35, %add3A_658], %gather3A_655 : memref<1x11520xi32, #tpu.memory_space<vmem>>[vector<16xi32>, vector<16xi32>], vector<16xi32>,
        %add3A_660 = arith.constant 16 : i32
        %add3A_661 = vector.broadcast %add3A_660 : i32 to vector<16xi32>
        %add3A_662 = arith.addi %add3A_535, %add3A_661 : vector<16xi32>
        %shift_right_logical3A_663 = arith.constant 7 : i32
        %shift_right_logical3A_664 = vector.broadcast %shift_right_logical3A_663 : i32 to vector<16xi32>
        %shift_right_logical3A_665 = arith.shrui %add3A_662, %shift_right_logical3A_664 : vector<16xi32>
        %and3A_666 = arith.constant 127 : i32
        %and3A_667 = vector.broadcast %and3A_666 : i32 to vector<16xi32>
        %and3A_668 = arith.andi %add3A_662, %and3A_667 : vector<16xi32>
        %gather3A_669 = tpu.memref_bitcast %arg5 : memref<320x128xi32, #tpu.memory_space<vmem>> -> memref<320x128xi32, #tpu.memory_space<vmem>>
        %gather3A_670 = tpu.vector_load_idx %gather3A_669[%shift_right_logical3A_665, %and3A_668] : memref<320x128xi32, #tpu.memory_space<vmem>>[vector<16xi32>, vector<16xi32>], vector<16xi32>,
        %add3A_671 = arith.constant 8 : i32
        %add3A_672 = vector.broadcast %add3A_671 : i32 to vector<16xi32>
        %add3A_673 = arith.addi %add3A_542, %add3A_672 : vector<16xi32>
        %scatter3A_674 = tpu.memref_bitcast %arg7 : memref<1x11520xi32, #tpu.memory_space<vmem>> -> memref<1x11520xi32, #tpu.memory_space<vmem>>
        tpu.vector_store_idx %scatter3A_674[%mul3A_35, %add3A_673], %gather3A_670 : memref<1x11520xi32, #tpu.memory_space<vmem>>[vector<16xi32>, vector<16xi32>], vector<16xi32>,
      }
      %add3A_274 = arith.constant 1248 : i32
      %add3A_275 = arith.addi %mul3A_32, %add3A_274 : i32
      %mul3A_276 = arith.constant 9 : i32
      %mul3A_277 = arith.muli %add3A_275, %mul3A_276 : i32
      %dma_start3A_278 = arith.constant 0 : i32
      %dma_start3A_279 = arith.constant 0 : i32
      %dma_start3A_280 = tpu.memref_slice %arg7[%dma_start3A_278, %dma_start3A_279] : memref<1x11520xi32, #tpu.memory_space<vmem>> -> memref<1x11232xi32, #tpu.memory_space<vmem>>
      %dma_start3A_281 = tpu.memref_squeeze %dma_start3A_280 : memref<1x11232xi32, #tpu.memory_space<vmem>> -> memref<11232xi32, #tpu.memory_space<vmem>>
      %dma_start3A_282 = tpu.memref_slice %arg3[%select_n3A_9, %mul3A_277] : memref<2x900000xi32, #tpu.memory_space<hbm>> -> memref<1x11232xi32, #tpu.memory_space<hbm>>
      %dma_start3A_283 = tpu.memref_squeeze %dma_start3A_282 : memref<1x11232xi32, #tpu.memory_space<hbm>> -> memref<11232xi32, #tpu.memory_space<hbm>>
      %dma_start3A_284 = tpu.memref_slice %arg3[%select_n3A_9, %mul3A_277] : memref<2x900000xi32, #tpu.memory_space<hbm>> -> memref<1x11232xi32, #tpu.memory_space<hbm>>
      %dma_start3A_285 = tpu.memref_squeeze %dma_start3A_284 : memref<1x11232xi32, #tpu.memory_space<hbm>> -> memref<11232xi32, #tpu.memory_space<hbm>>
      %dma_start3A_286 = arith.constant 0 : i32
      %dma_start3A_287 = tpu.memref_slice %arg7[%dma_start3A_278, %dma_start3A_286] : memref<1x11520xi32, #tpu.memory_space<vmem>> -> memref<1x11232xi32, #tpu.memory_space<vmem>>
      %dma_start3A_288 = tpu.memref_squeeze %dma_start3A_287 : memref<1x11232xi32, #tpu.memory_space<vmem>> -> memref<11232xi32, #tpu.memory_space<vmem>>
      tpu.enqueue_dma source(%dma_start3A_288 : memref<11232xi32, #tpu.memory_space<vmem>>) target(%dma_start3A_285 : memref<11232xi32, #tpu.memory_space<hbm>>) target_semaphore(%arg11 : memref<!tpu.dma_semaphore, #tpu.memory_space<semaphore_mem>>)
      %add3A_289 = arith.constant 3744 : i32
      %add3A_290 = arith.addi %mul3A_32, %add3A_289 : i32
      %jit3A_291 = arith.constant 4 : i32
      %div3A_292 = arith.divsi %add3A_290, %jit3A_291 : i32
      %sign3A_293 = arith.constant 0 : i32
      %sign3A_294 = arith.cmpi sgt, %add3A_290, %sign3A_293 : i32
      %sign3A_295 = arith.extui %sign3A_294 : i1 to i32
      %sign3A_296 = arith.constant 0 : i32
      %sign3A_297 = arith.cmpi slt, %add3A_290, %sign3A_296 : i32
      %sign3A_298 = arith.extui %sign3A_297 : i1 to i32
      %sign3A_299 = arith.subi %sign3A_295, %sign3A_298 : i32
      %sign3A_300 = arith.constant 0 : i32
      %sign3A_301 = arith.cmpi sgt, %jit3A_291, %sign3A_300 : i32
      %sign3A_302 = arith.extui %sign3A_301 : i1 to i32
      %sign3A_303 = arith.constant 0 : i32
      %sign3A_304 = arith.cmpi slt, %jit3A_291, %sign3A_303 : i32
      %sign3A_305 = arith.extui %sign3A_304 : i1 to i32
      %sign3A_306 = arith.subi %sign3A_302, %sign3A_305 : i32
      %ne3A_307 = arith.cmpi ne, %sign3A_299, %sign3A_306 : i32
      %rem3A_308 = arith.remsi %add3A_290, %jit3A_291 : i32
      %ne3A_309 = arith.constant 0 : i32
      %ne3A_310 = arith.cmpi ne, %rem3A_308, %ne3A_309 : i32
      %and3A_311 = arith.andi %ne3A_307, %ne3A_310 : i1
      %sub3A_312 = arith.constant 1 : i32
      %sub3A_313 = arith.subi %div3A_292, %sub3A_312 : i32
      %select_n3A_314 = arith.select %and3A_311, %sub3A_313, %div3A_292 : i32
      %dma_start3A_315 = arith.constant 0 : i32
      %dma_start3A_316 = arith.constant 0 : i32
      %dma_start3A_317 = tpu.memref_slice %arg5[%dma_start3A_315, %dma_start3A_316] : memref<320x128xi32, #tpu.memory_space<vmem>> -> memref<312x128xi32, #tpu.memory_space<vmem>>
      %dma_start3A_318 = arith.constant 0 : i32
      %dma_start3A_319 = tpu.memref_slice %arg2[%select_n3A_314, %select_n3A_9, %dma_start3A_318] : memref<25000x2x128xi32, #tpu.memory_space<hbm>> -> memref<312x1x128xi32, #tpu.memory_space<hbm>>
      %dma_start3A_320 = tpu.memref_squeeze %dma_start3A_319 : memref<312x1x128xi32, #tpu.memory_space<hbm>> -> memref<312x128xi32, #tpu.memory_space<hbm>>
      %dma_start3A_321 = arith.constant 0 : i32
      %dma_start3A_322 = arith.constant 0 : i32
      %dma_start3A_323 = tpu.memref_slice %arg5[%dma_start3A_321, %dma_start3A_322] : memref<320x128xi32, #tpu.memory_space<vmem>> -> memref<312x128xi32, #tpu.memory_space<vmem>>
      %dma_start3A_324 = arith.constant 0 : i32
      %dma_start3A_325 = tpu.memref_slice %arg2[%select_n3A_314, %select_n3A_9, %dma_start3A_324] : memref<25000x2x128xi32, #tpu.memory_space<hbm>> -> memref<312x1x128xi32, #tpu.memory_space<hbm>>
      %dma_start3A_326 = tpu.memref_squeeze %dma_start3A_325 : memref<312x1x128xi32, #tpu.memory_space<hbm>> -> memref<312x128xi32, #tpu.memory_space<hbm>>
      tpu.enqueue_dma source(%dma_start3A_326 : memref<312x128xi32, #tpu.memory_space<hbm>>) target(%dma_start3A_323 : memref<312x128xi32, #tpu.memory_space<vmem>>) target_semaphore(%arg9 : memref<!tpu.dma_semaphore, #tpu.memory_space<semaphore_mem>>)
      %dma_wait3A_327 = arith.constant 0 : i32
      %dma_wait3A_328 = arith.constant 0 : i32
      %dma_wait3A_329 = tpu.memref_slice %arg4[%dma_wait3A_327, %dma_wait3A_328] : memref<320x128xi32, #tpu.memory_space<vmem>> -> memref<312x128xi32, #tpu.memory_space<vmem>>
      %dma_wait3A_330 = arith.constant 0 : i32
      %dma_wait3A_331 = tpu.memref_slice %arg2[%select_n3A_239, %select_n3A_9, %dma_wait3A_330] : memref<25000x2x128xi32, #tpu.memory_space<hbm>> -> memref<312x1x128xi32, #tpu.memory_space<hbm>>
      %dma_wait3A_332 = tpu.memref_squeeze %dma_wait3A_331 : memref<312x1x128xi32, #tpu.memory_space<hbm>> -> memref<312x128xi32, #tpu.memory_space<hbm>>
      %dma_wait3A_333 = arith.constant 0 : i32
      %dma_wait3A_334 = arith.constant 0 : i32
      %dma_wait3A_335 = tpu.memref_slice %arg4[%dma_wait3A_333, %dma_wait3A_334] : memref<320x128xi32, #tpu.memory_space<vmem>> -> memref<312x128xi32, #tpu.memory_space<vmem>>
      %dma_wait3A_336 = arith.constant 0 : i32
      %dma_wait3A_337 = tpu.memref_slice %arg2[%select_n3A_239, %select_n3A_9, %dma_wait3A_336] : memref<25000x2x128xi32, #tpu.memory_space<hbm>> -> memref<312x1x128xi32, #tpu.memory_space<hbm>>
      %dma_wait3A_338 = tpu.memref_squeeze %dma_wait3A_337 : memref<312x1x128xi32, #tpu.memory_space<hbm>> -> memref<312x128xi32, #tpu.memory_space<hbm>>
      tpu.wait_dma2 semaphore(%arg8 : memref<!tpu.dma_semaphore, #tpu.memory_space<semaphore_mem>>) src(%dma_wait3A_338 : memref<312x128xi32, #tpu.memory_space<hbm>>) dst(%dma_wait3A_335 : memref<312x128xi32, #tpu.memory_space<vmem>>)
      %dma_wait3A_339 = arith.constant 0 : i32
      %dma_wait3A_340 = arith.constant 0 : i32
      %dma_wait3A_341 = tpu.memref_slice %arg6[%dma_wait3A_339, %dma_wait3A_340] : memref<1x11520xi32, #tpu.memory_space<vmem>> -> memref<1x11232xi32, #tpu.memory_space<vmem>>
      %dma_wait3A_342 = tpu.memref_squeeze %dma_wait3A_341 : memref<1x11232xi32, #tpu.memory_space<vmem>> -> memref<11232xi32, #tpu.memory_space<vmem>>
      %dma_wait3A_343 = tpu.memref_slice %arg3[%select_n3A_9, %mul3A_202] : memref<2x900000xi32, #tpu.memory_space<hbm>> -> memref<1x11232xi32, #tpu.memory_space<hbm>>
      %dma_wait3A_344 = tpu.memref_squeeze %dma_wait3A_343 : memref<1x11232xi32, #tpu.memory_space<hbm>> -> memref<11232xi32, #tpu.memory_space<hbm>>
      %dma_wait3A_345 = tpu.memref_slice %arg3[%select_n3A_9, %mul3A_202] : memref<2x900000xi32, #tpu.memory_space<hbm>> -> memref<1x11232xi32, #tpu.memory_space<hbm>>
      %dma_wait3A_346 = tpu.memref_squeeze %dma_wait3A_345 : memref<1x11232xi32, #tpu.memory_space<hbm>> -> memref<11232xi32, #tpu.memory_space<hbm>>
      %dma_wait3A_347 = arith.constant 0 : i32
      %dma_wait3A_348 = tpu.memref_slice %arg6[%dma_wait3A_339, %dma_wait3A_347] : memref<1x11520xi32, #tpu.memory_space<vmem>> -> memref<1x11232xi32, #tpu.memory_space<vmem>>
      %dma_wait3A_349 = tpu.memref_squeeze %dma_wait3A_348 : memref<1x11232xi32, #tpu.memory_space<vmem>> -> memref<11232xi32, #tpu.memory_space<vmem>>
      tpu.wait_dma2 semaphore(%arg10 : memref<!tpu.dma_semaphore, #tpu.memory_space<semaphore_mem>>) src(%dma_wait3A_349 : memref<11232xi32, #tpu.memory_space<vmem>>) dst(%dma_wait3A_346 : memref<11232xi32, #tpu.memory_space<hbm>>)
      %while3A_350 = arith.constant 0 : i32
      %while3A_351 = arith.constant 78 : i32
      %while3A_352 = arith.subi %while3A_351, %while3A_350 : i32
      %while3A_353 = arith.addi %while3A_350, %while3A_352 : i32
      %while3A_354 = arith.constant 1 : i32
      %while3A_355 = arith.divsi %while3A_352, %while3A_354 : i32
      %while3A_356 = arith.muli %while3A_355, %while3A_354 : i32
      %while3A_357 = arith.addi %while3A_350, %while3A_356 : i32
      %while3A_358 = arith.constant 1 : i32
      scf.for %while3A_531 = %while3A_350 to %while3A_357 step %while3A_358  : i32 {
        %mul3A_532 = arith.constant 512 : i32
        %mul3A_533 = arith.muli %while3A_531, %mul3A_532 : i32
        %add3A_534 = vector.broadcast %mul3A_533 : i32 to vector<16xi32>
        %add3A_535 = arith.addi %add3A_534, %add3A_95 : vector<16xi32>
        %mul3A_536 = arith.constant 144 : i32
        %mul3A_537 = arith.muli %while3A_531, %mul3A_536 : i32
        %mul3A_538 = arith.constant 9 : i32
        %mul3A_539 = vector.broadcast %mul3A_538 : i32 to vector<16xi32>
        %mul3A_540 = arith.muli %iota3A, %mul3A_539 : vector<16xi32>
        %add3A_541 = vector.broadcast %mul3A_537 : i32 to vector<16xi32>
        %add3A_542 = arith.addi %add3A_541, %mul3A_540 : vector<16xi32>
        %add3A_543 = arith.constant 0 : i32
        %add3A_544 = vector.broadcast %add3A_543 : i32 to vector<16xi32>
        %add3A_545 = arith.addi %add3A_535, %add3A_544 : vector<16xi32>
        %shift_right_logical3A = arith.constant 7 : i32
        %shift_right_logical3A_546 = vector.broadcast %shift_right_logical3A : i32 to vector<16xi32>
        %shift_right_logical3A_547 = arith.shrui %add3A_545, %shift_right_logical3A_546 : vector<16xi32>
        %and3A_548 = arith.constant 127 : i32
        %and3A_549 = vector.broadcast %and3A_548 : i32 to vector<16xi32>
        %and3A_550 = arith.andi %add3A_545, %and3A_549 : vector<16xi32>
        %gather3A = tpu.memref_bitcast %arg4 : memref<320x128xi32, #tpu.memory_space<vmem>> -> memref<320x128xi32, #tpu.memory_space<vmem>>
        %gather3A_551 = tpu.vector_load_idx %gather3A[%shift_right_logical3A_547, %and3A_550] : memref<320x128xi32, #tpu.memory_space<vmem>>[vector<16xi32>, vector<16xi32>], vector<16xi32>,
        %add3A_552 = arith.constant 0 : i32
        %add3A_553 = vector.broadcast %add3A_552 : i32 to vector<16xi32>
        %add3A_554 = arith.addi %add3A_542, %add3A_553 : vector<16xi32>
        %scatter3A = tpu.memref_bitcast %arg6 : memref<1x11520xi32, #tpu.memory_space<vmem>> -> memref<1x11520xi32, #tpu.memory_space<vmem>>
        tpu.vector_store_idx %scatter3A[%mul3A_35, %add3A_554], %gather3A_551 : memref<1x11520xi32, #tpu.memory_space<vmem>>[vector<16xi32>, vector<16xi32>], vector<16xi32>,
        %add3A_555 = arith.constant 2 : i32
        %add3A_556 = vector.broadcast %add3A_555 : i32 to vector<16xi32>
        %add3A_557 = arith.addi %add3A_535, %add3A_556 : vector<16xi32>
        %shift_right_logical3A_558 = arith.constant 7 : i32
        %shift_right_logical3A_559 = vector.broadcast %shift_right_logical3A_558 : i32 to vector<16xi32>
        %shift_right_logical3A_560 = arith.shrui %add3A_557, %shift_right_logical3A_559 : vector<16xi32>
        %and3A_561 = arith.constant 127 : i32
        %and3A_562 = vector.broadcast %and3A_561 : i32 to vector<16xi32>
        %and3A_563 = arith.andi %add3A_557, %and3A_562 : vector<16xi32>
        %gather3A_564 = tpu.memref_bitcast %arg4 : memref<320x128xi32, #tpu.memory_space<vmem>> -> memref<320x128xi32, #tpu.memory_space<vmem>>
        %gather3A_565 = tpu.vector_load_idx %gather3A_564[%shift_right_logical3A_560, %and3A_563] : memref<320x128xi32, #tpu.memory_space<vmem>>[vector<16xi32>, vector<16xi32>], vector<16xi32>,
        %add3A_566 = arith.constant 1 : i32
        %add3A_567 = vector.broadcast %add3A_566 : i32 to vector<16xi32>
        %add3A_568 = arith.addi %add3A_542, %add3A_567 : vector<16xi32>
        %scatter3A_569 = tpu.memref_bitcast %arg6 : memref<1x11520xi32, #tpu.memory_space<vmem>> -> memref<1x11520xi32, #tpu.memory_space<vmem>>
        tpu.vector_store_idx %scatter3A_569[%mul3A_35, %add3A_568], %gather3A_565 : memref<1x11520xi32, #tpu.memory_space<vmem>>[vector<16xi32>, vector<16xi32>], vector<16xi32>,
        %add3A_570 = arith.constant 4 : i32
        %add3A_571 = vector.broadcast %add3A_570 : i32 to vector<16xi32>
        %add3A_572 = arith.addi %add3A_535, %add3A_571 : vector<16xi32>
        %shift_right_logical3A_573 = arith.constant 7 : i32
        %shift_right_logical3A_574 = vector.broadcast %shift_right_logical3A_573 : i32 to vector<16xi32>
        %shift_right_logical3A_575 = arith.shrui %add3A_572, %shift_right_logical3A_574 : vector<16xi32>
        %and3A_576 = arith.constant 127 : i32
        %and3A_577 = vector.broadcast %and3A_576 : i32 to vector<16xi32>
        %and3A_578 = arith.andi %add3A_572, %and3A_577 : vector<16xi32>
        %gather3A_579 = tpu.memref_bitcast %arg4 : memref<320x128xi32, #tpu.memory_space<vmem>> -> memref<320x128xi32, #tpu.memory_space<vmem>>
        %gather3A_580 = tpu.vector_load_idx %gather3A_579[%shift_right_logical3A_575, %and3A_578] : memref<320x128xi32, #tpu.memory_space<vmem>>[vector<16xi32>, vector<16xi32>], vector<16xi32>,
        %add3A_581 = arith.constant 2 : i32
        %add3A_582 = vector.broadcast %add3A_581 : i32 to vector<16xi32>
        %add3A_583 = arith.addi %add3A_542, %add3A_582 : vector<16xi32>
        %scatter3A_584 = tpu.memref_bitcast %arg6 : memref<1x11520xi32, #tpu.memory_space<vmem>> -> memref<1x11520xi32, #tpu.memory_space<vmem>>
        tpu.vector_store_idx %scatter3A_584[%mul3A_35, %add3A_583], %gather3A_580 : memref<1x11520xi32, #tpu.memory_space<vmem>>[vector<16xi32>, vector<16xi32>], vector<16xi32>,
        %add3A_585 = arith.constant 6 : i32
        %add3A_586 = vector.broadcast %add3A_585 : i32 to vector<16xi32>
        %add3A_587 = arith.addi %add3A_535, %add3A_586 : vector<16xi32>
        %shift_right_logical3A_588 = arith.constant 7 : i32
        %shift_right_logical3A_589 = vector.broadcast %shift_right_logical3A_588 : i32 to vector<16xi32>
        %shift_right_logical3A_590 = arith.shrui %add3A_587, %shift_right_logical3A_589 : vector<16xi32>
        %and3A_591 = arith.constant 127 : i32
        %and3A_592 = vector.broadcast %and3A_591 : i32 to vector<16xi32>
        %and3A_593 = arith.andi %add3A_587, %and3A_592 : vector<16xi32>
        %gather3A_594 = tpu.memref_bitcast %arg4 : memref<320x128xi32, #tpu.memory_space<vmem>> -> memref<320x128xi32, #tpu.memory_space<vmem>>
        %gather3A_595 = tpu.vector_load_idx %gather3A_594[%shift_right_logical3A_590, %and3A_593] : memref<320x128xi32, #tpu.memory_space<vmem>>[vector<16xi32>, vector<16xi32>], vector<16xi32>,
        %add3A_596 = arith.constant 3 : i32
        %add3A_597 = vector.broadcast %add3A_596 : i32 to vector<16xi32>
        %add3A_598 = arith.addi %add3A_542, %add3A_597 : vector<16xi32>
        %scatter3A_599 = tpu.memref_bitcast %arg6 : memref<1x11520xi32, #tpu.memory_space<vmem>> -> memref<1x11520xi32, #tpu.memory_space<vmem>>
        tpu.vector_store_idx %scatter3A_599[%mul3A_35, %add3A_598], %gather3A_595 : memref<1x11520xi32, #tpu.memory_space<vmem>>[vector<16xi32>, vector<16xi32>], vector<16xi32>,
        %add3A_600 = arith.constant 8 : i32
        %add3A_601 = vector.broadcast %add3A_600 : i32 to vector<16xi32>
        %add3A_602 = arith.addi %add3A_535, %add3A_601 : vector<16xi32>
        %shift_right_logical3A_603 = arith.constant 7 : i32
        %shift_right_logical3A_604 = vector.broadcast %shift_right_logical3A_603 : i32 to vector<16xi32>
        %shift_right_logical3A_605 = arith.shrui %add3A_602, %shift_right_logical3A_604 : vector<16xi32>
        %and3A_606 = arith.constant 127 : i32
        %and3A_607 = vector.broadcast %and3A_606 : i32 to vector<16xi32>
        %and3A_608 = arith.andi %add3A_602, %and3A_607 : vector<16xi32>
        %gather3A_609 = tpu.memref_bitcast %arg4 : memref<320x128xi32, #tpu.memory_space<vmem>> -> memref<320x128xi32, #tpu.memory_space<vmem>>
        %gather3A_610 = tpu.vector_load_idx %gather3A_609[%shift_right_logical3A_605, %and3A_608] : memref<320x128xi32, #tpu.memory_space<vmem>>[vector<16xi32>, vector<16xi32>], vector<16xi32>,
        %add3A_611 = arith.constant 4 : i32
        %add3A_612 = vector.broadcast %add3A_611 : i32 to vector<16xi32>
        %add3A_613 = arith.addi %add3A_542, %add3A_612 : vector<16xi32>
        %scatter3A_614 = tpu.memref_bitcast %arg6 : memref<1x11520xi32, #tpu.memory_space<vmem>> -> memref<1x11520xi32, #tpu.memory_space<vmem>>
        tpu.vector_store_idx %scatter3A_614[%mul3A_35, %add3A_613], %gather3A_610 : memref<1x11520xi32, #tpu.memory_space<vmem>>[vector<16xi32>, vector<16xi32>], vector<16xi32>,
        %add3A_615 = arith.constant 10 : i32
        %add3A_616 = vector.broadcast %add3A_615 : i32 to vector<16xi32>
        %add3A_617 = arith.addi %add3A_535, %add3A_616 : vector<16xi32>
        %shift_right_logical3A_618 = arith.constant 7 : i32
        %shift_right_logical3A_619 = vector.broadcast %shift_right_logical3A_618 : i32 to vector<16xi32>
        %shift_right_logical3A_620 = arith.shrui %add3A_617, %shift_right_logical3A_619 : vector<16xi32>
        %and3A_621 = arith.constant 127 : i32
        %and3A_622 = vector.broadcast %and3A_621 : i32 to vector<16xi32>
        %and3A_623 = arith.andi %add3A_617, %and3A_622 : vector<16xi32>
        %gather3A_624 = tpu.memref_bitcast %arg4 : memref<320x128xi32, #tpu.memory_space<vmem>> -> memref<320x128xi32, #tpu.memory_space<vmem>>
        %gather3A_625 = tpu.vector_load_idx %gather3A_624[%shift_right_logical3A_620, %and3A_623] : memref<320x128xi32, #tpu.memory_space<vmem>>[vector<16xi32>, vector<16xi32>], vector<16xi32>,
        %add3A_626 = arith.constant 5 : i32
        %add3A_627 = vector.broadcast %add3A_626 : i32 to vector<16xi32>
        %add3A_628 = arith.addi %add3A_542, %add3A_627 : vector<16xi32>
        %scatter3A_629 = tpu.memref_bitcast %arg6 : memref<1x11520xi32, #tpu.memory_space<vmem>> -> memref<1x11520xi32, #tpu.memory_space<vmem>>
        tpu.vector_store_idx %scatter3A_629[%mul3A_35, %add3A_628], %gather3A_625 : memref<1x11520xi32, #tpu.memory_space<vmem>>[vector<16xi32>, vector<16xi32>], vector<16xi32>,
        %add3A_630 = arith.constant 12 : i32
        %add3A_631 = vector.broadcast %add3A_630 : i32 to vector<16xi32>
        %add3A_632 = arith.addi %add3A_535, %add3A_631 : vector<16xi32>
        %shift_right_logical3A_633 = arith.constant 7 : i32
        %shift_right_logical3A_634 = vector.broadcast %shift_right_logical3A_633 : i32 to vector<16xi32>
        %shift_right_logical3A_635 = arith.shrui %add3A_632, %shift_right_logical3A_634 : vector<16xi32>
        %and3A_636 = arith.constant 127 : i32
        %and3A_637 = vector.broadcast %and3A_636 : i32 to vector<16xi32>
        %and3A_638 = arith.andi %add3A_632, %and3A_637 : vector<16xi32>
        %gather3A_639 = tpu.memref_bitcast %arg4 : memref<320x128xi32, #tpu.memory_space<vmem>> -> memref<320x128xi32, #tpu.memory_space<vmem>>
        %gather3A_640 = tpu.vector_load_idx %gather3A_639[%shift_right_logical3A_635, %and3A_638] : memref<320x128xi32, #tpu.memory_space<vmem>>[vector<16xi32>, vector<16xi32>], vector<16xi32>,
        %add3A_641 = arith.constant 6 : i32
        %add3A_642 = vector.broadcast %add3A_641 : i32 to vector<16xi32>
        %add3A_643 = arith.addi %add3A_542, %add3A_642 : vector<16xi32>
        %scatter3A_644 = tpu.memref_bitcast %arg6 : memref<1x11520xi32, #tpu.memory_space<vmem>> -> memref<1x11520xi32, #tpu.memory_space<vmem>>
        tpu.vector_store_idx %scatter3A_644[%mul3A_35, %add3A_643], %gather3A_640 : memref<1x11520xi32, #tpu.memory_space<vmem>>[vector<16xi32>, vector<16xi32>], vector<16xi32>,
        %add3A_645 = arith.constant 14 : i32
        %add3A_646 = vector.broadcast %add3A_645 : i32 to vector<16xi32>
        %add3A_647 = arith.addi %add3A_535, %add3A_646 : vector<16xi32>
        %shift_right_logical3A_648 = arith.constant 7 : i32
        %shift_right_logical3A_649 = vector.broadcast %shift_right_logical3A_648 : i32 to vector<16xi32>
        %shift_right_logical3A_650 = arith.shrui %add3A_647, %shift_right_logical3A_649 : vector<16xi32>
        %and3A_651 = arith.constant 127 : i32
        %and3A_652 = vector.broadcast %and3A_651 : i32 to vector<16xi32>
        %and3A_653 = arith.andi %add3A_647, %and3A_652 : vector<16xi32>
        %gather3A_654 = tpu.memref_bitcast %arg4 : memref<320x128xi32, #tpu.memory_space<vmem>> -> memref<320x128xi32, #tpu.memory_space<vmem>>
        %gather3A_655 = tpu.vector_load_idx %gather3A_654[%shift_right_logical3A_650, %and3A_653] : memref<320x128xi32, #tpu.memory_space<vmem>>[vector<16xi32>, vector<16xi32>], vector<16xi32>,
        %add3A_656 = arith.constant 7 : i32
        %add3A_657 = vector.broadcast %add3A_656 : i32 to vector<16xi32>
        %add3A_658 = arith.addi %add3A_542, %add3A_657 : vector<16xi32>
        %scatter3A_659 = tpu.memref_bitcast %arg6 : memref<1x11520xi32, #tpu.memory_space<vmem>> -> memref<1x11520xi32, #tpu.memory_space<vmem>>
        tpu.vector_store_idx %scatter3A_659[%mul3A_35, %add3A_658], %gather3A_655 : memref<1x11520xi32, #tpu.memory_space<vmem>>[vector<16xi32>, vector<16xi32>], vector<16xi32>,
        %add3A_660 = arith.constant 16 : i32
        %add3A_661 = vector.broadcast %add3A_660 : i32 to vector<16xi32>
        %add3A_662 = arith.addi %add3A_535, %add3A_661 : vector<16xi32>
        %shift_right_logical3A_663 = arith.constant 7 : i32
        %shift_right_logical3A_664 = vector.broadcast %shift_right_logical3A_663 : i32 to vector<16xi32>
        %shift_right_logical3A_665 = arith.shrui %add3A_662, %shift_right_logical3A_664 : vector<16xi32>
        %and3A_666 = arith.constant 127 : i32
        %and3A_667 = vector.broadcast %and3A_666 : i32 to vector<16xi32>
        %and3A_668 = arith.andi %add3A_662, %and3A_667 : vector<16xi32>
        %gather3A_669 = tpu.memref_bitcast %arg4 : memref<320x128xi32, #tpu.memory_space<vmem>> -> memref<320x128xi32, #tpu.memory_space<vmem>>
        %gather3A_670 = tpu.vector_load_idx %gather3A_669[%shift_right_logical3A_665, %and3A_668] : memref<320x128xi32, #tpu.memory_space<vmem>>[vector<16xi32>, vector<16xi32>], vector<16xi32>,
        %add3A_671 = arith.constant 8 : i32
        %add3A_672 = vector.broadcast %add3A_671 : i32 to vector<16xi32>
        %add3A_673 = arith.addi %add3A_542, %add3A_672 : vector<16xi32>
        %scatter3A_674 = tpu.memref_bitcast %arg6 : memref<1x11520xi32, #tpu.memory_space<vmem>> -> memref<1x11520xi32, #tpu.memory_space<vmem>>
        tpu.vector_store_idx %scatter3A_674[%mul3A_35, %add3A_673], %gather3A_670 : memref<1x11520xi32, #tpu.memory_space<vmem>>[vector<16xi32>, vector<16xi32>], vector<16xi32>,
      }
      %while3A_359 = arith.constant 1 : i32
      scf.for %while3A_531 = %while3A_357 to %while3A_353 step %while3A_359  : i32 {
        %mul3A_532 = arith.constant 512 : i32
        %mul3A_533 = arith.muli %while3A_531, %mul3A_532 : i32
        %add3A_534 = vector.broadcast %mul3A_533 : i32 to vector<16xi32>
        %add3A_535 = arith.addi %add3A_534, %add3A_95 : vector<16xi32>
        %mul3A_536 = arith.constant 144 : i32
        %mul3A_537 = arith.muli %while3A_531, %mul3A_536 : i32
        %mul3A_538 = arith.constant 9 : i32
        %mul3A_539 = vector.broadcast %mul3A_538 : i32 to vector<16xi32>
        %mul3A_540 = arith.muli %iota3A, %mul3A_539 : vector<16xi32>
        %add3A_541 = vector.broadcast %mul3A_537 : i32 to vector<16xi32>
        %add3A_542 = arith.addi %add3A_541, %mul3A_540 : vector<16xi32>
        %add3A_543 = arith.constant 0 : i32
        %add3A_544 = vector.broadcast %add3A_543 : i32 to vector<16xi32>
        %add3A_545 = arith.addi %add3A_535, %add3A_544 : vector<16xi32>
        %shift_right_logical3A = arith.constant 7 : i32
        %shift_right_logical3A_546 = vector.broadcast %shift_right_logical3A : i32 to vector<16xi32>
        %shift_right_logical3A_547 = arith.shrui %add3A_545, %shift_right_logical3A_546 : vector<16xi32>
        %and3A_548 = arith.constant 127 : i32
        %and3A_549 = vector.broadcast %and3A_548 : i32 to vector<16xi32>
        %and3A_550 = arith.andi %add3A_545, %and3A_549 : vector<16xi32>
        %gather3A = tpu.memref_bitcast %arg4 : memref<320x128xi32, #tpu.memory_space<vmem>> -> memref<320x128xi32, #tpu.memory_space<vmem>>
        %gather3A_551 = tpu.vector_load_idx %gather3A[%shift_right_logical3A_547, %and3A_550] : memref<320x128xi32, #tpu.memory_space<vmem>>[vector<16xi32>, vector<16xi32>], vector<16xi32>,
        %add3A_552 = arith.constant 0 : i32
        %add3A_553 = vector.broadcast %add3A_552 : i32 to vector<16xi32>
        %add3A_554 = arith.addi %add3A_542, %add3A_553 : vector<16xi32>
        %scatter3A = tpu.memref_bitcast %arg6 : memref<1x11520xi32, #tpu.memory_space<vmem>> -> memref<1x11520xi32, #tpu.memory_space<vmem>>
        tpu.vector_store_idx %scatter3A[%mul3A_35, %add3A_554], %gather3A_551 : memref<1x11520xi32, #tpu.memory_space<vmem>>[vector<16xi32>, vector<16xi32>], vector<16xi32>,
        %add3A_555 = arith.constant 2 : i32
        %add3A_556 = vector.broadcast %add3A_555 : i32 to vector<16xi32>
        %add3A_557 = arith.addi %add3A_535, %add3A_556 : vector<16xi32>
        %shift_right_logical3A_558 = arith.constant 7 : i32
        %shift_right_logical3A_559 = vector.broadcast %shift_right_logical3A_558 : i32 to vector<16xi32>
        %shift_right_logical3A_560 = arith.shrui %add3A_557, %shift_right_logical3A_559 : vector<16xi32>
        %and3A_561 = arith.constant 127 : i32
        %and3A_562 = vector.broadcast %and3A_561 : i32 to vector<16xi32>
        %and3A_563 = arith.andi %add3A_557, %and3A_562 : vector<16xi32>
        %gather3A_564 = tpu.memref_bitcast %arg4 : memref<320x128xi32, #tpu.memory_space<vmem>> -> memref<320x128xi32, #tpu.memory_space<vmem>>
        %gather3A_565 = tpu.vector_load_idx %gather3A_564[%shift_right_logical3A_560, %and3A_563] : memref<320x128xi32, #tpu.memory_space<vmem>>[vector<16xi32>, vector<16xi32>], vector<16xi32>,
        %add3A_566 = arith.constant 1 : i32
        %add3A_567 = vector.broadcast %add3A_566 : i32 to vector<16xi32>
        %add3A_568 = arith.addi %add3A_542, %add3A_567 : vector<16xi32>
        %scatter3A_569 = tpu.memref_bitcast %arg6 : memref<1x11520xi32, #tpu.memory_space<vmem>> -> memref<1x11520xi32, #tpu.memory_space<vmem>>
        tpu.vector_store_idx %scatter3A_569[%mul3A_35, %add3A_568], %gather3A_565 : memref<1x11520xi32, #tpu.memory_space<vmem>>[vector<16xi32>, vector<16xi32>], vector<16xi32>,
        %add3A_570 = arith.constant 4 : i32
        %add3A_571 = vector.broadcast %add3A_570 : i32 to vector<16xi32>
        %add3A_572 = arith.addi %add3A_535, %add3A_571 : vector<16xi32>
        %shift_right_logical3A_573 = arith.constant 7 : i32
        %shift_right_logical3A_574 = vector.broadcast %shift_right_logical3A_573 : i32 to vector<16xi32>
        %shift_right_logical3A_575 = arith.shrui %add3A_572, %shift_right_logical3A_574 : vector<16xi32>
        %and3A_576 = arith.constant 127 : i32
        %and3A_577 = vector.broadcast %and3A_576 : i32 to vector<16xi32>
        %and3A_578 = arith.andi %add3A_572, %and3A_577 : vector<16xi32>
        %gather3A_579 = tpu.memref_bitcast %arg4 : memref<320x128xi32, #tpu.memory_space<vmem>> -> memref<320x128xi32, #tpu.memory_space<vmem>>
        %gather3A_580 = tpu.vector_load_idx %gather3A_579[%shift_right_logical3A_575, %and3A_578] : memref<320x128xi32, #tpu.memory_space<vmem>>[vector<16xi32>, vector<16xi32>], vector<16xi32>,
        %add3A_581 = arith.constant 2 : i32
        %add3A_582 = vector.broadcast %add3A_581 : i32 to vector<16xi32>
        %add3A_583 = arith.addi %add3A_542, %add3A_582 : vector<16xi32>
        %scatter3A_584 = tpu.memref_bitcast %arg6 : memref<1x11520xi32, #tpu.memory_space<vmem>> -> memref<1x11520xi32, #tpu.memory_space<vmem>>
        tpu.vector_store_idx %scatter3A_584[%mul3A_35, %add3A_583], %gather3A_580 : memref<1x11520xi32, #tpu.memory_space<vmem>>[vector<16xi32>, vector<16xi32>], vector<16xi32>,
        %add3A_585 = arith.constant 6 : i32
        %add3A_586 = vector.broadcast %add3A_585 : i32 to vector<16xi32>
        %add3A_587 = arith.addi %add3A_535, %add3A_586 : vector<16xi32>
        %shift_right_logical3A_588 = arith.constant 7 : i32
        %shift_right_logical3A_589 = vector.broadcast %shift_right_logical3A_588 : i32 to vector<16xi32>
        %shift_right_logical3A_590 = arith.shrui %add3A_587, %shift_right_logical3A_589 : vector<16xi32>
        %and3A_591 = arith.constant 127 : i32
        %and3A_592 = vector.broadcast %and3A_591 : i32 to vector<16xi32>
        %and3A_593 = arith.andi %add3A_587, %and3A_592 : vector<16xi32>
        %gather3A_594 = tpu.memref_bitcast %arg4 : memref<320x128xi32, #tpu.memory_space<vmem>> -> memref<320x128xi32, #tpu.memory_space<vmem>>
        %gather3A_595 = tpu.vector_load_idx %gather3A_594[%shift_right_logical3A_590, %and3A_593] : memref<320x128xi32, #tpu.memory_space<vmem>>[vector<16xi32>, vector<16xi32>], vector<16xi32>,
        %add3A_596 = arith.constant 3 : i32
        %add3A_597 = vector.broadcast %add3A_596 : i32 to vector<16xi32>
        %add3A_598 = arith.addi %add3A_542, %add3A_597 : vector<16xi32>
        %scatter3A_599 = tpu.memref_bitcast %arg6 : memref<1x11520xi32, #tpu.memory_space<vmem>> -> memref<1x11520xi32, #tpu.memory_space<vmem>>
        tpu.vector_store_idx %scatter3A_599[%mul3A_35, %add3A_598], %gather3A_595 : memref<1x11520xi32, #tpu.memory_space<vmem>>[vector<16xi32>, vector<16xi32>], vector<16xi32>,
        %add3A_600 = arith.constant 8 : i32
        %add3A_601 = vector.broadcast %add3A_600 : i32 to vector<16xi32>
        %add3A_602 = arith.addi %add3A_535, %add3A_601 : vector<16xi32>
        %shift_right_logical3A_603 = arith.constant 7 : i32
        %shift_right_logical3A_604 = vector.broadcast %shift_right_logical3A_603 : i32 to vector<16xi32>
        %shift_right_logical3A_605 = arith.shrui %add3A_602, %shift_right_logical3A_604 : vector<16xi32>
        %and3A_606 = arith.constant 127 : i32
        %and3A_607 = vector.broadcast %and3A_606 : i32 to vector<16xi32>
        %and3A_608 = arith.andi %add3A_602, %and3A_607 : vector<16xi32>
        %gather3A_609 = tpu.memref_bitcast %arg4 : memref<320x128xi32, #tpu.memory_space<vmem>> -> memref<320x128xi32, #tpu.memory_space<vmem>>
        %gather3A_610 = tpu.vector_load_idx %gather3A_609[%shift_right_logical3A_605, %and3A_608] : memref<320x128xi32, #tpu.memory_space<vmem>>[vector<16xi32>, vector<16xi32>], vector<16xi32>,
        %add3A_611 = arith.constant 4 : i32
        %add3A_612 = vector.broadcast %add3A_611 : i32 to vector<16xi32>
        %add3A_613 = arith.addi %add3A_542, %add3A_612 : vector<16xi32>
        %scatter3A_614 = tpu.memref_bitcast %arg6 : memref<1x11520xi32, #tpu.memory_space<vmem>> -> memref<1x11520xi32, #tpu.memory_space<vmem>>
        tpu.vector_store_idx %scatter3A_614[%mul3A_35, %add3A_613], %gather3A_610 : memref<1x11520xi32, #tpu.memory_space<vmem>>[vector<16xi32>, vector<16xi32>], vector<16xi32>,
        %add3A_615 = arith.constant 10 : i32
        %add3A_616 = vector.broadcast %add3A_615 : i32 to vector<16xi32>
        %add3A_617 = arith.addi %add3A_535, %add3A_616 : vector<16xi32>
        %shift_right_logical3A_618 = arith.constant 7 : i32
        %shift_right_logical3A_619 = vector.broadcast %shift_right_logical3A_618 : i32 to vector<16xi32>
        %shift_right_logical3A_620 = arith.shrui %add3A_617, %shift_right_logical3A_619 : vector<16xi32>
        %and3A_621 = arith.constant 127 : i32
        %and3A_622 = vector.broadcast %and3A_621 : i32 to vector<16xi32>
        %and3A_623 = arith.andi %add3A_617, %and3A_622 : vector<16xi32>
        %gather3A_624 = tpu.memref_bitcast %arg4 : memref<320x128xi32, #tpu.memory_space<vmem>> -> memref<320x128xi32, #tpu.memory_space<vmem>>
        %gather3A_625 = tpu.vector_load_idx %gather3A_624[%shift_right_logical3A_620, %and3A_623] : memref<320x128xi32, #tpu.memory_space<vmem>>[vector<16xi32>, vector<16xi32>], vector<16xi32>,
        %add3A_626 = arith.constant 5 : i32
        %add3A_627 = vector.broadcast %add3A_626 : i32 to vector<16xi32>
        %add3A_628 = arith.addi %add3A_542, %add3A_627 : vector<16xi32>
        %scatter3A_629 = tpu.memref_bitcast %arg6 : memref<1x11520xi32, #tpu.memory_space<vmem>> -> memref<1x11520xi32, #tpu.memory_space<vmem>>
        tpu.vector_store_idx %scatter3A_629[%mul3A_35, %add3A_628], %gather3A_625 : memref<1x11520xi32, #tpu.memory_space<vmem>>[vector<16xi32>, vector<16xi32>], vector<16xi32>,
        %add3A_630 = arith.constant 12 : i32
        %add3A_631 = vector.broadcast %add3A_630 : i32 to vector<16xi32>
        %add3A_632 = arith.addi %add3A_535, %add3A_631 : vector<16xi32>
        %shift_right_logical3A_633 = arith.constant 7 : i32
        %shift_right_logical3A_634 = vector.broadcast %shift_right_logical3A_633 : i32 to vector<16xi32>
        %shift_right_logical3A_635 = arith.shrui %add3A_632, %shift_right_logical3A_634 : vector<16xi32>
        %and3A_636 = arith.constant 127 : i32
        %and3A_637 = vector.broadcast %and3A_636 : i32 to vector<16xi32>
        %and3A_638 = arith.andi %add3A_632, %and3A_637 : vector<16xi32>
        %gather3A_639 = tpu.memref_bitcast %arg4 : memref<320x128xi32, #tpu.memory_space<vmem>> -> memref<320x128xi32, #tpu.memory_space<vmem>>
        %gather3A_640 = tpu.vector_load_idx %gather3A_639[%shift_right_logical3A_635, %and3A_638] : memref<320x128xi32, #tpu.memory_space<vmem>>[vector<16xi32>, vector<16xi32>], vector<16xi32>,
        %add3A_641 = arith.constant 6 : i32
        %add3A_642 = vector.broadcast %add3A_641 : i32 to vector<16xi32>
        %add3A_643 = arith.addi %add3A_542, %add3A_642 : vector<16xi32>
        %scatter3A_644 = tpu.memref_bitcast %arg6 : memref<1x11520xi32, #tpu.memory_space<vmem>> -> memref<1x11520xi32, #tpu.memory_space<vmem>>
        tpu.vector_store_idx %scatter3A_644[%mul3A_35, %add3A_643], %gather3A_640 : memref<1x11520xi32, #tpu.memory_space<vmem>>[vector<16xi32>, vector<16xi32>], vector<16xi32>,
        %add3A_645 = arith.constant 14 : i32
        %add3A_646 = vector.broadcast %add3A_645 : i32 to vector<16xi32>
        %add3A_647 = arith.addi %add3A_535, %add3A_646 : vector<16xi32>
        %shift_right_logical3A_648 = arith.constant 7 : i32
        %shift_right_logical3A_649 = vector.broadcast %shift_right_logical3A_648 : i32 to vector<16xi32>
        %shift_right_logical3A_650 = arith.shrui %add3A_647, %shift_right_logical3A_649 : vector<16xi32>
        %and3A_651 = arith.constant 127 : i32
        %and3A_652 = vector.broadcast %and3A_651 : i32 to vector<16xi32>
        %and3A_653 = arith.andi %add3A_647, %and3A_652 : vector<16xi32>
        %gather3A_654 = tpu.memref_bitcast %arg4 : memref<320x128xi32, #tpu.memory_space<vmem>> -> memref<320x128xi32, #tpu.memory_space<vmem>>
        %gather3A_655 = tpu.vector_load_idx %gather3A_654[%shift_right_logical3A_650, %and3A_653] : memref<320x128xi32, #tpu.memory_space<vmem>>[vector<16xi32>, vector<16xi32>], vector<16xi32>,
        %add3A_656 = arith.constant 7 : i32
        %add3A_657 = vector.broadcast %add3A_656 : i32 to vector<16xi32>
        %add3A_658 = arith.addi %add3A_542, %add3A_657 : vector<16xi32>
        %scatter3A_659 = tpu.memref_bitcast %arg6 : memref<1x11520xi32, #tpu.memory_space<vmem>> -> memref<1x11520xi32, #tpu.memory_space<vmem>>
        tpu.vector_store_idx %scatter3A_659[%mul3A_35, %add3A_658], %gather3A_655 : memref<1x11520xi32, #tpu.memory_space<vmem>>[vector<16xi32>, vector<16xi32>], vector<16xi32>,
        %add3A_660 = arith.constant 16 : i32
        %add3A_661 = vector.broadcast %add3A_660 : i32 to vector<16xi32>
        %add3A_662 = arith.addi %add3A_535, %add3A_661 : vector<16xi32>
        %shift_right_logical3A_663 = arith.constant 7 : i32
        %shift_right_logical3A_664 = vector.broadcast %shift_right_logical3A_663 : i32 to vector<16xi32>
        %shift_right_logical3A_665 = arith.shrui %add3A_662, %shift_right_logical3A_664 : vector<16xi32>
        %and3A_666 = arith.constant 127 : i32
        %and3A_667 = vector.broadcast %and3A_666 : i32 to vector<16xi32>
        %and3A_668 = arith.andi %add3A_662, %and3A_667 : vector<16xi32>
        %gather3A_669 = tpu.memref_bitcast %arg4 : memref<320x128xi32, #tpu.memory_space<vmem>> -> memref<320x128xi32, #tpu.memory_space<vmem>>
        %gather3A_670 = tpu.vector_load_idx %gather3A_669[%shift_right_logical3A_665, %and3A_668] : memref<320x128xi32, #tpu.memory_space<vmem>>[vector<16xi32>, vector<16xi32>], vector<16xi32>,
        %add3A_671 = arith.constant 8 : i32
        %add3A_672 = vector.broadcast %add3A_671 : i32 to vector<16xi32>
        %add3A_673 = arith.addi %add3A_542, %add3A_672 : vector<16xi32>
        %scatter3A_674 = tpu.memref_bitcast %arg6 : memref<1x11520xi32, #tpu.memory_space<vmem>> -> memref<1x11520xi32, #tpu.memory_space<vmem>>
        tpu.vector_store_idx %scatter3A_674[%mul3A_35, %add3A_673], %gather3A_670 : memref<1x11520xi32, #tpu.memory_space<vmem>>[vector<16xi32>, vector<16xi32>], vector<16xi32>,
      }
      %add3A_360 = arith.constant 2496 : i32
      %add3A_361 = arith.addi %mul3A_32, %add3A_360 : i32
      %mul3A_362 = arith.constant 9 : i32
      %mul3A_363 = arith.muli %add3A_361, %mul3A_362 : i32
      %dma_start3A_364 = arith.constant 0 : i32
      %dma_start3A_365 = arith.constant 0 : i32
      %dma_start3A_366 = tpu.memref_slice %arg6[%dma_start3A_364, %dma_start3A_365] : memref<1x11520xi32, #tpu.memory_space<vmem>> -> memref<1x11232xi32, #tpu.memory_space<vmem>>
      %dma_start3A_367 = tpu.memref_squeeze %dma_start3A_366 : memref<1x11232xi32, #tpu.memory_space<vmem>> -> memref<11232xi32, #tpu.memory_space<vmem>>
      %dma_start3A_368 = tpu.memref_slice %arg3[%select_n3A_9, %mul3A_363] : memref<2x900000xi32, #tpu.memory_space<hbm>> -> memref<1x11232xi32, #tpu.memory_space<hbm>>
      %dma_start3A_369 = tpu.memref_squeeze %dma_start3A_368 : memref<1x11232xi32, #tpu.memory_space<hbm>> -> memref<11232xi32, #tpu.memory_space<hbm>>
      %dma_start3A_370 = tpu.memref_slice %arg3[%select_n3A_9, %mul3A_363] : memref<2x900000xi32, #tpu.memory_space<hbm>> -> memref<1x11232xi32, #tpu.memory_space<hbm>>
      %dma_start3A_371 = tpu.memref_squeeze %dma_start3A_370 : memref<1x11232xi32, #tpu.memory_space<hbm>> -> memref<11232xi32, #tpu.memory_space<hbm>>
      %dma_start3A_372 = arith.constant 0 : i32
      %dma_start3A_373 = tpu.memref_slice %arg6[%dma_start3A_364, %dma_start3A_372] : memref<1x11520xi32, #tpu.memory_space<vmem>> -> memref<1x11232xi32, #tpu.memory_space<vmem>>
      %dma_start3A_374 = tpu.memref_squeeze %dma_start3A_373 : memref<1x11232xi32, #tpu.memory_space<vmem>> -> memref<11232xi32, #tpu.memory_space<vmem>>
      tpu.enqueue_dma source(%dma_start3A_374 : memref<11232xi32, #tpu.memory_space<vmem>>) target(%dma_start3A_371 : memref<11232xi32, #tpu.memory_space<hbm>>) target_semaphore(%arg10 : memref<!tpu.dma_semaphore, #tpu.memory_space<semaphore_mem>>)
      %add3A_375 = arith.constant 4992 : i32
      %add3A_376 = arith.addi %mul3A_32, %add3A_375 : i32
      %jit3A_377 = arith.constant 4 : i32
      %div3A_378 = arith.divsi %add3A_376, %jit3A_377 : i32
      %sign3A_379 = arith.constant 0 : i32
      %sign3A_380 = arith.cmpi sgt, %add3A_376, %sign3A_379 : i32
      %sign3A_381 = arith.extui %sign3A_380 : i1 to i32
      %sign3A_382 = arith.constant 0 : i32
      %sign3A_383 = arith.cmpi slt, %add3A_376, %sign3A_382 : i32
      %sign3A_384 = arith.extui %sign3A_383 : i1 to i32
      %sign3A_385 = arith.subi %sign3A_381, %sign3A_384 : i32
      %sign3A_386 = arith.constant 0 : i32
      %sign3A_387 = arith.cmpi sgt, %jit3A_377, %sign3A_386 : i32
      %sign3A_388 = arith.extui %sign3A_387 : i1 to i32
      %sign3A_389 = arith.constant 0 : i32
      %sign3A_390 = arith.cmpi slt, %jit3A_377, %sign3A_389 : i32
      %sign3A_391 = arith.extui %sign3A_390 : i1 to i32
      %sign3A_392 = arith.subi %sign3A_388, %sign3A_391 : i32
      %ne3A_393 = arith.cmpi ne, %sign3A_385, %sign3A_392 : i32
      %rem3A_394 = arith.remsi %add3A_376, %jit3A_377 : i32
      %ne3A_395 = arith.constant 0 : i32
      %ne3A_396 = arith.cmpi ne, %rem3A_394, %ne3A_395 : i32
      %and3A_397 = arith.andi %ne3A_393, %ne3A_396 : i1
      %sub3A_398 = arith.constant 1 : i32
      %sub3A_399 = arith.subi %div3A_378, %sub3A_398 : i32
      %select_n3A_400 = arith.select %and3A_397, %sub3A_399, %div3A_378 : i32
      %dma_start3A_401 = arith.constant 0 : i32
      %dma_start3A_402 = arith.constant 0 : i32
      %dma_start3A_403 = tpu.memref_slice %arg4[%dma_start3A_401, %dma_start3A_402] : memref<320x128xi32, #tpu.memory_space<vmem>> -> memref<312x128xi32, #tpu.memory_space<vmem>>
      %dma_start3A_404 = arith.constant 0 : i32
      %dma_start3A_405 = tpu.memref_slice %arg2[%select_n3A_400, %select_n3A_9, %dma_start3A_404] : memref<25000x2x128xi32, #tpu.memory_space<hbm>> -> memref<312x1x128xi32, #tpu.memory_space<hbm>>
      %dma_start3A_406 = tpu.memref_squeeze %dma_start3A_405 : memref<312x1x128xi32, #tpu.memory_space<hbm>> -> memref<312x128xi32, #tpu.memory_space<hbm>>
      %dma_start3A_407 = arith.constant 0 : i32
      %dma_start3A_408 = arith.constant 0 : i32
      %dma_start3A_409 = tpu.memref_slice %arg4[%dma_start3A_407, %dma_start3A_408] : memref<320x128xi32, #tpu.memory_space<vmem>> -> memref<312x128xi32, #tpu.memory_space<vmem>>
      %dma_start3A_410 = arith.constant 0 : i32
      %dma_start3A_411 = tpu.memref_slice %arg2[%select_n3A_400, %select_n3A_9, %dma_start3A_410] : memref<25000x2x128xi32, #tpu.memory_space<hbm>> -> memref<312x1x128xi32, #tpu.memory_space<hbm>>
      %dma_start3A_412 = tpu.memref_squeeze %dma_start3A_411 : memref<312x1x128xi32, #tpu.memory_space<hbm>> -> memref<312x128xi32, #tpu.memory_space<hbm>>
      tpu.enqueue_dma source(%dma_start3A_412 : memref<312x128xi32, #tpu.memory_space<hbm>>) target(%dma_start3A_409 : memref<312x128xi32, #tpu.memory_space<vmem>>) target_semaphore(%arg8 : memref<!tpu.dma_semaphore, #tpu.memory_space<semaphore_mem>>)
      %dma_wait3A_413 = arith.constant 0 : i32
      %dma_wait3A_414 = arith.constant 0 : i32
      %dma_wait3A_415 = tpu.memref_slice %arg5[%dma_wait3A_413, %dma_wait3A_414] : memref<320x128xi32, #tpu.memory_space<vmem>> -> memref<312x128xi32, #tpu.memory_space<vmem>>
      %dma_wait3A_416 = arith.constant 0 : i32
      %dma_wait3A_417 = tpu.memref_slice %arg2[%select_n3A_314, %select_n3A_9, %dma_wait3A_416] : memref<25000x2x128xi32, #tpu.memory_space<hbm>> -> memref<312x1x128xi32, #tpu.memory_space<hbm>>
      %dma_wait3A_418 = tpu.memref_squeeze %dma_wait3A_417 : memref<312x1x128xi32, #tpu.memory_space<hbm>> -> memref<312x128xi32, #tpu.memory_space<hbm>>
      %dma_wait3A_419 = arith.constant 0 : i32
      %dma_wait3A_420 = arith.constant 0 : i32
      %dma_wait3A_421 = tpu.memref_slice %arg5[%dma_wait3A_419, %dma_wait3A_420] : memref<320x128xi32, #tpu.memory_space<vmem>> -> memref<312x128xi32, #tpu.memory_space<vmem>>
      %dma_wait3A_422 = arith.constant 0 : i32
      %dma_wait3A_423 = tpu.memref_slice %arg2[%select_n3A_314, %select_n3A_9, %dma_wait3A_422] : memref<25000x2x128xi32, #tpu.memory_space<hbm>> -> memref<312x1x128xi32, #tpu.memory_space<hbm>>
      %dma_wait3A_424 = tpu.memref_squeeze %dma_wait3A_423 : memref<312x1x128xi32, #tpu.memory_space<hbm>> -> memref<312x128xi32, #tpu.memory_space<hbm>>
      tpu.wait_dma2 semaphore(%arg9 : memref<!tpu.dma_semaphore, #tpu.memory_space<semaphore_mem>>) src(%dma_wait3A_424 : memref<312x128xi32, #tpu.memory_space<hbm>>) dst(%dma_wait3A_421 : memref<312x128xi32, #tpu.memory_space<vmem>>)
      %dma_wait3A_425 = arith.constant 0 : i32
      %dma_wait3A_426 = arith.constant 0 : i32
      %dma_wait3A_427 = tpu.memref_slice %arg7[%dma_wait3A_425, %dma_wait3A_426] : memref<1x11520xi32, #tpu.memory_space<vmem>> -> memref<1x11232xi32, #tpu.memory_space<vmem>>
      %dma_wait3A_428 = tpu.memref_squeeze %dma_wait3A_427 : memref<1x11232xi32, #tpu.memory_space<vmem>> -> memref<11232xi32, #tpu.memory_space<vmem>>
      %dma_wait3A_429 = tpu.memref_slice %arg3[%select_n3A_9, %mul3A_277] : memref<2x900000xi32, #tpu.memory_space<hbm>> -> memref<1x11232xi32, #tpu.memory_space<hbm>>
      %dma_wait3A_430 = tpu.memref_squeeze %dma_wait3A_429 : memref<1x11232xi32, #tpu.memory_space<hbm>> -> memref<11232xi32, #tpu.memory_space<hbm>>
      %dma_wait3A_431 = tpu.memref_slice %arg3[%select_n3A_9, %mul3A_277] : memref<2x900000xi32, #tpu.memory_space<hbm>> -> memref<1x11232xi32, #tpu.memory_space<hbm>>
      %dma_wait3A_432 = tpu.memref_squeeze %dma_wait3A_431 : memref<1x11232xi32, #tpu.memory_space<hbm>> -> memref<11232xi32, #tpu.memory_space<hbm>>
      %dma_wait3A_433 = arith.constant 0 : i32
      %dma_wait3A_434 = tpu.memref_slice %arg7[%dma_wait3A_425, %dma_wait3A_433] : memref<1x11520xi32, #tpu.memory_space<vmem>> -> memref<1x11232xi32, #tpu.memory_space<vmem>>
      %dma_wait3A_435 = tpu.memref_squeeze %dma_wait3A_434 : memref<1x11232xi32, #tpu.memory_space<vmem>> -> memref<11232xi32, #tpu.memory_space<vmem>>
      tpu.wait_dma2 semaphore(%arg11 : memref<!tpu.dma_semaphore, #tpu.memory_space<semaphore_mem>>) src(%dma_wait3A_435 : memref<11232xi32, #tpu.memory_space<vmem>>) dst(%dma_wait3A_432 : memref<11232xi32, #tpu.memory_space<hbm>>)
      %while3A_436 = arith.constant 0 : i32
      %while3A_437 = arith.constant 78 : i32
      %while3A_438 = arith.subi %while3A_437, %while3A_436 : i32
      %while3A_439 = arith.addi %while3A_436, %while3A_438 : i32
      %while3A_440 = arith.constant 1 : i32
      %while3A_441 = arith.divsi %while3A_438, %while3A_440 : i32
      %while3A_442 = arith.muli %while3A_441, %while3A_440 : i32
      %while3A_443 = arith.addi %while3A_436, %while3A_442 : i32
      %while3A_444 = arith.constant 1 : i32
      scf.for %while3A_531 = %while3A_436 to %while3A_443 step %while3A_444  : i32 {
        %mul3A_532 = arith.constant 512 : i32
        %mul3A_533 = arith.muli %while3A_531, %mul3A_532 : i32
        %add3A_534 = vector.broadcast %mul3A_533 : i32 to vector<16xi32>
        %add3A_535 = arith.addi %add3A_534, %add3A_95 : vector<16xi32>
        %mul3A_536 = arith.constant 144 : i32
        %mul3A_537 = arith.muli %while3A_531, %mul3A_536 : i32
        %mul3A_538 = arith.constant 9 : i32
        %mul3A_539 = vector.broadcast %mul3A_538 : i32 to vector<16xi32>
        %mul3A_540 = arith.muli %iota3A, %mul3A_539 : vector<16xi32>
        %add3A_541 = vector.broadcast %mul3A_537 : i32 to vector<16xi32>
        %add3A_542 = arith.addi %add3A_541, %mul3A_540 : vector<16xi32>
        %add3A_543 = arith.constant 0 : i32
        %add3A_544 = vector.broadcast %add3A_543 : i32 to vector<16xi32>
        %add3A_545 = arith.addi %add3A_535, %add3A_544 : vector<16xi32>
        %shift_right_logical3A = arith.constant 7 : i32
        %shift_right_logical3A_546 = vector.broadcast %shift_right_logical3A : i32 to vector<16xi32>
        %shift_right_logical3A_547 = arith.shrui %add3A_545, %shift_right_logical3A_546 : vector<16xi32>
        %and3A_548 = arith.constant 127 : i32
        %and3A_549 = vector.broadcast %and3A_548 : i32 to vector<16xi32>
        %and3A_550 = arith.andi %add3A_545, %and3A_549 : vector<16xi32>
        %gather3A = tpu.memref_bitcast %arg5 : memref<320x128xi32, #tpu.memory_space<vmem>> -> memref<320x128xi32, #tpu.memory_space<vmem>>
        %gather3A_551 = tpu.vector_load_idx %gather3A[%shift_right_logical3A_547, %and3A_550] : memref<320x128xi32, #tpu.memory_space<vmem>>[vector<16xi32>, vector<16xi32>], vector<16xi32>,
        %add3A_552 = arith.constant 0 : i32
        %add3A_553 = vector.broadcast %add3A_552 : i32 to vector<16xi32>
        %add3A_554 = arith.addi %add3A_542, %add3A_553 : vector<16xi32>
        %scatter3A = tpu.memref_bitcast %arg7 : memref<1x11520xi32, #tpu.memory_space<vmem>> -> memref<1x11520xi32, #tpu.memory_space<vmem>>
        tpu.vector_store_idx %scatter3A[%mul3A_35, %add3A_554], %gather3A_551 : memref<1x11520xi32, #tpu.memory_space<vmem>>[vector<16xi32>, vector<16xi32>], vector<16xi32>,
        %add3A_555 = arith.constant 2 : i32
        %add3A_556 = vector.broadcast %add3A_555 : i32 to vector<16xi32>
        %add3A_557 = arith.addi %add3A_535, %add3A_556 : vector<16xi32>
        %shift_right_logical3A_558 = arith.constant 7 : i32
        %shift_right_logical3A_559 = vector.broadcast %shift_right_logical3A_558 : i32 to vector<16xi32>
        %shift_right_logical3A_560 = arith.shrui %add3A_557, %shift_right_logical3A_559 : vector<16xi32>
        %and3A_561 = arith.constant 127 : i32
        %and3A_562 = vector.broadcast %and3A_561 : i32 to vector<16xi32>
        %and3A_563 = arith.andi %add3A_557, %and3A_562 : vector<16xi32>
        %gather3A_564 = tpu.memref_bitcast %arg5 : memref<320x128xi32, #tpu.memory_space<vmem>> -> memref<320x128xi32, #tpu.memory_space<vmem>>
        %gather3A_565 = tpu.vector_load_idx %gather3A_564[%shift_right_logical3A_560, %and3A_563] : memref<320x128xi32, #tpu.memory_space<vmem>>[vector<16xi32>, vector<16xi32>], vector<16xi32>,
        %add3A_566 = arith.constant 1 : i32
        %add3A_567 = vector.broadcast %add3A_566 : i32 to vector<16xi32>
        %add3A_568 = arith.addi %add3A_542, %add3A_567 : vector<16xi32>
        %scatter3A_569 = tpu.memref_bitcast %arg7 : memref<1x11520xi32, #tpu.memory_space<vmem>> -> memref<1x11520xi32, #tpu.memory_space<vmem>>
        tpu.vector_store_idx %scatter3A_569[%mul3A_35, %add3A_568], %gather3A_565 : memref<1x11520xi32, #tpu.memory_space<vmem>>[vector<16xi32>, vector<16xi32>], vector<16xi32>,
        %add3A_570 = arith.constant 4 : i32
        %add3A_571 = vector.broadcast %add3A_570 : i32 to vector<16xi32>
        %add3A_572 = arith.addi %add3A_535, %add3A_571 : vector<16xi32>
        %shift_right_logical3A_573 = arith.constant 7 : i32
        %shift_right_logical3A_574 = vector.broadcast %shift_right_logical3A_573 : i32 to vector<16xi32>
        %shift_right_logical3A_575 = arith.shrui %add3A_572, %shift_right_logical3A_574 : vector<16xi32>
        %and3A_576 = arith.constant 127 : i32
        %and3A_577 = vector.broadcast %and3A_576 : i32 to vector<16xi32>
        %and3A_578 = arith.andi %add3A_572, %and3A_577 : vector<16xi32>
        %gather3A_579 = tpu.memref_bitcast %arg5 : memref<320x128xi32, #tpu.memory_space<vmem>> -> memref<320x128xi32, #tpu.memory_space<vmem>>
        %gather3A_580 = tpu.vector_load_idx %gather3A_579[%shift_right_logical3A_575, %and3A_578] : memref<320x128xi32, #tpu.memory_space<vmem>>[vector<16xi32>, vector<16xi32>], vector<16xi32>,
        %add3A_581 = arith.constant 2 : i32
        %add3A_582 = vector.broadcast %add3A_581 : i32 to vector<16xi32>
        %add3A_583 = arith.addi %add3A_542, %add3A_582 : vector<16xi32>
        %scatter3A_584 = tpu.memref_bitcast %arg7 : memref<1x11520xi32, #tpu.memory_space<vmem>> -> memref<1x11520xi32, #tpu.memory_space<vmem>>
        tpu.vector_store_idx %scatter3A_584[%mul3A_35, %add3A_583], %gather3A_580 : memref<1x11520xi32, #tpu.memory_space<vmem>>[vector<16xi32>, vector<16xi32>], vector<16xi32>,
        %add3A_585 = arith.constant 6 : i32
        %add3A_586 = vector.broadcast %add3A_585 : i32 to vector<16xi32>
        %add3A_587 = arith.addi %add3A_535, %add3A_586 : vector<16xi32>
        %shift_right_logical3A_588 = arith.constant 7 : i32
        %shift_right_logical3A_589 = vector.broadcast %shift_right_logical3A_588 : i32 to vector<16xi32>
        %shift_right_logical3A_590 = arith.shrui %add3A_587, %shift_right_logical3A_589 : vector<16xi32>
        %and3A_591 = arith.constant 127 : i32
        %and3A_592 = vector.broadcast %and3A_591 : i32 to vector<16xi32>
        %and3A_593 = arith.andi %add3A_587, %and3A_592 : vector<16xi32>
        %gather3A_594 = tpu.memref_bitcast %arg5 : memref<320x128xi32, #tpu.memory_space<vmem>> -> memref<320x128xi32, #tpu.memory_space<vmem>>
        %gather3A_595 = tpu.vector_load_idx %gather3A_594[%shift_right_logical3A_590, %and3A_593] : memref<320x128xi32, #tpu.memory_space<vmem>>[vector<16xi32>, vector<16xi32>], vector<16xi32>,
        %add3A_596 = arith.constant 3 : i32
        %add3A_597 = vector.broadcast %add3A_596 : i32 to vector<16xi32>
        %add3A_598 = arith.addi %add3A_542, %add3A_597 : vector<16xi32>
        %scatter3A_599 = tpu.memref_bitcast %arg7 : memref<1x11520xi32, #tpu.memory_space<vmem>> -> memref<1x11520xi32, #tpu.memory_space<vmem>>
        tpu.vector_store_idx %scatter3A_599[%mul3A_35, %add3A_598], %gather3A_595 : memref<1x11520xi32, #tpu.memory_space<vmem>>[vector<16xi32>, vector<16xi32>], vector<16xi32>,
        %add3A_600 = arith.constant 8 : i32
        %add3A_601 = vector.broadcast %add3A_600 : i32 to vector<16xi32>
        %add3A_602 = arith.addi %add3A_535, %add3A_601 : vector<16xi32>
        %shift_right_logical3A_603 = arith.constant 7 : i32
        %shift_right_logical3A_604 = vector.broadcast %shift_right_logical3A_603 : i32 to vector<16xi32>
        %shift_right_logical3A_605 = arith.shrui %add3A_602, %shift_right_logical3A_604 : vector<16xi32>
        %and3A_606 = arith.constant 127 : i32
        %and3A_607 = vector.broadcast %and3A_606 : i32 to vector<16xi32>
        %and3A_608 = arith.andi %add3A_602, %and3A_607 : vector<16xi32>
        %gather3A_609 = tpu.memref_bitcast %arg5 : memref<320x128xi32, #tpu.memory_space<vmem>> -> memref<320x128xi32, #tpu.memory_space<vmem>>
        %gather3A_610 = tpu.vector_load_idx %gather3A_609[%shift_right_logical3A_605, %and3A_608] : memref<320x128xi32, #tpu.memory_space<vmem>>[vector<16xi32>, vector<16xi32>], vector<16xi32>,
        %add3A_611 = arith.constant 4 : i32
        %add3A_612 = vector.broadcast %add3A_611 : i32 to vector<16xi32>
        %add3A_613 = arith.addi %add3A_542, %add3A_612 : vector<16xi32>
        %scatter3A_614 = tpu.memref_bitcast %arg7 : memref<1x11520xi32, #tpu.memory_space<vmem>> -> memref<1x11520xi32, #tpu.memory_space<vmem>>
        tpu.vector_store_idx %scatter3A_614[%mul3A_35, %add3A_613], %gather3A_610 : memref<1x11520xi32, #tpu.memory_space<vmem>>[vector<16xi32>, vector<16xi32>], vector<16xi32>,
        %add3A_615 = arith.constant 10 : i32
        %add3A_616 = vector.broadcast %add3A_615 : i32 to vector<16xi32>
        %add3A_617 = arith.addi %add3A_535, %add3A_616 : vector<16xi32>
        %shift_right_logical3A_618 = arith.constant 7 : i32
        %shift_right_logical3A_619 = vector.broadcast %shift_right_logical3A_618 : i32 to vector<16xi32>
        %shift_right_logical3A_620 = arith.shrui %add3A_617, %shift_right_logical3A_619 : vector<16xi32>
        %and3A_621 = arith.constant 127 : i32
        %and3A_622 = vector.broadcast %and3A_621 : i32 to vector<16xi32>
        %and3A_623 = arith.andi %add3A_617, %and3A_622 : vector<16xi32>
        %gather3A_624 = tpu.memref_bitcast %arg5 : memref<320x128xi32, #tpu.memory_space<vmem>> -> memref<320x128xi32, #tpu.memory_space<vmem>>
        %gather3A_625 = tpu.vector_load_idx %gather3A_624[%shift_right_logical3A_620, %and3A_623] : memref<320x128xi32, #tpu.memory_space<vmem>>[vector<16xi32>, vector<16xi32>], vector<16xi32>,
        %add3A_626 = arith.constant 5 : i32
        %add3A_627 = vector.broadcast %add3A_626 : i32 to vector<16xi32>
        %add3A_628 = arith.addi %add3A_542, %add3A_627 : vector<16xi32>
        %scatter3A_629 = tpu.memref_bitcast %arg7 : memref<1x11520xi32, #tpu.memory_space<vmem>> -> memref<1x11520xi32, #tpu.memory_space<vmem>>
        tpu.vector_store_idx %scatter3A_629[%mul3A_35, %add3A_628], %gather3A_625 : memref<1x11520xi32, #tpu.memory_space<vmem>>[vector<16xi32>, vector<16xi32>], vector<16xi32>,
        %add3A_630 = arith.constant 12 : i32
        %add3A_631 = vector.broadcast %add3A_630 : i32 to vector<16xi32>
        %add3A_632 = arith.addi %add3A_535, %add3A_631 : vector<16xi32>
        %shift_right_logical3A_633 = arith.constant 7 : i32
        %shift_right_logical3A_634 = vector.broadcast %shift_right_logical3A_633 : i32 to vector<16xi32>
        %shift_right_logical3A_635 = arith.shrui %add3A_632, %shift_right_logical3A_634 : vector<16xi32>
        %and3A_636 = arith.constant 127 : i32
        %and3A_637 = vector.broadcast %and3A_636 : i32 to vector<16xi32>
        %and3A_638 = arith.andi %add3A_632, %and3A_637 : vector<16xi32>
        %gather3A_639 = tpu.memref_bitcast %arg5 : memref<320x128xi32, #tpu.memory_space<vmem>> -> memref<320x128xi32, #tpu.memory_space<vmem>>
        %gather3A_640 = tpu.vector_load_idx %gather3A_639[%shift_right_logical3A_635, %and3A_638] : memref<320x128xi32, #tpu.memory_space<vmem>>[vector<16xi32>, vector<16xi32>], vector<16xi32>,
        %add3A_641 = arith.constant 6 : i32
        %add3A_642 = vector.broadcast %add3A_641 : i32 to vector<16xi32>
        %add3A_643 = arith.addi %add3A_542, %add3A_642 : vector<16xi32>
        %scatter3A_644 = tpu.memref_bitcast %arg7 : memref<1x11520xi32, #tpu.memory_space<vmem>> -> memref<1x11520xi32, #tpu.memory_space<vmem>>
        tpu.vector_store_idx %scatter3A_644[%mul3A_35, %add3A_643], %gather3A_640 : memref<1x11520xi32, #tpu.memory_space<vmem>>[vector<16xi32>, vector<16xi32>], vector<16xi32>,
        %add3A_645 = arith.constant 14 : i32
        %add3A_646 = vector.broadcast %add3A_645 : i32 to vector<16xi32>
        %add3A_647 = arith.addi %add3A_535, %add3A_646 : vector<16xi32>
        %shift_right_logical3A_648 = arith.constant 7 : i32
        %shift_right_logical3A_649 = vector.broadcast %shift_right_logical3A_648 : i32 to vector<16xi32>
        %shift_right_logical3A_650 = arith.shrui %add3A_647, %shift_right_logical3A_649 : vector<16xi32>
        %and3A_651 = arith.constant 127 : i32
        %and3A_652 = vector.broadcast %and3A_651 : i32 to vector<16xi32>
        %and3A_653 = arith.andi %add3A_647, %and3A_652 : vector<16xi32>
        %gather3A_654 = tpu.memref_bitcast %arg5 : memref<320x128xi32, #tpu.memory_space<vmem>> -> memref<320x128xi32, #tpu.memory_space<vmem>>
        %gather3A_655 = tpu.vector_load_idx %gather3A_654[%shift_right_logical3A_650, %and3A_653] : memref<320x128xi32, #tpu.memory_space<vmem>>[vector<16xi32>, vector<16xi32>], vector<16xi32>,
        %add3A_656 = arith.constant 7 : i32
        %add3A_657 = vector.broadcast %add3A_656 : i32 to vector<16xi32>
        %add3A_658 = arith.addi %add3A_542, %add3A_657 : vector<16xi32>
        %scatter3A_659 = tpu.memref_bitcast %arg7 : memref<1x11520xi32, #tpu.memory_space<vmem>> -> memref<1x11520xi32, #tpu.memory_space<vmem>>
        tpu.vector_store_idx %scatter3A_659[%mul3A_35, %add3A_658], %gather3A_655 : memref<1x11520xi32, #tpu.memory_space<vmem>>[vector<16xi32>, vector<16xi32>], vector<16xi32>,
        %add3A_660 = arith.constant 16 : i32
        %add3A_661 = vector.broadcast %add3A_660 : i32 to vector<16xi32>
        %add3A_662 = arith.addi %add3A_535, %add3A_661 : vector<16xi32>
        %shift_right_logical3A_663 = arith.constant 7 : i32
        %shift_right_logical3A_664 = vector.broadcast %shift_right_logical3A_663 : i32 to vector<16xi32>
        %shift_right_logical3A_665 = arith.shrui %add3A_662, %shift_right_logical3A_664 : vector<16xi32>
        %and3A_666 = arith.constant 127 : i32
        %and3A_667 = vector.broadcast %and3A_666 : i32 to vector<16xi32>
        %and3A_668 = arith.andi %add3A_662, %and3A_667 : vector<16xi32>
        %gather3A_669 = tpu.memref_bitcast %arg5 : memref<320x128xi32, #tpu.memory_space<vmem>> -> memref<320x128xi32, #tpu.memory_space<vmem>>
        %gather3A_670 = tpu.vector_load_idx %gather3A_669[%shift_right_logical3A_665, %and3A_668] : memref<320x128xi32, #tpu.memory_space<vmem>>[vector<16xi32>, vector<16xi32>], vector<16xi32>,
        %add3A_671 = arith.constant 8 : i32
        %add3A_672 = vector.broadcast %add3A_671 : i32 to vector<16xi32>
        %add3A_673 = arith.addi %add3A_542, %add3A_672 : vector<16xi32>
        %scatter3A_674 = tpu.memref_bitcast %arg7 : memref<1x11520xi32, #tpu.memory_space<vmem>> -> memref<1x11520xi32, #tpu.memory_space<vmem>>
        tpu.vector_store_idx %scatter3A_674[%mul3A_35, %add3A_673], %gather3A_670 : memref<1x11520xi32, #tpu.memory_space<vmem>>[vector<16xi32>, vector<16xi32>], vector<16xi32>,
      }
      %while3A_445 = arith.constant 1 : i32
      scf.for %while3A_531 = %while3A_443 to %while3A_439 step %while3A_445  : i32 {
        %mul3A_532 = arith.constant 512 : i32
        %mul3A_533 = arith.muli %while3A_531, %mul3A_532 : i32
        %add3A_534 = vector.broadcast %mul3A_533 : i32 to vector<16xi32>
        %add3A_535 = arith.addi %add3A_534, %add3A_95 : vector<16xi32>
        %mul3A_536 = arith.constant 144 : i32
        %mul3A_537 = arith.muli %while3A_531, %mul3A_536 : i32
        %mul3A_538 = arith.constant 9 : i32
        %mul3A_539 = vector.broadcast %mul3A_538 : i32 to vector<16xi32>
        %mul3A_540 = arith.muli %iota3A, %mul3A_539 : vector<16xi32>
        %add3A_541 = vector.broadcast %mul3A_537 : i32 to vector<16xi32>
        %add3A_542 = arith.addi %add3A_541, %mul3A_540 : vector<16xi32>
        %add3A_543 = arith.constant 0 : i32
        %add3A_544 = vector.broadcast %add3A_543 : i32 to vector<16xi32>
        %add3A_545 = arith.addi %add3A_535, %add3A_544 : vector<16xi32>
        %shift_right_logical3A = arith.constant 7 : i32
        %shift_right_logical3A_546 = vector.broadcast %shift_right_logical3A : i32 to vector<16xi32>
        %shift_right_logical3A_547 = arith.shrui %add3A_545, %shift_right_logical3A_546 : vector<16xi32>
        %and3A_548 = arith.constant 127 : i32
        %and3A_549 = vector.broadcast %and3A_548 : i32 to vector<16xi32>
        %and3A_550 = arith.andi %add3A_545, %and3A_549 : vector<16xi32>
        %gather3A = tpu.memref_bitcast %arg5 : memref<320x128xi32, #tpu.memory_space<vmem>> -> memref<320x128xi32, #tpu.memory_space<vmem>>
        %gather3A_551 = tpu.vector_load_idx %gather3A[%shift_right_logical3A_547, %and3A_550] : memref<320x128xi32, #tpu.memory_space<vmem>>[vector<16xi32>, vector<16xi32>], vector<16xi32>,
        %add3A_552 = arith.constant 0 : i32
        %add3A_553 = vector.broadcast %add3A_552 : i32 to vector<16xi32>
        %add3A_554 = arith.addi %add3A_542, %add3A_553 : vector<16xi32>
        %scatter3A = tpu.memref_bitcast %arg7 : memref<1x11520xi32, #tpu.memory_space<vmem>> -> memref<1x11520xi32, #tpu.memory_space<vmem>>
        tpu.vector_store_idx %scatter3A[%mul3A_35, %add3A_554], %gather3A_551 : memref<1x11520xi32, #tpu.memory_space<vmem>>[vector<16xi32>, vector<16xi32>], vector<16xi32>,
        %add3A_555 = arith.constant 2 : i32
        %add3A_556 = vector.broadcast %add3A_555 : i32 to vector<16xi32>
        %add3A_557 = arith.addi %add3A_535, %add3A_556 : vector<16xi32>
        %shift_right_logical3A_558 = arith.constant 7 : i32
        %shift_right_logical3A_559 = vector.broadcast %shift_right_logical3A_558 : i32 to vector<16xi32>
        %shift_right_logical3A_560 = arith.shrui %add3A_557, %shift_right_logical3A_559 : vector<16xi32>
        %and3A_561 = arith.constant 127 : i32
        %and3A_562 = vector.broadcast %and3A_561 : i32 to vector<16xi32>
        %and3A_563 = arith.andi %add3A_557, %and3A_562 : vector<16xi32>
        %gather3A_564 = tpu.memref_bitcast %arg5 : memref<320x128xi32, #tpu.memory_space<vmem>> -> memref<320x128xi32, #tpu.memory_space<vmem>>
        %gather3A_565 = tpu.vector_load_idx %gather3A_564[%shift_right_logical3A_560, %and3A_563] : memref<320x128xi32, #tpu.memory_space<vmem>>[vector<16xi32>, vector<16xi32>], vector<16xi32>,
        %add3A_566 = arith.constant 1 : i32
        %add3A_567 = vector.broadcast %add3A_566 : i32 to vector<16xi32>
        %add3A_568 = arith.addi %add3A_542, %add3A_567 : vector<16xi32>
        %scatter3A_569 = tpu.memref_bitcast %arg7 : memref<1x11520xi32, #tpu.memory_space<vmem>> -> memref<1x11520xi32, #tpu.memory_space<vmem>>
        tpu.vector_store_idx %scatter3A_569[%mul3A_35, %add3A_568], %gather3A_565 : memref<1x11520xi32, #tpu.memory_space<vmem>>[vector<16xi32>, vector<16xi32>], vector<16xi32>,
        %add3A_570 = arith.constant 4 : i32
        %add3A_571 = vector.broadcast %add3A_570 : i32 to vector<16xi32>
        %add3A_572 = arith.addi %add3A_535, %add3A_571 : vector<16xi32>
        %shift_right_logical3A_573 = arith.constant 7 : i32
        %shift_right_logical3A_574 = vector.broadcast %shift_right_logical3A_573 : i32 to vector<16xi32>
        %shift_right_logical3A_575 = arith.shrui %add3A_572, %shift_right_logical3A_574 : vector<16xi32>
        %and3A_576 = arith.constant 127 : i32
        %and3A_577 = vector.broadcast %and3A_576 : i32 to vector<16xi32>
        %and3A_578 = arith.andi %add3A_572, %and3A_577 : vector<16xi32>
        %gather3A_579 = tpu.memref_bitcast %arg5 : memref<320x128xi32, #tpu.memory_space<vmem>> -> memref<320x128xi32, #tpu.memory_space<vmem>>
        %gather3A_580 = tpu.vector_load_idx %gather3A_579[%shift_right_logical3A_575, %and3A_578] : memref<320x128xi32, #tpu.memory_space<vmem>>[vector<16xi32>, vector<16xi32>], vector<16xi32>,
        %add3A_581 = arith.constant 2 : i32
        %add3A_582 = vector.broadcast %add3A_581 : i32 to vector<16xi32>
        %add3A_583 = arith.addi %add3A_542, %add3A_582 : vector<16xi32>
        %scatter3A_584 = tpu.memref_bitcast %arg7 : memref<1x11520xi32, #tpu.memory_space<vmem>> -> memref<1x11520xi32, #tpu.memory_space<vmem>>
        tpu.vector_store_idx %scatter3A_584[%mul3A_35, %add3A_583], %gather3A_580 : memref<1x11520xi32, #tpu.memory_space<vmem>>[vector<16xi32>, vector<16xi32>], vector<16xi32>,
        %add3A_585 = arith.constant 6 : i32
        %add3A_586 = vector.broadcast %add3A_585 : i32 to vector<16xi32>
        %add3A_587 = arith.addi %add3A_535, %add3A_586 : vector<16xi32>
        %shift_right_logical3A_588 = arith.constant 7 : i32
        %shift_right_logical3A_589 = vector.broadcast %shift_right_logical3A_588 : i32 to vector<16xi32>
        %shift_right_logical3A_590 = arith.shrui %add3A_587, %shift_right_logical3A_589 : vector<16xi32>
        %and3A_591 = arith.constant 127 : i32
        %and3A_592 = vector.broadcast %and3A_591 : i32 to vector<16xi32>
        %and3A_593 = arith.andi %add3A_587, %and3A_592 : vector<16xi32>
        %gather3A_594 = tpu.memref_bitcast %arg5 : memref<320x128xi32, #tpu.memory_space<vmem>> -> memref<320x128xi32, #tpu.memory_space<vmem>>
        %gather3A_595 = tpu.vector_load_idx %gather3A_594[%shift_right_logical3A_590, %and3A_593] : memref<320x128xi32, #tpu.memory_space<vmem>>[vector<16xi32>, vector<16xi32>], vector<16xi32>,
        %add3A_596 = arith.constant 3 : i32
        %add3A_597 = vector.broadcast %add3A_596 : i32 to vector<16xi32>
        %add3A_598 = arith.addi %add3A_542, %add3A_597 : vector<16xi32>
        %scatter3A_599 = tpu.memref_bitcast %arg7 : memref<1x11520xi32, #tpu.memory_space<vmem>> -> memref<1x11520xi32, #tpu.memory_space<vmem>>
        tpu.vector_store_idx %scatter3A_599[%mul3A_35, %add3A_598], %gather3A_595 : memref<1x11520xi32, #tpu.memory_space<vmem>>[vector<16xi32>, vector<16xi32>], vector<16xi32>,
        %add3A_600 = arith.constant 8 : i32
        %add3A_601 = vector.broadcast %add3A_600 : i32 to vector<16xi32>
        %add3A_602 = arith.addi %add3A_535, %add3A_601 : vector<16xi32>
        %shift_right_logical3A_603 = arith.constant 7 : i32
        %shift_right_logical3A_604 = vector.broadcast %shift_right_logical3A_603 : i32 to vector<16xi32>
        %shift_right_logical3A_605 = arith.shrui %add3A_602, %shift_right_logical3A_604 : vector<16xi32>
        %and3A_606 = arith.constant 127 : i32
        %and3A_607 = vector.broadcast %and3A_606 : i32 to vector<16xi32>
        %and3A_608 = arith.andi %add3A_602, %and3A_607 : vector<16xi32>
        %gather3A_609 = tpu.memref_bitcast %arg5 : memref<320x128xi32, #tpu.memory_space<vmem>> -> memref<320x128xi32, #tpu.memory_space<vmem>>
        %gather3A_610 = tpu.vector_load_idx %gather3A_609[%shift_right_logical3A_605, %and3A_608] : memref<320x128xi32, #tpu.memory_space<vmem>>[vector<16xi32>, vector<16xi32>], vector<16xi32>,
        %add3A_611 = arith.constant 4 : i32
        %add3A_612 = vector.broadcast %add3A_611 : i32 to vector<16xi32>
        %add3A_613 = arith.addi %add3A_542, %add3A_612 : vector<16xi32>
        %scatter3A_614 = tpu.memref_bitcast %arg7 : memref<1x11520xi32, #tpu.memory_space<vmem>> -> memref<1x11520xi32, #tpu.memory_space<vmem>>
        tpu.vector_store_idx %scatter3A_614[%mul3A_35, %add3A_613], %gather3A_610 : memref<1x11520xi32, #tpu.memory_space<vmem>>[vector<16xi32>, vector<16xi32>], vector<16xi32>,
        %add3A_615 = arith.constant 10 : i32
        %add3A_616 = vector.broadcast %add3A_615 : i32 to vector<16xi32>
        %add3A_617 = arith.addi %add3A_535, %add3A_616 : vector<16xi32>
        %shift_right_logical3A_618 = arith.constant 7 : i32
        %shift_right_logical3A_619 = vector.broadcast %shift_right_logical3A_618 : i32 to vector<16xi32>
        %shift_right_logical3A_620 = arith.shrui %add3A_617, %shift_right_logical3A_619 : vector<16xi32>
        %and3A_621 = arith.constant 127 : i32
        %and3A_622 = vector.broadcast %and3A_621 : i32 to vector<16xi32>
        %and3A_623 = arith.andi %add3A_617, %and3A_622 : vector<16xi32>
        %gather3A_624 = tpu.memref_bitcast %arg5 : memref<320x128xi32, #tpu.memory_space<vmem>> -> memref<320x128xi32, #tpu.memory_space<vmem>>
        %gather3A_625 = tpu.vector_load_idx %gather3A_624[%shift_right_logical3A_620, %and3A_623] : memref<320x128xi32, #tpu.memory_space<vmem>>[vector<16xi32>, vector<16xi32>], vector<16xi32>,
        %add3A_626 = arith.constant 5 : i32
        %add3A_627 = vector.broadcast %add3A_626 : i32 to vector<16xi32>
        %add3A_628 = arith.addi %add3A_542, %add3A_627 : vector<16xi32>
        %scatter3A_629 = tpu.memref_bitcast %arg7 : memref<1x11520xi32, #tpu.memory_space<vmem>> -> memref<1x11520xi32, #tpu.memory_space<vmem>>
        tpu.vector_store_idx %scatter3A_629[%mul3A_35, %add3A_628], %gather3A_625 : memref<1x11520xi32, #tpu.memory_space<vmem>>[vector<16xi32>, vector<16xi32>], vector<16xi32>,
        %add3A_630 = arith.constant 12 : i32
        %add3A_631 = vector.broadcast %add3A_630 : i32 to vector<16xi32>
        %add3A_632 = arith.addi %add3A_535, %add3A_631 : vector<16xi32>
        %shift_right_logical3A_633 = arith.constant 7 : i32
        %shift_right_logical3A_634 = vector.broadcast %shift_right_logical3A_633 : i32 to vector<16xi32>
        %shift_right_logical3A_635 = arith.shrui %add3A_632, %shift_right_logical3A_634 : vector<16xi32>
        %and3A_636 = arith.constant 127 : i32
        %and3A_637 = vector.broadcast %and3A_636 : i32 to vector<16xi32>
        %and3A_638 = arith.andi %add3A_632, %and3A_637 : vector<16xi32>
        %gather3A_639 = tpu.memref_bitcast %arg5 : memref<320x128xi32, #tpu.memory_space<vmem>> -> memref<320x128xi32, #tpu.memory_space<vmem>>
        %gather3A_640 = tpu.vector_load_idx %gather3A_639[%shift_right_logical3A_635, %and3A_638] : memref<320x128xi32, #tpu.memory_space<vmem>>[vector<16xi32>, vector<16xi32>], vector<16xi32>,
        %add3A_641 = arith.constant 6 : i32
        %add3A_642 = vector.broadcast %add3A_641 : i32 to vector<16xi32>
        %add3A_643 = arith.addi %add3A_542, %add3A_642 : vector<16xi32>
        %scatter3A_644 = tpu.memref_bitcast %arg7 : memref<1x11520xi32, #tpu.memory_space<vmem>> -> memref<1x11520xi32, #tpu.memory_space<vmem>>
        tpu.vector_store_idx %scatter3A_644[%mul3A_35, %add3A_643], %gather3A_640 : memref<1x11520xi32, #tpu.memory_space<vmem>>[vector<16xi32>, vector<16xi32>], vector<16xi32>,
        %add3A_645 = arith.constant 14 : i32
        %add3A_646 = vector.broadcast %add3A_645 : i32 to vector<16xi32>
        %add3A_647 = arith.addi %add3A_535, %add3A_646 : vector<16xi32>
        %shift_right_logical3A_648 = arith.constant 7 : i32
        %shift_right_logical3A_649 = vector.broadcast %shift_right_logical3A_648 : i32 to vector<16xi32>
        %shift_right_logical3A_650 = arith.shrui %add3A_647, %shift_right_logical3A_649 : vector<16xi32>
        %and3A_651 = arith.constant 127 : i32
        %and3A_652 = vector.broadcast %and3A_651 : i32 to vector<16xi32>
        %and3A_653 = arith.andi %add3A_647, %and3A_652 : vector<16xi32>
        %gather3A_654 = tpu.memref_bitcast %arg5 : memref<320x128xi32, #tpu.memory_space<vmem>> -> memref<320x128xi32, #tpu.memory_space<vmem>>
        %gather3A_655 = tpu.vector_load_idx %gather3A_654[%shift_right_logical3A_650, %and3A_653] : memref<320x128xi32, #tpu.memory_space<vmem>>[vector<16xi32>, vector<16xi32>], vector<16xi32>,
        %add3A_656 = arith.constant 7 : i32
        %add3A_657 = vector.broadcast %add3A_656 : i32 to vector<16xi32>
        %add3A_658 = arith.addi %add3A_542, %add3A_657 : vector<16xi32>
        %scatter3A_659 = tpu.memref_bitcast %arg7 : memref<1x11520xi32, #tpu.memory_space<vmem>> -> memref<1x11520xi32, #tpu.memory_space<vmem>>
        tpu.vector_store_idx %scatter3A_659[%mul3A_35, %add3A_658], %gather3A_655 : memref<1x11520xi32, #tpu.memory_space<vmem>>[vector<16xi32>, vector<16xi32>], vector<16xi32>,
        %add3A_660 = arith.constant 16 : i32
        %add3A_661 = vector.broadcast %add3A_660 : i32 to vector<16xi32>
        %add3A_662 = arith.addi %add3A_535, %add3A_661 : vector<16xi32>
        %shift_right_logical3A_663 = arith.constant 7 : i32
        %shift_right_logical3A_664 = vector.broadcast %shift_right_logical3A_663 : i32 to vector<16xi32>
        %shift_right_logical3A_665 = arith.shrui %add3A_662, %shift_right_logical3A_664 : vector<16xi32>
        %and3A_666 = arith.constant 127 : i32
        %and3A_667 = vector.broadcast %and3A_666 : i32 to vector<16xi32>
        %and3A_668 = arith.andi %add3A_662, %and3A_667 : vector<16xi32>
        %gather3A_669 = tpu.memref_bitcast %arg5 : memref<320x128xi32, #tpu.memory_space<vmem>> -> memref<320x128xi32, #tpu.memory_space<vmem>>
        %gather3A_670 = tpu.vector_load_idx %gather3A_669[%shift_right_logical3A_665, %and3A_668] : memref<320x128xi32, #tpu.memory_space<vmem>>[vector<16xi32>, vector<16xi32>], vector<16xi32>,
        %add3A_671 = arith.constant 8 : i32
        %add3A_672 = vector.broadcast %add3A_671 : i32 to vector<16xi32>
        %add3A_673 = arith.addi %add3A_542, %add3A_672 : vector<16xi32>
        %scatter3A_674 = tpu.memref_bitcast %arg7 : memref<1x11520xi32, #tpu.memory_space<vmem>> -> memref<1x11520xi32, #tpu.memory_space<vmem>>
        tpu.vector_store_idx %scatter3A_674[%mul3A_35, %add3A_673], %gather3A_670 : memref<1x11520xi32, #tpu.memory_space<vmem>>[vector<16xi32>, vector<16xi32>], vector<16xi32>,
      }
      %add3A_446 = arith.constant 3744 : i32
      %add3A_447 = arith.addi %mul3A_32, %add3A_446 : i32
      %mul3A_448 = arith.constant 9 : i32
      %mul3A_449 = arith.muli %add3A_447, %mul3A_448 : i32
      %dma_start3A_450 = arith.constant 0 : i32
      %dma_start3A_451 = arith.constant 0 : i32
      %dma_start3A_452 = tpu.memref_slice %arg7[%dma_start3A_450, %dma_start3A_451] : memref<1x11520xi32, #tpu.memory_space<vmem>> -> memref<1x11232xi32, #tpu.memory_space<vmem>>
      %dma_start3A_453 = tpu.memref_squeeze %dma_start3A_452 : memref<1x11232xi32, #tpu.memory_space<vmem>> -> memref<11232xi32, #tpu.memory_space<vmem>>
      %dma_start3A_454 = tpu.memref_slice %arg3[%select_n3A_9, %mul3A_449] : memref<2x900000xi32, #tpu.memory_space<hbm>> -> memref<1x11232xi32, #tpu.memory_space<hbm>>
      %dma_start3A_455 = tpu.memref_squeeze %dma_start3A_454 : memref<1x11232xi32, #tpu.memory_space<hbm>> -> memref<11232xi32, #tpu.memory_space<hbm>>
      %dma_start3A_456 = tpu.memref_slice %arg3[%select_n3A_9, %mul3A_449] : memref<2x900000xi32, #tpu.memory_space<hbm>> -> memref<1x11232xi32, #tpu.memory_space<hbm>>
      %dma_start3A_457 = tpu.memref_squeeze %dma_start3A_456 : memref<1x11232xi32, #tpu.memory_space<hbm>> -> memref<11232xi32, #tpu.memory_space<hbm>>
      %dma_start3A_458 = arith.constant 0 : i32
      %dma_start3A_459 = tpu.memref_slice %arg7[%dma_start3A_450, %dma_start3A_458] : memref<1x11520xi32, #tpu.memory_space<vmem>> -> memref<1x11232xi32, #tpu.memory_space<vmem>>
      %dma_start3A_460 = tpu.memref_squeeze %dma_start3A_459 : memref<1x11232xi32, #tpu.memory_space<vmem>> -> memref<11232xi32, #tpu.memory_space<vmem>>
      tpu.enqueue_dma source(%dma_start3A_460 : memref<11232xi32, #tpu.memory_space<vmem>>) target(%dma_start3A_457 : memref<11232xi32, #tpu.memory_space<hbm>>) target_semaphore(%arg11 : memref<!tpu.dma_semaphore, #tpu.memory_space<semaphore_mem>>)
      %dma_wait3A_461 = arith.constant 0 : i32
      %dma_wait3A_462 = arith.constant 0 : i32
      %dma_wait3A_463 = tpu.memref_slice %arg4[%dma_wait3A_461, %dma_wait3A_462] : memref<320x128xi32, #tpu.memory_space<vmem>> -> memref<312x128xi32, #tpu.memory_space<vmem>>
      %dma_wait3A_464 = arith.constant 0 : i32
      %dma_wait3A_465 = tpu.memref_slice %arg2[%select_n3A_400, %select_n3A_9, %dma_wait3A_464] : memref<25000x2x128xi32, #tpu.memory_space<hbm>> -> memref<312x1x128xi32, #tpu.memory_space<hbm>>
      %dma_wait3A_466 = tpu.memref_squeeze %dma_wait3A_465 : memref<312x1x128xi32, #tpu.memory_space<hbm>> -> memref<312x128xi32, #tpu.memory_space<hbm>>
      %dma_wait3A_467 = arith.constant 0 : i32
      %dma_wait3A_468 = arith.constant 0 : i32
      %dma_wait3A_469 = tpu.memref_slice %arg4[%dma_wait3A_467, %dma_wait3A_468] : memref<320x128xi32, #tpu.memory_space<vmem>> -> memref<312x128xi32, #tpu.memory_space<vmem>>
      %dma_wait3A_470 = arith.constant 0 : i32
      %dma_wait3A_471 = tpu.memref_slice %arg2[%select_n3A_400, %select_n3A_9, %dma_wait3A_470] : memref<25000x2x128xi32, #tpu.memory_space<hbm>> -> memref<312x1x128xi32, #tpu.memory_space<hbm>>
      %dma_wait3A_472 = tpu.memref_squeeze %dma_wait3A_471 : memref<312x1x128xi32, #tpu.memory_space<hbm>> -> memref<312x128xi32, #tpu.memory_space<hbm>>
      tpu.wait_dma2 semaphore(%arg8 : memref<!tpu.dma_semaphore, #tpu.memory_space<semaphore_mem>>) src(%dma_wait3A_472 : memref<312x128xi32, #tpu.memory_space<hbm>>) dst(%dma_wait3A_469 : memref<312x128xi32, #tpu.memory_space<vmem>>)
      %dma_wait3A_473 = arith.constant 0 : i32
      %dma_wait3A_474 = arith.constant 0 : i32
      %dma_wait3A_475 = tpu.memref_slice %arg6[%dma_wait3A_473, %dma_wait3A_474] : memref<1x11520xi32, #tpu.memory_space<vmem>> -> memref<1x11232xi32, #tpu.memory_space<vmem>>
      %dma_wait3A_476 = tpu.memref_squeeze %dma_wait3A_475 : memref<1x11232xi32, #tpu.memory_space<vmem>> -> memref<11232xi32, #tpu.memory_space<vmem>>
      %dma_wait3A_477 = tpu.memref_slice %arg3[%select_n3A_9, %mul3A_363] : memref<2x900000xi32, #tpu.memory_space<hbm>> -> memref<1x11232xi32, #tpu.memory_space<hbm>>
      %dma_wait3A_478 = tpu.memref_squeeze %dma_wait3A_477 : memref<1x11232xi32, #tpu.memory_space<hbm>> -> memref<11232xi32, #tpu.memory_space<hbm>>
      %dma_wait3A_479 = tpu.memref_slice %arg3[%select_n3A_9, %mul3A_363] : memref<2x900000xi32, #tpu.memory_space<hbm>> -> memref<1x11232xi32, #tpu.memory_space<hbm>>
      %dma_wait3A_480 = tpu.memref_squeeze %dma_wait3A_479 : memref<1x11232xi32, #tpu.memory_space<hbm>> -> memref<11232xi32, #tpu.memory_space<hbm>>
      %dma_wait3A_481 = arith.constant 0 : i32
      %dma_wait3A_482 = tpu.memref_slice %arg6[%dma_wait3A_473, %dma_wait3A_481] : memref<1x11520xi32, #tpu.memory_space<vmem>> -> memref<1x11232xi32, #tpu.memory_space<vmem>>
      %dma_wait3A_483 = tpu.memref_squeeze %dma_wait3A_482 : memref<1x11232xi32, #tpu.memory_space<vmem>> -> memref<11232xi32, #tpu.memory_space<vmem>>
      tpu.wait_dma2 semaphore(%arg10 : memref<!tpu.dma_semaphore, #tpu.memory_space<semaphore_mem>>) src(%dma_wait3A_483 : memref<11232xi32, #tpu.memory_space<vmem>>) dst(%dma_wait3A_480 : memref<11232xi32, #tpu.memory_space<hbm>>)
      %while3A_484 = arith.constant 0 : i32
      %while3A_485 = arith.constant 78 : i32
      %while3A_486 = arith.subi %while3A_485, %while3A_484 : i32
      %while3A_487 = arith.addi %while3A_484, %while3A_486 : i32
      %while3A_488 = arith.constant 1 : i32
      %while3A_489 = arith.divsi %while3A_486, %while3A_488 : i32
      %while3A_490 = arith.muli %while3A_489, %while3A_488 : i32
      %while3A_491 = arith.addi %while3A_484, %while3A_490 : i32
      %while3A_492 = arith.constant 1 : i32
      scf.for %while3A_531 = %while3A_484 to %while3A_491 step %while3A_492  : i32 {
        %mul3A_532 = arith.constant 512 : i32
        %mul3A_533 = arith.muli %while3A_531, %mul3A_532 : i32
        %add3A_534 = vector.broadcast %mul3A_533 : i32 to vector<16xi32>
        %add3A_535 = arith.addi %add3A_534, %add3A_95 : vector<16xi32>
        %mul3A_536 = arith.constant 144 : i32
        %mul3A_537 = arith.muli %while3A_531, %mul3A_536 : i32
        %mul3A_538 = arith.constant 9 : i32
        %mul3A_539 = vector.broadcast %mul3A_538 : i32 to vector<16xi32>
        %mul3A_540 = arith.muli %iota3A, %mul3A_539 : vector<16xi32>
        %add3A_541 = vector.broadcast %mul3A_537 : i32 to vector<16xi32>
        %add3A_542 = arith.addi %add3A_541, %mul3A_540 : vector<16xi32>
        %add3A_543 = arith.constant 0 : i32
        %add3A_544 = vector.broadcast %add3A_543 : i32 to vector<16xi32>
        %add3A_545 = arith.addi %add3A_535, %add3A_544 : vector<16xi32>
        %shift_right_logical3A = arith.constant 7 : i32
        %shift_right_logical3A_546 = vector.broadcast %shift_right_logical3A : i32 to vector<16xi32>
        %shift_right_logical3A_547 = arith.shrui %add3A_545, %shift_right_logical3A_546 : vector<16xi32>
        %and3A_548 = arith.constant 127 : i32
        %and3A_549 = vector.broadcast %and3A_548 : i32 to vector<16xi32>
        %and3A_550 = arith.andi %add3A_545, %and3A_549 : vector<16xi32>
        %gather3A = tpu.memref_bitcast %arg4 : memref<320x128xi32, #tpu.memory_space<vmem>> -> memref<320x128xi32, #tpu.memory_space<vmem>>
        %gather3A_551 = tpu.vector_load_idx %gather3A[%shift_right_logical3A_547, %and3A_550] : memref<320x128xi32, #tpu.memory_space<vmem>>[vector<16xi32>, vector<16xi32>], vector<16xi32>,
        %add3A_552 = arith.constant 0 : i32
        %add3A_553 = vector.broadcast %add3A_552 : i32 to vector<16xi32>
        %add3A_554 = arith.addi %add3A_542, %add3A_553 : vector<16xi32>
        %scatter3A = tpu.memref_bitcast %arg6 : memref<1x11520xi32, #tpu.memory_space<vmem>> -> memref<1x11520xi32, #tpu.memory_space<vmem>>
        tpu.vector_store_idx %scatter3A[%mul3A_35, %add3A_554], %gather3A_551 : memref<1x11520xi32, #tpu.memory_space<vmem>>[vector<16xi32>, vector<16xi32>], vector<16xi32>,
        %add3A_555 = arith.constant 2 : i32
        %add3A_556 = vector.broadcast %add3A_555 : i32 to vector<16xi32>
        %add3A_557 = arith.addi %add3A_535, %add3A_556 : vector<16xi32>
        %shift_right_logical3A_558 = arith.constant 7 : i32
        %shift_right_logical3A_559 = vector.broadcast %shift_right_logical3A_558 : i32 to vector<16xi32>
        %shift_right_logical3A_560 = arith.shrui %add3A_557, %shift_right_logical3A_559 : vector<16xi32>
        %and3A_561 = arith.constant 127 : i32
        %and3A_562 = vector.broadcast %and3A_561 : i32 to vector<16xi32>
        %and3A_563 = arith.andi %add3A_557, %and3A_562 : vector<16xi32>
        %gather3A_564 = tpu.memref_bitcast %arg4 : memref<320x128xi32, #tpu.memory_space<vmem>> -> memref<320x128xi32, #tpu.memory_space<vmem>>
        %gather3A_565 = tpu.vector_load_idx %gather3A_564[%shift_right_logical3A_560, %and3A_563] : memref<320x128xi32, #tpu.memory_space<vmem>>[vector<16xi32>, vector<16xi32>], vector<16xi32>,
        %add3A_566 = arith.constant 1 : i32
        %add3A_567 = vector.broadcast %add3A_566 : i32 to vector<16xi32>
        %add3A_568 = arith.addi %add3A_542, %add3A_567 : vector<16xi32>
        %scatter3A_569 = tpu.memref_bitcast %arg6 : memref<1x11520xi32, #tpu.memory_space<vmem>> -> memref<1x11520xi32, #tpu.memory_space<vmem>>
        tpu.vector_store_idx %scatter3A_569[%mul3A_35, %add3A_568], %gather3A_565 : memref<1x11520xi32, #tpu.memory_space<vmem>>[vector<16xi32>, vector<16xi32>], vector<16xi32>,
        %add3A_570 = arith.constant 4 : i32
        %add3A_571 = vector.broadcast %add3A_570 : i32 to vector<16xi32>
        %add3A_572 = arith.addi %add3A_535, %add3A_571 : vector<16xi32>
        %shift_right_logical3A_573 = arith.constant 7 : i32
        %shift_right_logical3A_574 = vector.broadcast %shift_right_logical3A_573 : i32 to vector<16xi32>
        %shift_right_logical3A_575 = arith.shrui %add3A_572, %shift_right_logical3A_574 : vector<16xi32>
        %and3A_576 = arith.constant 127 : i32
        %and3A_577 = vector.broadcast %and3A_576 : i32 to vector<16xi32>
        %and3A_578 = arith.andi %add3A_572, %and3A_577 : vector<16xi32>
        %gather3A_579 = tpu.memref_bitcast %arg4 : memref<320x128xi32, #tpu.memory_space<vmem>> -> memref<320x128xi32, #tpu.memory_space<vmem>>
        %gather3A_580 = tpu.vector_load_idx %gather3A_579[%shift_right_logical3A_575, %and3A_578] : memref<320x128xi32, #tpu.memory_space<vmem>>[vector<16xi32>, vector<16xi32>], vector<16xi32>,
        %add3A_581 = arith.constant 2 : i32
        %add3A_582 = vector.broadcast %add3A_581 : i32 to vector<16xi32>
        %add3A_583 = arith.addi %add3A_542, %add3A_582 : vector<16xi32>
        %scatter3A_584 = tpu.memref_bitcast %arg6 : memref<1x11520xi32, #tpu.memory_space<vmem>> -> memref<1x11520xi32, #tpu.memory_space<vmem>>
        tpu.vector_store_idx %scatter3A_584[%mul3A_35, %add3A_583], %gather3A_580 : memref<1x11520xi32, #tpu.memory_space<vmem>>[vector<16xi32>, vector<16xi32>], vector<16xi32>,
        %add3A_585 = arith.constant 6 : i32
        %add3A_586 = vector.broadcast %add3A_585 : i32 to vector<16xi32>
        %add3A_587 = arith.addi %add3A_535, %add3A_586 : vector<16xi32>
        %shift_right_logical3A_588 = arith.constant 7 : i32
        %shift_right_logical3A_589 = vector.broadcast %shift_right_logical3A_588 : i32 to vector<16xi32>
        %shift_right_logical3A_590 = arith.shrui %add3A_587, %shift_right_logical3A_589 : vector<16xi32>
        %and3A_591 = arith.constant 127 : i32
        %and3A_592 = vector.broadcast %and3A_591 : i32 to vector<16xi32>
        %and3A_593 = arith.andi %add3A_587, %and3A_592 : vector<16xi32>
        %gather3A_594 = tpu.memref_bitcast %arg4 : memref<320x128xi32, #tpu.memory_space<vmem>> -> memref<320x128xi32, #tpu.memory_space<vmem>>
        %gather3A_595 = tpu.vector_load_idx %gather3A_594[%shift_right_logical3A_590, %and3A_593] : memref<320x128xi32, #tpu.memory_space<vmem>>[vector<16xi32>, vector<16xi32>], vector<16xi32>,
        %add3A_596 = arith.constant 3 : i32
        %add3A_597 = vector.broadcast %add3A_596 : i32 to vector<16xi32>
        %add3A_598 = arith.addi %add3A_542, %add3A_597 : vector<16xi32>
        %scatter3A_599 = tpu.memref_bitcast %arg6 : memref<1x11520xi32, #tpu.memory_space<vmem>> -> memref<1x11520xi32, #tpu.memory_space<vmem>>
        tpu.vector_store_idx %scatter3A_599[%mul3A_35, %add3A_598], %gather3A_595 : memref<1x11520xi32, #tpu.memory_space<vmem>>[vector<16xi32>, vector<16xi32>], vector<16xi32>,
        %add3A_600 = arith.constant 8 : i32
        %add3A_601 = vector.broadcast %add3A_600 : i32 to vector<16xi32>
        %add3A_602 = arith.addi %add3A_535, %add3A_601 : vector<16xi32>
        %shift_right_logical3A_603 = arith.constant 7 : i32
        %shift_right_logical3A_604 = vector.broadcast %shift_right_logical3A_603 : i32 to vector<16xi32>
        %shift_right_logical3A_605 = arith.shrui %add3A_602, %shift_right_logical3A_604 : vector<16xi32>
        %and3A_606 = arith.constant 127 : i32
        %and3A_607 = vector.broadcast %and3A_606 : i32 to vector<16xi32>
        %and3A_608 = arith.andi %add3A_602, %and3A_607 : vector<16xi32>
        %gather3A_609 = tpu.memref_bitcast %arg4 : memref<320x128xi32, #tpu.memory_space<vmem>> -> memref<320x128xi32, #tpu.memory_space<vmem>>
        %gather3A_610 = tpu.vector_load_idx %gather3A_609[%shift_right_logical3A_605, %and3A_608] : memref<320x128xi32, #tpu.memory_space<vmem>>[vector<16xi32>, vector<16xi32>], vector<16xi32>,
        %add3A_611 = arith.constant 4 : i32
        %add3A_612 = vector.broadcast %add3A_611 : i32 to vector<16xi32>
        %add3A_613 = arith.addi %add3A_542, %add3A_612 : vector<16xi32>
        %scatter3A_614 = tpu.memref_bitcast %arg6 : memref<1x11520xi32, #tpu.memory_space<vmem>> -> memref<1x11520xi32, #tpu.memory_space<vmem>>
        tpu.vector_store_idx %scatter3A_614[%mul3A_35, %add3A_613], %gather3A_610 : memref<1x11520xi32, #tpu.memory_space<vmem>>[vector<16xi32>, vector<16xi32>], vector<16xi32>,
        %add3A_615 = arith.constant 10 : i32
        %add3A_616 = vector.broadcast %add3A_615 : i32 to vector<16xi32>
        %add3A_617 = arith.addi %add3A_535, %add3A_616 : vector<16xi32>
        %shift_right_logical3A_618 = arith.constant 7 : i32
        %shift_right_logical3A_619 = vector.broadcast %shift_right_logical3A_618 : i32 to vector<16xi32>
        %shift_right_logical3A_620 = arith.shrui %add3A_617, %shift_right_logical3A_619 : vector<16xi32>
        %and3A_621 = arith.constant 127 : i32
        %and3A_622 = vector.broadcast %and3A_621 : i32 to vector<16xi32>
        %and3A_623 = arith.andi %add3A_617, %and3A_622 : vector<16xi32>
        %gather3A_624 = tpu.memref_bitcast %arg4 : memref<320x128xi32, #tpu.memory_space<vmem>> -> memref<320x128xi32, #tpu.memory_space<vmem>>
        %gather3A_625 = tpu.vector_load_idx %gather3A_624[%shift_right_logical3A_620, %and3A_623] : memref<320x128xi32, #tpu.memory_space<vmem>>[vector<16xi32>, vector<16xi32>], vector<16xi32>,
        %add3A_626 = arith.constant 5 : i32
        %add3A_627 = vector.broadcast %add3A_626 : i32 to vector<16xi32>
        %add3A_628 = arith.addi %add3A_542, %add3A_627 : vector<16xi32>
        %scatter3A_629 = tpu.memref_bitcast %arg6 : memref<1x11520xi32, #tpu.memory_space<vmem>> -> memref<1x11520xi32, #tpu.memory_space<vmem>>
        tpu.vector_store_idx %scatter3A_629[%mul3A_35, %add3A_628], %gather3A_625 : memref<1x11520xi32, #tpu.memory_space<vmem>>[vector<16xi32>, vector<16xi32>], vector<16xi32>,
        %add3A_630 = arith.constant 12 : i32
        %add3A_631 = vector.broadcast %add3A_630 : i32 to vector<16xi32>
        %add3A_632 = arith.addi %add3A_535, %add3A_631 : vector<16xi32>
        %shift_right_logical3A_633 = arith.constant 7 : i32
        %shift_right_logical3A_634 = vector.broadcast %shift_right_logical3A_633 : i32 to vector<16xi32>
        %shift_right_logical3A_635 = arith.shrui %add3A_632, %shift_right_logical3A_634 : vector<16xi32>
        %and3A_636 = arith.constant 127 : i32
        %and3A_637 = vector.broadcast %and3A_636 : i32 to vector<16xi32>
        %and3A_638 = arith.andi %add3A_632, %and3A_637 : vector<16xi32>
        %gather3A_639 = tpu.memref_bitcast %arg4 : memref<320x128xi32, #tpu.memory_space<vmem>> -> memref<320x128xi32, #tpu.memory_space<vmem>>
        %gather3A_640 = tpu.vector_load_idx %gather3A_639[%shift_right_logical3A_635, %and3A_638] : memref<320x128xi32, #tpu.memory_space<vmem>>[vector<16xi32>, vector<16xi32>], vector<16xi32>,
        %add3A_641 = arith.constant 6 : i32
        %add3A_642 = vector.broadcast %add3A_641 : i32 to vector<16xi32>
        %add3A_643 = arith.addi %add3A_542, %add3A_642 : vector<16xi32>
        %scatter3A_644 = tpu.memref_bitcast %arg6 : memref<1x11520xi32, #tpu.memory_space<vmem>> -> memref<1x11520xi32, #tpu.memory_space<vmem>>
        tpu.vector_store_idx %scatter3A_644[%mul3A_35, %add3A_643], %gather3A_640 : memref<1x11520xi32, #tpu.memory_space<vmem>>[vector<16xi32>, vector<16xi32>], vector<16xi32>,
        %add3A_645 = arith.constant 14 : i32
        %add3A_646 = vector.broadcast %add3A_645 : i32 to vector<16xi32>
        %add3A_647 = arith.addi %add3A_535, %add3A_646 : vector<16xi32>
        %shift_right_logical3A_648 = arith.constant 7 : i32
        %shift_right_logical3A_649 = vector.broadcast %shift_right_logical3A_648 : i32 to vector<16xi32>
        %shift_right_logical3A_650 = arith.shrui %add3A_647, %shift_right_logical3A_649 : vector<16xi32>
        %and3A_651 = arith.constant 127 : i32
        %and3A_652 = vector.broadcast %and3A_651 : i32 to vector<16xi32>
        %and3A_653 = arith.andi %add3A_647, %and3A_652 : vector<16xi32>
        %gather3A_654 = tpu.memref_bitcast %arg4 : memref<320x128xi32, #tpu.memory_space<vmem>> -> memref<320x128xi32, #tpu.memory_space<vmem>>
        %gather3A_655 = tpu.vector_load_idx %gather3A_654[%shift_right_logical3A_650, %and3A_653] : memref<320x128xi32, #tpu.memory_space<vmem>>[vector<16xi32>, vector<16xi32>], vector<16xi32>,
        %add3A_656 = arith.constant 7 : i32
        %add3A_657 = vector.broadcast %add3A_656 : i32 to vector<16xi32>
        %add3A_658 = arith.addi %add3A_542, %add3A_657 : vector<16xi32>
        %scatter3A_659 = tpu.memref_bitcast %arg6 : memref<1x11520xi32, #tpu.memory_space<vmem>> -> memref<1x11520xi32, #tpu.memory_space<vmem>>
        tpu.vector_store_idx %scatter3A_659[%mul3A_35, %add3A_658], %gather3A_655 : memref<1x11520xi32, #tpu.memory_space<vmem>>[vector<16xi32>, vector<16xi32>], vector<16xi32>,
        %add3A_660 = arith.constant 16 : i32
        %add3A_661 = vector.broadcast %add3A_660 : i32 to vector<16xi32>
        %add3A_662 = arith.addi %add3A_535, %add3A_661 : vector<16xi32>
        %shift_right_logical3A_663 = arith.constant 7 : i32
        %shift_right_logical3A_664 = vector.broadcast %shift_right_logical3A_663 : i32 to vector<16xi32>
        %shift_right_logical3A_665 = arith.shrui %add3A_662, %shift_right_logical3A_664 : vector<16xi32>
        %and3A_666 = arith.constant 127 : i32
        %and3A_667 = vector.broadcast %and3A_666 : i32 to vector<16xi32>
        %and3A_668 = arith.andi %add3A_662, %and3A_667 : vector<16xi32>
        %gather3A_669 = tpu.memref_bitcast %arg4 : memref<320x128xi32, #tpu.memory_space<vmem>> -> memref<320x128xi32, #tpu.memory_space<vmem>>
        %gather3A_670 = tpu.vector_load_idx %gather3A_669[%shift_right_logical3A_665, %and3A_668] : memref<320x128xi32, #tpu.memory_space<vmem>>[vector<16xi32>, vector<16xi32>], vector<16xi32>,
        %add3A_671 = arith.constant 8 : i32
        %add3A_672 = vector.broadcast %add3A_671 : i32 to vector<16xi32>
        %add3A_673 = arith.addi %add3A_542, %add3A_672 : vector<16xi32>
        %scatter3A_674 = tpu.memref_bitcast %arg6 : memref<1x11520xi32, #tpu.memory_space<vmem>> -> memref<1x11520xi32, #tpu.memory_space<vmem>>
        tpu.vector_store_idx %scatter3A_674[%mul3A_35, %add3A_673], %gather3A_670 : memref<1x11520xi32, #tpu.memory_space<vmem>>[vector<16xi32>, vector<16xi32>], vector<16xi32>,
      }
      %while3A_493 = arith.constant 1 : i32
      scf.for %while3A_531 = %while3A_491 to %while3A_487 step %while3A_493  : i32 {
        %mul3A_532 = arith.constant 512 : i32
        %mul3A_533 = arith.muli %while3A_531, %mul3A_532 : i32
        %add3A_534 = vector.broadcast %mul3A_533 : i32 to vector<16xi32>
        %add3A_535 = arith.addi %add3A_534, %add3A_95 : vector<16xi32>
        %mul3A_536 = arith.constant 144 : i32
        %mul3A_537 = arith.muli %while3A_531, %mul3A_536 : i32
        %mul3A_538 = arith.constant 9 : i32
        %mul3A_539 = vector.broadcast %mul3A_538 : i32 to vector<16xi32>
        %mul3A_540 = arith.muli %iota3A, %mul3A_539 : vector<16xi32>
        %add3A_541 = vector.broadcast %mul3A_537 : i32 to vector<16xi32>
        %add3A_542 = arith.addi %add3A_541, %mul3A_540 : vector<16xi32>
        %add3A_543 = arith.constant 0 : i32
        %add3A_544 = vector.broadcast %add3A_543 : i32 to vector<16xi32>
        %add3A_545 = arith.addi %add3A_535, %add3A_544 : vector<16xi32>
        %shift_right_logical3A = arith.constant 7 : i32
        %shift_right_logical3A_546 = vector.broadcast %shift_right_logical3A : i32 to vector<16xi32>
        %shift_right_logical3A_547 = arith.shrui %add3A_545, %shift_right_logical3A_546 : vector<16xi32>
        %and3A_548 = arith.constant 127 : i32
        %and3A_549 = vector.broadcast %and3A_548 : i32 to vector<16xi32>
        %and3A_550 = arith.andi %add3A_545, %and3A_549 : vector<16xi32>
        %gather3A = tpu.memref_bitcast %arg4 : memref<320x128xi32, #tpu.memory_space<vmem>> -> memref<320x128xi32, #tpu.memory_space<vmem>>
        %gather3A_551 = tpu.vector_load_idx %gather3A[%shift_right_logical3A_547, %and3A_550] : memref<320x128xi32, #tpu.memory_space<vmem>>[vector<16xi32>, vector<16xi32>], vector<16xi32>,
        %add3A_552 = arith.constant 0 : i32
        %add3A_553 = vector.broadcast %add3A_552 : i32 to vector<16xi32>
        %add3A_554 = arith.addi %add3A_542, %add3A_553 : vector<16xi32>
        %scatter3A = tpu.memref_bitcast %arg6 : memref<1x11520xi32, #tpu.memory_space<vmem>> -> memref<1x11520xi32, #tpu.memory_space<vmem>>
        tpu.vector_store_idx %scatter3A[%mul3A_35, %add3A_554], %gather3A_551 : memref<1x11520xi32, #tpu.memory_space<vmem>>[vector<16xi32>, vector<16xi32>], vector<16xi32>,
        %add3A_555 = arith.constant 2 : i32
        %add3A_556 = vector.broadcast %add3A_555 : i32 to vector<16xi32>
        %add3A_557 = arith.addi %add3A_535, %add3A_556 : vector<16xi32>
        %shift_right_logical3A_558 = arith.constant 7 : i32
        %shift_right_logical3A_559 = vector.broadcast %shift_right_logical3A_558 : i32 to vector<16xi32>
        %shift_right_logical3A_560 = arith.shrui %add3A_557, %shift_right_logical3A_559 : vector<16xi32>
        %and3A_561 = arith.constant 127 : i32
        %and3A_562 = vector.broadcast %and3A_561 : i32 to vector<16xi32>
        %and3A_563 = arith.andi %add3A_557, %and3A_562 : vector<16xi32>
        %gather3A_564 = tpu.memref_bitcast %arg4 : memref<320x128xi32, #tpu.memory_space<vmem>> -> memref<320x128xi32, #tpu.memory_space<vmem>>
        %gather3A_565 = tpu.vector_load_idx %gather3A_564[%shift_right_logical3A_560, %and3A_563] : memref<320x128xi32, #tpu.memory_space<vmem>>[vector<16xi32>, vector<16xi32>], vector<16xi32>,
        %add3A_566 = arith.constant 1 : i32
        %add3A_567 = vector.broadcast %add3A_566 : i32 to vector<16xi32>
        %add3A_568 = arith.addi %add3A_542, %add3A_567 : vector<16xi32>
        %scatter3A_569 = tpu.memref_bitcast %arg6 : memref<1x11520xi32, #tpu.memory_space<vmem>> -> memref<1x11520xi32, #tpu.memory_space<vmem>>
        tpu.vector_store_idx %scatter3A_569[%mul3A_35, %add3A_568], %gather3A_565 : memref<1x11520xi32, #tpu.memory_space<vmem>>[vector<16xi32>, vector<16xi32>], vector<16xi32>,
        %add3A_570 = arith.constant 4 : i32
        %add3A_571 = vector.broadcast %add3A_570 : i32 to vector<16xi32>
        %add3A_572 = arith.addi %add3A_535, %add3A_571 : vector<16xi32>
        %shift_right_logical3A_573 = arith.constant 7 : i32
        %shift_right_logical3A_574 = vector.broadcast %shift_right_logical3A_573 : i32 to vector<16xi32>
        %shift_right_logical3A_575 = arith.shrui %add3A_572, %shift_right_logical3A_574 : vector<16xi32>
        %and3A_576 = arith.constant 127 : i32
        %and3A_577 = vector.broadcast %and3A_576 : i32 to vector<16xi32>
        %and3A_578 = arith.andi %add3A_572, %and3A_577 : vector<16xi32>
        %gather3A_579 = tpu.memref_bitcast %arg4 : memref<320x128xi32, #tpu.memory_space<vmem>> -> memref<320x128xi32, #tpu.memory_space<vmem>>
        %gather3A_580 = tpu.vector_load_idx %gather3A_579[%shift_right_logical3A_575, %and3A_578] : memref<320x128xi32, #tpu.memory_space<vmem>>[vector<16xi32>, vector<16xi32>], vector<16xi32>,
        %add3A_581 = arith.constant 2 : i32
        %add3A_582 = vector.broadcast %add3A_581 : i32 to vector<16xi32>
        %add3A_583 = arith.addi %add3A_542, %add3A_582 : vector<16xi32>
        %scatter3A_584 = tpu.memref_bitcast %arg6 : memref<1x11520xi32, #tpu.memory_space<vmem>> -> memref<1x11520xi32, #tpu.memory_space<vmem>>
        tpu.vector_store_idx %scatter3A_584[%mul3A_35, %add3A_583], %gather3A_580 : memref<1x11520xi32, #tpu.memory_space<vmem>>[vector<16xi32>, vector<16xi32>], vector<16xi32>,
        %add3A_585 = arith.constant 6 : i32
        %add3A_586 = vector.broadcast %add3A_585 : i32 to vector<16xi32>
        %add3A_587 = arith.addi %add3A_535, %add3A_586 : vector<16xi32>
        %shift_right_logical3A_588 = arith.constant 7 : i32
        %shift_right_logical3A_589 = vector.broadcast %shift_right_logical3A_588 : i32 to vector<16xi32>
        %shift_right_logical3A_590 = arith.shrui %add3A_587, %shift_right_logical3A_589 : vector<16xi32>
        %and3A_591 = arith.constant 127 : i32
        %and3A_592 = vector.broadcast %and3A_591 : i32 to vector<16xi32>
        %and3A_593 = arith.andi %add3A_587, %and3A_592 : vector<16xi32>
        %gather3A_594 = tpu.memref_bitcast %arg4 : memref<320x128xi32, #tpu.memory_space<vmem>> -> memref<320x128xi32, #tpu.memory_space<vmem>>
        %gather3A_595 = tpu.vector_load_idx %gather3A_594[%shift_right_logical3A_590, %and3A_593] : memref<320x128xi32, #tpu.memory_space<vmem>>[vector<16xi32>, vector<16xi32>], vector<16xi32>,
        %add3A_596 = arith.constant 3 : i32
        %add3A_597 = vector.broadcast %add3A_596 : i32 to vector<16xi32>
        %add3A_598 = arith.addi %add3A_542, %add3A_597 : vector<16xi32>
        %scatter3A_599 = tpu.memref_bitcast %arg6 : memref<1x11520xi32, #tpu.memory_space<vmem>> -> memref<1x11520xi32, #tpu.memory_space<vmem>>
        tpu.vector_store_idx %scatter3A_599[%mul3A_35, %add3A_598], %gather3A_595 : memref<1x11520xi32, #tpu.memory_space<vmem>>[vector<16xi32>, vector<16xi32>], vector<16xi32>,
        %add3A_600 = arith.constant 8 : i32
        %add3A_601 = vector.broadcast %add3A_600 : i32 to vector<16xi32>
        %add3A_602 = arith.addi %add3A_535, %add3A_601 : vector<16xi32>
        %shift_right_logical3A_603 = arith.constant 7 : i32
        %shift_right_logical3A_604 = vector.broadcast %shift_right_logical3A_603 : i32 to vector<16xi32>
        %shift_right_logical3A_605 = arith.shrui %add3A_602, %shift_right_logical3A_604 : vector<16xi32>
        %and3A_606 = arith.constant 127 : i32
        %and3A_607 = vector.broadcast %and3A_606 : i32 to vector<16xi32>
        %and3A_608 = arith.andi %add3A_602, %and3A_607 : vector<16xi32>
        %gather3A_609 = tpu.memref_bitcast %arg4 : memref<320x128xi32, #tpu.memory_space<vmem>> -> memref<320x128xi32, #tpu.memory_space<vmem>>
        %gather3A_610 = tpu.vector_load_idx %gather3A_609[%shift_right_logical3A_605, %and3A_608] : memref<320x128xi32, #tpu.memory_space<vmem>>[vector<16xi32>, vector<16xi32>], vector<16xi32>,
        %add3A_611 = arith.constant 4 : i32
        %add3A_612 = vector.broadcast %add3A_611 : i32 to vector<16xi32>
        %add3A_613 = arith.addi %add3A_542, %add3A_612 : vector<16xi32>
        %scatter3A_614 = tpu.memref_bitcast %arg6 : memref<1x11520xi32, #tpu.memory_space<vmem>> -> memref<1x11520xi32, #tpu.memory_space<vmem>>
        tpu.vector_store_idx %scatter3A_614[%mul3A_35, %add3A_613], %gather3A_610 : memref<1x11520xi32, #tpu.memory_space<vmem>>[vector<16xi32>, vector<16xi32>], vector<16xi32>,
        %add3A_615 = arith.constant 10 : i32
        %add3A_616 = vector.broadcast %add3A_615 : i32 to vector<16xi32>
        %add3A_617 = arith.addi %add3A_535, %add3A_616 : vector<16xi32>
        %shift_right_logical3A_618 = arith.constant 7 : i32
        %shift_right_logical3A_619 = vector.broadcast %shift_right_logical3A_618 : i32 to vector<16xi32>
        %shift_right_logical3A_620 = arith.shrui %add3A_617, %shift_right_logical3A_619 : vector<16xi32>
        %and3A_621 = arith.constant 127 : i32
        %and3A_622 = vector.broadcast %and3A_621 : i32 to vector<16xi32>
        %and3A_623 = arith.andi %add3A_617, %and3A_622 : vector<16xi32>
        %gather3A_624 = tpu.memref_bitcast %arg4 : memref<320x128xi32, #tpu.memory_space<vmem>> -> memref<320x128xi32, #tpu.memory_space<vmem>>
        %gather3A_625 = tpu.vector_load_idx %gather3A_624[%shift_right_logical3A_620, %and3A_623] : memref<320x128xi32, #tpu.memory_space<vmem>>[vector<16xi32>, vector<16xi32>], vector<16xi32>,
        %add3A_626 = arith.constant 5 : i32
        %add3A_627 = vector.broadcast %add3A_626 : i32 to vector<16xi32>
        %add3A_628 = arith.addi %add3A_542, %add3A_627 : vector<16xi32>
        %scatter3A_629 = tpu.memref_bitcast %arg6 : memref<1x11520xi32, #tpu.memory_space<vmem>> -> memref<1x11520xi32, #tpu.memory_space<vmem>>
        tpu.vector_store_idx %scatter3A_629[%mul3A_35, %add3A_628], %gather3A_625 : memref<1x11520xi32, #tpu.memory_space<vmem>>[vector<16xi32>, vector<16xi32>], vector<16xi32>,
        %add3A_630 = arith.constant 12 : i32
        %add3A_631 = vector.broadcast %add3A_630 : i32 to vector<16xi32>
        %add3A_632 = arith.addi %add3A_535, %add3A_631 : vector<16xi32>
        %shift_right_logical3A_633 = arith.constant 7 : i32
        %shift_right_logical3A_634 = vector.broadcast %shift_right_logical3A_633 : i32 to vector<16xi32>
        %shift_right_logical3A_635 = arith.shrui %add3A_632, %shift_right_logical3A_634 : vector<16xi32>
        %and3A_636 = arith.constant 127 : i32
        %and3A_637 = vector.broadcast %and3A_636 : i32 to vector<16xi32>
        %and3A_638 = arith.andi %add3A_632, %and3A_637 : vector<16xi32>
        %gather3A_639 = tpu.memref_bitcast %arg4 : memref<320x128xi32, #tpu.memory_space<vmem>> -> memref<320x128xi32, #tpu.memory_space<vmem>>
        %gather3A_640 = tpu.vector_load_idx %gather3A_639[%shift_right_logical3A_635, %and3A_638] : memref<320x128xi32, #tpu.memory_space<vmem>>[vector<16xi32>, vector<16xi32>], vector<16xi32>,
        %add3A_641 = arith.constant 6 : i32
        %add3A_642 = vector.broadcast %add3A_641 : i32 to vector<16xi32>
        %add3A_643 = arith.addi %add3A_542, %add3A_642 : vector<16xi32>
        %scatter3A_644 = tpu.memref_bitcast %arg6 : memref<1x11520xi32, #tpu.memory_space<vmem>> -> memref<1x11520xi32, #tpu.memory_space<vmem>>
        tpu.vector_store_idx %scatter3A_644[%mul3A_35, %add3A_643], %gather3A_640 : memref<1x11520xi32, #tpu.memory_space<vmem>>[vector<16xi32>, vector<16xi32>], vector<16xi32>,
        %add3A_645 = arith.constant 14 : i32
        %add3A_646 = vector.broadcast %add3A_645 : i32 to vector<16xi32>
        %add3A_647 = arith.addi %add3A_535, %add3A_646 : vector<16xi32>
        %shift_right_logical3A_648 = arith.constant 7 : i32
        %shift_right_logical3A_649 = vector.broadcast %shift_right_logical3A_648 : i32 to vector<16xi32>
        %shift_right_logical3A_650 = arith.shrui %add3A_647, %shift_right_logical3A_649 : vector<16xi32>
        %and3A_651 = arith.constant 127 : i32
        %and3A_652 = vector.broadcast %and3A_651 : i32 to vector<16xi32>
        %and3A_653 = arith.andi %add3A_647, %and3A_652 : vector<16xi32>
        %gather3A_654 = tpu.memref_bitcast %arg4 : memref<320x128xi32, #tpu.memory_space<vmem>> -> memref<320x128xi32, #tpu.memory_space<vmem>>
        %gather3A_655 = tpu.vector_load_idx %gather3A_654[%shift_right_logical3A_650, %and3A_653] : memref<320x128xi32, #tpu.memory_space<vmem>>[vector<16xi32>, vector<16xi32>], vector<16xi32>,
        %add3A_656 = arith.constant 7 : i32
        %add3A_657 = vector.broadcast %add3A_656 : i32 to vector<16xi32>
        %add3A_658 = arith.addi %add3A_542, %add3A_657 : vector<16xi32>
        %scatter3A_659 = tpu.memref_bitcast %arg6 : memref<1x11520xi32, #tpu.memory_space<vmem>> -> memref<1x11520xi32, #tpu.memory_space<vmem>>
        tpu.vector_store_idx %scatter3A_659[%mul3A_35, %add3A_658], %gather3A_655 : memref<1x11520xi32, #tpu.memory_space<vmem>>[vector<16xi32>, vector<16xi32>], vector<16xi32>,
        %add3A_660 = arith.constant 16 : i32
        %add3A_661 = vector.broadcast %add3A_660 : i32 to vector<16xi32>
        %add3A_662 = arith.addi %add3A_535, %add3A_661 : vector<16xi32>
        %shift_right_logical3A_663 = arith.constant 7 : i32
        %shift_right_logical3A_664 = vector.broadcast %shift_right_logical3A_663 : i32 to vector<16xi32>
        %shift_right_logical3A_665 = arith.shrui %add3A_662, %shift_right_logical3A_664 : vector<16xi32>
        %and3A_666 = arith.constant 127 : i32
        %and3A_667 = vector.broadcast %and3A_666 : i32 to vector<16xi32>
        %and3A_668 = arith.andi %add3A_662, %and3A_667 : vector<16xi32>
        %gather3A_669 = tpu.memref_bitcast %arg4 : memref<320x128xi32, #tpu.memory_space<vmem>> -> memref<320x128xi32, #tpu.memory_space<vmem>>
        %gather3A_670 = tpu.vector_load_idx %gather3A_669[%shift_right_logical3A_665, %and3A_668] : memref<320x128xi32, #tpu.memory_space<vmem>>[vector<16xi32>, vector<16xi32>], vector<16xi32>,
        %add3A_671 = arith.constant 8 : i32
        %add3A_672 = vector.broadcast %add3A_671 : i32 to vector<16xi32>
        %add3A_673 = arith.addi %add3A_542, %add3A_672 : vector<16xi32>
        %scatter3A_674 = tpu.memref_bitcast %arg6 : memref<1x11520xi32, #tpu.memory_space<vmem>> -> memref<1x11520xi32, #tpu.memory_space<vmem>>
        tpu.vector_store_idx %scatter3A_674[%mul3A_35, %add3A_673], %gather3A_670 : memref<1x11520xi32, #tpu.memory_space<vmem>>[vector<16xi32>, vector<16xi32>], vector<16xi32>,
      }
      %add3A_494 = arith.constant 4992 : i32
      %add3A_495 = arith.addi %mul3A_32, %add3A_494 : i32
      %mul3A_496 = arith.constant 9 : i32
      %mul3A_497 = arith.muli %add3A_495, %mul3A_496 : i32
      %dma_start3A_498 = arith.constant 0 : i32
      %dma_start3A_499 = arith.constant 0 : i32
      %dma_start3A_500 = tpu.memref_slice %arg6[%dma_start3A_498, %dma_start3A_499] : memref<1x11520xi32, #tpu.memory_space<vmem>> -> memref<1x11232xi32, #tpu.memory_space<vmem>>
      %dma_start3A_501 = tpu.memref_squeeze %dma_start3A_500 : memref<1x11232xi32, #tpu.memory_space<vmem>> -> memref<11232xi32, #tpu.memory_space<vmem>>
      %dma_start3A_502 = tpu.memref_slice %arg3[%select_n3A_9, %mul3A_497] : memref<2x900000xi32, #tpu.memory_space<hbm>> -> memref<1x11232xi32, #tpu.memory_space<hbm>>
      %dma_start3A_503 = tpu.memref_squeeze %dma_start3A_502 : memref<1x11232xi32, #tpu.memory_space<hbm>> -> memref<11232xi32, #tpu.memory_space<hbm>>
      %dma_start3A_504 = tpu.memref_slice %arg3[%select_n3A_9, %mul3A_497] : memref<2x900000xi32, #tpu.memory_space<hbm>> -> memref<1x11232xi32, #tpu.memory_space<hbm>>
      %dma_start3A_505 = tpu.memref_squeeze %dma_start3A_504 : memref<1x11232xi32, #tpu.memory_space<hbm>> -> memref<11232xi32, #tpu.memory_space<hbm>>
      %dma_start3A_506 = arith.constant 0 : i32
      %dma_start3A_507 = tpu.memref_slice %arg6[%dma_start3A_498, %dma_start3A_506] : memref<1x11520xi32, #tpu.memory_space<vmem>> -> memref<1x11232xi32, #tpu.memory_space<vmem>>
      %dma_start3A_508 = tpu.memref_squeeze %dma_start3A_507 : memref<1x11232xi32, #tpu.memory_space<vmem>> -> memref<11232xi32, #tpu.memory_space<vmem>>
      tpu.enqueue_dma source(%dma_start3A_508 : memref<11232xi32, #tpu.memory_space<vmem>>) target(%dma_start3A_505 : memref<11232xi32, #tpu.memory_space<hbm>>) target_semaphore(%arg10 : memref<!tpu.dma_semaphore, #tpu.memory_space<semaphore_mem>>)
      %dma_wait3A_509 = arith.constant 0 : i32
      %dma_wait3A_510 = arith.constant 0 : i32
      %dma_wait3A_511 = tpu.memref_slice %arg7[%dma_wait3A_509, %dma_wait3A_510] : memref<1x11520xi32, #tpu.memory_space<vmem>> -> memref<1x11232xi32, #tpu.memory_space<vmem>>
      %dma_wait3A_512 = tpu.memref_squeeze %dma_wait3A_511 : memref<1x11232xi32, #tpu.memory_space<vmem>> -> memref<11232xi32, #tpu.memory_space<vmem>>
      %dma_wait3A_513 = tpu.memref_slice %arg3[%select_n3A_9, %mul3A_449] : memref<2x900000xi32, #tpu.memory_space<hbm>> -> memref<1x11232xi32, #tpu.memory_space<hbm>>
      %dma_wait3A_514 = tpu.memref_squeeze %dma_wait3A_513 : memref<1x11232xi32, #tpu.memory_space<hbm>> -> memref<11232xi32, #tpu.memory_space<hbm>>
      %dma_wait3A_515 = tpu.memref_slice %arg3[%select_n3A_9, %mul3A_449] : memref<2x900000xi32, #tpu.memory_space<hbm>> -> memref<1x11232xi32, #tpu.memory_space<hbm>>
      %dma_wait3A_516 = tpu.memref_squeeze %dma_wait3A_515 : memref<1x11232xi32, #tpu.memory_space<hbm>> -> memref<11232xi32, #tpu.memory_space<hbm>>
      %dma_wait3A_517 = arith.constant 0 : i32
      %dma_wait3A_518 = tpu.memref_slice %arg7[%dma_wait3A_509, %dma_wait3A_517] : memref<1x11520xi32, #tpu.memory_space<vmem>> -> memref<1x11232xi32, #tpu.memory_space<vmem>>
      %dma_wait3A_519 = tpu.memref_squeeze %dma_wait3A_518 : memref<1x11232xi32, #tpu.memory_space<vmem>> -> memref<11232xi32, #tpu.memory_space<vmem>>
      tpu.wait_dma2 semaphore(%arg11 : memref<!tpu.dma_semaphore, #tpu.memory_space<semaphore_mem>>) src(%dma_wait3A_519 : memref<11232xi32, #tpu.memory_space<vmem>>) dst(%dma_wait3A_516 : memref<11232xi32, #tpu.memory_space<hbm>>)
      %dma_wait3A_520 = arith.constant 0 : i32
      %dma_wait3A_521 = arith.constant 0 : i32
      %dma_wait3A_522 = tpu.memref_slice %arg6[%dma_wait3A_520, %dma_wait3A_521] : memref<1x11520xi32, #tpu.memory_space<vmem>> -> memref<1x11232xi32, #tpu.memory_space<vmem>>
      %dma_wait3A_523 = tpu.memref_squeeze %dma_wait3A_522 : memref<1x11232xi32, #tpu.memory_space<vmem>> -> memref<11232xi32, #tpu.memory_space<vmem>>
      %dma_wait3A_524 = tpu.memref_slice %arg3[%select_n3A_9, %mul3A_497] : memref<2x900000xi32, #tpu.memory_space<hbm>> -> memref<1x11232xi32, #tpu.memory_space<hbm>>
      %dma_wait3A_525 = tpu.memref_squeeze %dma_wait3A_524 : memref<1x11232xi32, #tpu.memory_space<hbm>> -> memref<11232xi32, #tpu.memory_space<hbm>>
      %dma_wait3A_526 = tpu.memref_slice %arg3[%select_n3A_9, %mul3A_497] : memref<2x900000xi32, #tpu.memory_space<hbm>> -> memref<1x11232xi32, #tpu.memory_space<hbm>>
      %dma_wait3A_527 = tpu.memref_squeeze %dma_wait3A_526 : memref<1x11232xi32, #tpu.memory_space<hbm>> -> memref<11232xi32, #tpu.memory_space<hbm>>
      %dma_wait3A_528 = arith.constant 0 : i32
      %dma_wait3A_529 = tpu.memref_slice %arg6[%dma_wait3A_520, %dma_wait3A_528] : memref<1x11520xi32, #tpu.memory_space<vmem>> -> memref<1x11232xi32, #tpu.memory_space<vmem>>
      %dma_wait3A_530 = tpu.memref_squeeze %dma_wait3A_529 : memref<1x11232xi32, #tpu.memory_space<vmem>> -> memref<11232xi32, #tpu.memory_space<vmem>>
      tpu.wait_dma2 semaphore(%arg10 : memref<!tpu.dma_semaphore, #tpu.memory_space<semaphore_mem>>) src(%dma_wait3A_530 : memref<11232xi32, #tpu.memory_space<vmem>>) dst(%dma_wait3A_527 : memref<11232xi32, #tpu.memory_space<hbm>>)
    } else {
    }
    %eq3A_99 = arith.constant 15 : i32
    %eq3A_100 = arith.cmpi eq, %select_n3A_30, %eq3A_99 : i32
    %convert_element_type3A_101 = arith.extui %eq3A_100 : i1 to i32
    %cond3A_102 = arith.constant 0 : i32
    %cond3A_103 = arith.cmpi ne, %convert_element_type3A_101, %cond3A_102 : i32
    scf.if %cond3A_103 {
      %add3A_104 = arith.constant 0 : i32
      %add3A_105 = arith.addi %mul3A_32, %add3A_104 : i32
      %jit3A_106 = arith.constant 4 : i32
      %div3A_107 = arith.divsi %add3A_105, %jit3A_106 : i32
      %sign3A_108 = arith.constant 0 : i32
      %sign3A_109 = arith.cmpi sgt, %add3A_105, %sign3A_108 : i32
      %sign3A_110 = arith.extui %sign3A_109 : i1 to i32
      %sign3A_111 = arith.constant 0 : i32
      %sign3A_112 = arith.cmpi slt, %add3A_105, %sign3A_111 : i32
      %sign3A_113 = arith.extui %sign3A_112 : i1 to i32
      %sign3A_114 = arith.subi %sign3A_110, %sign3A_113 : i32
      %sign3A_115 = arith.constant 0 : i32
      %sign3A_116 = arith.cmpi sgt, %jit3A_106, %sign3A_115 : i32
      %sign3A_117 = arith.extui %sign3A_116 : i1 to i32
      %sign3A_118 = arith.constant 0 : i32
      %sign3A_119 = arith.cmpi slt, %jit3A_106, %sign3A_118 : i32
      %sign3A_120 = arith.extui %sign3A_119 : i1 to i32
      %sign3A_121 = arith.subi %sign3A_117, %sign3A_120 : i32
      %ne3A_122 = arith.cmpi ne, %sign3A_114, %sign3A_121 : i32
      %rem3A_123 = arith.remsi %add3A_105, %jit3A_106 : i32
      %ne3A_124 = arith.constant 0 : i32
      %ne3A_125 = arith.cmpi ne, %rem3A_123, %ne3A_124 : i32
      %and3A_126 = arith.andi %ne3A_122, %ne3A_125 : i1
      %sub3A_127 = arith.constant 1 : i32
      %sub3A_128 = arith.subi %div3A_107, %sub3A_127 : i32
      %select_n3A_129 = arith.select %and3A_126, %sub3A_128, %div3A_107 : i32
      %dma_start3A = arith.constant 0 : i32
      %dma_start3A_130 = arith.constant 0 : i32
      %dma_start3A_131 = tpu.memref_slice %arg4[%dma_start3A, %dma_start3A_130] : memref<320x128xi32, #tpu.memory_space<vmem>> -> memref<320x128xi32, #tpu.memory_space<vmem>>
      %dma_start3A_132 = arith.constant 0 : i32
      %dma_start3A_133 = tpu.memref_slice %arg2[%select_n3A_129, %select_n3A_9, %dma_start3A_132] : memref<25000x2x128xi32, #tpu.memory_space<hbm>> -> memref<320x1x128xi32, #tpu.memory_space<hbm>>
      %dma_start3A_134 = tpu.memref_squeeze %dma_start3A_133 : memref<320x1x128xi32, #tpu.memory_space<hbm>> -> memref<320x128xi32, #tpu.memory_space<hbm>>
      %dma_start3A_135 = arith.constant 0 : i32
      %dma_start3A_136 = arith.constant 0 : i32
      %dma_start3A_137 = tpu.memref_slice %arg4[%dma_start3A_135, %dma_start3A_136] : memref<320x128xi32, #tpu.memory_space<vmem>> -> memref<320x128xi32, #tpu.memory_space<vmem>>
      %dma_start3A_138 = arith.constant 0 : i32
      %dma_start3A_139 = tpu.memref_slice %arg2[%select_n3A_129, %select_n3A_9, %dma_start3A_138] : memref<25000x2x128xi32, #tpu.memory_space<hbm>> -> memref<320x1x128xi32, #tpu.memory_space<hbm>>
      %dma_start3A_140 = tpu.memref_squeeze %dma_start3A_139 : memref<320x1x128xi32, #tpu.memory_space<hbm>> -> memref<320x128xi32, #tpu.memory_space<hbm>>
      tpu.enqueue_dma source(%dma_start3A_140 : memref<320x128xi32, #tpu.memory_space<hbm>>) target(%dma_start3A_137 : memref<320x128xi32, #tpu.memory_space<vmem>>) target_semaphore(%arg8 : memref<!tpu.dma_semaphore, #tpu.memory_space<semaphore_mem>>)
      %add3A_141 = arith.constant 1280 : i32
      %add3A_142 = arith.addi %mul3A_32, %add3A_141 : i32
      %jit3A_143 = arith.constant 4 : i32
      %div3A_144 = arith.divsi %add3A_142, %jit3A_143 : i32
      %sign3A_145 = arith.constant 0 : i32
      %sign3A_146 = arith.cmpi sgt, %add3A_142, %sign3A_145 : i32
      %sign3A_147 = arith.extui %sign3A_146 : i1 to i32
      %sign3A_148 = arith.constant 0 : i32
      %sign3A_149 = arith.cmpi slt, %add3A_142, %sign3A_148 : i32
      %sign3A_150 = arith.extui %sign3A_149 : i1 to i32
      %sign3A_151 = arith.subi %sign3A_147, %sign3A_150 : i32
      %sign3A_152 = arith.constant 0 : i32
      %sign3A_153 = arith.cmpi sgt, %jit3A_143, %sign3A_152 : i32
      %sign3A_154 = arith.extui %sign3A_153 : i1 to i32
      %sign3A_155 = arith.constant 0 : i32
      %sign3A_156 = arith.cmpi slt, %jit3A_143, %sign3A_155 : i32
      %sign3A_157 = arith.extui %sign3A_156 : i1 to i32
      %sign3A_158 = arith.subi %sign3A_154, %sign3A_157 : i32
      %ne3A_159 = arith.cmpi ne, %sign3A_151, %sign3A_158 : i32
      %rem3A_160 = arith.remsi %add3A_142, %jit3A_143 : i32
      %ne3A_161 = arith.constant 0 : i32
      %ne3A_162 = arith.cmpi ne, %rem3A_160, %ne3A_161 : i32
      %and3A_163 = arith.andi %ne3A_159, %ne3A_162 : i1
      %sub3A_164 = arith.constant 1 : i32
      %sub3A_165 = arith.subi %div3A_144, %sub3A_164 : i32
      %select_n3A_166 = arith.select %and3A_163, %sub3A_165, %div3A_144 : i32
      %dma_start3A_167 = arith.constant 0 : i32
      %dma_start3A_168 = arith.constant 0 : i32
      %dma_start3A_169 = tpu.memref_slice %arg5[%dma_start3A_167, %dma_start3A_168] : memref<320x128xi32, #tpu.memory_space<vmem>> -> memref<320x128xi32, #tpu.memory_space<vmem>>
      %dma_start3A_170 = arith.constant 0 : i32
      %dma_start3A_171 = tpu.memref_slice %arg2[%select_n3A_166, %select_n3A_9, %dma_start3A_170] : memref<25000x2x128xi32, #tpu.memory_space<hbm>> -> memref<320x1x128xi32, #tpu.memory_space<hbm>>
      %dma_start3A_172 = tpu.memref_squeeze %dma_start3A_171 : memref<320x1x128xi32, #tpu.memory_space<hbm>> -> memref<320x128xi32, #tpu.memory_space<hbm>>
      %dma_start3A_173 = arith.constant 0 : i32
      %dma_start3A_174 = arith.constant 0 : i32
      %dma_start3A_175 = tpu.memref_slice %arg5[%dma_start3A_173, %dma_start3A_174] : memref<320x128xi32, #tpu.memory_space<vmem>> -> memref<320x128xi32, #tpu.memory_space<vmem>>
      %dma_start3A_176 = arith.constant 0 : i32
      %dma_start3A_177 = tpu.memref_slice %arg2[%select_n3A_166, %select_n3A_9, %dma_start3A_176] : memref<25000x2x128xi32, #tpu.memory_space<hbm>> -> memref<320x1x128xi32, #tpu.memory_space<hbm>>
      %dma_start3A_178 = tpu.memref_squeeze %dma_start3A_177 : memref<320x1x128xi32, #tpu.memory_space<hbm>> -> memref<320x128xi32, #tpu.memory_space<hbm>>
      tpu.enqueue_dma source(%dma_start3A_178 : memref<320x128xi32, #tpu.memory_space<hbm>>) target(%dma_start3A_175 : memref<320x128xi32, #tpu.memory_space<vmem>>) target_semaphore(%arg9 : memref<!tpu.dma_semaphore, #tpu.memory_space<semaphore_mem>>)
      %dma_wait3A = arith.constant 0 : i32
      %dma_wait3A_179 = arith.constant 0 : i32
      %dma_wait3A_180 = tpu.memref_slice %arg4[%dma_wait3A, %dma_wait3A_179] : memref<320x128xi32, #tpu.memory_space<vmem>> -> memref<320x128xi32, #tpu.memory_space<vmem>>
      %dma_wait3A_181 = arith.constant 0 : i32
      %dma_wait3A_182 = tpu.memref_slice %arg2[%select_n3A_129, %select_n3A_9, %dma_wait3A_181] : memref<25000x2x128xi32, #tpu.memory_space<hbm>> -> memref<320x1x128xi32, #tpu.memory_space<hbm>>
      %dma_wait3A_183 = tpu.memref_squeeze %dma_wait3A_182 : memref<320x1x128xi32, #tpu.memory_space<hbm>> -> memref<320x128xi32, #tpu.memory_space<hbm>>
      %dma_wait3A_184 = arith.constant 0 : i32
      %dma_wait3A_185 = arith.constant 0 : i32
      %dma_wait3A_186 = tpu.memref_slice %arg4[%dma_wait3A_184, %dma_wait3A_185] : memref<320x128xi32, #tpu.memory_space<vmem>> -> memref<320x128xi32, #tpu.memory_space<vmem>>
      %dma_wait3A_187 = arith.constant 0 : i32
      %dma_wait3A_188 = tpu.memref_slice %arg2[%select_n3A_129, %select_n3A_9, %dma_wait3A_187] : memref<25000x2x128xi32, #tpu.memory_space<hbm>> -> memref<320x1x128xi32, #tpu.memory_space<hbm>>
      %dma_wait3A_189 = tpu.memref_squeeze %dma_wait3A_188 : memref<320x1x128xi32, #tpu.memory_space<hbm>> -> memref<320x128xi32, #tpu.memory_space<hbm>>
      tpu.wait_dma2 semaphore(%arg8 : memref<!tpu.dma_semaphore, #tpu.memory_space<semaphore_mem>>) src(%dma_wait3A_189 : memref<320x128xi32, #tpu.memory_space<hbm>>) dst(%dma_wait3A_186 : memref<320x128xi32, #tpu.memory_space<vmem>>)
      %while3A = arith.constant 0 : i32
      %while3A_190 = arith.constant 80 : i32
      %while3A_191 = arith.subi %while3A_190, %while3A : i32
      %while3A_192 = arith.addi %while3A, %while3A_191 : i32
      %while3A_193 = arith.constant 1 : i32
      %while3A_194 = arith.divsi %while3A_191, %while3A_193 : i32
      %while3A_195 = arith.muli %while3A_194, %while3A_193 : i32
      %while3A_196 = arith.addi %while3A, %while3A_195 : i32
      %while3A_197 = arith.constant 1 : i32
      scf.for %while3A_531 = %while3A to %while3A_196 step %while3A_197  : i32 {
        %mul3A_532 = arith.constant 512 : i32
        %mul3A_533 = arith.muli %while3A_531, %mul3A_532 : i32
        %add3A_534 = vector.broadcast %mul3A_533 : i32 to vector<16xi32>
        %add3A_535 = arith.addi %add3A_534, %add3A_95 : vector<16xi32>
        %mul3A_536 = arith.constant 144 : i32
        %mul3A_537 = arith.muli %while3A_531, %mul3A_536 : i32
        %mul3A_538 = arith.constant 9 : i32
        %mul3A_539 = vector.broadcast %mul3A_538 : i32 to vector<16xi32>
        %mul3A_540 = arith.muli %iota3A, %mul3A_539 : vector<16xi32>
        %add3A_541 = vector.broadcast %mul3A_537 : i32 to vector<16xi32>
        %add3A_542 = arith.addi %add3A_541, %mul3A_540 : vector<16xi32>
        %add3A_543 = arith.constant 0 : i32
        %add3A_544 = vector.broadcast %add3A_543 : i32 to vector<16xi32>
        %add3A_545 = arith.addi %add3A_535, %add3A_544 : vector<16xi32>
        %shift_right_logical3A = arith.constant 7 : i32
        %shift_right_logical3A_546 = vector.broadcast %shift_right_logical3A : i32 to vector<16xi32>
        %shift_right_logical3A_547 = arith.shrui %add3A_545, %shift_right_logical3A_546 : vector<16xi32>
        %and3A_548 = arith.constant 127 : i32
        %and3A_549 = vector.broadcast %and3A_548 : i32 to vector<16xi32>
        %and3A_550 = arith.andi %add3A_545, %and3A_549 : vector<16xi32>
        %gather3A = tpu.memref_bitcast %arg4 : memref<320x128xi32, #tpu.memory_space<vmem>> -> memref<320x128xi32, #tpu.memory_space<vmem>>
        %gather3A_551 = tpu.vector_load_idx %gather3A[%shift_right_logical3A_547, %and3A_550] : memref<320x128xi32, #tpu.memory_space<vmem>>[vector<16xi32>, vector<16xi32>], vector<16xi32>,
        %add3A_552 = arith.constant 0 : i32
        %add3A_553 = vector.broadcast %add3A_552 : i32 to vector<16xi32>
        %add3A_554 = arith.addi %add3A_542, %add3A_553 : vector<16xi32>
        %scatter3A = tpu.memref_bitcast %arg6 : memref<1x11520xi32, #tpu.memory_space<vmem>> -> memref<1x11520xi32, #tpu.memory_space<vmem>>
        tpu.vector_store_idx %scatter3A[%mul3A_35, %add3A_554], %gather3A_551 : memref<1x11520xi32, #tpu.memory_space<vmem>>[vector<16xi32>, vector<16xi32>], vector<16xi32>,
        %add3A_555 = arith.constant 2 : i32
        %add3A_556 = vector.broadcast %add3A_555 : i32 to vector<16xi32>
        %add3A_557 = arith.addi %add3A_535, %add3A_556 : vector<16xi32>
        %shift_right_logical3A_558 = arith.constant 7 : i32
        %shift_right_logical3A_559 = vector.broadcast %shift_right_logical3A_558 : i32 to vector<16xi32>
        %shift_right_logical3A_560 = arith.shrui %add3A_557, %shift_right_logical3A_559 : vector<16xi32>
        %and3A_561 = arith.constant 127 : i32
        %and3A_562 = vector.broadcast %and3A_561 : i32 to vector<16xi32>
        %and3A_563 = arith.andi %add3A_557, %and3A_562 : vector<16xi32>
        %gather3A_564 = tpu.memref_bitcast %arg4 : memref<320x128xi32, #tpu.memory_space<vmem>> -> memref<320x128xi32, #tpu.memory_space<vmem>>
        %gather3A_565 = tpu.vector_load_idx %gather3A_564[%shift_right_logical3A_560, %and3A_563] : memref<320x128xi32, #tpu.memory_space<vmem>>[vector<16xi32>, vector<16xi32>], vector<16xi32>,
        %add3A_566 = arith.constant 1 : i32
        %add3A_567 = vector.broadcast %add3A_566 : i32 to vector<16xi32>
        %add3A_568 = arith.addi %add3A_542, %add3A_567 : vector<16xi32>
        %scatter3A_569 = tpu.memref_bitcast %arg6 : memref<1x11520xi32, #tpu.memory_space<vmem>> -> memref<1x11520xi32, #tpu.memory_space<vmem>>
        tpu.vector_store_idx %scatter3A_569[%mul3A_35, %add3A_568], %gather3A_565 : memref<1x11520xi32, #tpu.memory_space<vmem>>[vector<16xi32>, vector<16xi32>], vector<16xi32>,
        %add3A_570 = arith.constant 4 : i32
        %add3A_571 = vector.broadcast %add3A_570 : i32 to vector<16xi32>
        %add3A_572 = arith.addi %add3A_535, %add3A_571 : vector<16xi32>
        %shift_right_logical3A_573 = arith.constant 7 : i32
        %shift_right_logical3A_574 = vector.broadcast %shift_right_logical3A_573 : i32 to vector<16xi32>
        %shift_right_logical3A_575 = arith.shrui %add3A_572, %shift_right_logical3A_574 : vector<16xi32>
        %and3A_576 = arith.constant 127 : i32
        %and3A_577 = vector.broadcast %and3A_576 : i32 to vector<16xi32>
        %and3A_578 = arith.andi %add3A_572, %and3A_577 : vector<16xi32>
        %gather3A_579 = tpu.memref_bitcast %arg4 : memref<320x128xi32, #tpu.memory_space<vmem>> -> memref<320x128xi32, #tpu.memory_space<vmem>>
        %gather3A_580 = tpu.vector_load_idx %gather3A_579[%shift_right_logical3A_575, %and3A_578] : memref<320x128xi32, #tpu.memory_space<vmem>>[vector<16xi32>, vector<16xi32>], vector<16xi32>,
        %add3A_581 = arith.constant 2 : i32
        %add3A_582 = vector.broadcast %add3A_581 : i32 to vector<16xi32>
        %add3A_583 = arith.addi %add3A_542, %add3A_582 : vector<16xi32>
        %scatter3A_584 = tpu.memref_bitcast %arg6 : memref<1x11520xi32, #tpu.memory_space<vmem>> -> memref<1x11520xi32, #tpu.memory_space<vmem>>
        tpu.vector_store_idx %scatter3A_584[%mul3A_35, %add3A_583], %gather3A_580 : memref<1x11520xi32, #tpu.memory_space<vmem>>[vector<16xi32>, vector<16xi32>], vector<16xi32>,
        %add3A_585 = arith.constant 6 : i32
        %add3A_586 = vector.broadcast %add3A_585 : i32 to vector<16xi32>
        %add3A_587 = arith.addi %add3A_535, %add3A_586 : vector<16xi32>
        %shift_right_logical3A_588 = arith.constant 7 : i32
        %shift_right_logical3A_589 = vector.broadcast %shift_right_logical3A_588 : i32 to vector<16xi32>
        %shift_right_logical3A_590 = arith.shrui %add3A_587, %shift_right_logical3A_589 : vector<16xi32>
        %and3A_591 = arith.constant 127 : i32
        %and3A_592 = vector.broadcast %and3A_591 : i32 to vector<16xi32>
        %and3A_593 = arith.andi %add3A_587, %and3A_592 : vector<16xi32>
        %gather3A_594 = tpu.memref_bitcast %arg4 : memref<320x128xi32, #tpu.memory_space<vmem>> -> memref<320x128xi32, #tpu.memory_space<vmem>>
        %gather3A_595 = tpu.vector_load_idx %gather3A_594[%shift_right_logical3A_590, %and3A_593] : memref<320x128xi32, #tpu.memory_space<vmem>>[vector<16xi32>, vector<16xi32>], vector<16xi32>,
        %add3A_596 = arith.constant 3 : i32
        %add3A_597 = vector.broadcast %add3A_596 : i32 to vector<16xi32>
        %add3A_598 = arith.addi %add3A_542, %add3A_597 : vector<16xi32>
        %scatter3A_599 = tpu.memref_bitcast %arg6 : memref<1x11520xi32, #tpu.memory_space<vmem>> -> memref<1x11520xi32, #tpu.memory_space<vmem>>
        tpu.vector_store_idx %scatter3A_599[%mul3A_35, %add3A_598], %gather3A_595 : memref<1x11520xi32, #tpu.memory_space<vmem>>[vector<16xi32>, vector<16xi32>], vector<16xi32>,
        %add3A_600 = arith.constant 8 : i32
        %add3A_601 = vector.broadcast %add3A_600 : i32 to vector<16xi32>
        %add3A_602 = arith.addi %add3A_535, %add3A_601 : vector<16xi32>
        %shift_right_logical3A_603 = arith.constant 7 : i32
        %shift_right_logical3A_604 = vector.broadcast %shift_right_logical3A_603 : i32 to vector<16xi32>
        %shift_right_logical3A_605 = arith.shrui %add3A_602, %shift_right_logical3A_604 : vector<16xi32>
        %and3A_606 = arith.constant 127 : i32
        %and3A_607 = vector.broadcast %and3A_606 : i32 to vector<16xi32>
        %and3A_608 = arith.andi %add3A_602, %and3A_607 : vector<16xi32>
        %gather3A_609 = tpu.memref_bitcast %arg4 : memref<320x128xi32, #tpu.memory_space<vmem>> -> memref<320x128xi32, #tpu.memory_space<vmem>>
        %gather3A_610 = tpu.vector_load_idx %gather3A_609[%shift_right_logical3A_605, %and3A_608] : memref<320x128xi32, #tpu.memory_space<vmem>>[vector<16xi32>, vector<16xi32>], vector<16xi32>,
        %add3A_611 = arith.constant 4 : i32
        %add3A_612 = vector.broadcast %add3A_611 : i32 to vector<16xi32>
        %add3A_613 = arith.addi %add3A_542, %add3A_612 : vector<16xi32>
        %scatter3A_614 = tpu.memref_bitcast %arg6 : memref<1x11520xi32, #tpu.memory_space<vmem>> -> memref<1x11520xi32, #tpu.memory_space<vmem>>
        tpu.vector_store_idx %scatter3A_614[%mul3A_35, %add3A_613], %gather3A_610 : memref<1x11520xi32, #tpu.memory_space<vmem>>[vector<16xi32>, vector<16xi32>], vector<16xi32>,
        %add3A_615 = arith.constant 10 : i32
        %add3A_616 = vector.broadcast %add3A_615 : i32 to vector<16xi32>
        %add3A_617 = arith.addi %add3A_535, %add3A_616 : vector<16xi32>
        %shift_right_logical3A_618 = arith.constant 7 : i32
        %shift_right_logical3A_619 = vector.broadcast %shift_right_logical3A_618 : i32 to vector<16xi32>
        %shift_right_logical3A_620 = arith.shrui %add3A_617, %shift_right_logical3A_619 : vector<16xi32>
        %and3A_621 = arith.constant 127 : i32
        %and3A_622 = vector.broadcast %and3A_621 : i32 to vector<16xi32>
        %and3A_623 = arith.andi %add3A_617, %and3A_622 : vector<16xi32>
        %gather3A_624 = tpu.memref_bitcast %arg4 : memref<320x128xi32, #tpu.memory_space<vmem>> -> memref<320x128xi32, #tpu.memory_space<vmem>>
        %gather3A_625 = tpu.vector_load_idx %gather3A_624[%shift_right_logical3A_620, %and3A_623] : memref<320x128xi32, #tpu.memory_space<vmem>>[vector<16xi32>, vector<16xi32>], vector<16xi32>,
        %add3A_626 = arith.constant 5 : i32
        %add3A_627 = vector.broadcast %add3A_626 : i32 to vector<16xi32>
        %add3A_628 = arith.addi %add3A_542, %add3A_627 : vector<16xi32>
        %scatter3A_629 = tpu.memref_bitcast %arg6 : memref<1x11520xi32, #tpu.memory_space<vmem>> -> memref<1x11520xi32, #tpu.memory_space<vmem>>
        tpu.vector_store_idx %scatter3A_629[%mul3A_35, %add3A_628], %gather3A_625 : memref<1x11520xi32, #tpu.memory_space<vmem>>[vector<16xi32>, vector<16xi32>], vector<16xi32>,
        %add3A_630 = arith.constant 12 : i32
        %add3A_631 = vector.broadcast %add3A_630 : i32 to vector<16xi32>
        %add3A_632 = arith.addi %add3A_535, %add3A_631 : vector<16xi32>
        %shift_right_logical3A_633 = arith.constant 7 : i32
        %shift_right_logical3A_634 = vector.broadcast %shift_right_logical3A_633 : i32 to vector<16xi32>
        %shift_right_logical3A_635 = arith.shrui %add3A_632, %shift_right_logical3A_634 : vector<16xi32>
        %and3A_636 = arith.constant 127 : i32
        %and3A_637 = vector.broadcast %and3A_636 : i32 to vector<16xi32>
        %and3A_638 = arith.andi %add3A_632, %and3A_637 : vector<16xi32>
        %gather3A_639 = tpu.memref_bitcast %arg4 : memref<320x128xi32, #tpu.memory_space<vmem>> -> memref<320x128xi32, #tpu.memory_space<vmem>>
        %gather3A_640 = tpu.vector_load_idx %gather3A_639[%shift_right_logical3A_635, %and3A_638] : memref<320x128xi32, #tpu.memory_space<vmem>>[vector<16xi32>, vector<16xi32>], vector<16xi32>,
        %add3A_641 = arith.constant 6 : i32
        %add3A_642 = vector.broadcast %add3A_641 : i32 to vector<16xi32>
        %add3A_643 = arith.addi %add3A_542, %add3A_642 : vector<16xi32>
        %scatter3A_644 = tpu.memref_bitcast %arg6 : memref<1x11520xi32, #tpu.memory_space<vmem>> -> memref<1x11520xi32, #tpu.memory_space<vmem>>
        tpu.vector_store_idx %scatter3A_644[%mul3A_35, %add3A_643], %gather3A_640 : memref<1x11520xi32, #tpu.memory_space<vmem>>[vector<16xi32>, vector<16xi32>], vector<16xi32>,
        %add3A_645 = arith.constant 14 : i32
        %add3A_646 = vector.broadcast %add3A_645 : i32 to vector<16xi32>
        %add3A_647 = arith.addi %add3A_535, %add3A_646 : vector<16xi32>
        %shift_right_logical3A_648 = arith.constant 7 : i32
        %shift_right_logical3A_649 = vector.broadcast %shift_right_logical3A_648 : i32 to vector<16xi32>
        %shift_right_logical3A_650 = arith.shrui %add3A_647, %shift_right_logical3A_649 : vector<16xi32>
        %and3A_651 = arith.constant 127 : i32
        %and3A_652 = vector.broadcast %and3A_651 : i32 to vector<16xi32>
        %and3A_653 = arith.andi %add3A_647, %and3A_652 : vector<16xi32>
        %gather3A_654 = tpu.memref_bitcast %arg4 : memref<320x128xi32, #tpu.memory_space<vmem>> -> memref<320x128xi32, #tpu.memory_space<vmem>>
        %gather3A_655 = tpu.vector_load_idx %gather3A_654[%shift_right_logical3A_650, %and3A_653] : memref<320x128xi32, #tpu.memory_space<vmem>>[vector<16xi32>, vector<16xi32>], vector<16xi32>,
        %add3A_656 = arith.constant 7 : i32
        %add3A_657 = vector.broadcast %add3A_656 : i32 to vector<16xi32>
        %add3A_658 = arith.addi %add3A_542, %add3A_657 : vector<16xi32>
        %scatter3A_659 = tpu.memref_bitcast %arg6 : memref<1x11520xi32, #tpu.memory_space<vmem>> -> memref<1x11520xi32, #tpu.memory_space<vmem>>
        tpu.vector_store_idx %scatter3A_659[%mul3A_35, %add3A_658], %gather3A_655 : memref<1x11520xi32, #tpu.memory_space<vmem>>[vector<16xi32>, vector<16xi32>], vector<16xi32>,
        %add3A_660 = arith.constant 16 : i32
        %add3A_661 = vector.broadcast %add3A_660 : i32 to vector<16xi32>
        %add3A_662 = arith.addi %add3A_535, %add3A_661 : vector<16xi32>
        %shift_right_logical3A_663 = arith.constant 7 : i32
        %shift_right_logical3A_664 = vector.broadcast %shift_right_logical3A_663 : i32 to vector<16xi32>
        %shift_right_logical3A_665 = arith.shrui %add3A_662, %shift_right_logical3A_664 : vector<16xi32>
        %and3A_666 = arith.constant 127 : i32
        %and3A_667 = vector.broadcast %and3A_666 : i32 to vector<16xi32>
        %and3A_668 = arith.andi %add3A_662, %and3A_667 : vector<16xi32>
        %gather3A_669 = tpu.memref_bitcast %arg4 : memref<320x128xi32, #tpu.memory_space<vmem>> -> memref<320x128xi32, #tpu.memory_space<vmem>>
        %gather3A_670 = tpu.vector_load_idx %gather3A_669[%shift_right_logical3A_665, %and3A_668] : memref<320x128xi32, #tpu.memory_space<vmem>>[vector<16xi32>, vector<16xi32>], vector<16xi32>,
        %add3A_671 = arith.constant 8 : i32
        %add3A_672 = vector.broadcast %add3A_671 : i32 to vector<16xi32>
        %add3A_673 = arith.addi %add3A_542, %add3A_672 : vector<16xi32>
        %scatter3A_674 = tpu.memref_bitcast %arg6 : memref<1x11520xi32, #tpu.memory_space<vmem>> -> memref<1x11520xi32, #tpu.memory_space<vmem>>
        tpu.vector_store_idx %scatter3A_674[%mul3A_35, %add3A_673], %gather3A_670 : memref<1x11520xi32, #tpu.memory_space<vmem>>[vector<16xi32>, vector<16xi32>], vector<16xi32>,
      }
      %while3A_198 = arith.constant 1 : i32
      scf.for %while3A_531 = %while3A_196 to %while3A_192 step %while3A_198  : i32 {
        %mul3A_532 = arith.constant 512 : i32
        %mul3A_533 = arith.muli %while3A_531, %mul3A_532 : i32
        %add3A_534 = vector.broadcast %mul3A_533 : i32 to vector<16xi32>
        %add3A_535 = arith.addi %add3A_534, %add3A_95 : vector<16xi32>
        %mul3A_536 = arith.constant 144 : i32
        %mul3A_537 = arith.muli %while3A_531, %mul3A_536 : i32
        %mul3A_538 = arith.constant 9 : i32
        %mul3A_539 = vector.broadcast %mul3A_538 : i32 to vector<16xi32>
        %mul3A_540 = arith.muli %iota3A, %mul3A_539 : vector<16xi32>
        %add3A_541 = vector.broadcast %mul3A_537 : i32 to vector<16xi32>
        %add3A_542 = arith.addi %add3A_541, %mul3A_540 : vector<16xi32>
        %add3A_543 = arith.constant 0 : i32
        %add3A_544 = vector.broadcast %add3A_543 : i32 to vector<16xi32>
        %add3A_545 = arith.addi %add3A_535, %add3A_544 : vector<16xi32>
        %shift_right_logical3A = arith.constant 7 : i32
        %shift_right_logical3A_546 = vector.broadcast %shift_right_logical3A : i32 to vector<16xi32>
        %shift_right_logical3A_547 = arith.shrui %add3A_545, %shift_right_logical3A_546 : vector<16xi32>
        %and3A_548 = arith.constant 127 : i32
        %and3A_549 = vector.broadcast %and3A_548 : i32 to vector<16xi32>
        %and3A_550 = arith.andi %add3A_545, %and3A_549 : vector<16xi32>
        %gather3A = tpu.memref_bitcast %arg4 : memref<320x128xi32, #tpu.memory_space<vmem>> -> memref<320x128xi32, #tpu.memory_space<vmem>>
        %gather3A_551 = tpu.vector_load_idx %gather3A[%shift_right_logical3A_547, %and3A_550] : memref<320x128xi32, #tpu.memory_space<vmem>>[vector<16xi32>, vector<16xi32>], vector<16xi32>,
        %add3A_552 = arith.constant 0 : i32
        %add3A_553 = vector.broadcast %add3A_552 : i32 to vector<16xi32>
        %add3A_554 = arith.addi %add3A_542, %add3A_553 : vector<16xi32>
        %scatter3A = tpu.memref_bitcast %arg6 : memref<1x11520xi32, #tpu.memory_space<vmem>> -> memref<1x11520xi32, #tpu.memory_space<vmem>>
        tpu.vector_store_idx %scatter3A[%mul3A_35, %add3A_554], %gather3A_551 : memref<1x11520xi32, #tpu.memory_space<vmem>>[vector<16xi32>, vector<16xi32>], vector<16xi32>,
        %add3A_555 = arith.constant 2 : i32
        %add3A_556 = vector.broadcast %add3A_555 : i32 to vector<16xi32>
        %add3A_557 = arith.addi %add3A_535, %add3A_556 : vector<16xi32>
        %shift_right_logical3A_558 = arith.constant 7 : i32
        %shift_right_logical3A_559 = vector.broadcast %shift_right_logical3A_558 : i32 to vector<16xi32>
        %shift_right_logical3A_560 = arith.shrui %add3A_557, %shift_right_logical3A_559 : vector<16xi32>
        %and3A_561 = arith.constant 127 : i32
        %and3A_562 = vector.broadcast %and3A_561 : i32 to vector<16xi32>
        %and3A_563 = arith.andi %add3A_557, %and3A_562 : vector<16xi32>
        %gather3A_564 = tpu.memref_bitcast %arg4 : memref<320x128xi32, #tpu.memory_space<vmem>> -> memref<320x128xi32, #tpu.memory_space<vmem>>
        %gather3A_565 = tpu.vector_load_idx %gather3A_564[%shift_right_logical3A_560, %and3A_563] : memref<320x128xi32, #tpu.memory_space<vmem>>[vector<16xi32>, vector<16xi32>], vector<16xi32>,
        %add3A_566 = arith.constant 1 : i32
        %add3A_567 = vector.broadcast %add3A_566 : i32 to vector<16xi32>
        %add3A_568 = arith.addi %add3A_542, %add3A_567 : vector<16xi32>
        %scatter3A_569 = tpu.memref_bitcast %arg6 : memref<1x11520xi32, #tpu.memory_space<vmem>> -> memref<1x11520xi32, #tpu.memory_space<vmem>>
        tpu.vector_store_idx %scatter3A_569[%mul3A_35, %add3A_568], %gather3A_565 : memref<1x11520xi32, #tpu.memory_space<vmem>>[vector<16xi32>, vector<16xi32>], vector<16xi32>,
        %add3A_570 = arith.constant 4 : i32
        %add3A_571 = vector.broadcast %add3A_570 : i32 to vector<16xi32>
        %add3A_572 = arith.addi %add3A_535, %add3A_571 : vector<16xi32>
        %shift_right_logical3A_573 = arith.constant 7 : i32
        %shift_right_logical3A_574 = vector.broadcast %shift_right_logical3A_573 : i32 to vector<16xi32>
        %shift_right_logical3A_575 = arith.shrui %add3A_572, %shift_right_logical3A_574 : vector<16xi32>
        %and3A_576 = arith.constant 127 : i32
        %and3A_577 = vector.broadcast %and3A_576 : i32 to vector<16xi32>
        %and3A_578 = arith.andi %add3A_572, %and3A_577 : vector<16xi32>
        %gather3A_579 = tpu.memref_bitcast %arg4 : memref<320x128xi32, #tpu.memory_space<vmem>> -> memref<320x128xi32, #tpu.memory_space<vmem>>
        %gather3A_580 = tpu.vector_load_idx %gather3A_579[%shift_right_logical3A_575, %and3A_578] : memref<320x128xi32, #tpu.memory_space<vmem>>[vector<16xi32>, vector<16xi32>], vector<16xi32>,
        %add3A_581 = arith.constant 2 : i32
        %add3A_582 = vector.broadcast %add3A_581 : i32 to vector<16xi32>
        %add3A_583 = arith.addi %add3A_542, %add3A_582 : vector<16xi32>
        %scatter3A_584 = tpu.memref_bitcast %arg6 : memref<1x11520xi32, #tpu.memory_space<vmem>> -> memref<1x11520xi32, #tpu.memory_space<vmem>>
        tpu.vector_store_idx %scatter3A_584[%mul3A_35, %add3A_583], %gather3A_580 : memref<1x11520xi32, #tpu.memory_space<vmem>>[vector<16xi32>, vector<16xi32>], vector<16xi32>,
        %add3A_585 = arith.constant 6 : i32
        %add3A_586 = vector.broadcast %add3A_585 : i32 to vector<16xi32>
        %add3A_587 = arith.addi %add3A_535, %add3A_586 : vector<16xi32>
        %shift_right_logical3A_588 = arith.constant 7 : i32
        %shift_right_logical3A_589 = vector.broadcast %shift_right_logical3A_588 : i32 to vector<16xi32>
        %shift_right_logical3A_590 = arith.shrui %add3A_587, %shift_right_logical3A_589 : vector<16xi32>
        %and3A_591 = arith.constant 127 : i32
        %and3A_592 = vector.broadcast %and3A_591 : i32 to vector<16xi32>
        %and3A_593 = arith.andi %add3A_587, %and3A_592 : vector<16xi32>
        %gather3A_594 = tpu.memref_bitcast %arg4 : memref<320x128xi32, #tpu.memory_space<vmem>> -> memref<320x128xi32, #tpu.memory_space<vmem>>
        %gather3A_595 = tpu.vector_load_idx %gather3A_594[%shift_right_logical3A_590, %and3A_593] : memref<320x128xi32, #tpu.memory_space<vmem>>[vector<16xi32>, vector<16xi32>], vector<16xi32>,
        %add3A_596 = arith.constant 3 : i32
        %add3A_597 = vector.broadcast %add3A_596 : i32 to vector<16xi32>
        %add3A_598 = arith.addi %add3A_542, %add3A_597 : vector<16xi32>
        %scatter3A_599 = tpu.memref_bitcast %arg6 : memref<1x11520xi32, #tpu.memory_space<vmem>> -> memref<1x11520xi32, #tpu.memory_space<vmem>>
        tpu.vector_store_idx %scatter3A_599[%mul3A_35, %add3A_598], %gather3A_595 : memref<1x11520xi32, #tpu.memory_space<vmem>>[vector<16xi32>, vector<16xi32>], vector<16xi32>,
        %add3A_600 = arith.constant 8 : i32
        %add3A_601 = vector.broadcast %add3A_600 : i32 to vector<16xi32>
        %add3A_602 = arith.addi %add3A_535, %add3A_601 : vector<16xi32>
        %shift_right_logical3A_603 = arith.constant 7 : i32
        %shift_right_logical3A_604 = vector.broadcast %shift_right_logical3A_603 : i32 to vector<16xi32>
        %shift_right_logical3A_605 = arith.shrui %add3A_602, %shift_right_logical3A_604 : vector<16xi32>
        %and3A_606 = arith.constant 127 : i32
        %and3A_607 = vector.broadcast %and3A_606 : i32 to vector<16xi32>
        %and3A_608 = arith.andi %add3A_602, %and3A_607 : vector<16xi32>
        %gather3A_609 = tpu.memref_bitcast %arg4 : memref<320x128xi32, #tpu.memory_space<vmem>> -> memref<320x128xi32, #tpu.memory_space<vmem>>
        %gather3A_610 = tpu.vector_load_idx %gather3A_609[%shift_right_logical3A_605, %and3A_608] : memref<320x128xi32, #tpu.memory_space<vmem>>[vector<16xi32>, vector<16xi32>], vector<16xi32>,
        %add3A_611 = arith.constant 4 : i32
        %add3A_612 = vector.broadcast %add3A_611 : i32 to vector<16xi32>
        %add3A_613 = arith.addi %add3A_542, %add3A_612 : vector<16xi32>
        %scatter3A_614 = tpu.memref_bitcast %arg6 : memref<1x11520xi32, #tpu.memory_space<vmem>> -> memref<1x11520xi32, #tpu.memory_space<vmem>>
        tpu.vector_store_idx %scatter3A_614[%mul3A_35, %add3A_613], %gather3A_610 : memref<1x11520xi32, #tpu.memory_space<vmem>>[vector<16xi32>, vector<16xi32>], vector<16xi32>,
        %add3A_615 = arith.constant 10 : i32
        %add3A_616 = vector.broadcast %add3A_615 : i32 to vector<16xi32>
        %add3A_617 = arith.addi %add3A_535, %add3A_616 : vector<16xi32>
        %shift_right_logical3A_618 = arith.constant 7 : i32
        %shift_right_logical3A_619 = vector.broadcast %shift_right_logical3A_618 : i32 to vector<16xi32>
        %shift_right_logical3A_620 = arith.shrui %add3A_617, %shift_right_logical3A_619 : vector<16xi32>
        %and3A_621 = arith.constant 127 : i32
        %and3A_622 = vector.broadcast %and3A_621 : i32 to vector<16xi32>
        %and3A_623 = arith.andi %add3A_617, %and3A_622 : vector<16xi32>
        %gather3A_624 = tpu.memref_bitcast %arg4 : memref<320x128xi32, #tpu.memory_space<vmem>> -> memref<320x128xi32, #tpu.memory_space<vmem>>
        %gather3A_625 = tpu.vector_load_idx %gather3A_624[%shift_right_logical3A_620, %and3A_623] : memref<320x128xi32, #tpu.memory_space<vmem>>[vector<16xi32>, vector<16xi32>], vector<16xi32>,
        %add3A_626 = arith.constant 5 : i32
        %add3A_627 = vector.broadcast %add3A_626 : i32 to vector<16xi32>
        %add3A_628 = arith.addi %add3A_542, %add3A_627 : vector<16xi32>
        %scatter3A_629 = tpu.memref_bitcast %arg6 : memref<1x11520xi32, #tpu.memory_space<vmem>> -> memref<1x11520xi32, #tpu.memory_space<vmem>>
        tpu.vector_store_idx %scatter3A_629[%mul3A_35, %add3A_628], %gather3A_625 : memref<1x11520xi32, #tpu.memory_space<vmem>>[vector<16xi32>, vector<16xi32>], vector<16xi32>,
        %add3A_630 = arith.constant 12 : i32
        %add3A_631 = vector.broadcast %add3A_630 : i32 to vector<16xi32>
        %add3A_632 = arith.addi %add3A_535, %add3A_631 : vector<16xi32>
        %shift_right_logical3A_633 = arith.constant 7 : i32
        %shift_right_logical3A_634 = vector.broadcast %shift_right_logical3A_633 : i32 to vector<16xi32>
        %shift_right_logical3A_635 = arith.shrui %add3A_632, %shift_right_logical3A_634 : vector<16xi32>
        %and3A_636 = arith.constant 127 : i32
        %and3A_637 = vector.broadcast %and3A_636 : i32 to vector<16xi32>
        %and3A_638 = arith.andi %add3A_632, %and3A_637 : vector<16xi32>
        %gather3A_639 = tpu.memref_bitcast %arg4 : memref<320x128xi32, #tpu.memory_space<vmem>> -> memref<320x128xi32, #tpu.memory_space<vmem>>
        %gather3A_640 = tpu.vector_load_idx %gather3A_639[%shift_right_logical3A_635, %and3A_638] : memref<320x128xi32, #tpu.memory_space<vmem>>[vector<16xi32>, vector<16xi32>], vector<16xi32>,
        %add3A_641 = arith.constant 6 : i32
        %add3A_642 = vector.broadcast %add3A_641 : i32 to vector<16xi32>
        %add3A_643 = arith.addi %add3A_542, %add3A_642 : vector<16xi32>
        %scatter3A_644 = tpu.memref_bitcast %arg6 : memref<1x11520xi32, #tpu.memory_space<vmem>> -> memref<1x11520xi32, #tpu.memory_space<vmem>>
        tpu.vector_store_idx %scatter3A_644[%mul3A_35, %add3A_643], %gather3A_640 : memref<1x11520xi32, #tpu.memory_space<vmem>>[vector<16xi32>, vector<16xi32>], vector<16xi32>,
        %add3A_645 = arith.constant 14 : i32
        %add3A_646 = vector.broadcast %add3A_645 : i32 to vector<16xi32>
        %add3A_647 = arith.addi %add3A_535, %add3A_646 : vector<16xi32>
        %shift_right_logical3A_648 = arith.constant 7 : i32
        %shift_right_logical3A_649 = vector.broadcast %shift_right_logical3A_648 : i32 to vector<16xi32>
        %shift_right_logical3A_650 = arith.shrui %add3A_647, %shift_right_logical3A_649 : vector<16xi32>
        %and3A_651 = arith.constant 127 : i32
        %and3A_652 = vector.broadcast %and3A_651 : i32 to vector<16xi32>
        %and3A_653 = arith.andi %add3A_647, %and3A_652 : vector<16xi32>
        %gather3A_654 = tpu.memref_bitcast %arg4 : memref<320x128xi32, #tpu.memory_space<vmem>> -> memref<320x128xi32, #tpu.memory_space<vmem>>
        %gather3A_655 = tpu.vector_load_idx %gather3A_654[%shift_right_logical3A_650, %and3A_653] : memref<320x128xi32, #tpu.memory_space<vmem>>[vector<16xi32>, vector<16xi32>], vector<16xi32>,
        %add3A_656 = arith.constant 7 : i32
        %add3A_657 = vector.broadcast %add3A_656 : i32 to vector<16xi32>
        %add3A_658 = arith.addi %add3A_542, %add3A_657 : vector<16xi32>
        %scatter3A_659 = tpu.memref_bitcast %arg6 : memref<1x11520xi32, #tpu.memory_space<vmem>> -> memref<1x11520xi32, #tpu.memory_space<vmem>>
        tpu.vector_store_idx %scatter3A_659[%mul3A_35, %add3A_658], %gather3A_655 : memref<1x11520xi32, #tpu.memory_space<vmem>>[vector<16xi32>, vector<16xi32>], vector<16xi32>,
        %add3A_660 = arith.constant 16 : i32
        %add3A_661 = vector.broadcast %add3A_660 : i32 to vector<16xi32>
        %add3A_662 = arith.addi %add3A_535, %add3A_661 : vector<16xi32>
        %shift_right_logical3A_663 = arith.constant 7 : i32
        %shift_right_logical3A_664 = vector.broadcast %shift_right_logical3A_663 : i32 to vector<16xi32>
        %shift_right_logical3A_665 = arith.shrui %add3A_662, %shift_right_logical3A_664 : vector<16xi32>
        %and3A_666 = arith.constant 127 : i32
        %and3A_667 = vector.broadcast %and3A_666 : i32 to vector<16xi32>
        %and3A_668 = arith.andi %add3A_662, %and3A_667 : vector<16xi32>
        %gather3A_669 = tpu.memref_bitcast %arg4 : memref<320x128xi32, #tpu.memory_space<vmem>> -> memref<320x128xi32, #tpu.memory_space<vmem>>
        %gather3A_670 = tpu.vector_load_idx %gather3A_669[%shift_right_logical3A_665, %and3A_668] : memref<320x128xi32, #tpu.memory_space<vmem>>[vector<16xi32>, vector<16xi32>], vector<16xi32>,
        %add3A_671 = arith.constant 8 : i32
        %add3A_672 = vector.broadcast %add3A_671 : i32 to vector<16xi32>
        %add3A_673 = arith.addi %add3A_542, %add3A_672 : vector<16xi32>
        %scatter3A_674 = tpu.memref_bitcast %arg6 : memref<1x11520xi32, #tpu.memory_space<vmem>> -> memref<1x11520xi32, #tpu.memory_space<vmem>>
        tpu.vector_store_idx %scatter3A_674[%mul3A_35, %add3A_673], %gather3A_670 : memref<1x11520xi32, #tpu.memory_space<vmem>>[vector<16xi32>, vector<16xi32>], vector<16xi32>,
      }
      %add3A_199 = arith.constant 0 : i32
      %add3A_200 = arith.addi %mul3A_32, %add3A_199 : i32
      %mul3A_201 = arith.constant 9 : i32
      %mul3A_202 = arith.muli %add3A_200, %mul3A_201 : i32
      %dma_start3A_203 = arith.constant 0 : i32
      %dma_start3A_204 = arith.constant 0 : i32
      %dma_start3A_205 = tpu.memref_slice %arg6[%dma_start3A_203, %dma_start3A_204] : memref<1x11520xi32, #tpu.memory_space<vmem>> -> memref<1x11520xi32, #tpu.memory_space<vmem>>
      %dma_start3A_206 = tpu.memref_squeeze %dma_start3A_205 : memref<1x11520xi32, #tpu.memory_space<vmem>> -> memref<11520xi32, #tpu.memory_space<vmem>>
      %dma_start3A_207 = tpu.memref_slice %arg3[%select_n3A_9, %mul3A_202] : memref<2x900000xi32, #tpu.memory_space<hbm>> -> memref<1x11520xi32, #tpu.memory_space<hbm>>
      %dma_start3A_208 = tpu.memref_squeeze %dma_start3A_207 : memref<1x11520xi32, #tpu.memory_space<hbm>> -> memref<11520xi32, #tpu.memory_space<hbm>>
      %dma_start3A_209 = tpu.memref_slice %arg3[%select_n3A_9, %mul3A_202] : memref<2x900000xi32, #tpu.memory_space<hbm>> -> memref<1x11520xi32, #tpu.memory_space<hbm>>
      %dma_start3A_210 = tpu.memref_squeeze %dma_start3A_209 : memref<1x11520xi32, #tpu.memory_space<hbm>> -> memref<11520xi32, #tpu.memory_space<hbm>>
      %dma_start3A_211 = arith.constant 0 : i32
      %dma_start3A_212 = tpu.memref_slice %arg6[%dma_start3A_203, %dma_start3A_211] : memref<1x11520xi32, #tpu.memory_space<vmem>> -> memref<1x11520xi32, #tpu.memory_space<vmem>>
      %dma_start3A_213 = tpu.memref_squeeze %dma_start3A_212 : memref<1x11520xi32, #tpu.memory_space<vmem>> -> memref<11520xi32, #tpu.memory_space<vmem>>
      tpu.enqueue_dma source(%dma_start3A_213 : memref<11520xi32, #tpu.memory_space<vmem>>) target(%dma_start3A_210 : memref<11520xi32, #tpu.memory_space<hbm>>) target_semaphore(%arg10 : memref<!tpu.dma_semaphore, #tpu.memory_space<semaphore_mem>>)
      %add3A_214 = arith.constant 2560 : i32
      %add3A_215 = arith.addi %mul3A_32, %add3A_214 : i32
      %jit3A_216 = arith.constant 4 : i32
      %div3A_217 = arith.divsi %add3A_215, %jit3A_216 : i32
      %sign3A_218 = arith.constant 0 : i32
      %sign3A_219 = arith.cmpi sgt, %add3A_215, %sign3A_218 : i32
      %sign3A_220 = arith.extui %sign3A_219 : i1 to i32
      %sign3A_221 = arith.constant 0 : i32
      %sign3A_222 = arith.cmpi slt, %add3A_215, %sign3A_221 : i32
      %sign3A_223 = arith.extui %sign3A_222 : i1 to i32
      %sign3A_224 = arith.subi %sign3A_220, %sign3A_223 : i32
      %sign3A_225 = arith.constant 0 : i32
      %sign3A_226 = arith.cmpi sgt, %jit3A_216, %sign3A_225 : i32
      %sign3A_227 = arith.extui %sign3A_226 : i1 to i32
      %sign3A_228 = arith.constant 0 : i32
      %sign3A_229 = arith.cmpi slt, %jit3A_216, %sign3A_228 : i32
      %sign3A_230 = arith.extui %sign3A_229 : i1 to i32
      %sign3A_231 = arith.subi %sign3A_227, %sign3A_230 : i32
      %ne3A_232 = arith.cmpi ne, %sign3A_224, %sign3A_231 : i32
      %rem3A_233 = arith.remsi %add3A_215, %jit3A_216 : i32
      %ne3A_234 = arith.constant 0 : i32
      %ne3A_235 = arith.cmpi ne, %rem3A_233, %ne3A_234 : i32
      %and3A_236 = arith.andi %ne3A_232, %ne3A_235 : i1
      %sub3A_237 = arith.constant 1 : i32
      %sub3A_238 = arith.subi %div3A_217, %sub3A_237 : i32
      %select_n3A_239 = arith.select %and3A_236, %sub3A_238, %div3A_217 : i32
      %dma_start3A_240 = arith.constant 0 : i32
      %dma_start3A_241 = arith.constant 0 : i32
      %dma_start3A_242 = tpu.memref_slice %arg4[%dma_start3A_240, %dma_start3A_241] : memref<320x128xi32, #tpu.memory_space<vmem>> -> memref<320x128xi32, #tpu.memory_space<vmem>>
      %dma_start3A_243 = arith.constant 0 : i32
      %dma_start3A_244 = tpu.memref_slice %arg2[%select_n3A_239, %select_n3A_9, %dma_start3A_243] : memref<25000x2x128xi32, #tpu.memory_space<hbm>> -> memref<320x1x128xi32, #tpu.memory_space<hbm>>
      %dma_start3A_245 = tpu.memref_squeeze %dma_start3A_244 : memref<320x1x128xi32, #tpu.memory_space<hbm>> -> memref<320x128xi32, #tpu.memory_space<hbm>>
      %dma_start3A_246 = arith.constant 0 : i32
      %dma_start3A_247 = arith.constant 0 : i32
      %dma_start3A_248 = tpu.memref_slice %arg4[%dma_start3A_246, %dma_start3A_247] : memref<320x128xi32, #tpu.memory_space<vmem>> -> memref<320x128xi32, #tpu.memory_space<vmem>>
      %dma_start3A_249 = arith.constant 0 : i32
      %dma_start3A_250 = tpu.memref_slice %arg2[%select_n3A_239, %select_n3A_9, %dma_start3A_249] : memref<25000x2x128xi32, #tpu.memory_space<hbm>> -> memref<320x1x128xi32, #tpu.memory_space<hbm>>
      %dma_start3A_251 = tpu.memref_squeeze %dma_start3A_250 : memref<320x1x128xi32, #tpu.memory_space<hbm>> -> memref<320x128xi32, #tpu.memory_space<hbm>>
      tpu.enqueue_dma source(%dma_start3A_251 : memref<320x128xi32, #tpu.memory_space<hbm>>) target(%dma_start3A_248 : memref<320x128xi32, #tpu.memory_space<vmem>>) target_semaphore(%arg8 : memref<!tpu.dma_semaphore, #tpu.memory_space<semaphore_mem>>)
      %dma_wait3A_252 = arith.constant 0 : i32
      %dma_wait3A_253 = arith.constant 0 : i32
      %dma_wait3A_254 = tpu.memref_slice %arg5[%dma_wait3A_252, %dma_wait3A_253] : memref<320x128xi32, #tpu.memory_space<vmem>> -> memref<320x128xi32, #tpu.memory_space<vmem>>
      %dma_wait3A_255 = arith.constant 0 : i32
      %dma_wait3A_256 = tpu.memref_slice %arg2[%select_n3A_166, %select_n3A_9, %dma_wait3A_255] : memref<25000x2x128xi32, #tpu.memory_space<hbm>> -> memref<320x1x128xi32, #tpu.memory_space<hbm>>
      %dma_wait3A_257 = tpu.memref_squeeze %dma_wait3A_256 : memref<320x1x128xi32, #tpu.memory_space<hbm>> -> memref<320x128xi32, #tpu.memory_space<hbm>>
      %dma_wait3A_258 = arith.constant 0 : i32
      %dma_wait3A_259 = arith.constant 0 : i32
      %dma_wait3A_260 = tpu.memref_slice %arg5[%dma_wait3A_258, %dma_wait3A_259] : memref<320x128xi32, #tpu.memory_space<vmem>> -> memref<320x128xi32, #tpu.memory_space<vmem>>
      %dma_wait3A_261 = arith.constant 0 : i32
      %dma_wait3A_262 = tpu.memref_slice %arg2[%select_n3A_166, %select_n3A_9, %dma_wait3A_261] : memref<25000x2x128xi32, #tpu.memory_space<hbm>> -> memref<320x1x128xi32, #tpu.memory_space<hbm>>
      %dma_wait3A_263 = tpu.memref_squeeze %dma_wait3A_262 : memref<320x1x128xi32, #tpu.memory_space<hbm>> -> memref<320x128xi32, #tpu.memory_space<hbm>>
      tpu.wait_dma2 semaphore(%arg9 : memref<!tpu.dma_semaphore, #tpu.memory_space<semaphore_mem>>) src(%dma_wait3A_263 : memref<320x128xi32, #tpu.memory_space<hbm>>) dst(%dma_wait3A_260 : memref<320x128xi32, #tpu.memory_space<vmem>>)
      %while3A_264 = arith.constant 0 : i32
      %while3A_265 = arith.constant 80 : i32
      %while3A_266 = arith.subi %while3A_265, %while3A_264 : i32
      %while3A_267 = arith.addi %while3A_264, %while3A_266 : i32
      %while3A_268 = arith.constant 1 : i32
      %while3A_269 = arith.divsi %while3A_266, %while3A_268 : i32
      %while3A_270 = arith.muli %while3A_269, %while3A_268 : i32
      %while3A_271 = arith.addi %while3A_264, %while3A_270 : i32
      %while3A_272 = arith.constant 1 : i32
      scf.for %while3A_531 = %while3A_264 to %while3A_271 step %while3A_272  : i32 {
        %mul3A_532 = arith.constant 512 : i32
        %mul3A_533 = arith.muli %while3A_531, %mul3A_532 : i32
        %add3A_534 = vector.broadcast %mul3A_533 : i32 to vector<16xi32>
        %add3A_535 = arith.addi %add3A_534, %add3A_95 : vector<16xi32>
        %mul3A_536 = arith.constant 144 : i32
        %mul3A_537 = arith.muli %while3A_531, %mul3A_536 : i32
        %mul3A_538 = arith.constant 9 : i32
        %mul3A_539 = vector.broadcast %mul3A_538 : i32 to vector<16xi32>
        %mul3A_540 = arith.muli %iota3A, %mul3A_539 : vector<16xi32>
        %add3A_541 = vector.broadcast %mul3A_537 : i32 to vector<16xi32>
        %add3A_542 = arith.addi %add3A_541, %mul3A_540 : vector<16xi32>
        %add3A_543 = arith.constant 0 : i32
        %add3A_544 = vector.broadcast %add3A_543 : i32 to vector<16xi32>
        %add3A_545 = arith.addi %add3A_535, %add3A_544 : vector<16xi32>
        %shift_right_logical3A = arith.constant 7 : i32
        %shift_right_logical3A_546 = vector.broadcast %shift_right_logical3A : i32 to vector<16xi32>
        %shift_right_logical3A_547 = arith.shrui %add3A_545, %shift_right_logical3A_546 : vector<16xi32>
        %and3A_548 = arith.constant 127 : i32
        %and3A_549 = vector.broadcast %and3A_548 : i32 to vector<16xi32>
        %and3A_550 = arith.andi %add3A_545, %and3A_549 : vector<16xi32>
        %gather3A = tpu.memref_bitcast %arg5 : memref<320x128xi32, #tpu.memory_space<vmem>> -> memref<320x128xi32, #tpu.memory_space<vmem>>
        %gather3A_551 = tpu.vector_load_idx %gather3A[%shift_right_logical3A_547, %and3A_550] : memref<320x128xi32, #tpu.memory_space<vmem>>[vector<16xi32>, vector<16xi32>], vector<16xi32>,
        %add3A_552 = arith.constant 0 : i32
        %add3A_553 = vector.broadcast %add3A_552 : i32 to vector<16xi32>
        %add3A_554 = arith.addi %add3A_542, %add3A_553 : vector<16xi32>
        %scatter3A = tpu.memref_bitcast %arg7 : memref<1x11520xi32, #tpu.memory_space<vmem>> -> memref<1x11520xi32, #tpu.memory_space<vmem>>
        tpu.vector_store_idx %scatter3A[%mul3A_35, %add3A_554], %gather3A_551 : memref<1x11520xi32, #tpu.memory_space<vmem>>[vector<16xi32>, vector<16xi32>], vector<16xi32>,
        %add3A_555 = arith.constant 2 : i32
        %add3A_556 = vector.broadcast %add3A_555 : i32 to vector<16xi32>
        %add3A_557 = arith.addi %add3A_535, %add3A_556 : vector<16xi32>
        %shift_right_logical3A_558 = arith.constant 7 : i32
        %shift_right_logical3A_559 = vector.broadcast %shift_right_logical3A_558 : i32 to vector<16xi32>
        %shift_right_logical3A_560 = arith.shrui %add3A_557, %shift_right_logical3A_559 : vector<16xi32>
        %and3A_561 = arith.constant 127 : i32
        %and3A_562 = vector.broadcast %and3A_561 : i32 to vector<16xi32>
        %and3A_563 = arith.andi %add3A_557, %and3A_562 : vector<16xi32>
        %gather3A_564 = tpu.memref_bitcast %arg5 : memref<320x128xi32, #tpu.memory_space<vmem>> -> memref<320x128xi32, #tpu.memory_space<vmem>>
        %gather3A_565 = tpu.vector_load_idx %gather3A_564[%shift_right_logical3A_560, %and3A_563] : memref<320x128xi32, #tpu.memory_space<vmem>>[vector<16xi32>, vector<16xi32>], vector<16xi32>,
        %add3A_566 = arith.constant 1 : i32
        %add3A_567 = vector.broadcast %add3A_566 : i32 to vector<16xi32>
        %add3A_568 = arith.addi %add3A_542, %add3A_567 : vector<16xi32>
        %scatter3A_569 = tpu.memref_bitcast %arg7 : memref<1x11520xi32, #tpu.memory_space<vmem>> -> memref<1x11520xi32, #tpu.memory_space<vmem>>
        tpu.vector_store_idx %scatter3A_569[%mul3A_35, %add3A_568], %gather3A_565 : memref<1x11520xi32, #tpu.memory_space<vmem>>[vector<16xi32>, vector<16xi32>], vector<16xi32>,
        %add3A_570 = arith.constant 4 : i32
        %add3A_571 = vector.broadcast %add3A_570 : i32 to vector<16xi32>
        %add3A_572 = arith.addi %add3A_535, %add3A_571 : vector<16xi32>
        %shift_right_logical3A_573 = arith.constant 7 : i32
        %shift_right_logical3A_574 = vector.broadcast %shift_right_logical3A_573 : i32 to vector<16xi32>
        %shift_right_logical3A_575 = arith.shrui %add3A_572, %shift_right_logical3A_574 : vector<16xi32>
        %and3A_576 = arith.constant 127 : i32
        %and3A_577 = vector.broadcast %and3A_576 : i32 to vector<16xi32>
        %and3A_578 = arith.andi %add3A_572, %and3A_577 : vector<16xi32>
        %gather3A_579 = tpu.memref_bitcast %arg5 : memref<320x128xi32, #tpu.memory_space<vmem>> -> memref<320x128xi32, #tpu.memory_space<vmem>>
        %gather3A_580 = tpu.vector_load_idx %gather3A_579[%shift_right_logical3A_575, %and3A_578] : memref<320x128xi32, #tpu.memory_space<vmem>>[vector<16xi32>, vector<16xi32>], vector<16xi32>,
        %add3A_581 = arith.constant 2 : i32
        %add3A_582 = vector.broadcast %add3A_581 : i32 to vector<16xi32>
        %add3A_583 = arith.addi %add3A_542, %add3A_582 : vector<16xi32>
        %scatter3A_584 = tpu.memref_bitcast %arg7 : memref<1x11520xi32, #tpu.memory_space<vmem>> -> memref<1x11520xi32, #tpu.memory_space<vmem>>
        tpu.vector_store_idx %scatter3A_584[%mul3A_35, %add3A_583], %gather3A_580 : memref<1x11520xi32, #tpu.memory_space<vmem>>[vector<16xi32>, vector<16xi32>], vector<16xi32>,
        %add3A_585 = arith.constant 6 : i32
        %add3A_586 = vector.broadcast %add3A_585 : i32 to vector<16xi32>
        %add3A_587 = arith.addi %add3A_535, %add3A_586 : vector<16xi32>
        %shift_right_logical3A_588 = arith.constant 7 : i32
        %shift_right_logical3A_589 = vector.broadcast %shift_right_logical3A_588 : i32 to vector<16xi32>
        %shift_right_logical3A_590 = arith.shrui %add3A_587, %shift_right_logical3A_589 : vector<16xi32>
        %and3A_591 = arith.constant 127 : i32
        %and3A_592 = vector.broadcast %and3A_591 : i32 to vector<16xi32>
        %and3A_593 = arith.andi %add3A_587, %and3A_592 : vector<16xi32>
        %gather3A_594 = tpu.memref_bitcast %arg5 : memref<320x128xi32, #tpu.memory_space<vmem>> -> memref<320x128xi32, #tpu.memory_space<vmem>>
        %gather3A_595 = tpu.vector_load_idx %gather3A_594[%shift_right_logical3A_590, %and3A_593] : memref<320x128xi32, #tpu.memory_space<vmem>>[vector<16xi32>, vector<16xi32>], vector<16xi32>,
        %add3A_596 = arith.constant 3 : i32
        %add3A_597 = vector.broadcast %add3A_596 : i32 to vector<16xi32>
        %add3A_598 = arith.addi %add3A_542, %add3A_597 : vector<16xi32>
        %scatter3A_599 = tpu.memref_bitcast %arg7 : memref<1x11520xi32, #tpu.memory_space<vmem>> -> memref<1x11520xi32, #tpu.memory_space<vmem>>
        tpu.vector_store_idx %scatter3A_599[%mul3A_35, %add3A_598], %gather3A_595 : memref<1x11520xi32, #tpu.memory_space<vmem>>[vector<16xi32>, vector<16xi32>], vector<16xi32>,
        %add3A_600 = arith.constant 8 : i32
        %add3A_601 = vector.broadcast %add3A_600 : i32 to vector<16xi32>
        %add3A_602 = arith.addi %add3A_535, %add3A_601 : vector<16xi32>
        %shift_right_logical3A_603 = arith.constant 7 : i32
        %shift_right_logical3A_604 = vector.broadcast %shift_right_logical3A_603 : i32 to vector<16xi32>
        %shift_right_logical3A_605 = arith.shrui %add3A_602, %shift_right_logical3A_604 : vector<16xi32>
        %and3A_606 = arith.constant 127 : i32
        %and3A_607 = vector.broadcast %and3A_606 : i32 to vector<16xi32>
        %and3A_608 = arith.andi %add3A_602, %and3A_607 : vector<16xi32>
        %gather3A_609 = tpu.memref_bitcast %arg5 : memref<320x128xi32, #tpu.memory_space<vmem>> -> memref<320x128xi32, #tpu.memory_space<vmem>>
        %gather3A_610 = tpu.vector_load_idx %gather3A_609[%shift_right_logical3A_605, %and3A_608] : memref<320x128xi32, #tpu.memory_space<vmem>>[vector<16xi32>, vector<16xi32>], vector<16xi32>,
        %add3A_611 = arith.constant 4 : i32
        %add3A_612 = vector.broadcast %add3A_611 : i32 to vector<16xi32>
        %add3A_613 = arith.addi %add3A_542, %add3A_612 : vector<16xi32>
        %scatter3A_614 = tpu.memref_bitcast %arg7 : memref<1x11520xi32, #tpu.memory_space<vmem>> -> memref<1x11520xi32, #tpu.memory_space<vmem>>
        tpu.vector_store_idx %scatter3A_614[%mul3A_35, %add3A_613], %gather3A_610 : memref<1x11520xi32, #tpu.memory_space<vmem>>[vector<16xi32>, vector<16xi32>], vector<16xi32>,
        %add3A_615 = arith.constant 10 : i32
        %add3A_616 = vector.broadcast %add3A_615 : i32 to vector<16xi32>
        %add3A_617 = arith.addi %add3A_535, %add3A_616 : vector<16xi32>
        %shift_right_logical3A_618 = arith.constant 7 : i32
        %shift_right_logical3A_619 = vector.broadcast %shift_right_logical3A_618 : i32 to vector<16xi32>
        %shift_right_logical3A_620 = arith.shrui %add3A_617, %shift_right_logical3A_619 : vector<16xi32>
        %and3A_621 = arith.constant 127 : i32
        %and3A_622 = vector.broadcast %and3A_621 : i32 to vector<16xi32>
        %and3A_623 = arith.andi %add3A_617, %and3A_622 : vector<16xi32>
        %gather3A_624 = tpu.memref_bitcast %arg5 : memref<320x128xi32, #tpu.memory_space<vmem>> -> memref<320x128xi32, #tpu.memory_space<vmem>>
        %gather3A_625 = tpu.vector_load_idx %gather3A_624[%shift_right_logical3A_620, %and3A_623] : memref<320x128xi32, #tpu.memory_space<vmem>>[vector<16xi32>, vector<16xi32>], vector<16xi32>,
        %add3A_626 = arith.constant 5 : i32
        %add3A_627 = vector.broadcast %add3A_626 : i32 to vector<16xi32>
        %add3A_628 = arith.addi %add3A_542, %add3A_627 : vector<16xi32>
        %scatter3A_629 = tpu.memref_bitcast %arg7 : memref<1x11520xi32, #tpu.memory_space<vmem>> -> memref<1x11520xi32, #tpu.memory_space<vmem>>
        tpu.vector_store_idx %scatter3A_629[%mul3A_35, %add3A_628], %gather3A_625 : memref<1x11520xi32, #tpu.memory_space<vmem>>[vector<16xi32>, vector<16xi32>], vector<16xi32>,
        %add3A_630 = arith.constant 12 : i32
        %add3A_631 = vector.broadcast %add3A_630 : i32 to vector<16xi32>
        %add3A_632 = arith.addi %add3A_535, %add3A_631 : vector<16xi32>
        %shift_right_logical3A_633 = arith.constant 7 : i32
        %shift_right_logical3A_634 = vector.broadcast %shift_right_logical3A_633 : i32 to vector<16xi32>
        %shift_right_logical3A_635 = arith.shrui %add3A_632, %shift_right_logical3A_634 : vector<16xi32>
        %and3A_636 = arith.constant 127 : i32
        %and3A_637 = vector.broadcast %and3A_636 : i32 to vector<16xi32>
        %and3A_638 = arith.andi %add3A_632, %and3A_637 : vector<16xi32>
        %gather3A_639 = tpu.memref_bitcast %arg5 : memref<320x128xi32, #tpu.memory_space<vmem>> -> memref<320x128xi32, #tpu.memory_space<vmem>>
        %gather3A_640 = tpu.vector_load_idx %gather3A_639[%shift_right_logical3A_635, %and3A_638] : memref<320x128xi32, #tpu.memory_space<vmem>>[vector<16xi32>, vector<16xi32>], vector<16xi32>,
        %add3A_641 = arith.constant 6 : i32
        %add3A_642 = vector.broadcast %add3A_641 : i32 to vector<16xi32>
        %add3A_643 = arith.addi %add3A_542, %add3A_642 : vector<16xi32>
        %scatter3A_644 = tpu.memref_bitcast %arg7 : memref<1x11520xi32, #tpu.memory_space<vmem>> -> memref<1x11520xi32, #tpu.memory_space<vmem>>
        tpu.vector_store_idx %scatter3A_644[%mul3A_35, %add3A_643], %gather3A_640 : memref<1x11520xi32, #tpu.memory_space<vmem>>[vector<16xi32>, vector<16xi32>], vector<16xi32>,
        %add3A_645 = arith.constant 14 : i32
        %add3A_646 = vector.broadcast %add3A_645 : i32 to vector<16xi32>
        %add3A_647 = arith.addi %add3A_535, %add3A_646 : vector<16xi32>
        %shift_right_logical3A_648 = arith.constant 7 : i32
        %shift_right_logical3A_649 = vector.broadcast %shift_right_logical3A_648 : i32 to vector<16xi32>
        %shift_right_logical3A_650 = arith.shrui %add3A_647, %shift_right_logical3A_649 : vector<16xi32>
        %and3A_651 = arith.constant 127 : i32
        %and3A_652 = vector.broadcast %and3A_651 : i32 to vector<16xi32>
        %and3A_653 = arith.andi %add3A_647, %and3A_652 : vector<16xi32>
        %gather3A_654 = tpu.memref_bitcast %arg5 : memref<320x128xi32, #tpu.memory_space<vmem>> -> memref<320x128xi32, #tpu.memory_space<vmem>>
        %gather3A_655 = tpu.vector_load_idx %gather3A_654[%shift_right_logical3A_650, %and3A_653] : memref<320x128xi32, #tpu.memory_space<vmem>>[vector<16xi32>, vector<16xi32>], vector<16xi32>,
        %add3A_656 = arith.constant 7 : i32
        %add3A_657 = vector.broadcast %add3A_656 : i32 to vector<16xi32>
        %add3A_658 = arith.addi %add3A_542, %add3A_657 : vector<16xi32>
        %scatter3A_659 = tpu.memref_bitcast %arg7 : memref<1x11520xi32, #tpu.memory_space<vmem>> -> memref<1x11520xi32, #tpu.memory_space<vmem>>
        tpu.vector_store_idx %scatter3A_659[%mul3A_35, %add3A_658], %gather3A_655 : memref<1x11520xi32, #tpu.memory_space<vmem>>[vector<16xi32>, vector<16xi32>], vector<16xi32>,
        %add3A_660 = arith.constant 16 : i32
        %add3A_661 = vector.broadcast %add3A_660 : i32 to vector<16xi32>
        %add3A_662 = arith.addi %add3A_535, %add3A_661 : vector<16xi32>
        %shift_right_logical3A_663 = arith.constant 7 : i32
        %shift_right_logical3A_664 = vector.broadcast %shift_right_logical3A_663 : i32 to vector<16xi32>
        %shift_right_logical3A_665 = arith.shrui %add3A_662, %shift_right_logical3A_664 : vector<16xi32>
        %and3A_666 = arith.constant 127 : i32
        %and3A_667 = vector.broadcast %and3A_666 : i32 to vector<16xi32>
        %and3A_668 = arith.andi %add3A_662, %and3A_667 : vector<16xi32>
        %gather3A_669 = tpu.memref_bitcast %arg5 : memref<320x128xi32, #tpu.memory_space<vmem>> -> memref<320x128xi32, #tpu.memory_space<vmem>>
        %gather3A_670 = tpu.vector_load_idx %gather3A_669[%shift_right_logical3A_665, %and3A_668] : memref<320x128xi32, #tpu.memory_space<vmem>>[vector<16xi32>, vector<16xi32>], vector<16xi32>,
        %add3A_671 = arith.constant 8 : i32
        %add3A_672 = vector.broadcast %add3A_671 : i32 to vector<16xi32>
        %add3A_673 = arith.addi %add3A_542, %add3A_672 : vector<16xi32>
        %scatter3A_674 = tpu.memref_bitcast %arg7 : memref<1x11520xi32, #tpu.memory_space<vmem>> -> memref<1x11520xi32, #tpu.memory_space<vmem>>
        tpu.vector_store_idx %scatter3A_674[%mul3A_35, %add3A_673], %gather3A_670 : memref<1x11520xi32, #tpu.memory_space<vmem>>[vector<16xi32>, vector<16xi32>], vector<16xi32>,
      }
      %while3A_273 = arith.constant 1 : i32
      scf.for %while3A_531 = %while3A_271 to %while3A_267 step %while3A_273  : i32 {
        %mul3A_532 = arith.constant 512 : i32
        %mul3A_533 = arith.muli %while3A_531, %mul3A_532 : i32
        %add3A_534 = vector.broadcast %mul3A_533 : i32 to vector<16xi32>
        %add3A_535 = arith.addi %add3A_534, %add3A_95 : vector<16xi32>
        %mul3A_536 = arith.constant 144 : i32
        %mul3A_537 = arith.muli %while3A_531, %mul3A_536 : i32
        %mul3A_538 = arith.constant 9 : i32
        %mul3A_539 = vector.broadcast %mul3A_538 : i32 to vector<16xi32>
        %mul3A_540 = arith.muli %iota3A, %mul3A_539 : vector<16xi32>
        %add3A_541 = vector.broadcast %mul3A_537 : i32 to vector<16xi32>
        %add3A_542 = arith.addi %add3A_541, %mul3A_540 : vector<16xi32>
        %add3A_543 = arith.constant 0 : i32
        %add3A_544 = vector.broadcast %add3A_543 : i32 to vector<16xi32>
        %add3A_545 = arith.addi %add3A_535, %add3A_544 : vector<16xi32>
        %shift_right_logical3A = arith.constant 7 : i32
        %shift_right_logical3A_546 = vector.broadcast %shift_right_logical3A : i32 to vector<16xi32>
        %shift_right_logical3A_547 = arith.shrui %add3A_545, %shift_right_logical3A_546 : vector<16xi32>
        %and3A_548 = arith.constant 127 : i32
        %and3A_549 = vector.broadcast %and3A_548 : i32 to vector<16xi32>
        %and3A_550 = arith.andi %add3A_545, %and3A_549 : vector<16xi32>
        %gather3A = tpu.memref_bitcast %arg5 : memref<320x128xi32, #tpu.memory_space<vmem>> -> memref<320x128xi32, #tpu.memory_space<vmem>>
        %gather3A_551 = tpu.vector_load_idx %gather3A[%shift_right_logical3A_547, %and3A_550] : memref<320x128xi32, #tpu.memory_space<vmem>>[vector<16xi32>, vector<16xi32>], vector<16xi32>,
        %add3A_552 = arith.constant 0 : i32
        %add3A_553 = vector.broadcast %add3A_552 : i32 to vector<16xi32>
        %add3A_554 = arith.addi %add3A_542, %add3A_553 : vector<16xi32>
        %scatter3A = tpu.memref_bitcast %arg7 : memref<1x11520xi32, #tpu.memory_space<vmem>> -> memref<1x11520xi32, #tpu.memory_space<vmem>>
        tpu.vector_store_idx %scatter3A[%mul3A_35, %add3A_554], %gather3A_551 : memref<1x11520xi32, #tpu.memory_space<vmem>>[vector<16xi32>, vector<16xi32>], vector<16xi32>,
        %add3A_555 = arith.constant 2 : i32
        %add3A_556 = vector.broadcast %add3A_555 : i32 to vector<16xi32>
        %add3A_557 = arith.addi %add3A_535, %add3A_556 : vector<16xi32>
        %shift_right_logical3A_558 = arith.constant 7 : i32
        %shift_right_logical3A_559 = vector.broadcast %shift_right_logical3A_558 : i32 to vector<16xi32>
        %shift_right_logical3A_560 = arith.shrui %add3A_557, %shift_right_logical3A_559 : vector<16xi32>
        %and3A_561 = arith.constant 127 : i32
        %and3A_562 = vector.broadcast %and3A_561 : i32 to vector<16xi32>
        %and3A_563 = arith.andi %add3A_557, %and3A_562 : vector<16xi32>
        %gather3A_564 = tpu.memref_bitcast %arg5 : memref<320x128xi32, #tpu.memory_space<vmem>> -> memref<320x128xi32, #tpu.memory_space<vmem>>
        %gather3A_565 = tpu.vector_load_idx %gather3A_564[%shift_right_logical3A_560, %and3A_563] : memref<320x128xi32, #tpu.memory_space<vmem>>[vector<16xi32>, vector<16xi32>], vector<16xi32>,
        %add3A_566 = arith.constant 1 : i32
        %add3A_567 = vector.broadcast %add3A_566 : i32 to vector<16xi32>
        %add3A_568 = arith.addi %add3A_542, %add3A_567 : vector<16xi32>
        %scatter3A_569 = tpu.memref_bitcast %arg7 : memref<1x11520xi32, #tpu.memory_space<vmem>> -> memref<1x11520xi32, #tpu.memory_space<vmem>>
        tpu.vector_store_idx %scatter3A_569[%mul3A_35, %add3A_568], %gather3A_565 : memref<1x11520xi32, #tpu.memory_space<vmem>>[vector<16xi32>, vector<16xi32>], vector<16xi32>,
        %add3A_570 = arith.constant 4 : i32
        %add3A_571 = vector.broadcast %add3A_570 : i32 to vector<16xi32>
        %add3A_572 = arith.addi %add3A_535, %add3A_571 : vector<16xi32>
        %shift_right_logical3A_573 = arith.constant 7 : i32
        %shift_right_logical3A_574 = vector.broadcast %shift_right_logical3A_573 : i32 to vector<16xi32>
        %shift_right_logical3A_575 = arith.shrui %add3A_572, %shift_right_logical3A_574 : vector<16xi32>
        %and3A_576 = arith.constant 127 : i32
        %and3A_577 = vector.broadcast %and3A_576 : i32 to vector<16xi32>
        %and3A_578 = arith.andi %add3A_572, %and3A_577 : vector<16xi32>
        %gather3A_579 = tpu.memref_bitcast %arg5 : memref<320x128xi32, #tpu.memory_space<vmem>> -> memref<320x128xi32, #tpu.memory_space<vmem>>
        %gather3A_580 = tpu.vector_load_idx %gather3A_579[%shift_right_logical3A_575, %and3A_578] : memref<320x128xi32, #tpu.memory_space<vmem>>[vector<16xi32>, vector<16xi32>], vector<16xi32>,
        %add3A_581 = arith.constant 2 : i32
        %add3A_582 = vector.broadcast %add3A_581 : i32 to vector<16xi32>
        %add3A_583 = arith.addi %add3A_542, %add3A_582 : vector<16xi32>
        %scatter3A_584 = tpu.memref_bitcast %arg7 : memref<1x11520xi32, #tpu.memory_space<vmem>> -> memref<1x11520xi32, #tpu.memory_space<vmem>>
        tpu.vector_store_idx %scatter3A_584[%mul3A_35, %add3A_583], %gather3A_580 : memref<1x11520xi32, #tpu.memory_space<vmem>>[vector<16xi32>, vector<16xi32>], vector<16xi32>,
        %add3A_585 = arith.constant 6 : i32
        %add3A_586 = vector.broadcast %add3A_585 : i32 to vector<16xi32>
        %add3A_587 = arith.addi %add3A_535, %add3A_586 : vector<16xi32>
        %shift_right_logical3A_588 = arith.constant 7 : i32
        %shift_right_logical3A_589 = vector.broadcast %shift_right_logical3A_588 : i32 to vector<16xi32>
        %shift_right_logical3A_590 = arith.shrui %add3A_587, %shift_right_logical3A_589 : vector<16xi32>
        %and3A_591 = arith.constant 127 : i32
        %and3A_592 = vector.broadcast %and3A_591 : i32 to vector<16xi32>
        %and3A_593 = arith.andi %add3A_587, %and3A_592 : vector<16xi32>
        %gather3A_594 = tpu.memref_bitcast %arg5 : memref<320x128xi32, #tpu.memory_space<vmem>> -> memref<320x128xi32, #tpu.memory_space<vmem>>
        %gather3A_595 = tpu.vector_load_idx %gather3A_594[%shift_right_logical3A_590, %and3A_593] : memref<320x128xi32, #tpu.memory_space<vmem>>[vector<16xi32>, vector<16xi32>], vector<16xi32>,
        %add3A_596 = arith.constant 3 : i32
        %add3A_597 = vector.broadcast %add3A_596 : i32 to vector<16xi32>
        %add3A_598 = arith.addi %add3A_542, %add3A_597 : vector<16xi32>
        %scatter3A_599 = tpu.memref_bitcast %arg7 : memref<1x11520xi32, #tpu.memory_space<vmem>> -> memref<1x11520xi32, #tpu.memory_space<vmem>>
        tpu.vector_store_idx %scatter3A_599[%mul3A_35, %add3A_598], %gather3A_595 : memref<1x11520xi32, #tpu.memory_space<vmem>>[vector<16xi32>, vector<16xi32>], vector<16xi32>,
        %add3A_600 = arith.constant 8 : i32
        %add3A_601 = vector.broadcast %add3A_600 : i32 to vector<16xi32>
        %add3A_602 = arith.addi %add3A_535, %add3A_601 : vector<16xi32>
        %shift_right_logical3A_603 = arith.constant 7 : i32
        %shift_right_logical3A_604 = vector.broadcast %shift_right_logical3A_603 : i32 to vector<16xi32>
        %shift_right_logical3A_605 = arith.shrui %add3A_602, %shift_right_logical3A_604 : vector<16xi32>
        %and3A_606 = arith.constant 127 : i32
        %and3A_607 = vector.broadcast %and3A_606 : i32 to vector<16xi32>
        %and3A_608 = arith.andi %add3A_602, %and3A_607 : vector<16xi32>
        %gather3A_609 = tpu.memref_bitcast %arg5 : memref<320x128xi32, #tpu.memory_space<vmem>> -> memref<320x128xi32, #tpu.memory_space<vmem>>
        %gather3A_610 = tpu.vector_load_idx %gather3A_609[%shift_right_logical3A_605, %and3A_608] : memref<320x128xi32, #tpu.memory_space<vmem>>[vector<16xi32>, vector<16xi32>], vector<16xi32>,
        %add3A_611 = arith.constant 4 : i32
        %add3A_612 = vector.broadcast %add3A_611 : i32 to vector<16xi32>
        %add3A_613 = arith.addi %add3A_542, %add3A_612 : vector<16xi32>
        %scatter3A_614 = tpu.memref_bitcast %arg7 : memref<1x11520xi32, #tpu.memory_space<vmem>> -> memref<1x11520xi32, #tpu.memory_space<vmem>>
        tpu.vector_store_idx %scatter3A_614[%mul3A_35, %add3A_613], %gather3A_610 : memref<1x11520xi32, #tpu.memory_space<vmem>>[vector<16xi32>, vector<16xi32>], vector<16xi32>,
        %add3A_615 = arith.constant 10 : i32
        %add3A_616 = vector.broadcast %add3A_615 : i32 to vector<16xi32>
        %add3A_617 = arith.addi %add3A_535, %add3A_616 : vector<16xi32>
        %shift_right_logical3A_618 = arith.constant 7 : i32
        %shift_right_logical3A_619 = vector.broadcast %shift_right_logical3A_618 : i32 to vector<16xi32>
        %shift_right_logical3A_620 = arith.shrui %add3A_617, %shift_right_logical3A_619 : vector<16xi32>
        %and3A_621 = arith.constant 127 : i32
        %and3A_622 = vector.broadcast %and3A_621 : i32 to vector<16xi32>
        %and3A_623 = arith.andi %add3A_617, %and3A_622 : vector<16xi32>
        %gather3A_624 = tpu.memref_bitcast %arg5 : memref<320x128xi32, #tpu.memory_space<vmem>> -> memref<320x128xi32, #tpu.memory_space<vmem>>
        %gather3A_625 = tpu.vector_load_idx %gather3A_624[%shift_right_logical3A_620, %and3A_623] : memref<320x128xi32, #tpu.memory_space<vmem>>[vector<16xi32>, vector<16xi32>], vector<16xi32>,
        %add3A_626 = arith.constant 5 : i32
        %add3A_627 = vector.broadcast %add3A_626 : i32 to vector<16xi32>
        %add3A_628 = arith.addi %add3A_542, %add3A_627 : vector<16xi32>
        %scatter3A_629 = tpu.memref_bitcast %arg7 : memref<1x11520xi32, #tpu.memory_space<vmem>> -> memref<1x11520xi32, #tpu.memory_space<vmem>>
        tpu.vector_store_idx %scatter3A_629[%mul3A_35, %add3A_628], %gather3A_625 : memref<1x11520xi32, #tpu.memory_space<vmem>>[vector<16xi32>, vector<16xi32>], vector<16xi32>,
        %add3A_630 = arith.constant 12 : i32
        %add3A_631 = vector.broadcast %add3A_630 : i32 to vector<16xi32>
        %add3A_632 = arith.addi %add3A_535, %add3A_631 : vector<16xi32>
        %shift_right_logical3A_633 = arith.constant 7 : i32
        %shift_right_logical3A_634 = vector.broadcast %shift_right_logical3A_633 : i32 to vector<16xi32>
        %shift_right_logical3A_635 = arith.shrui %add3A_632, %shift_right_logical3A_634 : vector<16xi32>
        %and3A_636 = arith.constant 127 : i32
        %and3A_637 = vector.broadcast %and3A_636 : i32 to vector<16xi32>
        %and3A_638 = arith.andi %add3A_632, %and3A_637 : vector<16xi32>
        %gather3A_639 = tpu.memref_bitcast %arg5 : memref<320x128xi32, #tpu.memory_space<vmem>> -> memref<320x128xi32, #tpu.memory_space<vmem>>
        %gather3A_640 = tpu.vector_load_idx %gather3A_639[%shift_right_logical3A_635, %and3A_638] : memref<320x128xi32, #tpu.memory_space<vmem>>[vector<16xi32>, vector<16xi32>], vector<16xi32>,
        %add3A_641 = arith.constant 6 : i32
        %add3A_642 = vector.broadcast %add3A_641 : i32 to vector<16xi32>
        %add3A_643 = arith.addi %add3A_542, %add3A_642 : vector<16xi32>
        %scatter3A_644 = tpu.memref_bitcast %arg7 : memref<1x11520xi32, #tpu.memory_space<vmem>> -> memref<1x11520xi32, #tpu.memory_space<vmem>>
        tpu.vector_store_idx %scatter3A_644[%mul3A_35, %add3A_643], %gather3A_640 : memref<1x11520xi32, #tpu.memory_space<vmem>>[vector<16xi32>, vector<16xi32>], vector<16xi32>,
        %add3A_645 = arith.constant 14 : i32
        %add3A_646 = vector.broadcast %add3A_645 : i32 to vector<16xi32>
        %add3A_647 = arith.addi %add3A_535, %add3A_646 : vector<16xi32>
        %shift_right_logical3A_648 = arith.constant 7 : i32
        %shift_right_logical3A_649 = vector.broadcast %shift_right_logical3A_648 : i32 to vector<16xi32>
        %shift_right_logical3A_650 = arith.shrui %add3A_647, %shift_right_logical3A_649 : vector<16xi32>
        %and3A_651 = arith.constant 127 : i32
        %and3A_652 = vector.broadcast %and3A_651 : i32 to vector<16xi32>
        %and3A_653 = arith.andi %add3A_647, %and3A_652 : vector<16xi32>
        %gather3A_654 = tpu.memref_bitcast %arg5 : memref<320x128xi32, #tpu.memory_space<vmem>> -> memref<320x128xi32, #tpu.memory_space<vmem>>
        %gather3A_655 = tpu.vector_load_idx %gather3A_654[%shift_right_logical3A_650, %and3A_653] : memref<320x128xi32, #tpu.memory_space<vmem>>[vector<16xi32>, vector<16xi32>], vector<16xi32>,
        %add3A_656 = arith.constant 7 : i32
        %add3A_657 = vector.broadcast %add3A_656 : i32 to vector<16xi32>
        %add3A_658 = arith.addi %add3A_542, %add3A_657 : vector<16xi32>
        %scatter3A_659 = tpu.memref_bitcast %arg7 : memref<1x11520xi32, #tpu.memory_space<vmem>> -> memref<1x11520xi32, #tpu.memory_space<vmem>>
        tpu.vector_store_idx %scatter3A_659[%mul3A_35, %add3A_658], %gather3A_655 : memref<1x11520xi32, #tpu.memory_space<vmem>>[vector<16xi32>, vector<16xi32>], vector<16xi32>,
        %add3A_660 = arith.constant 16 : i32
        %add3A_661 = vector.broadcast %add3A_660 : i32 to vector<16xi32>
        %add3A_662 = arith.addi %add3A_535, %add3A_661 : vector<16xi32>
        %shift_right_logical3A_663 = arith.constant 7 : i32
        %shift_right_logical3A_664 = vector.broadcast %shift_right_logical3A_663 : i32 to vector<16xi32>
        %shift_right_logical3A_665 = arith.shrui %add3A_662, %shift_right_logical3A_664 : vector<16xi32>
        %and3A_666 = arith.constant 127 : i32
        %and3A_667 = vector.broadcast %and3A_666 : i32 to vector<16xi32>
        %and3A_668 = arith.andi %add3A_662, %and3A_667 : vector<16xi32>
        %gather3A_669 = tpu.memref_bitcast %arg5 : memref<320x128xi32, #tpu.memory_space<vmem>> -> memref<320x128xi32, #tpu.memory_space<vmem>>
        %gather3A_670 = tpu.vector_load_idx %gather3A_669[%shift_right_logical3A_665, %and3A_668] : memref<320x128xi32, #tpu.memory_space<vmem>>[vector<16xi32>, vector<16xi32>], vector<16xi32>,
        %add3A_671 = arith.constant 8 : i32
        %add3A_672 = vector.broadcast %add3A_671 : i32 to vector<16xi32>
        %add3A_673 = arith.addi %add3A_542, %add3A_672 : vector<16xi32>
        %scatter3A_674 = tpu.memref_bitcast %arg7 : memref<1x11520xi32, #tpu.memory_space<vmem>> -> memref<1x11520xi32, #tpu.memory_space<vmem>>
        tpu.vector_store_idx %scatter3A_674[%mul3A_35, %add3A_673], %gather3A_670 : memref<1x11520xi32, #tpu.memory_space<vmem>>[vector<16xi32>, vector<16xi32>], vector<16xi32>,
      }
      %add3A_274 = arith.constant 1280 : i32
      %add3A_275 = arith.addi %mul3A_32, %add3A_274 : i32
      %mul3A_276 = arith.constant 9 : i32
      %mul3A_277 = arith.muli %add3A_275, %mul3A_276 : i32
      %dma_start3A_278 = arith.constant 0 : i32
      %dma_start3A_279 = arith.constant 0 : i32
      %dma_start3A_280 = tpu.memref_slice %arg7[%dma_start3A_278, %dma_start3A_279] : memref<1x11520xi32, #tpu.memory_space<vmem>> -> memref<1x11520xi32, #tpu.memory_space<vmem>>
      %dma_start3A_281 = tpu.memref_squeeze %dma_start3A_280 : memref<1x11520xi32, #tpu.memory_space<vmem>> -> memref<11520xi32, #tpu.memory_space<vmem>>
      %dma_start3A_282 = tpu.memref_slice %arg3[%select_n3A_9, %mul3A_277] : memref<2x900000xi32, #tpu.memory_space<hbm>> -> memref<1x11520xi32, #tpu.memory_space<hbm>>
      %dma_start3A_283 = tpu.memref_squeeze %dma_start3A_282 : memref<1x11520xi32, #tpu.memory_space<hbm>> -> memref<11520xi32, #tpu.memory_space<hbm>>
      %dma_start3A_284 = tpu.memref_slice %arg3[%select_n3A_9, %mul3A_277] : memref<2x900000xi32, #tpu.memory_space<hbm>> -> memref<1x11520xi32, #tpu.memory_space<hbm>>
      %dma_start3A_285 = tpu.memref_squeeze %dma_start3A_284 : memref<1x11520xi32, #tpu.memory_space<hbm>> -> memref<11520xi32, #tpu.memory_space<hbm>>
      %dma_start3A_286 = arith.constant 0 : i32
      %dma_start3A_287 = tpu.memref_slice %arg7[%dma_start3A_278, %dma_start3A_286] : memref<1x11520xi32, #tpu.memory_space<vmem>> -> memref<1x11520xi32, #tpu.memory_space<vmem>>
      %dma_start3A_288 = tpu.memref_squeeze %dma_start3A_287 : memref<1x11520xi32, #tpu.memory_space<vmem>> -> memref<11520xi32, #tpu.memory_space<vmem>>
      tpu.enqueue_dma source(%dma_start3A_288 : memref<11520xi32, #tpu.memory_space<vmem>>) target(%dma_start3A_285 : memref<11520xi32, #tpu.memory_space<hbm>>) target_semaphore(%arg11 : memref<!tpu.dma_semaphore, #tpu.memory_space<semaphore_mem>>)
      %add3A_289 = arith.constant 3840 : i32
      %add3A_290 = arith.addi %mul3A_32, %add3A_289 : i32
      %jit3A_291 = arith.constant 4 : i32
      %div3A_292 = arith.divsi %add3A_290, %jit3A_291 : i32
      %sign3A_293 = arith.constant 0 : i32
      %sign3A_294 = arith.cmpi sgt, %add3A_290, %sign3A_293 : i32
      %sign3A_295 = arith.extui %sign3A_294 : i1 to i32
      %sign3A_296 = arith.constant 0 : i32
      %sign3A_297 = arith.cmpi slt, %add3A_290, %sign3A_296 : i32
      %sign3A_298 = arith.extui %sign3A_297 : i1 to i32
      %sign3A_299 = arith.subi %sign3A_295, %sign3A_298 : i32
      %sign3A_300 = arith.constant 0 : i32
      %sign3A_301 = arith.cmpi sgt, %jit3A_291, %sign3A_300 : i32
      %sign3A_302 = arith.extui %sign3A_301 : i1 to i32
      %sign3A_303 = arith.constant 0 : i32
      %sign3A_304 = arith.cmpi slt, %jit3A_291, %sign3A_303 : i32
      %sign3A_305 = arith.extui %sign3A_304 : i1 to i32
      %sign3A_306 = arith.subi %sign3A_302, %sign3A_305 : i32
      %ne3A_307 = arith.cmpi ne, %sign3A_299, %sign3A_306 : i32
      %rem3A_308 = arith.remsi %add3A_290, %jit3A_291 : i32
      %ne3A_309 = arith.constant 0 : i32
      %ne3A_310 = arith.cmpi ne, %rem3A_308, %ne3A_309 : i32
      %and3A_311 = arith.andi %ne3A_307, %ne3A_310 : i1
      %sub3A_312 = arith.constant 1 : i32
      %sub3A_313 = arith.subi %div3A_292, %sub3A_312 : i32
      %select_n3A_314 = arith.select %and3A_311, %sub3A_313, %div3A_292 : i32
      %dma_start3A_315 = arith.constant 0 : i32
      %dma_start3A_316 = arith.constant 0 : i32
      %dma_start3A_317 = tpu.memref_slice %arg5[%dma_start3A_315, %dma_start3A_316] : memref<320x128xi32, #tpu.memory_space<vmem>> -> memref<320x128xi32, #tpu.memory_space<vmem>>
      %dma_start3A_318 = arith.constant 0 : i32
      %dma_start3A_319 = tpu.memref_slice %arg2[%select_n3A_314, %select_n3A_9, %dma_start3A_318] : memref<25000x2x128xi32, #tpu.memory_space<hbm>> -> memref<320x1x128xi32, #tpu.memory_space<hbm>>
      %dma_start3A_320 = tpu.memref_squeeze %dma_start3A_319 : memref<320x1x128xi32, #tpu.memory_space<hbm>> -> memref<320x128xi32, #tpu.memory_space<hbm>>
      %dma_start3A_321 = arith.constant 0 : i32
      %dma_start3A_322 = arith.constant 0 : i32
      %dma_start3A_323 = tpu.memref_slice %arg5[%dma_start3A_321, %dma_start3A_322] : memref<320x128xi32, #tpu.memory_space<vmem>> -> memref<320x128xi32, #tpu.memory_space<vmem>>
      %dma_start3A_324 = arith.constant 0 : i32
      %dma_start3A_325 = tpu.memref_slice %arg2[%select_n3A_314, %select_n3A_9, %dma_start3A_324] : memref<25000x2x128xi32, #tpu.memory_space<hbm>> -> memref<320x1x128xi32, #tpu.memory_space<hbm>>
      %dma_start3A_326 = tpu.memref_squeeze %dma_start3A_325 : memref<320x1x128xi32, #tpu.memory_space<hbm>> -> memref<320x128xi32, #tpu.memory_space<hbm>>
      tpu.enqueue_dma source(%dma_start3A_326 : memref<320x128xi32, #tpu.memory_space<hbm>>) target(%dma_start3A_323 : memref<320x128xi32, #tpu.memory_space<vmem>>) target_semaphore(%arg9 : memref<!tpu.dma_semaphore, #tpu.memory_space<semaphore_mem>>)
      %dma_wait3A_327 = arith.constant 0 : i32
      %dma_wait3A_328 = arith.constant 0 : i32
      %dma_wait3A_329 = tpu.memref_slice %arg4[%dma_wait3A_327, %dma_wait3A_328] : memref<320x128xi32, #tpu.memory_space<vmem>> -> memref<320x128xi32, #tpu.memory_space<vmem>>
      %dma_wait3A_330 = arith.constant 0 : i32
      %dma_wait3A_331 = tpu.memref_slice %arg2[%select_n3A_239, %select_n3A_9, %dma_wait3A_330] : memref<25000x2x128xi32, #tpu.memory_space<hbm>> -> memref<320x1x128xi32, #tpu.memory_space<hbm>>
      %dma_wait3A_332 = tpu.memref_squeeze %dma_wait3A_331 : memref<320x1x128xi32, #tpu.memory_space<hbm>> -> memref<320x128xi32, #tpu.memory_space<hbm>>
      %dma_wait3A_333 = arith.constant 0 : i32
      %dma_wait3A_334 = arith.constant 0 : i32
      %dma_wait3A_335 = tpu.memref_slice %arg4[%dma_wait3A_333, %dma_wait3A_334] : memref<320x128xi32, #tpu.memory_space<vmem>> -> memref<320x128xi32, #tpu.memory_space<vmem>>
      %dma_wait3A_336 = arith.constant 0 : i32
      %dma_wait3A_337 = tpu.memref_slice %arg2[%select_n3A_239, %select_n3A_9, %dma_wait3A_336] : memref<25000x2x128xi32, #tpu.memory_space<hbm>> -> memref<320x1x128xi32, #tpu.memory_space<hbm>>
      %dma_wait3A_338 = tpu.memref_squeeze %dma_wait3A_337 : memref<320x1x128xi32, #tpu.memory_space<hbm>> -> memref<320x128xi32, #tpu.memory_space<hbm>>
      tpu.wait_dma2 semaphore(%arg8 : memref<!tpu.dma_semaphore, #tpu.memory_space<semaphore_mem>>) src(%dma_wait3A_338 : memref<320x128xi32, #tpu.memory_space<hbm>>) dst(%dma_wait3A_335 : memref<320x128xi32, #tpu.memory_space<vmem>>)
      %dma_wait3A_339 = arith.constant 0 : i32
      %dma_wait3A_340 = arith.constant 0 : i32
      %dma_wait3A_341 = tpu.memref_slice %arg6[%dma_wait3A_339, %dma_wait3A_340] : memref<1x11520xi32, #tpu.memory_space<vmem>> -> memref<1x11520xi32, #tpu.memory_space<vmem>>
      %dma_wait3A_342 = tpu.memref_squeeze %dma_wait3A_341 : memref<1x11520xi32, #tpu.memory_space<vmem>> -> memref<11520xi32, #tpu.memory_space<vmem>>
      %dma_wait3A_343 = tpu.memref_slice %arg3[%select_n3A_9, %mul3A_202] : memref<2x900000xi32, #tpu.memory_space<hbm>> -> memref<1x11520xi32, #tpu.memory_space<hbm>>
      %dma_wait3A_344 = tpu.memref_squeeze %dma_wait3A_343 : memref<1x11520xi32, #tpu.memory_space<hbm>> -> memref<11520xi32, #tpu.memory_space<hbm>>
      %dma_wait3A_345 = tpu.memref_slice %arg3[%select_n3A_9, %mul3A_202] : memref<2x900000xi32, #tpu.memory_space<hbm>> -> memref<1x11520xi32, #tpu.memory_space<hbm>>
      %dma_wait3A_346 = tpu.memref_squeeze %dma_wait3A_345 : memref<1x11520xi32, #tpu.memory_space<hbm>> -> memref<11520xi32, #tpu.memory_space<hbm>>
      %dma_wait3A_347 = arith.constant 0 : i32
      %dma_wait3A_348 = tpu.memref_slice %arg6[%dma_wait3A_339, %dma_wait3A_347] : memref<1x11520xi32, #tpu.memory_space<vmem>> -> memref<1x11520xi32, #tpu.memory_space<vmem>>
      %dma_wait3A_349 = tpu.memref_squeeze %dma_wait3A_348 : memref<1x11520xi32, #tpu.memory_space<vmem>> -> memref<11520xi32, #tpu.memory_space<vmem>>
      tpu.wait_dma2 semaphore(%arg10 : memref<!tpu.dma_semaphore, #tpu.memory_space<semaphore_mem>>) src(%dma_wait3A_349 : memref<11520xi32, #tpu.memory_space<vmem>>) dst(%dma_wait3A_346 : memref<11520xi32, #tpu.memory_space<hbm>>)
      %while3A_350 = arith.constant 0 : i32
      %while3A_351 = arith.constant 80 : i32
      %while3A_352 = arith.subi %while3A_351, %while3A_350 : i32
      %while3A_353 = arith.addi %while3A_350, %while3A_352 : i32
      %while3A_354 = arith.constant 1 : i32
      %while3A_355 = arith.divsi %while3A_352, %while3A_354 : i32
      %while3A_356 = arith.muli %while3A_355, %while3A_354 : i32
      %while3A_357 = arith.addi %while3A_350, %while3A_356 : i32
      %while3A_358 = arith.constant 1 : i32
      scf.for %while3A_531 = %while3A_350 to %while3A_357 step %while3A_358  : i32 {
        %mul3A_532 = arith.constant 512 : i32
        %mul3A_533 = arith.muli %while3A_531, %mul3A_532 : i32
        %add3A_534 = vector.broadcast %mul3A_533 : i32 to vector<16xi32>
        %add3A_535 = arith.addi %add3A_534, %add3A_95 : vector<16xi32>
        %mul3A_536 = arith.constant 144 : i32
        %mul3A_537 = arith.muli %while3A_531, %mul3A_536 : i32
        %mul3A_538 = arith.constant 9 : i32
        %mul3A_539 = vector.broadcast %mul3A_538 : i32 to vector<16xi32>
        %mul3A_540 = arith.muli %iota3A, %mul3A_539 : vector<16xi32>
        %add3A_541 = vector.broadcast %mul3A_537 : i32 to vector<16xi32>
        %add3A_542 = arith.addi %add3A_541, %mul3A_540 : vector<16xi32>
        %add3A_543 = arith.constant 0 : i32
        %add3A_544 = vector.broadcast %add3A_543 : i32 to vector<16xi32>
        %add3A_545 = arith.addi %add3A_535, %add3A_544 : vector<16xi32>
        %shift_right_logical3A = arith.constant 7 : i32
        %shift_right_logical3A_546 = vector.broadcast %shift_right_logical3A : i32 to vector<16xi32>
        %shift_right_logical3A_547 = arith.shrui %add3A_545, %shift_right_logical3A_546 : vector<16xi32>
        %and3A_548 = arith.constant 127 : i32
        %and3A_549 = vector.broadcast %and3A_548 : i32 to vector<16xi32>
        %and3A_550 = arith.andi %add3A_545, %and3A_549 : vector<16xi32>
        %gather3A = tpu.memref_bitcast %arg4 : memref<320x128xi32, #tpu.memory_space<vmem>> -> memref<320x128xi32, #tpu.memory_space<vmem>>
        %gather3A_551 = tpu.vector_load_idx %gather3A[%shift_right_logical3A_547, %and3A_550] : memref<320x128xi32, #tpu.memory_space<vmem>>[vector<16xi32>, vector<16xi32>], vector<16xi32>,
        %add3A_552 = arith.constant 0 : i32
        %add3A_553 = vector.broadcast %add3A_552 : i32 to vector<16xi32>
        %add3A_554 = arith.addi %add3A_542, %add3A_553 : vector<16xi32>
        %scatter3A = tpu.memref_bitcast %arg6 : memref<1x11520xi32, #tpu.memory_space<vmem>> -> memref<1x11520xi32, #tpu.memory_space<vmem>>
        tpu.vector_store_idx %scatter3A[%mul3A_35, %add3A_554], %gather3A_551 : memref<1x11520xi32, #tpu.memory_space<vmem>>[vector<16xi32>, vector<16xi32>], vector<16xi32>,
        %add3A_555 = arith.constant 2 : i32
        %add3A_556 = vector.broadcast %add3A_555 : i32 to vector<16xi32>
        %add3A_557 = arith.addi %add3A_535, %add3A_556 : vector<16xi32>
        %shift_right_logical3A_558 = arith.constant 7 : i32
        %shift_right_logical3A_559 = vector.broadcast %shift_right_logical3A_558 : i32 to vector<16xi32>
        %shift_right_logical3A_560 = arith.shrui %add3A_557, %shift_right_logical3A_559 : vector<16xi32>
        %and3A_561 = arith.constant 127 : i32
        %and3A_562 = vector.broadcast %and3A_561 : i32 to vector<16xi32>
        %and3A_563 = arith.andi %add3A_557, %and3A_562 : vector<16xi32>
        %gather3A_564 = tpu.memref_bitcast %arg4 : memref<320x128xi32, #tpu.memory_space<vmem>> -> memref<320x128xi32, #tpu.memory_space<vmem>>
        %gather3A_565 = tpu.vector_load_idx %gather3A_564[%shift_right_logical3A_560, %and3A_563] : memref<320x128xi32, #tpu.memory_space<vmem>>[vector<16xi32>, vector<16xi32>], vector<16xi32>,
        %add3A_566 = arith.constant 1 : i32
        %add3A_567 = vector.broadcast %add3A_566 : i32 to vector<16xi32>
        %add3A_568 = arith.addi %add3A_542, %add3A_567 : vector<16xi32>
        %scatter3A_569 = tpu.memref_bitcast %arg6 : memref<1x11520xi32, #tpu.memory_space<vmem>> -> memref<1x11520xi32, #tpu.memory_space<vmem>>
        tpu.vector_store_idx %scatter3A_569[%mul3A_35, %add3A_568], %gather3A_565 : memref<1x11520xi32, #tpu.memory_space<vmem>>[vector<16xi32>, vector<16xi32>], vector<16xi32>,
        %add3A_570 = arith.constant 4 : i32
        %add3A_571 = vector.broadcast %add3A_570 : i32 to vector<16xi32>
        %add3A_572 = arith.addi %add3A_535, %add3A_571 : vector<16xi32>
        %shift_right_logical3A_573 = arith.constant 7 : i32
        %shift_right_logical3A_574 = vector.broadcast %shift_right_logical3A_573 : i32 to vector<16xi32>
        %shift_right_logical3A_575 = arith.shrui %add3A_572, %shift_right_logical3A_574 : vector<16xi32>
        %and3A_576 = arith.constant 127 : i32
        %and3A_577 = vector.broadcast %and3A_576 : i32 to vector<16xi32>
        %and3A_578 = arith.andi %add3A_572, %and3A_577 : vector<16xi32>
        %gather3A_579 = tpu.memref_bitcast %arg4 : memref<320x128xi32, #tpu.memory_space<vmem>> -> memref<320x128xi32, #tpu.memory_space<vmem>>
        %gather3A_580 = tpu.vector_load_idx %gather3A_579[%shift_right_logical3A_575, %and3A_578] : memref<320x128xi32, #tpu.memory_space<vmem>>[vector<16xi32>, vector<16xi32>], vector<16xi32>,
        %add3A_581 = arith.constant 2 : i32
        %add3A_582 = vector.broadcast %add3A_581 : i32 to vector<16xi32>
        %add3A_583 = arith.addi %add3A_542, %add3A_582 : vector<16xi32>
        %scatter3A_584 = tpu.memref_bitcast %arg6 : memref<1x11520xi32, #tpu.memory_space<vmem>> -> memref<1x11520xi32, #tpu.memory_space<vmem>>
        tpu.vector_store_idx %scatter3A_584[%mul3A_35, %add3A_583], %gather3A_580 : memref<1x11520xi32, #tpu.memory_space<vmem>>[vector<16xi32>, vector<16xi32>], vector<16xi32>,
        %add3A_585 = arith.constant 6 : i32
        %add3A_586 = vector.broadcast %add3A_585 : i32 to vector<16xi32>
        %add3A_587 = arith.addi %add3A_535, %add3A_586 : vector<16xi32>
        %shift_right_logical3A_588 = arith.constant 7 : i32
        %shift_right_logical3A_589 = vector.broadcast %shift_right_logical3A_588 : i32 to vector<16xi32>
        %shift_right_logical3A_590 = arith.shrui %add3A_587, %shift_right_logical3A_589 : vector<16xi32>
        %and3A_591 = arith.constant 127 : i32
        %and3A_592 = vector.broadcast %and3A_591 : i32 to vector<16xi32>
        %and3A_593 = arith.andi %add3A_587, %and3A_592 : vector<16xi32>
        %gather3A_594 = tpu.memref_bitcast %arg4 : memref<320x128xi32, #tpu.memory_space<vmem>> -> memref<320x128xi32, #tpu.memory_space<vmem>>
        %gather3A_595 = tpu.vector_load_idx %gather3A_594[%shift_right_logical3A_590, %and3A_593] : memref<320x128xi32, #tpu.memory_space<vmem>>[vector<16xi32>, vector<16xi32>], vector<16xi32>,
        %add3A_596 = arith.constant 3 : i32
        %add3A_597 = vector.broadcast %add3A_596 : i32 to vector<16xi32>
        %add3A_598 = arith.addi %add3A_542, %add3A_597 : vector<16xi32>
        %scatter3A_599 = tpu.memref_bitcast %arg6 : memref<1x11520xi32, #tpu.memory_space<vmem>> -> memref<1x11520xi32, #tpu.memory_space<vmem>>
        tpu.vector_store_idx %scatter3A_599[%mul3A_35, %add3A_598], %gather3A_595 : memref<1x11520xi32, #tpu.memory_space<vmem>>[vector<16xi32>, vector<16xi32>], vector<16xi32>,
        %add3A_600 = arith.constant 8 : i32
        %add3A_601 = vector.broadcast %add3A_600 : i32 to vector<16xi32>
        %add3A_602 = arith.addi %add3A_535, %add3A_601 : vector<16xi32>
        %shift_right_logical3A_603 = arith.constant 7 : i32
        %shift_right_logical3A_604 = vector.broadcast %shift_right_logical3A_603 : i32 to vector<16xi32>
        %shift_right_logical3A_605 = arith.shrui %add3A_602, %shift_right_logical3A_604 : vector<16xi32>
        %and3A_606 = arith.constant 127 : i32
        %and3A_607 = vector.broadcast %and3A_606 : i32 to vector<16xi32>
        %and3A_608 = arith.andi %add3A_602, %and3A_607 : vector<16xi32>
        %gather3A_609 = tpu.memref_bitcast %arg4 : memref<320x128xi32, #tpu.memory_space<vmem>> -> memref<320x128xi32, #tpu.memory_space<vmem>>
        %gather3A_610 = tpu.vector_load_idx %gather3A_609[%shift_right_logical3A_605, %and3A_608] : memref<320x128xi32, #tpu.memory_space<vmem>>[vector<16xi32>, vector<16xi32>], vector<16xi32>,
        %add3A_611 = arith.constant 4 : i32
        %add3A_612 = vector.broadcast %add3A_611 : i32 to vector<16xi32>
        %add3A_613 = arith.addi %add3A_542, %add3A_612 : vector<16xi32>
        %scatter3A_614 = tpu.memref_bitcast %arg6 : memref<1x11520xi32, #tpu.memory_space<vmem>> -> memref<1x11520xi32, #tpu.memory_space<vmem>>
        tpu.vector_store_idx %scatter3A_614[%mul3A_35, %add3A_613], %gather3A_610 : memref<1x11520xi32, #tpu.memory_space<vmem>>[vector<16xi32>, vector<16xi32>], vector<16xi32>,
        %add3A_615 = arith.constant 10 : i32
        %add3A_616 = vector.broadcast %add3A_615 : i32 to vector<16xi32>
        %add3A_617 = arith.addi %add3A_535, %add3A_616 : vector<16xi32>
        %shift_right_logical3A_618 = arith.constant 7 : i32
        %shift_right_logical3A_619 = vector.broadcast %shift_right_logical3A_618 : i32 to vector<16xi32>
        %shift_right_logical3A_620 = arith.shrui %add3A_617, %shift_right_logical3A_619 : vector<16xi32>
        %and3A_621 = arith.constant 127 : i32
        %and3A_622 = vector.broadcast %and3A_621 : i32 to vector<16xi32>
        %and3A_623 = arith.andi %add3A_617, %and3A_622 : vector<16xi32>
        %gather3A_624 = tpu.memref_bitcast %arg4 : memref<320x128xi32, #tpu.memory_space<vmem>> -> memref<320x128xi32, #tpu.memory_space<vmem>>
        %gather3A_625 = tpu.vector_load_idx %gather3A_624[%shift_right_logical3A_620, %and3A_623] : memref<320x128xi32, #tpu.memory_space<vmem>>[vector<16xi32>, vector<16xi32>], vector<16xi32>,
        %add3A_626 = arith.constant 5 : i32
        %add3A_627 = vector.broadcast %add3A_626 : i32 to vector<16xi32>
        %add3A_628 = arith.addi %add3A_542, %add3A_627 : vector<16xi32>
        %scatter3A_629 = tpu.memref_bitcast %arg6 : memref<1x11520xi32, #tpu.memory_space<vmem>> -> memref<1x11520xi32, #tpu.memory_space<vmem>>
        tpu.vector_store_idx %scatter3A_629[%mul3A_35, %add3A_628], %gather3A_625 : memref<1x11520xi32, #tpu.memory_space<vmem>>[vector<16xi32>, vector<16xi32>], vector<16xi32>,
        %add3A_630 = arith.constant 12 : i32
        %add3A_631 = vector.broadcast %add3A_630 : i32 to vector<16xi32>
        %add3A_632 = arith.addi %add3A_535, %add3A_631 : vector<16xi32>
        %shift_right_logical3A_633 = arith.constant 7 : i32
        %shift_right_logical3A_634 = vector.broadcast %shift_right_logical3A_633 : i32 to vector<16xi32>
        %shift_right_logical3A_635 = arith.shrui %add3A_632, %shift_right_logical3A_634 : vector<16xi32>
        %and3A_636 = arith.constant 127 : i32
        %and3A_637 = vector.broadcast %and3A_636 : i32 to vector<16xi32>
        %and3A_638 = arith.andi %add3A_632, %and3A_637 : vector<16xi32>
        %gather3A_639 = tpu.memref_bitcast %arg4 : memref<320x128xi32, #tpu.memory_space<vmem>> -> memref<320x128xi32, #tpu.memory_space<vmem>>
        %gather3A_640 = tpu.vector_load_idx %gather3A_639[%shift_right_logical3A_635, %and3A_638] : memref<320x128xi32, #tpu.memory_space<vmem>>[vector<16xi32>, vector<16xi32>], vector<16xi32>,
        %add3A_641 = arith.constant 6 : i32
        %add3A_642 = vector.broadcast %add3A_641 : i32 to vector<16xi32>
        %add3A_643 = arith.addi %add3A_542, %add3A_642 : vector<16xi32>
        %scatter3A_644 = tpu.memref_bitcast %arg6 : memref<1x11520xi32, #tpu.memory_space<vmem>> -> memref<1x11520xi32, #tpu.memory_space<vmem>>
        tpu.vector_store_idx %scatter3A_644[%mul3A_35, %add3A_643], %gather3A_640 : memref<1x11520xi32, #tpu.memory_space<vmem>>[vector<16xi32>, vector<16xi32>], vector<16xi32>,
        %add3A_645 = arith.constant 14 : i32
        %add3A_646 = vector.broadcast %add3A_645 : i32 to vector<16xi32>
        %add3A_647 = arith.addi %add3A_535, %add3A_646 : vector<16xi32>
        %shift_right_logical3A_648 = arith.constant 7 : i32
        %shift_right_logical3A_649 = vector.broadcast %shift_right_logical3A_648 : i32 to vector<16xi32>
        %shift_right_logical3A_650 = arith.shrui %add3A_647, %shift_right_logical3A_649 : vector<16xi32>
        %and3A_651 = arith.constant 127 : i32
        %and3A_652 = vector.broadcast %and3A_651 : i32 to vector<16xi32>
        %and3A_653 = arith.andi %add3A_647, %and3A_652 : vector<16xi32>
        %gather3A_654 = tpu.memref_bitcast %arg4 : memref<320x128xi32, #tpu.memory_space<vmem>> -> memref<320x128xi32, #tpu.memory_space<vmem>>
        %gather3A_655 = tpu.vector_load_idx %gather3A_654[%shift_right_logical3A_650, %and3A_653] : memref<320x128xi32, #tpu.memory_space<vmem>>[vector<16xi32>, vector<16xi32>], vector<16xi32>,
        %add3A_656 = arith.constant 7 : i32
        %add3A_657 = vector.broadcast %add3A_656 : i32 to vector<16xi32>
        %add3A_658 = arith.addi %add3A_542, %add3A_657 : vector<16xi32>
        %scatter3A_659 = tpu.memref_bitcast %arg6 : memref<1x11520xi32, #tpu.memory_space<vmem>> -> memref<1x11520xi32, #tpu.memory_space<vmem>>
        tpu.vector_store_idx %scatter3A_659[%mul3A_35, %add3A_658], %gather3A_655 : memref<1x11520xi32, #tpu.memory_space<vmem>>[vector<16xi32>, vector<16xi32>], vector<16xi32>,
        %add3A_660 = arith.constant 16 : i32
        %add3A_661 = vector.broadcast %add3A_660 : i32 to vector<16xi32>
        %add3A_662 = arith.addi %add3A_535, %add3A_661 : vector<16xi32>
        %shift_right_logical3A_663 = arith.constant 7 : i32
        %shift_right_logical3A_664 = vector.broadcast %shift_right_logical3A_663 : i32 to vector<16xi32>
        %shift_right_logical3A_665 = arith.shrui %add3A_662, %shift_right_logical3A_664 : vector<16xi32>
        %and3A_666 = arith.constant 127 : i32
        %and3A_667 = vector.broadcast %and3A_666 : i32 to vector<16xi32>
        %and3A_668 = arith.andi %add3A_662, %and3A_667 : vector<16xi32>
        %gather3A_669 = tpu.memref_bitcast %arg4 : memref<320x128xi32, #tpu.memory_space<vmem>> -> memref<320x128xi32, #tpu.memory_space<vmem>>
        %gather3A_670 = tpu.vector_load_idx %gather3A_669[%shift_right_logical3A_665, %and3A_668] : memref<320x128xi32, #tpu.memory_space<vmem>>[vector<16xi32>, vector<16xi32>], vector<16xi32>,
        %add3A_671 = arith.constant 8 : i32
        %add3A_672 = vector.broadcast %add3A_671 : i32 to vector<16xi32>
        %add3A_673 = arith.addi %add3A_542, %add3A_672 : vector<16xi32>
        %scatter3A_674 = tpu.memref_bitcast %arg6 : memref<1x11520xi32, #tpu.memory_space<vmem>> -> memref<1x11520xi32, #tpu.memory_space<vmem>>
        tpu.vector_store_idx %scatter3A_674[%mul3A_35, %add3A_673], %gather3A_670 : memref<1x11520xi32, #tpu.memory_space<vmem>>[vector<16xi32>, vector<16xi32>], vector<16xi32>,
      }
      %while3A_359 = arith.constant 1 : i32
      scf.for %while3A_531 = %while3A_357 to %while3A_353 step %while3A_359  : i32 {
        %mul3A_532 = arith.constant 512 : i32
        %mul3A_533 = arith.muli %while3A_531, %mul3A_532 : i32
        %add3A_534 = vector.broadcast %mul3A_533 : i32 to vector<16xi32>
        %add3A_535 = arith.addi %add3A_534, %add3A_95 : vector<16xi32>
        %mul3A_536 = arith.constant 144 : i32
        %mul3A_537 = arith.muli %while3A_531, %mul3A_536 : i32
        %mul3A_538 = arith.constant 9 : i32
        %mul3A_539 = vector.broadcast %mul3A_538 : i32 to vector<16xi32>
        %mul3A_540 = arith.muli %iota3A, %mul3A_539 : vector<16xi32>
        %add3A_541 = vector.broadcast %mul3A_537 : i32 to vector<16xi32>
        %add3A_542 = arith.addi %add3A_541, %mul3A_540 : vector<16xi32>
        %add3A_543 = arith.constant 0 : i32
        %add3A_544 = vector.broadcast %add3A_543 : i32 to vector<16xi32>
        %add3A_545 = arith.addi %add3A_535, %add3A_544 : vector<16xi32>
        %shift_right_logical3A = arith.constant 7 : i32
        %shift_right_logical3A_546 = vector.broadcast %shift_right_logical3A : i32 to vector<16xi32>
        %shift_right_logical3A_547 = arith.shrui %add3A_545, %shift_right_logical3A_546 : vector<16xi32>
        %and3A_548 = arith.constant 127 : i32
        %and3A_549 = vector.broadcast %and3A_548 : i32 to vector<16xi32>
        %and3A_550 = arith.andi %add3A_545, %and3A_549 : vector<16xi32>
        %gather3A = tpu.memref_bitcast %arg4 : memref<320x128xi32, #tpu.memory_space<vmem>> -> memref<320x128xi32, #tpu.memory_space<vmem>>
        %gather3A_551 = tpu.vector_load_idx %gather3A[%shift_right_logical3A_547, %and3A_550] : memref<320x128xi32, #tpu.memory_space<vmem>>[vector<16xi32>, vector<16xi32>], vector<16xi32>,
        %add3A_552 = arith.constant 0 : i32
        %add3A_553 = vector.broadcast %add3A_552 : i32 to vector<16xi32>
        %add3A_554 = arith.addi %add3A_542, %add3A_553 : vector<16xi32>
        %scatter3A = tpu.memref_bitcast %arg6 : memref<1x11520xi32, #tpu.memory_space<vmem>> -> memref<1x11520xi32, #tpu.memory_space<vmem>>
        tpu.vector_store_idx %scatter3A[%mul3A_35, %add3A_554], %gather3A_551 : memref<1x11520xi32, #tpu.memory_space<vmem>>[vector<16xi32>, vector<16xi32>], vector<16xi32>,
        %add3A_555 = arith.constant 2 : i32
        %add3A_556 = vector.broadcast %add3A_555 : i32 to vector<16xi32>
        %add3A_557 = arith.addi %add3A_535, %add3A_556 : vector<16xi32>
        %shift_right_logical3A_558 = arith.constant 7 : i32
        %shift_right_logical3A_559 = vector.broadcast %shift_right_logical3A_558 : i32 to vector<16xi32>
        %shift_right_logical3A_560 = arith.shrui %add3A_557, %shift_right_logical3A_559 : vector<16xi32>
        %and3A_561 = arith.constant 127 : i32
        %and3A_562 = vector.broadcast %and3A_561 : i32 to vector<16xi32>
        %and3A_563 = arith.andi %add3A_557, %and3A_562 : vector<16xi32>
        %gather3A_564 = tpu.memref_bitcast %arg4 : memref<320x128xi32, #tpu.memory_space<vmem>> -> memref<320x128xi32, #tpu.memory_space<vmem>>
        %gather3A_565 = tpu.vector_load_idx %gather3A_564[%shift_right_logical3A_560, %and3A_563] : memref<320x128xi32, #tpu.memory_space<vmem>>[vector<16xi32>, vector<16xi32>], vector<16xi32>,
        %add3A_566 = arith.constant 1 : i32
        %add3A_567 = vector.broadcast %add3A_566 : i32 to vector<16xi32>
        %add3A_568 = arith.addi %add3A_542, %add3A_567 : vector<16xi32>
        %scatter3A_569 = tpu.memref_bitcast %arg6 : memref<1x11520xi32, #tpu.memory_space<vmem>> -> memref<1x11520xi32, #tpu.memory_space<vmem>>
        tpu.vector_store_idx %scatter3A_569[%mul3A_35, %add3A_568], %gather3A_565 : memref<1x11520xi32, #tpu.memory_space<vmem>>[vector<16xi32>, vector<16xi32>], vector<16xi32>,
        %add3A_570 = arith.constant 4 : i32
        %add3A_571 = vector.broadcast %add3A_570 : i32 to vector<16xi32>
        %add3A_572 = arith.addi %add3A_535, %add3A_571 : vector<16xi32>
        %shift_right_logical3A_573 = arith.constant 7 : i32
        %shift_right_logical3A_574 = vector.broadcast %shift_right_logical3A_573 : i32 to vector<16xi32>
        %shift_right_logical3A_575 = arith.shrui %add3A_572, %shift_right_logical3A_574 : vector<16xi32>
        %and3A_576 = arith.constant 127 : i32
        %and3A_577 = vector.broadcast %and3A_576 : i32 to vector<16xi32>
        %and3A_578 = arith.andi %add3A_572, %and3A_577 : vector<16xi32>
        %gather3A_579 = tpu.memref_bitcast %arg4 : memref<320x128xi32, #tpu.memory_space<vmem>> -> memref<320x128xi32, #tpu.memory_space<vmem>>
        %gather3A_580 = tpu.vector_load_idx %gather3A_579[%shift_right_logical3A_575, %and3A_578] : memref<320x128xi32, #tpu.memory_space<vmem>>[vector<16xi32>, vector<16xi32>], vector<16xi32>,
        %add3A_581 = arith.constant 2 : i32
        %add3A_582 = vector.broadcast %add3A_581 : i32 to vector<16xi32>
        %add3A_583 = arith.addi %add3A_542, %add3A_582 : vector<16xi32>
        %scatter3A_584 = tpu.memref_bitcast %arg6 : memref<1x11520xi32, #tpu.memory_space<vmem>> -> memref<1x11520xi32, #tpu.memory_space<vmem>>
        tpu.vector_store_idx %scatter3A_584[%mul3A_35, %add3A_583], %gather3A_580 : memref<1x11520xi32, #tpu.memory_space<vmem>>[vector<16xi32>, vector<16xi32>], vector<16xi32>,
        %add3A_585 = arith.constant 6 : i32
        %add3A_586 = vector.broadcast %add3A_585 : i32 to vector<16xi32>
        %add3A_587 = arith.addi %add3A_535, %add3A_586 : vector<16xi32>
        %shift_right_logical3A_588 = arith.constant 7 : i32
        %shift_right_logical3A_589 = vector.broadcast %shift_right_logical3A_588 : i32 to vector<16xi32>
        %shift_right_logical3A_590 = arith.shrui %add3A_587, %shift_right_logical3A_589 : vector<16xi32>
        %and3A_591 = arith.constant 127 : i32
        %and3A_592 = vector.broadcast %and3A_591 : i32 to vector<16xi32>
        %and3A_593 = arith.andi %add3A_587, %and3A_592 : vector<16xi32>
        %gather3A_594 = tpu.memref_bitcast %arg4 : memref<320x128xi32, #tpu.memory_space<vmem>> -> memref<320x128xi32, #tpu.memory_space<vmem>>
        %gather3A_595 = tpu.vector_load_idx %gather3A_594[%shift_right_logical3A_590, %and3A_593] : memref<320x128xi32, #tpu.memory_space<vmem>>[vector<16xi32>, vector<16xi32>], vector<16xi32>,
        %add3A_596 = arith.constant 3 : i32
        %add3A_597 = vector.broadcast %add3A_596 : i32 to vector<16xi32>
        %add3A_598 = arith.addi %add3A_542, %add3A_597 : vector<16xi32>
        %scatter3A_599 = tpu.memref_bitcast %arg6 : memref<1x11520xi32, #tpu.memory_space<vmem>> -> memref<1x11520xi32, #tpu.memory_space<vmem>>
        tpu.vector_store_idx %scatter3A_599[%mul3A_35, %add3A_598], %gather3A_595 : memref<1x11520xi32, #tpu.memory_space<vmem>>[vector<16xi32>, vector<16xi32>], vector<16xi32>,
        %add3A_600 = arith.constant 8 : i32
        %add3A_601 = vector.broadcast %add3A_600 : i32 to vector<16xi32>
        %add3A_602 = arith.addi %add3A_535, %add3A_601 : vector<16xi32>
        %shift_right_logical3A_603 = arith.constant 7 : i32
        %shift_right_logical3A_604 = vector.broadcast %shift_right_logical3A_603 : i32 to vector<16xi32>
        %shift_right_logical3A_605 = arith.shrui %add3A_602, %shift_right_logical3A_604 : vector<16xi32>
        %and3A_606 = arith.constant 127 : i32
        %and3A_607 = vector.broadcast %and3A_606 : i32 to vector<16xi32>
        %and3A_608 = arith.andi %add3A_602, %and3A_607 : vector<16xi32>
        %gather3A_609 = tpu.memref_bitcast %arg4 : memref<320x128xi32, #tpu.memory_space<vmem>> -> memref<320x128xi32, #tpu.memory_space<vmem>>
        %gather3A_610 = tpu.vector_load_idx %gather3A_609[%shift_right_logical3A_605, %and3A_608] : memref<320x128xi32, #tpu.memory_space<vmem>>[vector<16xi32>, vector<16xi32>], vector<16xi32>,
        %add3A_611 = arith.constant 4 : i32
        %add3A_612 = vector.broadcast %add3A_611 : i32 to vector<16xi32>
        %add3A_613 = arith.addi %add3A_542, %add3A_612 : vector<16xi32>
        %scatter3A_614 = tpu.memref_bitcast %arg6 : memref<1x11520xi32, #tpu.memory_space<vmem>> -> memref<1x11520xi32, #tpu.memory_space<vmem>>
        tpu.vector_store_idx %scatter3A_614[%mul3A_35, %add3A_613], %gather3A_610 : memref<1x11520xi32, #tpu.memory_space<vmem>>[vector<16xi32>, vector<16xi32>], vector<16xi32>,
        %add3A_615 = arith.constant 10 : i32
        %add3A_616 = vector.broadcast %add3A_615 : i32 to vector<16xi32>
        %add3A_617 = arith.addi %add3A_535, %add3A_616 : vector<16xi32>
        %shift_right_logical3A_618 = arith.constant 7 : i32
        %shift_right_logical3A_619 = vector.broadcast %shift_right_logical3A_618 : i32 to vector<16xi32>
        %shift_right_logical3A_620 = arith.shrui %add3A_617, %shift_right_logical3A_619 : vector<16xi32>
        %and3A_621 = arith.constant 127 : i32
        %and3A_622 = vector.broadcast %and3A_621 : i32 to vector<16xi32>
        %and3A_623 = arith.andi %add3A_617, %and3A_622 : vector<16xi32>
        %gather3A_624 = tpu.memref_bitcast %arg4 : memref<320x128xi32, #tpu.memory_space<vmem>> -> memref<320x128xi32, #tpu.memory_space<vmem>>
        %gather3A_625 = tpu.vector_load_idx %gather3A_624[%shift_right_logical3A_620, %and3A_623] : memref<320x128xi32, #tpu.memory_space<vmem>>[vector<16xi32>, vector<16xi32>], vector<16xi32>,
        %add3A_626 = arith.constant 5 : i32
        %add3A_627 = vector.broadcast %add3A_626 : i32 to vector<16xi32>
        %add3A_628 = arith.addi %add3A_542, %add3A_627 : vector<16xi32>
        %scatter3A_629 = tpu.memref_bitcast %arg6 : memref<1x11520xi32, #tpu.memory_space<vmem>> -> memref<1x11520xi32, #tpu.memory_space<vmem>>
        tpu.vector_store_idx %scatter3A_629[%mul3A_35, %add3A_628], %gather3A_625 : memref<1x11520xi32, #tpu.memory_space<vmem>>[vector<16xi32>, vector<16xi32>], vector<16xi32>,
        %add3A_630 = arith.constant 12 : i32
        %add3A_631 = vector.broadcast %add3A_630 : i32 to vector<16xi32>
        %add3A_632 = arith.addi %add3A_535, %add3A_631 : vector<16xi32>
        %shift_right_logical3A_633 = arith.constant 7 : i32
        %shift_right_logical3A_634 = vector.broadcast %shift_right_logical3A_633 : i32 to vector<16xi32>
        %shift_right_logical3A_635 = arith.shrui %add3A_632, %shift_right_logical3A_634 : vector<16xi32>
        %and3A_636 = arith.constant 127 : i32
        %and3A_637 = vector.broadcast %and3A_636 : i32 to vector<16xi32>
        %and3A_638 = arith.andi %add3A_632, %and3A_637 : vector<16xi32>
        %gather3A_639 = tpu.memref_bitcast %arg4 : memref<320x128xi32, #tpu.memory_space<vmem>> -> memref<320x128xi32, #tpu.memory_space<vmem>>
        %gather3A_640 = tpu.vector_load_idx %gather3A_639[%shift_right_logical3A_635, %and3A_638] : memref<320x128xi32, #tpu.memory_space<vmem>>[vector<16xi32>, vector<16xi32>], vector<16xi32>,
        %add3A_641 = arith.constant 6 : i32
        %add3A_642 = vector.broadcast %add3A_641 : i32 to vector<16xi32>
        %add3A_643 = arith.addi %add3A_542, %add3A_642 : vector<16xi32>
        %scatter3A_644 = tpu.memref_bitcast %arg6 : memref<1x11520xi32, #tpu.memory_space<vmem>> -> memref<1x11520xi32, #tpu.memory_space<vmem>>
        tpu.vector_store_idx %scatter3A_644[%mul3A_35, %add3A_643], %gather3A_640 : memref<1x11520xi32, #tpu.memory_space<vmem>>[vector<16xi32>, vector<16xi32>], vector<16xi32>,
        %add3A_645 = arith.constant 14 : i32
        %add3A_646 = vector.broadcast %add3A_645 : i32 to vector<16xi32>
        %add3A_647 = arith.addi %add3A_535, %add3A_646 : vector<16xi32>
        %shift_right_logical3A_648 = arith.constant 7 : i32
        %shift_right_logical3A_649 = vector.broadcast %shift_right_logical3A_648 : i32 to vector<16xi32>
        %shift_right_logical3A_650 = arith.shrui %add3A_647, %shift_right_logical3A_649 : vector<16xi32>
        %and3A_651 = arith.constant 127 : i32
        %and3A_652 = vector.broadcast %and3A_651 : i32 to vector<16xi32>
        %and3A_653 = arith.andi %add3A_647, %and3A_652 : vector<16xi32>
        %gather3A_654 = tpu.memref_bitcast %arg4 : memref<320x128xi32, #tpu.memory_space<vmem>> -> memref<320x128xi32, #tpu.memory_space<vmem>>
        %gather3A_655 = tpu.vector_load_idx %gather3A_654[%shift_right_logical3A_650, %and3A_653] : memref<320x128xi32, #tpu.memory_space<vmem>>[vector<16xi32>, vector<16xi32>], vector<16xi32>,
        %add3A_656 = arith.constant 7 : i32
        %add3A_657 = vector.broadcast %add3A_656 : i32 to vector<16xi32>
        %add3A_658 = arith.addi %add3A_542, %add3A_657 : vector<16xi32>
        %scatter3A_659 = tpu.memref_bitcast %arg6 : memref<1x11520xi32, #tpu.memory_space<vmem>> -> memref<1x11520xi32, #tpu.memory_space<vmem>>
        tpu.vector_store_idx %scatter3A_659[%mul3A_35, %add3A_658], %gather3A_655 : memref<1x11520xi32, #tpu.memory_space<vmem>>[vector<16xi32>, vector<16xi32>], vector<16xi32>,
        %add3A_660 = arith.constant 16 : i32
        %add3A_661 = vector.broadcast %add3A_660 : i32 to vector<16xi32>
        %add3A_662 = arith.addi %add3A_535, %add3A_661 : vector<16xi32>
        %shift_right_logical3A_663 = arith.constant 7 : i32
        %shift_right_logical3A_664 = vector.broadcast %shift_right_logical3A_663 : i32 to vector<16xi32>
        %shift_right_logical3A_665 = arith.shrui %add3A_662, %shift_right_logical3A_664 : vector<16xi32>
        %and3A_666 = arith.constant 127 : i32
        %and3A_667 = vector.broadcast %and3A_666 : i32 to vector<16xi32>
        %and3A_668 = arith.andi %add3A_662, %and3A_667 : vector<16xi32>
        %gather3A_669 = tpu.memref_bitcast %arg4 : memref<320x128xi32, #tpu.memory_space<vmem>> -> memref<320x128xi32, #tpu.memory_space<vmem>>
        %gather3A_670 = tpu.vector_load_idx %gather3A_669[%shift_right_logical3A_665, %and3A_668] : memref<320x128xi32, #tpu.memory_space<vmem>>[vector<16xi32>, vector<16xi32>], vector<16xi32>,
        %add3A_671 = arith.constant 8 : i32
        %add3A_672 = vector.broadcast %add3A_671 : i32 to vector<16xi32>
        %add3A_673 = arith.addi %add3A_542, %add3A_672 : vector<16xi32>
        %scatter3A_674 = tpu.memref_bitcast %arg6 : memref<1x11520xi32, #tpu.memory_space<vmem>> -> memref<1x11520xi32, #tpu.memory_space<vmem>>
        tpu.vector_store_idx %scatter3A_674[%mul3A_35, %add3A_673], %gather3A_670 : memref<1x11520xi32, #tpu.memory_space<vmem>>[vector<16xi32>, vector<16xi32>], vector<16xi32>,
      }
      %add3A_360 = arith.constant 2560 : i32
      %add3A_361 = arith.addi %mul3A_32, %add3A_360 : i32
      %mul3A_362 = arith.constant 9 : i32
      %mul3A_363 = arith.muli %add3A_361, %mul3A_362 : i32
      %dma_start3A_364 = arith.constant 0 : i32
      %dma_start3A_365 = arith.constant 0 : i32
      %dma_start3A_366 = tpu.memref_slice %arg6[%dma_start3A_364, %dma_start3A_365] : memref<1x11520xi32, #tpu.memory_space<vmem>> -> memref<1x11520xi32, #tpu.memory_space<vmem>>
      %dma_start3A_367 = tpu.memref_squeeze %dma_start3A_366 : memref<1x11520xi32, #tpu.memory_space<vmem>> -> memref<11520xi32, #tpu.memory_space<vmem>>
      %dma_start3A_368 = tpu.memref_slice %arg3[%select_n3A_9, %mul3A_363] : memref<2x900000xi32, #tpu.memory_space<hbm>> -> memref<1x11520xi32, #tpu.memory_space<hbm>>
      %dma_start3A_369 = tpu.memref_squeeze %dma_start3A_368 : memref<1x11520xi32, #tpu.memory_space<hbm>> -> memref<11520xi32, #tpu.memory_space<hbm>>
      %dma_start3A_370 = tpu.memref_slice %arg3[%select_n3A_9, %mul3A_363] : memref<2x900000xi32, #tpu.memory_space<hbm>> -> memref<1x11520xi32, #tpu.memory_space<hbm>>
      %dma_start3A_371 = tpu.memref_squeeze %dma_start3A_370 : memref<1x11520xi32, #tpu.memory_space<hbm>> -> memref<11520xi32, #tpu.memory_space<hbm>>
      %dma_start3A_372 = arith.constant 0 : i32
      %dma_start3A_373 = tpu.memref_slice %arg6[%dma_start3A_364, %dma_start3A_372] : memref<1x11520xi32, #tpu.memory_space<vmem>> -> memref<1x11520xi32, #tpu.memory_space<vmem>>
      %dma_start3A_374 = tpu.memref_squeeze %dma_start3A_373 : memref<1x11520xi32, #tpu.memory_space<vmem>> -> memref<11520xi32, #tpu.memory_space<vmem>>
      tpu.enqueue_dma source(%dma_start3A_374 : memref<11520xi32, #tpu.memory_space<vmem>>) target(%dma_start3A_371 : memref<11520xi32, #tpu.memory_space<hbm>>) target_semaphore(%arg10 : memref<!tpu.dma_semaphore, #tpu.memory_space<semaphore_mem>>)
      %add3A_375 = arith.constant 5120 : i32
      %add3A_376 = arith.addi %mul3A_32, %add3A_375 : i32
      %jit3A_377 = arith.constant 4 : i32
      %div3A_378 = arith.divsi %add3A_376, %jit3A_377 : i32
      %sign3A_379 = arith.constant 0 : i32
      %sign3A_380 = arith.cmpi sgt, %add3A_376, %sign3A_379 : i32
      %sign3A_381 = arith.extui %sign3A_380 : i1 to i32
      %sign3A_382 = arith.constant 0 : i32
      %sign3A_383 = arith.cmpi slt, %add3A_376, %sign3A_382 : i32
      %sign3A_384 = arith.extui %sign3A_383 : i1 to i32
      %sign3A_385 = arith.subi %sign3A_381, %sign3A_384 : i32
      %sign3A_386 = arith.constant 0 : i32
      %sign3A_387 = arith.cmpi sgt, %jit3A_377, %sign3A_386 : i32
      %sign3A_388 = arith.extui %sign3A_387 : i1 to i32
      %sign3A_389 = arith.constant 0 : i32
      %sign3A_390 = arith.cmpi slt, %jit3A_377, %sign3A_389 : i32
      %sign3A_391 = arith.extui %sign3A_390 : i1 to i32
      %sign3A_392 = arith.subi %sign3A_388, %sign3A_391 : i32
      %ne3A_393 = arith.cmpi ne, %sign3A_385, %sign3A_392 : i32
      %rem3A_394 = arith.remsi %add3A_376, %jit3A_377 : i32
      %ne3A_395 = arith.constant 0 : i32
      %ne3A_396 = arith.cmpi ne, %rem3A_394, %ne3A_395 : i32
      %and3A_397 = arith.andi %ne3A_393, %ne3A_396 : i1
      %sub3A_398 = arith.constant 1 : i32
      %sub3A_399 = arith.subi %div3A_378, %sub3A_398 : i32
      %select_n3A_400 = arith.select %and3A_397, %sub3A_399, %div3A_378 : i32
      %dma_start3A_401 = arith.constant 0 : i32
      %dma_start3A_402 = arith.constant 0 : i32
      %dma_start3A_403 = tpu.memref_slice %arg4[%dma_start3A_401, %dma_start3A_402] : memref<320x128xi32, #tpu.memory_space<vmem>> -> memref<320x128xi32, #tpu.memory_space<vmem>>
      %dma_start3A_404 = arith.constant 0 : i32
      %dma_start3A_405 = tpu.memref_slice %arg2[%select_n3A_400, %select_n3A_9, %dma_start3A_404] : memref<25000x2x128xi32, #tpu.memory_space<hbm>> -> memref<320x1x128xi32, #tpu.memory_space<hbm>>
      %dma_start3A_406 = tpu.memref_squeeze %dma_start3A_405 : memref<320x1x128xi32, #tpu.memory_space<hbm>> -> memref<320x128xi32, #tpu.memory_space<hbm>>
      %dma_start3A_407 = arith.constant 0 : i32
      %dma_start3A_408 = arith.constant 0 : i32
      %dma_start3A_409 = tpu.memref_slice %arg4[%dma_start3A_407, %dma_start3A_408] : memref<320x128xi32, #tpu.memory_space<vmem>> -> memref<320x128xi32, #tpu.memory_space<vmem>>
      %dma_start3A_410 = arith.constant 0 : i32
      %dma_start3A_411 = tpu.memref_slice %arg2[%select_n3A_400, %select_n3A_9, %dma_start3A_410] : memref<25000x2x128xi32, #tpu.memory_space<hbm>> -> memref<320x1x128xi32, #tpu.memory_space<hbm>>
      %dma_start3A_412 = tpu.memref_squeeze %dma_start3A_411 : memref<320x1x128xi32, #tpu.memory_space<hbm>> -> memref<320x128xi32, #tpu.memory_space<hbm>>
      tpu.enqueue_dma source(%dma_start3A_412 : memref<320x128xi32, #tpu.memory_space<hbm>>) target(%dma_start3A_409 : memref<320x128xi32, #tpu.memory_space<vmem>>) target_semaphore(%arg8 : memref<!tpu.dma_semaphore, #tpu.memory_space<semaphore_mem>>)
      %dma_wait3A_413 = arith.constant 0 : i32
      %dma_wait3A_414 = arith.constant 0 : i32
      %dma_wait3A_415 = tpu.memref_slice %arg5[%dma_wait3A_413, %dma_wait3A_414] : memref<320x128xi32, #tpu.memory_space<vmem>> -> memref<320x128xi32, #tpu.memory_space<vmem>>
      %dma_wait3A_416 = arith.constant 0 : i32
      %dma_wait3A_417 = tpu.memref_slice %arg2[%select_n3A_314, %select_n3A_9, %dma_wait3A_416] : memref<25000x2x128xi32, #tpu.memory_space<hbm>> -> memref<320x1x128xi32, #tpu.memory_space<hbm>>
      %dma_wait3A_418 = tpu.memref_squeeze %dma_wait3A_417 : memref<320x1x128xi32, #tpu.memory_space<hbm>> -> memref<320x128xi32, #tpu.memory_space<hbm>>
      %dma_wait3A_419 = arith.constant 0 : i32
      %dma_wait3A_420 = arith.constant 0 : i32
      %dma_wait3A_421 = tpu.memref_slice %arg5[%dma_wait3A_419, %dma_wait3A_420] : memref<320x128xi32, #tpu.memory_space<vmem>> -> memref<320x128xi32, #tpu.memory_space<vmem>>
      %dma_wait3A_422 = arith.constant 0 : i32
      %dma_wait3A_423 = tpu.memref_slice %arg2[%select_n3A_314, %select_n3A_9, %dma_wait3A_422] : memref<25000x2x128xi32, #tpu.memory_space<hbm>> -> memref<320x1x128xi32, #tpu.memory_space<hbm>>
      %dma_wait3A_424 = tpu.memref_squeeze %dma_wait3A_423 : memref<320x1x128xi32, #tpu.memory_space<hbm>> -> memref<320x128xi32, #tpu.memory_space<hbm>>
      tpu.wait_dma2 semaphore(%arg9 : memref<!tpu.dma_semaphore, #tpu.memory_space<semaphore_mem>>) src(%dma_wait3A_424 : memref<320x128xi32, #tpu.memory_space<hbm>>) dst(%dma_wait3A_421 : memref<320x128xi32, #tpu.memory_space<vmem>>)
      %dma_wait3A_425 = arith.constant 0 : i32
      %dma_wait3A_426 = arith.constant 0 : i32
      %dma_wait3A_427 = tpu.memref_slice %arg7[%dma_wait3A_425, %dma_wait3A_426] : memref<1x11520xi32, #tpu.memory_space<vmem>> -> memref<1x11520xi32, #tpu.memory_space<vmem>>
      %dma_wait3A_428 = tpu.memref_squeeze %dma_wait3A_427 : memref<1x11520xi32, #tpu.memory_space<vmem>> -> memref<11520xi32, #tpu.memory_space<vmem>>
      %dma_wait3A_429 = tpu.memref_slice %arg3[%select_n3A_9, %mul3A_277] : memref<2x900000xi32, #tpu.memory_space<hbm>> -> memref<1x11520xi32, #tpu.memory_space<hbm>>
      %dma_wait3A_430 = tpu.memref_squeeze %dma_wait3A_429 : memref<1x11520xi32, #tpu.memory_space<hbm>> -> memref<11520xi32, #tpu.memory_space<hbm>>
      %dma_wait3A_431 = tpu.memref_slice %arg3[%select_n3A_9, %mul3A_277] : memref<2x900000xi32, #tpu.memory_space<hbm>> -> memref<1x11520xi32, #tpu.memory_space<hbm>>
      %dma_wait3A_432 = tpu.memref_squeeze %dma_wait3A_431 : memref<1x11520xi32, #tpu.memory_space<hbm>> -> memref<11520xi32, #tpu.memory_space<hbm>>
      %dma_wait3A_433 = arith.constant 0 : i32
      %dma_wait3A_434 = tpu.memref_slice %arg7[%dma_wait3A_425, %dma_wait3A_433] : memref<1x11520xi32, #tpu.memory_space<vmem>> -> memref<1x11520xi32, #tpu.memory_space<vmem>>
      %dma_wait3A_435 = tpu.memref_squeeze %dma_wait3A_434 : memref<1x11520xi32, #tpu.memory_space<vmem>> -> memref<11520xi32, #tpu.memory_space<vmem>>
      tpu.wait_dma2 semaphore(%arg11 : memref<!tpu.dma_semaphore, #tpu.memory_space<semaphore_mem>>) src(%dma_wait3A_435 : memref<11520xi32, #tpu.memory_space<vmem>>) dst(%dma_wait3A_432 : memref<11520xi32, #tpu.memory_space<hbm>>)
      %while3A_436 = arith.constant 0 : i32
      %while3A_437 = arith.constant 80 : i32
      %while3A_438 = arith.subi %while3A_437, %while3A_436 : i32
      %while3A_439 = arith.addi %while3A_436, %while3A_438 : i32
      %while3A_440 = arith.constant 1 : i32
      %while3A_441 = arith.divsi %while3A_438, %while3A_440 : i32
      %while3A_442 = arith.muli %while3A_441, %while3A_440 : i32
      %while3A_443 = arith.addi %while3A_436, %while3A_442 : i32
      %while3A_444 = arith.constant 1 : i32
      scf.for %while3A_531 = %while3A_436 to %while3A_443 step %while3A_444  : i32 {
        %mul3A_532 = arith.constant 512 : i32
        %mul3A_533 = arith.muli %while3A_531, %mul3A_532 : i32
        %add3A_534 = vector.broadcast %mul3A_533 : i32 to vector<16xi32>
        %add3A_535 = arith.addi %add3A_534, %add3A_95 : vector<16xi32>
        %mul3A_536 = arith.constant 144 : i32
        %mul3A_537 = arith.muli %while3A_531, %mul3A_536 : i32
        %mul3A_538 = arith.constant 9 : i32
        %mul3A_539 = vector.broadcast %mul3A_538 : i32 to vector<16xi32>
        %mul3A_540 = arith.muli %iota3A, %mul3A_539 : vector<16xi32>
        %add3A_541 = vector.broadcast %mul3A_537 : i32 to vector<16xi32>
        %add3A_542 = arith.addi %add3A_541, %mul3A_540 : vector<16xi32>
        %add3A_543 = arith.constant 0 : i32
        %add3A_544 = vector.broadcast %add3A_543 : i32 to vector<16xi32>
        %add3A_545 = arith.addi %add3A_535, %add3A_544 : vector<16xi32>
        %shift_right_logical3A = arith.constant 7 : i32
        %shift_right_logical3A_546 = vector.broadcast %shift_right_logical3A : i32 to vector<16xi32>
        %shift_right_logical3A_547 = arith.shrui %add3A_545, %shift_right_logical3A_546 : vector<16xi32>
        %and3A_548 = arith.constant 127 : i32
        %and3A_549 = vector.broadcast %and3A_548 : i32 to vector<16xi32>
        %and3A_550 = arith.andi %add3A_545, %and3A_549 : vector<16xi32>
        %gather3A = tpu.memref_bitcast %arg5 : memref<320x128xi32, #tpu.memory_space<vmem>> -> memref<320x128xi32, #tpu.memory_space<vmem>>
        %gather3A_551 = tpu.vector_load_idx %gather3A[%shift_right_logical3A_547, %and3A_550] : memref<320x128xi32, #tpu.memory_space<vmem>>[vector<16xi32>, vector<16xi32>], vector<16xi32>,
        %add3A_552 = arith.constant 0 : i32
        %add3A_553 = vector.broadcast %add3A_552 : i32 to vector<16xi32>
        %add3A_554 = arith.addi %add3A_542, %add3A_553 : vector<16xi32>
        %scatter3A = tpu.memref_bitcast %arg7 : memref<1x11520xi32, #tpu.memory_space<vmem>> -> memref<1x11520xi32, #tpu.memory_space<vmem>>
        tpu.vector_store_idx %scatter3A[%mul3A_35, %add3A_554], %gather3A_551 : memref<1x11520xi32, #tpu.memory_space<vmem>>[vector<16xi32>, vector<16xi32>], vector<16xi32>,
        %add3A_555 = arith.constant 2 : i32
        %add3A_556 = vector.broadcast %add3A_555 : i32 to vector<16xi32>
        %add3A_557 = arith.addi %add3A_535, %add3A_556 : vector<16xi32>
        %shift_right_logical3A_558 = arith.constant 7 : i32
        %shift_right_logical3A_559 = vector.broadcast %shift_right_logical3A_558 : i32 to vector<16xi32>
        %shift_right_logical3A_560 = arith.shrui %add3A_557, %shift_right_logical3A_559 : vector<16xi32>
        %and3A_561 = arith.constant 127 : i32
        %and3A_562 = vector.broadcast %and3A_561 : i32 to vector<16xi32>
        %and3A_563 = arith.andi %add3A_557, %and3A_562 : vector<16xi32>
        %gather3A_564 = tpu.memref_bitcast %arg5 : memref<320x128xi32, #tpu.memory_space<vmem>> -> memref<320x128xi32, #tpu.memory_space<vmem>>
        %gather3A_565 = tpu.vector_load_idx %gather3A_564[%shift_right_logical3A_560, %and3A_563] : memref<320x128xi32, #tpu.memory_space<vmem>>[vector<16xi32>, vector<16xi32>], vector<16xi32>,
        %add3A_566 = arith.constant 1 : i32
        %add3A_567 = vector.broadcast %add3A_566 : i32 to vector<16xi32>
        %add3A_568 = arith.addi %add3A_542, %add3A_567 : vector<16xi32>
        %scatter3A_569 = tpu.memref_bitcast %arg7 : memref<1x11520xi32, #tpu.memory_space<vmem>> -> memref<1x11520xi32, #tpu.memory_space<vmem>>
        tpu.vector_store_idx %scatter3A_569[%mul3A_35, %add3A_568], %gather3A_565 : memref<1x11520xi32, #tpu.memory_space<vmem>>[vector<16xi32>, vector<16xi32>], vector<16xi32>,
        %add3A_570 = arith.constant 4 : i32
        %add3A_571 = vector.broadcast %add3A_570 : i32 to vector<16xi32>
        %add3A_572 = arith.addi %add3A_535, %add3A_571 : vector<16xi32>
        %shift_right_logical3A_573 = arith.constant 7 : i32
        %shift_right_logical3A_574 = vector.broadcast %shift_right_logical3A_573 : i32 to vector<16xi32>
        %shift_right_logical3A_575 = arith.shrui %add3A_572, %shift_right_logical3A_574 : vector<16xi32>
        %and3A_576 = arith.constant 127 : i32
        %and3A_577 = vector.broadcast %and3A_576 : i32 to vector<16xi32>
        %and3A_578 = arith.andi %add3A_572, %and3A_577 : vector<16xi32>
        %gather3A_579 = tpu.memref_bitcast %arg5 : memref<320x128xi32, #tpu.memory_space<vmem>> -> memref<320x128xi32, #tpu.memory_space<vmem>>
        %gather3A_580 = tpu.vector_load_idx %gather3A_579[%shift_right_logical3A_575, %and3A_578] : memref<320x128xi32, #tpu.memory_space<vmem>>[vector<16xi32>, vector<16xi32>], vector<16xi32>,
        %add3A_581 = arith.constant 2 : i32
        %add3A_582 = vector.broadcast %add3A_581 : i32 to vector<16xi32>
        %add3A_583 = arith.addi %add3A_542, %add3A_582 : vector<16xi32>
        %scatter3A_584 = tpu.memref_bitcast %arg7 : memref<1x11520xi32, #tpu.memory_space<vmem>> -> memref<1x11520xi32, #tpu.memory_space<vmem>>
        tpu.vector_store_idx %scatter3A_584[%mul3A_35, %add3A_583], %gather3A_580 : memref<1x11520xi32, #tpu.memory_space<vmem>>[vector<16xi32>, vector<16xi32>], vector<16xi32>,
        %add3A_585 = arith.constant 6 : i32
        %add3A_586 = vector.broadcast %add3A_585 : i32 to vector<16xi32>
        %add3A_587 = arith.addi %add3A_535, %add3A_586 : vector<16xi32>
        %shift_right_logical3A_588 = arith.constant 7 : i32
        %shift_right_logical3A_589 = vector.broadcast %shift_right_logical3A_588 : i32 to vector<16xi32>
        %shift_right_logical3A_590 = arith.shrui %add3A_587, %shift_right_logical3A_589 : vector<16xi32>
        %and3A_591 = arith.constant 127 : i32
        %and3A_592 = vector.broadcast %and3A_591 : i32 to vector<16xi32>
        %and3A_593 = arith.andi %add3A_587, %and3A_592 : vector<16xi32>
        %gather3A_594 = tpu.memref_bitcast %arg5 : memref<320x128xi32, #tpu.memory_space<vmem>> -> memref<320x128xi32, #tpu.memory_space<vmem>>
        %gather3A_595 = tpu.vector_load_idx %gather3A_594[%shift_right_logical3A_590, %and3A_593] : memref<320x128xi32, #tpu.memory_space<vmem>>[vector<16xi32>, vector<16xi32>], vector<16xi32>,
        %add3A_596 = arith.constant 3 : i32
        %add3A_597 = vector.broadcast %add3A_596 : i32 to vector<16xi32>
        %add3A_598 = arith.addi %add3A_542, %add3A_597 : vector<16xi32>
        %scatter3A_599 = tpu.memref_bitcast %arg7 : memref<1x11520xi32, #tpu.memory_space<vmem>> -> memref<1x11520xi32, #tpu.memory_space<vmem>>
        tpu.vector_store_idx %scatter3A_599[%mul3A_35, %add3A_598], %gather3A_595 : memref<1x11520xi32, #tpu.memory_space<vmem>>[vector<16xi32>, vector<16xi32>], vector<16xi32>,
        %add3A_600 = arith.constant 8 : i32
        %add3A_601 = vector.broadcast %add3A_600 : i32 to vector<16xi32>
        %add3A_602 = arith.addi %add3A_535, %add3A_601 : vector<16xi32>
        %shift_right_logical3A_603 = arith.constant 7 : i32
        %shift_right_logical3A_604 = vector.broadcast %shift_right_logical3A_603 : i32 to vector<16xi32>
        %shift_right_logical3A_605 = arith.shrui %add3A_602, %shift_right_logical3A_604 : vector<16xi32>
        %and3A_606 = arith.constant 127 : i32
        %and3A_607 = vector.broadcast %and3A_606 : i32 to vector<16xi32>
        %and3A_608 = arith.andi %add3A_602, %and3A_607 : vector<16xi32>
        %gather3A_609 = tpu.memref_bitcast %arg5 : memref<320x128xi32, #tpu.memory_space<vmem>> -> memref<320x128xi32, #tpu.memory_space<vmem>>
        %gather3A_610 = tpu.vector_load_idx %gather3A_609[%shift_right_logical3A_605, %and3A_608] : memref<320x128xi32, #tpu.memory_space<vmem>>[vector<16xi32>, vector<16xi32>], vector<16xi32>,
        %add3A_611 = arith.constant 4 : i32
        %add3A_612 = vector.broadcast %add3A_611 : i32 to vector<16xi32>
        %add3A_613 = arith.addi %add3A_542, %add3A_612 : vector<16xi32>
        %scatter3A_614 = tpu.memref_bitcast %arg7 : memref<1x11520xi32, #tpu.memory_space<vmem>> -> memref<1x11520xi32, #tpu.memory_space<vmem>>
        tpu.vector_store_idx %scatter3A_614[%mul3A_35, %add3A_613], %gather3A_610 : memref<1x11520xi32, #tpu.memory_space<vmem>>[vector<16xi32>, vector<16xi32>], vector<16xi32>,
        %add3A_615 = arith.constant 10 : i32
        %add3A_616 = vector.broadcast %add3A_615 : i32 to vector<16xi32>
        %add3A_617 = arith.addi %add3A_535, %add3A_616 : vector<16xi32>
        %shift_right_logical3A_618 = arith.constant 7 : i32
        %shift_right_logical3A_619 = vector.broadcast %shift_right_logical3A_618 : i32 to vector<16xi32>
        %shift_right_logical3A_620 = arith.shrui %add3A_617, %shift_right_logical3A_619 : vector<16xi32>
        %and3A_621 = arith.constant 127 : i32
        %and3A_622 = vector.broadcast %and3A_621 : i32 to vector<16xi32>
        %and3A_623 = arith.andi %add3A_617, %and3A_622 : vector<16xi32>
        %gather3A_624 = tpu.memref_bitcast %arg5 : memref<320x128xi32, #tpu.memory_space<vmem>> -> memref<320x128xi32, #tpu.memory_space<vmem>>
        %gather3A_625 = tpu.vector_load_idx %gather3A_624[%shift_right_logical3A_620, %and3A_623] : memref<320x128xi32, #tpu.memory_space<vmem>>[vector<16xi32>, vector<16xi32>], vector<16xi32>,
        %add3A_626 = arith.constant 5 : i32
        %add3A_627 = vector.broadcast %add3A_626 : i32 to vector<16xi32>
        %add3A_628 = arith.addi %add3A_542, %add3A_627 : vector<16xi32>
        %scatter3A_629 = tpu.memref_bitcast %arg7 : memref<1x11520xi32, #tpu.memory_space<vmem>> -> memref<1x11520xi32, #tpu.memory_space<vmem>>
        tpu.vector_store_idx %scatter3A_629[%mul3A_35, %add3A_628], %gather3A_625 : memref<1x11520xi32, #tpu.memory_space<vmem>>[vector<16xi32>, vector<16xi32>], vector<16xi32>,
        %add3A_630 = arith.constant 12 : i32
        %add3A_631 = vector.broadcast %add3A_630 : i32 to vector<16xi32>
        %add3A_632 = arith.addi %add3A_535, %add3A_631 : vector<16xi32>
        %shift_right_logical3A_633 = arith.constant 7 : i32
        %shift_right_logical3A_634 = vector.broadcast %shift_right_logical3A_633 : i32 to vector<16xi32>
        %shift_right_logical3A_635 = arith.shrui %add3A_632, %shift_right_logical3A_634 : vector<16xi32>
        %and3A_636 = arith.constant 127 : i32
        %and3A_637 = vector.broadcast %and3A_636 : i32 to vector<16xi32>
        %and3A_638 = arith.andi %add3A_632, %and3A_637 : vector<16xi32>
        %gather3A_639 = tpu.memref_bitcast %arg5 : memref<320x128xi32, #tpu.memory_space<vmem>> -> memref<320x128xi32, #tpu.memory_space<vmem>>
        %gather3A_640 = tpu.vector_load_idx %gather3A_639[%shift_right_logical3A_635, %and3A_638] : memref<320x128xi32, #tpu.memory_space<vmem>>[vector<16xi32>, vector<16xi32>], vector<16xi32>,
        %add3A_641 = arith.constant 6 : i32
        %add3A_642 = vector.broadcast %add3A_641 : i32 to vector<16xi32>
        %add3A_643 = arith.addi %add3A_542, %add3A_642 : vector<16xi32>
        %scatter3A_644 = tpu.memref_bitcast %arg7 : memref<1x11520xi32, #tpu.memory_space<vmem>> -> memref<1x11520xi32, #tpu.memory_space<vmem>>
        tpu.vector_store_idx %scatter3A_644[%mul3A_35, %add3A_643], %gather3A_640 : memref<1x11520xi32, #tpu.memory_space<vmem>>[vector<16xi32>, vector<16xi32>], vector<16xi32>,
        %add3A_645 = arith.constant 14 : i32
        %add3A_646 = vector.broadcast %add3A_645 : i32 to vector<16xi32>
        %add3A_647 = arith.addi %add3A_535, %add3A_646 : vector<16xi32>
        %shift_right_logical3A_648 = arith.constant 7 : i32
        %shift_right_logical3A_649 = vector.broadcast %shift_right_logical3A_648 : i32 to vector<16xi32>
        %shift_right_logical3A_650 = arith.shrui %add3A_647, %shift_right_logical3A_649 : vector<16xi32>
        %and3A_651 = arith.constant 127 : i32
        %and3A_652 = vector.broadcast %and3A_651 : i32 to vector<16xi32>
        %and3A_653 = arith.andi %add3A_647, %and3A_652 : vector<16xi32>
        %gather3A_654 = tpu.memref_bitcast %arg5 : memref<320x128xi32, #tpu.memory_space<vmem>> -> memref<320x128xi32, #tpu.memory_space<vmem>>
        %gather3A_655 = tpu.vector_load_idx %gather3A_654[%shift_right_logical3A_650, %and3A_653] : memref<320x128xi32, #tpu.memory_space<vmem>>[vector<16xi32>, vector<16xi32>], vector<16xi32>,
        %add3A_656 = arith.constant 7 : i32
        %add3A_657 = vector.broadcast %add3A_656 : i32 to vector<16xi32>
        %add3A_658 = arith.addi %add3A_542, %add3A_657 : vector<16xi32>
        %scatter3A_659 = tpu.memref_bitcast %arg7 : memref<1x11520xi32, #tpu.memory_space<vmem>> -> memref<1x11520xi32, #tpu.memory_space<vmem>>
        tpu.vector_store_idx %scatter3A_659[%mul3A_35, %add3A_658], %gather3A_655 : memref<1x11520xi32, #tpu.memory_space<vmem>>[vector<16xi32>, vector<16xi32>], vector<16xi32>,
        %add3A_660 = arith.constant 16 : i32
        %add3A_661 = vector.broadcast %add3A_660 : i32 to vector<16xi32>
        %add3A_662 = arith.addi %add3A_535, %add3A_661 : vector<16xi32>
        %shift_right_logical3A_663 = arith.constant 7 : i32
        %shift_right_logical3A_664 = vector.broadcast %shift_right_logical3A_663 : i32 to vector<16xi32>
        %shift_right_logical3A_665 = arith.shrui %add3A_662, %shift_right_logical3A_664 : vector<16xi32>
        %and3A_666 = arith.constant 127 : i32
        %and3A_667 = vector.broadcast %and3A_666 : i32 to vector<16xi32>
        %and3A_668 = arith.andi %add3A_662, %and3A_667 : vector<16xi32>
        %gather3A_669 = tpu.memref_bitcast %arg5 : memref<320x128xi32, #tpu.memory_space<vmem>> -> memref<320x128xi32, #tpu.memory_space<vmem>>
        %gather3A_670 = tpu.vector_load_idx %gather3A_669[%shift_right_logical3A_665, %and3A_668] : memref<320x128xi32, #tpu.memory_space<vmem>>[vector<16xi32>, vector<16xi32>], vector<16xi32>,
        %add3A_671 = arith.constant 8 : i32
        %add3A_672 = vector.broadcast %add3A_671 : i32 to vector<16xi32>
        %add3A_673 = arith.addi %add3A_542, %add3A_672 : vector<16xi32>
        %scatter3A_674 = tpu.memref_bitcast %arg7 : memref<1x11520xi32, #tpu.memory_space<vmem>> -> memref<1x11520xi32, #tpu.memory_space<vmem>>
        tpu.vector_store_idx %scatter3A_674[%mul3A_35, %add3A_673], %gather3A_670 : memref<1x11520xi32, #tpu.memory_space<vmem>>[vector<16xi32>, vector<16xi32>], vector<16xi32>,
      }
      %while3A_445 = arith.constant 1 : i32
      scf.for %while3A_531 = %while3A_443 to %while3A_439 step %while3A_445  : i32 {
        %mul3A_532 = arith.constant 512 : i32
        %mul3A_533 = arith.muli %while3A_531, %mul3A_532 : i32
        %add3A_534 = vector.broadcast %mul3A_533 : i32 to vector<16xi32>
        %add3A_535 = arith.addi %add3A_534, %add3A_95 : vector<16xi32>
        %mul3A_536 = arith.constant 144 : i32
        %mul3A_537 = arith.muli %while3A_531, %mul3A_536 : i32
        %mul3A_538 = arith.constant 9 : i32
        %mul3A_539 = vector.broadcast %mul3A_538 : i32 to vector<16xi32>
        %mul3A_540 = arith.muli %iota3A, %mul3A_539 : vector<16xi32>
        %add3A_541 = vector.broadcast %mul3A_537 : i32 to vector<16xi32>
        %add3A_542 = arith.addi %add3A_541, %mul3A_540 : vector<16xi32>
        %add3A_543 = arith.constant 0 : i32
        %add3A_544 = vector.broadcast %add3A_543 : i32 to vector<16xi32>
        %add3A_545 = arith.addi %add3A_535, %add3A_544 : vector<16xi32>
        %shift_right_logical3A = arith.constant 7 : i32
        %shift_right_logical3A_546 = vector.broadcast %shift_right_logical3A : i32 to vector<16xi32>
        %shift_right_logical3A_547 = arith.shrui %add3A_545, %shift_right_logical3A_546 : vector<16xi32>
        %and3A_548 = arith.constant 127 : i32
        %and3A_549 = vector.broadcast %and3A_548 : i32 to vector<16xi32>
        %and3A_550 = arith.andi %add3A_545, %and3A_549 : vector<16xi32>
        %gather3A = tpu.memref_bitcast %arg5 : memref<320x128xi32, #tpu.memory_space<vmem>> -> memref<320x128xi32, #tpu.memory_space<vmem>>
        %gather3A_551 = tpu.vector_load_idx %gather3A[%shift_right_logical3A_547, %and3A_550] : memref<320x128xi32, #tpu.memory_space<vmem>>[vector<16xi32>, vector<16xi32>], vector<16xi32>,
        %add3A_552 = arith.constant 0 : i32
        %add3A_553 = vector.broadcast %add3A_552 : i32 to vector<16xi32>
        %add3A_554 = arith.addi %add3A_542, %add3A_553 : vector<16xi32>
        %scatter3A = tpu.memref_bitcast %arg7 : memref<1x11520xi32, #tpu.memory_space<vmem>> -> memref<1x11520xi32, #tpu.memory_space<vmem>>
        tpu.vector_store_idx %scatter3A[%mul3A_35, %add3A_554], %gather3A_551 : memref<1x11520xi32, #tpu.memory_space<vmem>>[vector<16xi32>, vector<16xi32>], vector<16xi32>,
        %add3A_555 = arith.constant 2 : i32
        %add3A_556 = vector.broadcast %add3A_555 : i32 to vector<16xi32>
        %add3A_557 = arith.addi %add3A_535, %add3A_556 : vector<16xi32>
        %shift_right_logical3A_558 = arith.constant 7 : i32
        %shift_right_logical3A_559 = vector.broadcast %shift_right_logical3A_558 : i32 to vector<16xi32>
        %shift_right_logical3A_560 = arith.shrui %add3A_557, %shift_right_logical3A_559 : vector<16xi32>
        %and3A_561 = arith.constant 127 : i32
        %and3A_562 = vector.broadcast %and3A_561 : i32 to vector<16xi32>
        %and3A_563 = arith.andi %add3A_557, %and3A_562 : vector<16xi32>
        %gather3A_564 = tpu.memref_bitcast %arg5 : memref<320x128xi32, #tpu.memory_space<vmem>> -> memref<320x128xi32, #tpu.memory_space<vmem>>
        %gather3A_565 = tpu.vector_load_idx %gather3A_564[%shift_right_logical3A_560, %and3A_563] : memref<320x128xi32, #tpu.memory_space<vmem>>[vector<16xi32>, vector<16xi32>], vector<16xi32>,
        %add3A_566 = arith.constant 1 : i32
        %add3A_567 = vector.broadcast %add3A_566 : i32 to vector<16xi32>
        %add3A_568 = arith.addi %add3A_542, %add3A_567 : vector<16xi32>
        %scatter3A_569 = tpu.memref_bitcast %arg7 : memref<1x11520xi32, #tpu.memory_space<vmem>> -> memref<1x11520xi32, #tpu.memory_space<vmem>>
        tpu.vector_store_idx %scatter3A_569[%mul3A_35, %add3A_568], %gather3A_565 : memref<1x11520xi32, #tpu.memory_space<vmem>>[vector<16xi32>, vector<16xi32>], vector<16xi32>,
        %add3A_570 = arith.constant 4 : i32
        %add3A_571 = vector.broadcast %add3A_570 : i32 to vector<16xi32>
        %add3A_572 = arith.addi %add3A_535, %add3A_571 : vector<16xi32>
        %shift_right_logical3A_573 = arith.constant 7 : i32
        %shift_right_logical3A_574 = vector.broadcast %shift_right_logical3A_573 : i32 to vector<16xi32>
        %shift_right_logical3A_575 = arith.shrui %add3A_572, %shift_right_logical3A_574 : vector<16xi32>
        %and3A_576 = arith.constant 127 : i32
        %and3A_577 = vector.broadcast %and3A_576 : i32 to vector<16xi32>
        %and3A_578 = arith.andi %add3A_572, %and3A_577 : vector<16xi32>
        %gather3A_579 = tpu.memref_bitcast %arg5 : memref<320x128xi32, #tpu.memory_space<vmem>> -> memref<320x128xi32, #tpu.memory_space<vmem>>
        %gather3A_580 = tpu.vector_load_idx %gather3A_579[%shift_right_logical3A_575, %and3A_578] : memref<320x128xi32, #tpu.memory_space<vmem>>[vector<16xi32>, vector<16xi32>], vector<16xi32>,
        %add3A_581 = arith.constant 2 : i32
        %add3A_582 = vector.broadcast %add3A_581 : i32 to vector<16xi32>
        %add3A_583 = arith.addi %add3A_542, %add3A_582 : vector<16xi32>
        %scatter3A_584 = tpu.memref_bitcast %arg7 : memref<1x11520xi32, #tpu.memory_space<vmem>> -> memref<1x11520xi32, #tpu.memory_space<vmem>>
        tpu.vector_store_idx %scatter3A_584[%mul3A_35, %add3A_583], %gather3A_580 : memref<1x11520xi32, #tpu.memory_space<vmem>>[vector<16xi32>, vector<16xi32>], vector<16xi32>,
        %add3A_585 = arith.constant 6 : i32
        %add3A_586 = vector.broadcast %add3A_585 : i32 to vector<16xi32>
        %add3A_587 = arith.addi %add3A_535, %add3A_586 : vector<16xi32>
        %shift_right_logical3A_588 = arith.constant 7 : i32
        %shift_right_logical3A_589 = vector.broadcast %shift_right_logical3A_588 : i32 to vector<16xi32>
        %shift_right_logical3A_590 = arith.shrui %add3A_587, %shift_right_logical3A_589 : vector<16xi32>
        %and3A_591 = arith.constant 127 : i32
        %and3A_592 = vector.broadcast %and3A_591 : i32 to vector<16xi32>
        %and3A_593 = arith.andi %add3A_587, %and3A_592 : vector<16xi32>
        %gather3A_594 = tpu.memref_bitcast %arg5 : memref<320x128xi32, #tpu.memory_space<vmem>> -> memref<320x128xi32, #tpu.memory_space<vmem>>
        %gather3A_595 = tpu.vector_load_idx %gather3A_594[%shift_right_logical3A_590, %and3A_593] : memref<320x128xi32, #tpu.memory_space<vmem>>[vector<16xi32>, vector<16xi32>], vector<16xi32>,
        %add3A_596 = arith.constant 3 : i32
        %add3A_597 = vector.broadcast %add3A_596 : i32 to vector<16xi32>
        %add3A_598 = arith.addi %add3A_542, %add3A_597 : vector<16xi32>
        %scatter3A_599 = tpu.memref_bitcast %arg7 : memref<1x11520xi32, #tpu.memory_space<vmem>> -> memref<1x11520xi32, #tpu.memory_space<vmem>>
        tpu.vector_store_idx %scatter3A_599[%mul3A_35, %add3A_598], %gather3A_595 : memref<1x11520xi32, #tpu.memory_space<vmem>>[vector<16xi32>, vector<16xi32>], vector<16xi32>,
        %add3A_600 = arith.constant 8 : i32
        %add3A_601 = vector.broadcast %add3A_600 : i32 to vector<16xi32>
        %add3A_602 = arith.addi %add3A_535, %add3A_601 : vector<16xi32>
        %shift_right_logical3A_603 = arith.constant 7 : i32
        %shift_right_logical3A_604 = vector.broadcast %shift_right_logical3A_603 : i32 to vector<16xi32>
        %shift_right_logical3A_605 = arith.shrui %add3A_602, %shift_right_logical3A_604 : vector<16xi32>
        %and3A_606 = arith.constant 127 : i32
        %and3A_607 = vector.broadcast %and3A_606 : i32 to vector<16xi32>
        %and3A_608 = arith.andi %add3A_602, %and3A_607 : vector<16xi32>
        %gather3A_609 = tpu.memref_bitcast %arg5 : memref<320x128xi32, #tpu.memory_space<vmem>> -> memref<320x128xi32, #tpu.memory_space<vmem>>
        %gather3A_610 = tpu.vector_load_idx %gather3A_609[%shift_right_logical3A_605, %and3A_608] : memref<320x128xi32, #tpu.memory_space<vmem>>[vector<16xi32>, vector<16xi32>], vector<16xi32>,
        %add3A_611 = arith.constant 4 : i32
        %add3A_612 = vector.broadcast %add3A_611 : i32 to vector<16xi32>
        %add3A_613 = arith.addi %add3A_542, %add3A_612 : vector<16xi32>
        %scatter3A_614 = tpu.memref_bitcast %arg7 : memref<1x11520xi32, #tpu.memory_space<vmem>> -> memref<1x11520xi32, #tpu.memory_space<vmem>>
        tpu.vector_store_idx %scatter3A_614[%mul3A_35, %add3A_613], %gather3A_610 : memref<1x11520xi32, #tpu.memory_space<vmem>>[vector<16xi32>, vector<16xi32>], vector<16xi32>,
        %add3A_615 = arith.constant 10 : i32
        %add3A_616 = vector.broadcast %add3A_615 : i32 to vector<16xi32>
        %add3A_617 = arith.addi %add3A_535, %add3A_616 : vector<16xi32>
        %shift_right_logical3A_618 = arith.constant 7 : i32
        %shift_right_logical3A_619 = vector.broadcast %shift_right_logical3A_618 : i32 to vector<16xi32>
        %shift_right_logical3A_620 = arith.shrui %add3A_617, %shift_right_logical3A_619 : vector<16xi32>
        %and3A_621 = arith.constant 127 : i32
        %and3A_622 = vector.broadcast %and3A_621 : i32 to vector<16xi32>
        %and3A_623 = arith.andi %add3A_617, %and3A_622 : vector<16xi32>
        %gather3A_624 = tpu.memref_bitcast %arg5 : memref<320x128xi32, #tpu.memory_space<vmem>> -> memref<320x128xi32, #tpu.memory_space<vmem>>
        %gather3A_625 = tpu.vector_load_idx %gather3A_624[%shift_right_logical3A_620, %and3A_623] : memref<320x128xi32, #tpu.memory_space<vmem>>[vector<16xi32>, vector<16xi32>], vector<16xi32>,
        %add3A_626 = arith.constant 5 : i32
        %add3A_627 = vector.broadcast %add3A_626 : i32 to vector<16xi32>
        %add3A_628 = arith.addi %add3A_542, %add3A_627 : vector<16xi32>
        %scatter3A_629 = tpu.memref_bitcast %arg7 : memref<1x11520xi32, #tpu.memory_space<vmem>> -> memref<1x11520xi32, #tpu.memory_space<vmem>>
        tpu.vector_store_idx %scatter3A_629[%mul3A_35, %add3A_628], %gather3A_625 : memref<1x11520xi32, #tpu.memory_space<vmem>>[vector<16xi32>, vector<16xi32>], vector<16xi32>,
        %add3A_630 = arith.constant 12 : i32
        %add3A_631 = vector.broadcast %add3A_630 : i32 to vector<16xi32>
        %add3A_632 = arith.addi %add3A_535, %add3A_631 : vector<16xi32>
        %shift_right_logical3A_633 = arith.constant 7 : i32
        %shift_right_logical3A_634 = vector.broadcast %shift_right_logical3A_633 : i32 to vector<16xi32>
        %shift_right_logical3A_635 = arith.shrui %add3A_632, %shift_right_logical3A_634 : vector<16xi32>
        %and3A_636 = arith.constant 127 : i32
        %and3A_637 = vector.broadcast %and3A_636 : i32 to vector<16xi32>
        %and3A_638 = arith.andi %add3A_632, %and3A_637 : vector<16xi32>
        %gather3A_639 = tpu.memref_bitcast %arg5 : memref<320x128xi32, #tpu.memory_space<vmem>> -> memref<320x128xi32, #tpu.memory_space<vmem>>
        %gather3A_640 = tpu.vector_load_idx %gather3A_639[%shift_right_logical3A_635, %and3A_638] : memref<320x128xi32, #tpu.memory_space<vmem>>[vector<16xi32>, vector<16xi32>], vector<16xi32>,
        %add3A_641 = arith.constant 6 : i32
        %add3A_642 = vector.broadcast %add3A_641 : i32 to vector<16xi32>
        %add3A_643 = arith.addi %add3A_542, %add3A_642 : vector<16xi32>
        %scatter3A_644 = tpu.memref_bitcast %arg7 : memref<1x11520xi32, #tpu.memory_space<vmem>> -> memref<1x11520xi32, #tpu.memory_space<vmem>>
        tpu.vector_store_idx %scatter3A_644[%mul3A_35, %add3A_643], %gather3A_640 : memref<1x11520xi32, #tpu.memory_space<vmem>>[vector<16xi32>, vector<16xi32>], vector<16xi32>,
        %add3A_645 = arith.constant 14 : i32
        %add3A_646 = vector.broadcast %add3A_645 : i32 to vector<16xi32>
        %add3A_647 = arith.addi %add3A_535, %add3A_646 : vector<16xi32>
        %shift_right_logical3A_648 = arith.constant 7 : i32
        %shift_right_logical3A_649 = vector.broadcast %shift_right_logical3A_648 : i32 to vector<16xi32>
        %shift_right_logical3A_650 = arith.shrui %add3A_647, %shift_right_logical3A_649 : vector<16xi32>
        %and3A_651 = arith.constant 127 : i32
        %and3A_652 = vector.broadcast %and3A_651 : i32 to vector<16xi32>
        %and3A_653 = arith.andi %add3A_647, %and3A_652 : vector<16xi32>
        %gather3A_654 = tpu.memref_bitcast %arg5 : memref<320x128xi32, #tpu.memory_space<vmem>> -> memref<320x128xi32, #tpu.memory_space<vmem>>
        %gather3A_655 = tpu.vector_load_idx %gather3A_654[%shift_right_logical3A_650, %and3A_653] : memref<320x128xi32, #tpu.memory_space<vmem>>[vector<16xi32>, vector<16xi32>], vector<16xi32>,
        %add3A_656 = arith.constant 7 : i32
        %add3A_657 = vector.broadcast %add3A_656 : i32 to vector<16xi32>
        %add3A_658 = arith.addi %add3A_542, %add3A_657 : vector<16xi32>
        %scatter3A_659 = tpu.memref_bitcast %arg7 : memref<1x11520xi32, #tpu.memory_space<vmem>> -> memref<1x11520xi32, #tpu.memory_space<vmem>>
        tpu.vector_store_idx %scatter3A_659[%mul3A_35, %add3A_658], %gather3A_655 : memref<1x11520xi32, #tpu.memory_space<vmem>>[vector<16xi32>, vector<16xi32>], vector<16xi32>,
        %add3A_660 = arith.constant 16 : i32
        %add3A_661 = vector.broadcast %add3A_660 : i32 to vector<16xi32>
        %add3A_662 = arith.addi %add3A_535, %add3A_661 : vector<16xi32>
        %shift_right_logical3A_663 = arith.constant 7 : i32
        %shift_right_logical3A_664 = vector.broadcast %shift_right_logical3A_663 : i32 to vector<16xi32>
        %shift_right_logical3A_665 = arith.shrui %add3A_662, %shift_right_logical3A_664 : vector<16xi32>
        %and3A_666 = arith.constant 127 : i32
        %and3A_667 = vector.broadcast %and3A_666 : i32 to vector<16xi32>
        %and3A_668 = arith.andi %add3A_662, %and3A_667 : vector<16xi32>
        %gather3A_669 = tpu.memref_bitcast %arg5 : memref<320x128xi32, #tpu.memory_space<vmem>> -> memref<320x128xi32, #tpu.memory_space<vmem>>
        %gather3A_670 = tpu.vector_load_idx %gather3A_669[%shift_right_logical3A_665, %and3A_668] : memref<320x128xi32, #tpu.memory_space<vmem>>[vector<16xi32>, vector<16xi32>], vector<16xi32>,
        %add3A_671 = arith.constant 8 : i32
        %add3A_672 = vector.broadcast %add3A_671 : i32 to vector<16xi32>
        %add3A_673 = arith.addi %add3A_542, %add3A_672 : vector<16xi32>
        %scatter3A_674 = tpu.memref_bitcast %arg7 : memref<1x11520xi32, #tpu.memory_space<vmem>> -> memref<1x11520xi32, #tpu.memory_space<vmem>>
        tpu.vector_store_idx %scatter3A_674[%mul3A_35, %add3A_673], %gather3A_670 : memref<1x11520xi32, #tpu.memory_space<vmem>>[vector<16xi32>, vector<16xi32>], vector<16xi32>,
      }
      %add3A_446 = arith.constant 3840 : i32
      %add3A_447 = arith.addi %mul3A_32, %add3A_446 : i32
      %mul3A_448 = arith.constant 9 : i32
      %mul3A_449 = arith.muli %add3A_447, %mul3A_448 : i32
      %dma_start3A_450 = arith.constant 0 : i32
      %dma_start3A_451 = arith.constant 0 : i32
      %dma_start3A_452 = tpu.memref_slice %arg7[%dma_start3A_450, %dma_start3A_451] : memref<1x11520xi32, #tpu.memory_space<vmem>> -> memref<1x11520xi32, #tpu.memory_space<vmem>>
      %dma_start3A_453 = tpu.memref_squeeze %dma_start3A_452 : memref<1x11520xi32, #tpu.memory_space<vmem>> -> memref<11520xi32, #tpu.memory_space<vmem>>
      %dma_start3A_454 = tpu.memref_slice %arg3[%select_n3A_9, %mul3A_449] : memref<2x900000xi32, #tpu.memory_space<hbm>> -> memref<1x11520xi32, #tpu.memory_space<hbm>>
      %dma_start3A_455 = tpu.memref_squeeze %dma_start3A_454 : memref<1x11520xi32, #tpu.memory_space<hbm>> -> memref<11520xi32, #tpu.memory_space<hbm>>
      %dma_start3A_456 = tpu.memref_slice %arg3[%select_n3A_9, %mul3A_449] : memref<2x900000xi32, #tpu.memory_space<hbm>> -> memref<1x11520xi32, #tpu.memory_space<hbm>>
      %dma_start3A_457 = tpu.memref_squeeze %dma_start3A_456 : memref<1x11520xi32, #tpu.memory_space<hbm>> -> memref<11520xi32, #tpu.memory_space<hbm>>
      %dma_start3A_458 = arith.constant 0 : i32
      %dma_start3A_459 = tpu.memref_slice %arg7[%dma_start3A_450, %dma_start3A_458] : memref<1x11520xi32, #tpu.memory_space<vmem>> -> memref<1x11520xi32, #tpu.memory_space<vmem>>
      %dma_start3A_460 = tpu.memref_squeeze %dma_start3A_459 : memref<1x11520xi32, #tpu.memory_space<vmem>> -> memref<11520xi32, #tpu.memory_space<vmem>>
      tpu.enqueue_dma source(%dma_start3A_460 : memref<11520xi32, #tpu.memory_space<vmem>>) target(%dma_start3A_457 : memref<11520xi32, #tpu.memory_space<hbm>>) target_semaphore(%arg11 : memref<!tpu.dma_semaphore, #tpu.memory_space<semaphore_mem>>)
      %dma_wait3A_461 = arith.constant 0 : i32
      %dma_wait3A_462 = arith.constant 0 : i32
      %dma_wait3A_463 = tpu.memref_slice %arg4[%dma_wait3A_461, %dma_wait3A_462] : memref<320x128xi32, #tpu.memory_space<vmem>> -> memref<320x128xi32, #tpu.memory_space<vmem>>
      %dma_wait3A_464 = arith.constant 0 : i32
      %dma_wait3A_465 = tpu.memref_slice %arg2[%select_n3A_400, %select_n3A_9, %dma_wait3A_464] : memref<25000x2x128xi32, #tpu.memory_space<hbm>> -> memref<320x1x128xi32, #tpu.memory_space<hbm>>
      %dma_wait3A_466 = tpu.memref_squeeze %dma_wait3A_465 : memref<320x1x128xi32, #tpu.memory_space<hbm>> -> memref<320x128xi32, #tpu.memory_space<hbm>>
      %dma_wait3A_467 = arith.constant 0 : i32
      %dma_wait3A_468 = arith.constant 0 : i32
      %dma_wait3A_469 = tpu.memref_slice %arg4[%dma_wait3A_467, %dma_wait3A_468] : memref<320x128xi32, #tpu.memory_space<vmem>> -> memref<320x128xi32, #tpu.memory_space<vmem>>
      %dma_wait3A_470 = arith.constant 0 : i32
      %dma_wait3A_471 = tpu.memref_slice %arg2[%select_n3A_400, %select_n3A_9, %dma_wait3A_470] : memref<25000x2x128xi32, #tpu.memory_space<hbm>> -> memref<320x1x128xi32, #tpu.memory_space<hbm>>
      %dma_wait3A_472 = tpu.memref_squeeze %dma_wait3A_471 : memref<320x1x128xi32, #tpu.memory_space<hbm>> -> memref<320x128xi32, #tpu.memory_space<hbm>>
      tpu.wait_dma2 semaphore(%arg8 : memref<!tpu.dma_semaphore, #tpu.memory_space<semaphore_mem>>) src(%dma_wait3A_472 : memref<320x128xi32, #tpu.memory_space<hbm>>) dst(%dma_wait3A_469 : memref<320x128xi32, #tpu.memory_space<vmem>>)
      %dma_wait3A_473 = arith.constant 0 : i32
      %dma_wait3A_474 = arith.constant 0 : i32
      %dma_wait3A_475 = tpu.memref_slice %arg6[%dma_wait3A_473, %dma_wait3A_474] : memref<1x11520xi32, #tpu.memory_space<vmem>> -> memref<1x11520xi32, #tpu.memory_space<vmem>>
      %dma_wait3A_476 = tpu.memref_squeeze %dma_wait3A_475 : memref<1x11520xi32, #tpu.memory_space<vmem>> -> memref<11520xi32, #tpu.memory_space<vmem>>
      %dma_wait3A_477 = tpu.memref_slice %arg3[%select_n3A_9, %mul3A_363] : memref<2x900000xi32, #tpu.memory_space<hbm>> -> memref<1x11520xi32, #tpu.memory_space<hbm>>
      %dma_wait3A_478 = tpu.memref_squeeze %dma_wait3A_477 : memref<1x11520xi32, #tpu.memory_space<hbm>> -> memref<11520xi32, #tpu.memory_space<hbm>>
      %dma_wait3A_479 = tpu.memref_slice %arg3[%select_n3A_9, %mul3A_363] : memref<2x900000xi32, #tpu.memory_space<hbm>> -> memref<1x11520xi32, #tpu.memory_space<hbm>>
      %dma_wait3A_480 = tpu.memref_squeeze %dma_wait3A_479 : memref<1x11520xi32, #tpu.memory_space<hbm>> -> memref<11520xi32, #tpu.memory_space<hbm>>
      %dma_wait3A_481 = arith.constant 0 : i32
      %dma_wait3A_482 = tpu.memref_slice %arg6[%dma_wait3A_473, %dma_wait3A_481] : memref<1x11520xi32, #tpu.memory_space<vmem>> -> memref<1x11520xi32, #tpu.memory_space<vmem>>
      %dma_wait3A_483 = tpu.memref_squeeze %dma_wait3A_482 : memref<1x11520xi32, #tpu.memory_space<vmem>> -> memref<11520xi32, #tpu.memory_space<vmem>>
      tpu.wait_dma2 semaphore(%arg10 : memref<!tpu.dma_semaphore, #tpu.memory_space<semaphore_mem>>) src(%dma_wait3A_483 : memref<11520xi32, #tpu.memory_space<vmem>>) dst(%dma_wait3A_480 : memref<11520xi32, #tpu.memory_space<hbm>>)
      %while3A_484 = arith.constant 0 : i32
      %while3A_485 = arith.constant 80 : i32
      %while3A_486 = arith.subi %while3A_485, %while3A_484 : i32
      %while3A_487 = arith.addi %while3A_484, %while3A_486 : i32
      %while3A_488 = arith.constant 1 : i32
      %while3A_489 = arith.divsi %while3A_486, %while3A_488 : i32
      %while3A_490 = arith.muli %while3A_489, %while3A_488 : i32
      %while3A_491 = arith.addi %while3A_484, %while3A_490 : i32
      %while3A_492 = arith.constant 1 : i32
      scf.for %while3A_531 = %while3A_484 to %while3A_491 step %while3A_492  : i32 {
        %mul3A_532 = arith.constant 512 : i32
        %mul3A_533 = arith.muli %while3A_531, %mul3A_532 : i32
        %add3A_534 = vector.broadcast %mul3A_533 : i32 to vector<16xi32>
        %add3A_535 = arith.addi %add3A_534, %add3A_95 : vector<16xi32>
        %mul3A_536 = arith.constant 144 : i32
        %mul3A_537 = arith.muli %while3A_531, %mul3A_536 : i32
        %mul3A_538 = arith.constant 9 : i32
        %mul3A_539 = vector.broadcast %mul3A_538 : i32 to vector<16xi32>
        %mul3A_540 = arith.muli %iota3A, %mul3A_539 : vector<16xi32>
        %add3A_541 = vector.broadcast %mul3A_537 : i32 to vector<16xi32>
        %add3A_542 = arith.addi %add3A_541, %mul3A_540 : vector<16xi32>
        %add3A_543 = arith.constant 0 : i32
        %add3A_544 = vector.broadcast %add3A_543 : i32 to vector<16xi32>
        %add3A_545 = arith.addi %add3A_535, %add3A_544 : vector<16xi32>
        %shift_right_logical3A = arith.constant 7 : i32
        %shift_right_logical3A_546 = vector.broadcast %shift_right_logical3A : i32 to vector<16xi32>
        %shift_right_logical3A_547 = arith.shrui %add3A_545, %shift_right_logical3A_546 : vector<16xi32>
        %and3A_548 = arith.constant 127 : i32
        %and3A_549 = vector.broadcast %and3A_548 : i32 to vector<16xi32>
        %and3A_550 = arith.andi %add3A_545, %and3A_549 : vector<16xi32>
        %gather3A = tpu.memref_bitcast %arg4 : memref<320x128xi32, #tpu.memory_space<vmem>> -> memref<320x128xi32, #tpu.memory_space<vmem>>
        %gather3A_551 = tpu.vector_load_idx %gather3A[%shift_right_logical3A_547, %and3A_550] : memref<320x128xi32, #tpu.memory_space<vmem>>[vector<16xi32>, vector<16xi32>], vector<16xi32>,
        %add3A_552 = arith.constant 0 : i32
        %add3A_553 = vector.broadcast %add3A_552 : i32 to vector<16xi32>
        %add3A_554 = arith.addi %add3A_542, %add3A_553 : vector<16xi32>
        %scatter3A = tpu.memref_bitcast %arg6 : memref<1x11520xi32, #tpu.memory_space<vmem>> -> memref<1x11520xi32, #tpu.memory_space<vmem>>
        tpu.vector_store_idx %scatter3A[%mul3A_35, %add3A_554], %gather3A_551 : memref<1x11520xi32, #tpu.memory_space<vmem>>[vector<16xi32>, vector<16xi32>], vector<16xi32>,
        %add3A_555 = arith.constant 2 : i32
        %add3A_556 = vector.broadcast %add3A_555 : i32 to vector<16xi32>
        %add3A_557 = arith.addi %add3A_535, %add3A_556 : vector<16xi32>
        %shift_right_logical3A_558 = arith.constant 7 : i32
        %shift_right_logical3A_559 = vector.broadcast %shift_right_logical3A_558 : i32 to vector<16xi32>
        %shift_right_logical3A_560 = arith.shrui %add3A_557, %shift_right_logical3A_559 : vector<16xi32>
        %and3A_561 = arith.constant 127 : i32
        %and3A_562 = vector.broadcast %and3A_561 : i32 to vector<16xi32>
        %and3A_563 = arith.andi %add3A_557, %and3A_562 : vector<16xi32>
        %gather3A_564 = tpu.memref_bitcast %arg4 : memref<320x128xi32, #tpu.memory_space<vmem>> -> memref<320x128xi32, #tpu.memory_space<vmem>>
        %gather3A_565 = tpu.vector_load_idx %gather3A_564[%shift_right_logical3A_560, %and3A_563] : memref<320x128xi32, #tpu.memory_space<vmem>>[vector<16xi32>, vector<16xi32>], vector<16xi32>,
        %add3A_566 = arith.constant 1 : i32
        %add3A_567 = vector.broadcast %add3A_566 : i32 to vector<16xi32>
        %add3A_568 = arith.addi %add3A_542, %add3A_567 : vector<16xi32>
        %scatter3A_569 = tpu.memref_bitcast %arg6 : memref<1x11520xi32, #tpu.memory_space<vmem>> -> memref<1x11520xi32, #tpu.memory_space<vmem>>
        tpu.vector_store_idx %scatter3A_569[%mul3A_35, %add3A_568], %gather3A_565 : memref<1x11520xi32, #tpu.memory_space<vmem>>[vector<16xi32>, vector<16xi32>], vector<16xi32>,
        %add3A_570 = arith.constant 4 : i32
        %add3A_571 = vector.broadcast %add3A_570 : i32 to vector<16xi32>
        %add3A_572 = arith.addi %add3A_535, %add3A_571 : vector<16xi32>
        %shift_right_logical3A_573 = arith.constant 7 : i32
        %shift_right_logical3A_574 = vector.broadcast %shift_right_logical3A_573 : i32 to vector<16xi32>
        %shift_right_logical3A_575 = arith.shrui %add3A_572, %shift_right_logical3A_574 : vector<16xi32>
        %and3A_576 = arith.constant 127 : i32
        %and3A_577 = vector.broadcast %and3A_576 : i32 to vector<16xi32>
        %and3A_578 = arith.andi %add3A_572, %and3A_577 : vector<16xi32>
        %gather3A_579 = tpu.memref_bitcast %arg4 : memref<320x128xi32, #tpu.memory_space<vmem>> -> memref<320x128xi32, #tpu.memory_space<vmem>>
        %gather3A_580 = tpu.vector_load_idx %gather3A_579[%shift_right_logical3A_575, %and3A_578] : memref<320x128xi32, #tpu.memory_space<vmem>>[vector<16xi32>, vector<16xi32>], vector<16xi32>,
        %add3A_581 = arith.constant 2 : i32
        %add3A_582 = vector.broadcast %add3A_581 : i32 to vector<16xi32>
        %add3A_583 = arith.addi %add3A_542, %add3A_582 : vector<16xi32>
        %scatter3A_584 = tpu.memref_bitcast %arg6 : memref<1x11520xi32, #tpu.memory_space<vmem>> -> memref<1x11520xi32, #tpu.memory_space<vmem>>
        tpu.vector_store_idx %scatter3A_584[%mul3A_35, %add3A_583], %gather3A_580 : memref<1x11520xi32, #tpu.memory_space<vmem>>[vector<16xi32>, vector<16xi32>], vector<16xi32>,
        %add3A_585 = arith.constant 6 : i32
        %add3A_586 = vector.broadcast %add3A_585 : i32 to vector<16xi32>
        %add3A_587 = arith.addi %add3A_535, %add3A_586 : vector<16xi32>
        %shift_right_logical3A_588 = arith.constant 7 : i32
        %shift_right_logical3A_589 = vector.broadcast %shift_right_logical3A_588 : i32 to vector<16xi32>
        %shift_right_logical3A_590 = arith.shrui %add3A_587, %shift_right_logical3A_589 : vector<16xi32>
        %and3A_591 = arith.constant 127 : i32
        %and3A_592 = vector.broadcast %and3A_591 : i32 to vector<16xi32>
        %and3A_593 = arith.andi %add3A_587, %and3A_592 : vector<16xi32>
        %gather3A_594 = tpu.memref_bitcast %arg4 : memref<320x128xi32, #tpu.memory_space<vmem>> -> memref<320x128xi32, #tpu.memory_space<vmem>>
        %gather3A_595 = tpu.vector_load_idx %gather3A_594[%shift_right_logical3A_590, %and3A_593] : memref<320x128xi32, #tpu.memory_space<vmem>>[vector<16xi32>, vector<16xi32>], vector<16xi32>,
        %add3A_596 = arith.constant 3 : i32
        %add3A_597 = vector.broadcast %add3A_596 : i32 to vector<16xi32>
        %add3A_598 = arith.addi %add3A_542, %add3A_597 : vector<16xi32>
        %scatter3A_599 = tpu.memref_bitcast %arg6 : memref<1x11520xi32, #tpu.memory_space<vmem>> -> memref<1x11520xi32, #tpu.memory_space<vmem>>
        tpu.vector_store_idx %scatter3A_599[%mul3A_35, %add3A_598], %gather3A_595 : memref<1x11520xi32, #tpu.memory_space<vmem>>[vector<16xi32>, vector<16xi32>], vector<16xi32>,
        %add3A_600 = arith.constant 8 : i32
        %add3A_601 = vector.broadcast %add3A_600 : i32 to vector<16xi32>
        %add3A_602 = arith.addi %add3A_535, %add3A_601 : vector<16xi32>
        %shift_right_logical3A_603 = arith.constant 7 : i32
        %shift_right_logical3A_604 = vector.broadcast %shift_right_logical3A_603 : i32 to vector<16xi32>
        %shift_right_logical3A_605 = arith.shrui %add3A_602, %shift_right_logical3A_604 : vector<16xi32>
        %and3A_606 = arith.constant 127 : i32
        %and3A_607 = vector.broadcast %and3A_606 : i32 to vector<16xi32>
        %and3A_608 = arith.andi %add3A_602, %and3A_607 : vector<16xi32>
        %gather3A_609 = tpu.memref_bitcast %arg4 : memref<320x128xi32, #tpu.memory_space<vmem>> -> memref<320x128xi32, #tpu.memory_space<vmem>>
        %gather3A_610 = tpu.vector_load_idx %gather3A_609[%shift_right_logical3A_605, %and3A_608] : memref<320x128xi32, #tpu.memory_space<vmem>>[vector<16xi32>, vector<16xi32>], vector<16xi32>,
        %add3A_611 = arith.constant 4 : i32
        %add3A_612 = vector.broadcast %add3A_611 : i32 to vector<16xi32>
        %add3A_613 = arith.addi %add3A_542, %add3A_612 : vector<16xi32>
        %scatter3A_614 = tpu.memref_bitcast %arg6 : memref<1x11520xi32, #tpu.memory_space<vmem>> -> memref<1x11520xi32, #tpu.memory_space<vmem>>
        tpu.vector_store_idx %scatter3A_614[%mul3A_35, %add3A_613], %gather3A_610 : memref<1x11520xi32, #tpu.memory_space<vmem>>[vector<16xi32>, vector<16xi32>], vector<16xi32>,
        %add3A_615 = arith.constant 10 : i32
        %add3A_616 = vector.broadcast %add3A_615 : i32 to vector<16xi32>
        %add3A_617 = arith.addi %add3A_535, %add3A_616 : vector<16xi32>
        %shift_right_logical3A_618 = arith.constant 7 : i32
        %shift_right_logical3A_619 = vector.broadcast %shift_right_logical3A_618 : i32 to vector<16xi32>
        %shift_right_logical3A_620 = arith.shrui %add3A_617, %shift_right_logical3A_619 : vector<16xi32>
        %and3A_621 = arith.constant 127 : i32
        %and3A_622 = vector.broadcast %and3A_621 : i32 to vector<16xi32>
        %and3A_623 = arith.andi %add3A_617, %and3A_622 : vector<16xi32>
        %gather3A_624 = tpu.memref_bitcast %arg4 : memref<320x128xi32, #tpu.memory_space<vmem>> -> memref<320x128xi32, #tpu.memory_space<vmem>>
        %gather3A_625 = tpu.vector_load_idx %gather3A_624[%shift_right_logical3A_620, %and3A_623] : memref<320x128xi32, #tpu.memory_space<vmem>>[vector<16xi32>, vector<16xi32>], vector<16xi32>,
        %add3A_626 = arith.constant 5 : i32
        %add3A_627 = vector.broadcast %add3A_626 : i32 to vector<16xi32>
        %add3A_628 = arith.addi %add3A_542, %add3A_627 : vector<16xi32>
        %scatter3A_629 = tpu.memref_bitcast %arg6 : memref<1x11520xi32, #tpu.memory_space<vmem>> -> memref<1x11520xi32, #tpu.memory_space<vmem>>
        tpu.vector_store_idx %scatter3A_629[%mul3A_35, %add3A_628], %gather3A_625 : memref<1x11520xi32, #tpu.memory_space<vmem>>[vector<16xi32>, vector<16xi32>], vector<16xi32>,
        %add3A_630 = arith.constant 12 : i32
        %add3A_631 = vector.broadcast %add3A_630 : i32 to vector<16xi32>
        %add3A_632 = arith.addi %add3A_535, %add3A_631 : vector<16xi32>
        %shift_right_logical3A_633 = arith.constant 7 : i32
        %shift_right_logical3A_634 = vector.broadcast %shift_right_logical3A_633 : i32 to vector<16xi32>
        %shift_right_logical3A_635 = arith.shrui %add3A_632, %shift_right_logical3A_634 : vector<16xi32>
        %and3A_636 = arith.constant 127 : i32
        %and3A_637 = vector.broadcast %and3A_636 : i32 to vector<16xi32>
        %and3A_638 = arith.andi %add3A_632, %and3A_637 : vector<16xi32>
        %gather3A_639 = tpu.memref_bitcast %arg4 : memref<320x128xi32, #tpu.memory_space<vmem>> -> memref<320x128xi32, #tpu.memory_space<vmem>>
        %gather3A_640 = tpu.vector_load_idx %gather3A_639[%shift_right_logical3A_635, %and3A_638] : memref<320x128xi32, #tpu.memory_space<vmem>>[vector<16xi32>, vector<16xi32>], vector<16xi32>,
        %add3A_641 = arith.constant 6 : i32
        %add3A_642 = vector.broadcast %add3A_641 : i32 to vector<16xi32>
        %add3A_643 = arith.addi %add3A_542, %add3A_642 : vector<16xi32>
        %scatter3A_644 = tpu.memref_bitcast %arg6 : memref<1x11520xi32, #tpu.memory_space<vmem>> -> memref<1x11520xi32, #tpu.memory_space<vmem>>
        tpu.vector_store_idx %scatter3A_644[%mul3A_35, %add3A_643], %gather3A_640 : memref<1x11520xi32, #tpu.memory_space<vmem>>[vector<16xi32>, vector<16xi32>], vector<16xi32>,
        %add3A_645 = arith.constant 14 : i32
        %add3A_646 = vector.broadcast %add3A_645 : i32 to vector<16xi32>
        %add3A_647 = arith.addi %add3A_535, %add3A_646 : vector<16xi32>
        %shift_right_logical3A_648 = arith.constant 7 : i32
        %shift_right_logical3A_649 = vector.broadcast %shift_right_logical3A_648 : i32 to vector<16xi32>
        %shift_right_logical3A_650 = arith.shrui %add3A_647, %shift_right_logical3A_649 : vector<16xi32>
        %and3A_651 = arith.constant 127 : i32
        %and3A_652 = vector.broadcast %and3A_651 : i32 to vector<16xi32>
        %and3A_653 = arith.andi %add3A_647, %and3A_652 : vector<16xi32>
        %gather3A_654 = tpu.memref_bitcast %arg4 : memref<320x128xi32, #tpu.memory_space<vmem>> -> memref<320x128xi32, #tpu.memory_space<vmem>>
        %gather3A_655 = tpu.vector_load_idx %gather3A_654[%shift_right_logical3A_650, %and3A_653] : memref<320x128xi32, #tpu.memory_space<vmem>>[vector<16xi32>, vector<16xi32>], vector<16xi32>,
        %add3A_656 = arith.constant 7 : i32
        %add3A_657 = vector.broadcast %add3A_656 : i32 to vector<16xi32>
        %add3A_658 = arith.addi %add3A_542, %add3A_657 : vector<16xi32>
        %scatter3A_659 = tpu.memref_bitcast %arg6 : memref<1x11520xi32, #tpu.memory_space<vmem>> -> memref<1x11520xi32, #tpu.memory_space<vmem>>
        tpu.vector_store_idx %scatter3A_659[%mul3A_35, %add3A_658], %gather3A_655 : memref<1x11520xi32, #tpu.memory_space<vmem>>[vector<16xi32>, vector<16xi32>], vector<16xi32>,
        %add3A_660 = arith.constant 16 : i32
        %add3A_661 = vector.broadcast %add3A_660 : i32 to vector<16xi32>
        %add3A_662 = arith.addi %add3A_535, %add3A_661 : vector<16xi32>
        %shift_right_logical3A_663 = arith.constant 7 : i32
        %shift_right_logical3A_664 = vector.broadcast %shift_right_logical3A_663 : i32 to vector<16xi32>
        %shift_right_logical3A_665 = arith.shrui %add3A_662, %shift_right_logical3A_664 : vector<16xi32>
        %and3A_666 = arith.constant 127 : i32
        %and3A_667 = vector.broadcast %and3A_666 : i32 to vector<16xi32>
        %and3A_668 = arith.andi %add3A_662, %and3A_667 : vector<16xi32>
        %gather3A_669 = tpu.memref_bitcast %arg4 : memref<320x128xi32, #tpu.memory_space<vmem>> -> memref<320x128xi32, #tpu.memory_space<vmem>>
        %gather3A_670 = tpu.vector_load_idx %gather3A_669[%shift_right_logical3A_665, %and3A_668] : memref<320x128xi32, #tpu.memory_space<vmem>>[vector<16xi32>, vector<16xi32>], vector<16xi32>,
        %add3A_671 = arith.constant 8 : i32
        %add3A_672 = vector.broadcast %add3A_671 : i32 to vector<16xi32>
        %add3A_673 = arith.addi %add3A_542, %add3A_672 : vector<16xi32>
        %scatter3A_674 = tpu.memref_bitcast %arg6 : memref<1x11520xi32, #tpu.memory_space<vmem>> -> memref<1x11520xi32, #tpu.memory_space<vmem>>
        tpu.vector_store_idx %scatter3A_674[%mul3A_35, %add3A_673], %gather3A_670 : memref<1x11520xi32, #tpu.memory_space<vmem>>[vector<16xi32>, vector<16xi32>], vector<16xi32>,
      }
      %while3A_493 = arith.constant 1 : i32
      scf.for %while3A_531 = %while3A_491 to %while3A_487 step %while3A_493  : i32 {
        %mul3A_532 = arith.constant 512 : i32
        %mul3A_533 = arith.muli %while3A_531, %mul3A_532 : i32
        %add3A_534 = vector.broadcast %mul3A_533 : i32 to vector<16xi32>
        %add3A_535 = arith.addi %add3A_534, %add3A_95 : vector<16xi32>
        %mul3A_536 = arith.constant 144 : i32
        %mul3A_537 = arith.muli %while3A_531, %mul3A_536 : i32
        %mul3A_538 = arith.constant 9 : i32
        %mul3A_539 = vector.broadcast %mul3A_538 : i32 to vector<16xi32>
        %mul3A_540 = arith.muli %iota3A, %mul3A_539 : vector<16xi32>
        %add3A_541 = vector.broadcast %mul3A_537 : i32 to vector<16xi32>
        %add3A_542 = arith.addi %add3A_541, %mul3A_540 : vector<16xi32>
        %add3A_543 = arith.constant 0 : i32
        %add3A_544 = vector.broadcast %add3A_543 : i32 to vector<16xi32>
        %add3A_545 = arith.addi %add3A_535, %add3A_544 : vector<16xi32>
        %shift_right_logical3A = arith.constant 7 : i32
        %shift_right_logical3A_546 = vector.broadcast %shift_right_logical3A : i32 to vector<16xi32>
        %shift_right_logical3A_547 = arith.shrui %add3A_545, %shift_right_logical3A_546 : vector<16xi32>
        %and3A_548 = arith.constant 127 : i32
        %and3A_549 = vector.broadcast %and3A_548 : i32 to vector<16xi32>
        %and3A_550 = arith.andi %add3A_545, %and3A_549 : vector<16xi32>
        %gather3A = tpu.memref_bitcast %arg4 : memref<320x128xi32, #tpu.memory_space<vmem>> -> memref<320x128xi32, #tpu.memory_space<vmem>>
        %gather3A_551 = tpu.vector_load_idx %gather3A[%shift_right_logical3A_547, %and3A_550] : memref<320x128xi32, #tpu.memory_space<vmem>>[vector<16xi32>, vector<16xi32>], vector<16xi32>,
        %add3A_552 = arith.constant 0 : i32
        %add3A_553 = vector.broadcast %add3A_552 : i32 to vector<16xi32>
        %add3A_554 = arith.addi %add3A_542, %add3A_553 : vector<16xi32>
        %scatter3A = tpu.memref_bitcast %arg6 : memref<1x11520xi32, #tpu.memory_space<vmem>> -> memref<1x11520xi32, #tpu.memory_space<vmem>>
        tpu.vector_store_idx %scatter3A[%mul3A_35, %add3A_554], %gather3A_551 : memref<1x11520xi32, #tpu.memory_space<vmem>>[vector<16xi32>, vector<16xi32>], vector<16xi32>,
        %add3A_555 = arith.constant 2 : i32
        %add3A_556 = vector.broadcast %add3A_555 : i32 to vector<16xi32>
        %add3A_557 = arith.addi %add3A_535, %add3A_556 : vector<16xi32>
        %shift_right_logical3A_558 = arith.constant 7 : i32
        %shift_right_logical3A_559 = vector.broadcast %shift_right_logical3A_558 : i32 to vector<16xi32>
        %shift_right_logical3A_560 = arith.shrui %add3A_557, %shift_right_logical3A_559 : vector<16xi32>
        %and3A_561 = arith.constant 127 : i32
        %and3A_562 = vector.broadcast %and3A_561 : i32 to vector<16xi32>
        %and3A_563 = arith.andi %add3A_557, %and3A_562 : vector<16xi32>
        %gather3A_564 = tpu.memref_bitcast %arg4 : memref<320x128xi32, #tpu.memory_space<vmem>> -> memref<320x128xi32, #tpu.memory_space<vmem>>
        %gather3A_565 = tpu.vector_load_idx %gather3A_564[%shift_right_logical3A_560, %and3A_563] : memref<320x128xi32, #tpu.memory_space<vmem>>[vector<16xi32>, vector<16xi32>], vector<16xi32>,
        %add3A_566 = arith.constant 1 : i32
        %add3A_567 = vector.broadcast %add3A_566 : i32 to vector<16xi32>
        %add3A_568 = arith.addi %add3A_542, %add3A_567 : vector<16xi32>
        %scatter3A_569 = tpu.memref_bitcast %arg6 : memref<1x11520xi32, #tpu.memory_space<vmem>> -> memref<1x11520xi32, #tpu.memory_space<vmem>>
        tpu.vector_store_idx %scatter3A_569[%mul3A_35, %add3A_568], %gather3A_565 : memref<1x11520xi32, #tpu.memory_space<vmem>>[vector<16xi32>, vector<16xi32>], vector<16xi32>,
        %add3A_570 = arith.constant 4 : i32
        %add3A_571 = vector.broadcast %add3A_570 : i32 to vector<16xi32>
        %add3A_572 = arith.addi %add3A_535, %add3A_571 : vector<16xi32>
        %shift_right_logical3A_573 = arith.constant 7 : i32
        %shift_right_logical3A_574 = vector.broadcast %shift_right_logical3A_573 : i32 to vector<16xi32>
        %shift_right_logical3A_575 = arith.shrui %add3A_572, %shift_right_logical3A_574 : vector<16xi32>
        %and3A_576 = arith.constant 127 : i32
        %and3A_577 = vector.broadcast %and3A_576 : i32 to vector<16xi32>
        %and3A_578 = arith.andi %add3A_572, %and3A_577 : vector<16xi32>
        %gather3A_579 = tpu.memref_bitcast %arg4 : memref<320x128xi32, #tpu.memory_space<vmem>> -> memref<320x128xi32, #tpu.memory_space<vmem>>
        %gather3A_580 = tpu.vector_load_idx %gather3A_579[%shift_right_logical3A_575, %and3A_578] : memref<320x128xi32, #tpu.memory_space<vmem>>[vector<16xi32>, vector<16xi32>], vector<16xi32>,
        %add3A_581 = arith.constant 2 : i32
        %add3A_582 = vector.broadcast %add3A_581 : i32 to vector<16xi32>
        %add3A_583 = arith.addi %add3A_542, %add3A_582 : vector<16xi32>
        %scatter3A_584 = tpu.memref_bitcast %arg6 : memref<1x11520xi32, #tpu.memory_space<vmem>> -> memref<1x11520xi32, #tpu.memory_space<vmem>>
        tpu.vector_store_idx %scatter3A_584[%mul3A_35, %add3A_583], %gather3A_580 : memref<1x11520xi32, #tpu.memory_space<vmem>>[vector<16xi32>, vector<16xi32>], vector<16xi32>,
        %add3A_585 = arith.constant 6 : i32
        %add3A_586 = vector.broadcast %add3A_585 : i32 to vector<16xi32>
        %add3A_587 = arith.addi %add3A_535, %add3A_586 : vector<16xi32>
        %shift_right_logical3A_588 = arith.constant 7 : i32
        %shift_right_logical3A_589 = vector.broadcast %shift_right_logical3A_588 : i32 to vector<16xi32>
        %shift_right_logical3A_590 = arith.shrui %add3A_587, %shift_right_logical3A_589 : vector<16xi32>
        %and3A_591 = arith.constant 127 : i32
        %and3A_592 = vector.broadcast %and3A_591 : i32 to vector<16xi32>
        %and3A_593 = arith.andi %add3A_587, %and3A_592 : vector<16xi32>
        %gather3A_594 = tpu.memref_bitcast %arg4 : memref<320x128xi32, #tpu.memory_space<vmem>> -> memref<320x128xi32, #tpu.memory_space<vmem>>
        %gather3A_595 = tpu.vector_load_idx %gather3A_594[%shift_right_logical3A_590, %and3A_593] : memref<320x128xi32, #tpu.memory_space<vmem>>[vector<16xi32>, vector<16xi32>], vector<16xi32>,
        %add3A_596 = arith.constant 3 : i32
        %add3A_597 = vector.broadcast %add3A_596 : i32 to vector<16xi32>
        %add3A_598 = arith.addi %add3A_542, %add3A_597 : vector<16xi32>
        %scatter3A_599 = tpu.memref_bitcast %arg6 : memref<1x11520xi32, #tpu.memory_space<vmem>> -> memref<1x11520xi32, #tpu.memory_space<vmem>>
        tpu.vector_store_idx %scatter3A_599[%mul3A_35, %add3A_598], %gather3A_595 : memref<1x11520xi32, #tpu.memory_space<vmem>>[vector<16xi32>, vector<16xi32>], vector<16xi32>,
        %add3A_600 = arith.constant 8 : i32
        %add3A_601 = vector.broadcast %add3A_600 : i32 to vector<16xi32>
        %add3A_602 = arith.addi %add3A_535, %add3A_601 : vector<16xi32>
        %shift_right_logical3A_603 = arith.constant 7 : i32
        %shift_right_logical3A_604 = vector.broadcast %shift_right_logical3A_603 : i32 to vector<16xi32>
        %shift_right_logical3A_605 = arith.shrui %add3A_602, %shift_right_logical3A_604 : vector<16xi32>
        %and3A_606 = arith.constant 127 : i32
        %and3A_607 = vector.broadcast %and3A_606 : i32 to vector<16xi32>
        %and3A_608 = arith.andi %add3A_602, %and3A_607 : vector<16xi32>
        %gather3A_609 = tpu.memref_bitcast %arg4 : memref<320x128xi32, #tpu.memory_space<vmem>> -> memref<320x128xi32, #tpu.memory_space<vmem>>
        %gather3A_610 = tpu.vector_load_idx %gather3A_609[%shift_right_logical3A_605, %and3A_608] : memref<320x128xi32, #tpu.memory_space<vmem>>[vector<16xi32>, vector<16xi32>], vector<16xi32>,
        %add3A_611 = arith.constant 4 : i32
        %add3A_612 = vector.broadcast %add3A_611 : i32 to vector<16xi32>
        %add3A_613 = arith.addi %add3A_542, %add3A_612 : vector<16xi32>
        %scatter3A_614 = tpu.memref_bitcast %arg6 : memref<1x11520xi32, #tpu.memory_space<vmem>> -> memref<1x11520xi32, #tpu.memory_space<vmem>>
        tpu.vector_store_idx %scatter3A_614[%mul3A_35, %add3A_613], %gather3A_610 : memref<1x11520xi32, #tpu.memory_space<vmem>>[vector<16xi32>, vector<16xi32>], vector<16xi32>,
        %add3A_615 = arith.constant 10 : i32
        %add3A_616 = vector.broadcast %add3A_615 : i32 to vector<16xi32>
        %add3A_617 = arith.addi %add3A_535, %add3A_616 : vector<16xi32>
        %shift_right_logical3A_618 = arith.constant 7 : i32
        %shift_right_logical3A_619 = vector.broadcast %shift_right_logical3A_618 : i32 to vector<16xi32>
        %shift_right_logical3A_620 = arith.shrui %add3A_617, %shift_right_logical3A_619 : vector<16xi32>
        %and3A_621 = arith.constant 127 : i32
        %and3A_622 = vector.broadcast %and3A_621 : i32 to vector<16xi32>
        %and3A_623 = arith.andi %add3A_617, %and3A_622 : vector<16xi32>
        %gather3A_624 = tpu.memref_bitcast %arg4 : memref<320x128xi32, #tpu.memory_space<vmem>> -> memref<320x128xi32, #tpu.memory_space<vmem>>
        %gather3A_625 = tpu.vector_load_idx %gather3A_624[%shift_right_logical3A_620, %and3A_623] : memref<320x128xi32, #tpu.memory_space<vmem>>[vector<16xi32>, vector<16xi32>], vector<16xi32>,
        %add3A_626 = arith.constant 5 : i32
        %add3A_627 = vector.broadcast %add3A_626 : i32 to vector<16xi32>
        %add3A_628 = arith.addi %add3A_542, %add3A_627 : vector<16xi32>
        %scatter3A_629 = tpu.memref_bitcast %arg6 : memref<1x11520xi32, #tpu.memory_space<vmem>> -> memref<1x11520xi32, #tpu.memory_space<vmem>>
        tpu.vector_store_idx %scatter3A_629[%mul3A_35, %add3A_628], %gather3A_625 : memref<1x11520xi32, #tpu.memory_space<vmem>>[vector<16xi32>, vector<16xi32>], vector<16xi32>,
        %add3A_630 = arith.constant 12 : i32
        %add3A_631 = vector.broadcast %add3A_630 : i32 to vector<16xi32>
        %add3A_632 = arith.addi %add3A_535, %add3A_631 : vector<16xi32>
        %shift_right_logical3A_633 = arith.constant 7 : i32
        %shift_right_logical3A_634 = vector.broadcast %shift_right_logical3A_633 : i32 to vector<16xi32>
        %shift_right_logical3A_635 = arith.shrui %add3A_632, %shift_right_logical3A_634 : vector<16xi32>
        %and3A_636 = arith.constant 127 : i32
        %and3A_637 = vector.broadcast %and3A_636 : i32 to vector<16xi32>
        %and3A_638 = arith.andi %add3A_632, %and3A_637 : vector<16xi32>
        %gather3A_639 = tpu.memref_bitcast %arg4 : memref<320x128xi32, #tpu.memory_space<vmem>> -> memref<320x128xi32, #tpu.memory_space<vmem>>
        %gather3A_640 = tpu.vector_load_idx %gather3A_639[%shift_right_logical3A_635, %and3A_638] : memref<320x128xi32, #tpu.memory_space<vmem>>[vector<16xi32>, vector<16xi32>], vector<16xi32>,
        %add3A_641 = arith.constant 6 : i32
        %add3A_642 = vector.broadcast %add3A_641 : i32 to vector<16xi32>
        %add3A_643 = arith.addi %add3A_542, %add3A_642 : vector<16xi32>
        %scatter3A_644 = tpu.memref_bitcast %arg6 : memref<1x11520xi32, #tpu.memory_space<vmem>> -> memref<1x11520xi32, #tpu.memory_space<vmem>>
        tpu.vector_store_idx %scatter3A_644[%mul3A_35, %add3A_643], %gather3A_640 : memref<1x11520xi32, #tpu.memory_space<vmem>>[vector<16xi32>, vector<16xi32>], vector<16xi32>,
        %add3A_645 = arith.constant 14 : i32
        %add3A_646 = vector.broadcast %add3A_645 : i32 to vector<16xi32>
        %add3A_647 = arith.addi %add3A_535, %add3A_646 : vector<16xi32>
        %shift_right_logical3A_648 = arith.constant 7 : i32
        %shift_right_logical3A_649 = vector.broadcast %shift_right_logical3A_648 : i32 to vector<16xi32>
        %shift_right_logical3A_650 = arith.shrui %add3A_647, %shift_right_logical3A_649 : vector<16xi32>
        %and3A_651 = arith.constant 127 : i32
        %and3A_652 = vector.broadcast %and3A_651 : i32 to vector<16xi32>
        %and3A_653 = arith.andi %add3A_647, %and3A_652 : vector<16xi32>
        %gather3A_654 = tpu.memref_bitcast %arg4 : memref<320x128xi32, #tpu.memory_space<vmem>> -> memref<320x128xi32, #tpu.memory_space<vmem>>
        %gather3A_655 = tpu.vector_load_idx %gather3A_654[%shift_right_logical3A_650, %and3A_653] : memref<320x128xi32, #tpu.memory_space<vmem>>[vector<16xi32>, vector<16xi32>], vector<16xi32>,
        %add3A_656 = arith.constant 7 : i32
        %add3A_657 = vector.broadcast %add3A_656 : i32 to vector<16xi32>
        %add3A_658 = arith.addi %add3A_542, %add3A_657 : vector<16xi32>
        %scatter3A_659 = tpu.memref_bitcast %arg6 : memref<1x11520xi32, #tpu.memory_space<vmem>> -> memref<1x11520xi32, #tpu.memory_space<vmem>>
        tpu.vector_store_idx %scatter3A_659[%mul3A_35, %add3A_658], %gather3A_655 : memref<1x11520xi32, #tpu.memory_space<vmem>>[vector<16xi32>, vector<16xi32>], vector<16xi32>,
        %add3A_660 = arith.constant 16 : i32
        %add3A_661 = vector.broadcast %add3A_660 : i32 to vector<16xi32>
        %add3A_662 = arith.addi %add3A_535, %add3A_661 : vector<16xi32>
        %shift_right_logical3A_663 = arith.constant 7 : i32
        %shift_right_logical3A_664 = vector.broadcast %shift_right_logical3A_663 : i32 to vector<16xi32>
        %shift_right_logical3A_665 = arith.shrui %add3A_662, %shift_right_logical3A_664 : vector<16xi32>
        %and3A_666 = arith.constant 127 : i32
        %and3A_667 = vector.broadcast %and3A_666 : i32 to vector<16xi32>
        %and3A_668 = arith.andi %add3A_662, %and3A_667 : vector<16xi32>
        %gather3A_669 = tpu.memref_bitcast %arg4 : memref<320x128xi32, #tpu.memory_space<vmem>> -> memref<320x128xi32, #tpu.memory_space<vmem>>
        %gather3A_670 = tpu.vector_load_idx %gather3A_669[%shift_right_logical3A_665, %and3A_668] : memref<320x128xi32, #tpu.memory_space<vmem>>[vector<16xi32>, vector<16xi32>], vector<16xi32>,
        %add3A_671 = arith.constant 8 : i32
        %add3A_672 = vector.broadcast %add3A_671 : i32 to vector<16xi32>
        %add3A_673 = arith.addi %add3A_542, %add3A_672 : vector<16xi32>
        %scatter3A_674 = tpu.memref_bitcast %arg6 : memref<1x11520xi32, #tpu.memory_space<vmem>> -> memref<1x11520xi32, #tpu.memory_space<vmem>>
        tpu.vector_store_idx %scatter3A_674[%mul3A_35, %add3A_673], %gather3A_670 : memref<1x11520xi32, #tpu.memory_space<vmem>>[vector<16xi32>, vector<16xi32>], vector<16xi32>,
      }
      %add3A_494 = arith.constant 5120 : i32
      %add3A_495 = arith.addi %mul3A_32, %add3A_494 : i32
      %mul3A_496 = arith.constant 9 : i32
      %mul3A_497 = arith.muli %add3A_495, %mul3A_496 : i32
      %dma_start3A_498 = arith.constant 0 : i32
      %dma_start3A_499 = arith.constant 0 : i32
      %dma_start3A_500 = tpu.memref_slice %arg6[%dma_start3A_498, %dma_start3A_499] : memref<1x11520xi32, #tpu.memory_space<vmem>> -> memref<1x11520xi32, #tpu.memory_space<vmem>>
      %dma_start3A_501 = tpu.memref_squeeze %dma_start3A_500 : memref<1x11520xi32, #tpu.memory_space<vmem>> -> memref<11520xi32, #tpu.memory_space<vmem>>
      %dma_start3A_502 = tpu.memref_slice %arg3[%select_n3A_9, %mul3A_497] : memref<2x900000xi32, #tpu.memory_space<hbm>> -> memref<1x11520xi32, #tpu.memory_space<hbm>>
      %dma_start3A_503 = tpu.memref_squeeze %dma_start3A_502 : memref<1x11520xi32, #tpu.memory_space<hbm>> -> memref<11520xi32, #tpu.memory_space<hbm>>
      %dma_start3A_504 = tpu.memref_slice %arg3[%select_n3A_9, %mul3A_497] : memref<2x900000xi32, #tpu.memory_space<hbm>> -> memref<1x11520xi32, #tpu.memory_space<hbm>>
      %dma_start3A_505 = tpu.memref_squeeze %dma_start3A_504 : memref<1x11520xi32, #tpu.memory_space<hbm>> -> memref<11520xi32, #tpu.memory_space<hbm>>
      %dma_start3A_506 = arith.constant 0 : i32
      %dma_start3A_507 = tpu.memref_slice %arg6[%dma_start3A_498, %dma_start3A_506] : memref<1x11520xi32, #tpu.memory_space<vmem>> -> memref<1x11520xi32, #tpu.memory_space<vmem>>
      %dma_start3A_508 = tpu.memref_squeeze %dma_start3A_507 : memref<1x11520xi32, #tpu.memory_space<vmem>> -> memref<11520xi32, #tpu.memory_space<vmem>>
      tpu.enqueue_dma source(%dma_start3A_508 : memref<11520xi32, #tpu.memory_space<vmem>>) target(%dma_start3A_505 : memref<11520xi32, #tpu.memory_space<hbm>>) target_semaphore(%arg10 : memref<!tpu.dma_semaphore, #tpu.memory_space<semaphore_mem>>)
      %dma_wait3A_509 = arith.constant 0 : i32
      %dma_wait3A_510 = arith.constant 0 : i32
      %dma_wait3A_511 = tpu.memref_slice %arg7[%dma_wait3A_509, %dma_wait3A_510] : memref<1x11520xi32, #tpu.memory_space<vmem>> -> memref<1x11520xi32, #tpu.memory_space<vmem>>
      %dma_wait3A_512 = tpu.memref_squeeze %dma_wait3A_511 : memref<1x11520xi32, #tpu.memory_space<vmem>> -> memref<11520xi32, #tpu.memory_space<vmem>>
      %dma_wait3A_513 = tpu.memref_slice %arg3[%select_n3A_9, %mul3A_449] : memref<2x900000xi32, #tpu.memory_space<hbm>> -> memref<1x11520xi32, #tpu.memory_space<hbm>>
      %dma_wait3A_514 = tpu.memref_squeeze %dma_wait3A_513 : memref<1x11520xi32, #tpu.memory_space<hbm>> -> memref<11520xi32, #tpu.memory_space<hbm>>
      %dma_wait3A_515 = tpu.memref_slice %arg3[%select_n3A_9, %mul3A_449] : memref<2x900000xi32, #tpu.memory_space<hbm>> -> memref<1x11520xi32, #tpu.memory_space<hbm>>
      %dma_wait3A_516 = tpu.memref_squeeze %dma_wait3A_515 : memref<1x11520xi32, #tpu.memory_space<hbm>> -> memref<11520xi32, #tpu.memory_space<hbm>>
      %dma_wait3A_517 = arith.constant 0 : i32
      %dma_wait3A_518 = tpu.memref_slice %arg7[%dma_wait3A_509, %dma_wait3A_517] : memref<1x11520xi32, #tpu.memory_space<vmem>> -> memref<1x11520xi32, #tpu.memory_space<vmem>>
      %dma_wait3A_519 = tpu.memref_squeeze %dma_wait3A_518 : memref<1x11520xi32, #tpu.memory_space<vmem>> -> memref<11520xi32, #tpu.memory_space<vmem>>
      tpu.wait_dma2 semaphore(%arg11 : memref<!tpu.dma_semaphore, #tpu.memory_space<semaphore_mem>>) src(%dma_wait3A_519 : memref<11520xi32, #tpu.memory_space<vmem>>) dst(%dma_wait3A_516 : memref<11520xi32, #tpu.memory_space<hbm>>)
      %dma_wait3A_520 = arith.constant 0 : i32
      %dma_wait3A_521 = arith.constant 0 : i32
      %dma_wait3A_522 = tpu.memref_slice %arg6[%dma_wait3A_520, %dma_wait3A_521] : memref<1x11520xi32, #tpu.memory_space<vmem>> -> memref<1x11520xi32, #tpu.memory_space<vmem>>
      %dma_wait3A_523 = tpu.memref_squeeze %dma_wait3A_522 : memref<1x11520xi32, #tpu.memory_space<vmem>> -> memref<11520xi32, #tpu.memory_space<vmem>>
      %dma_wait3A_524 = tpu.memref_slice %arg3[%select_n3A_9, %mul3A_497] : memref<2x900000xi32, #tpu.memory_space<hbm>> -> memref<1x11520xi32, #tpu.memory_space<hbm>>
      %dma_wait3A_525 = tpu.memref_squeeze %dma_wait3A_524 : memref<1x11520xi32, #tpu.memory_space<hbm>> -> memref<11520xi32, #tpu.memory_space<hbm>>
      %dma_wait3A_526 = tpu.memref_slice %arg3[%select_n3A_9, %mul3A_497] : memref<2x900000xi32, #tpu.memory_space<hbm>> -> memref<1x11520xi32, #tpu.memory_space<hbm>>
      %dma_wait3A_527 = tpu.memref_squeeze %dma_wait3A_526 : memref<1x11520xi32, #tpu.memory_space<hbm>> -> memref<11520xi32, #tpu.memory_space<hbm>>
      %dma_wait3A_528 = arith.constant 0 : i32
      %dma_wait3A_529 = tpu.memref_slice %arg6[%dma_wait3A_520, %dma_wait3A_528] : memref<1x11520xi32, #tpu.memory_space<vmem>> -> memref<1x11520xi32, #tpu.memory_space<vmem>>
      %dma_wait3A_530 = tpu.memref_squeeze %dma_wait3A_529 : memref<1x11520xi32, #tpu.memory_space<vmem>> -> memref<11520xi32, #tpu.memory_space<vmem>>
      tpu.wait_dma2 semaphore(%arg10 : memref<!tpu.dma_semaphore, #tpu.memory_space<semaphore_mem>>) src(%dma_wait3A_530 : memref<11520xi32, #tpu.memory_space<vmem>>) dst(%dma_wait3A_527 : memref<11520xi32, #tpu.memory_space<hbm>>)
    } else {
    }
    return
  }
}

</mosaic_0001>

<sc_bundles>
// kernel: kernel.3.cloned.1.call-start
scs
__scs_entry_jumppad:
0x0: {  	(pc) =	sbr.rel $0x88, $3  }
0x1: {  	(tag) =	ssettag $0x0;
	lr =	simm.s32 $0x1  }
0x2: {  	[smem:$0x3F9F] =	sst lr;
	_ =	strace $0xD0000000  }
0x3: {  	_ = 	snop  }
0x4: {  	_ = 	snop  }
0x5: {  	_ = 	snop  }
0x6: {  	_ = 	snop  }
0x7: {  	_ = 	snop  }
__scs_overlays_trampoline_lowered:
0x8: {  	[smem:$0x3FAE] =	sst s0  }
0x9: {  	[smem:$0x3FAF] =	sst s1  }
0xa: {  	[smem:$0x3FB0] =	sst s2  }
0xb: {  	[smem:$0x3FB1] =	sst s3  }
0xc: {  	[smem:$0x3FB2] =	sst s4  }
0xd: {  	[smem:$0x3FB3] =	sst s5  }
0xe: {  	[smem:$0x3FB4] =	sst s6  }
0xf: {  	[smem:$0x3FB5] =	sst s7  }
0x10: {  	[smem:$0x3FB6] =	sst s8  }
0x11: {  	[smem:$0x3FB7] =	sst s9;
	s0 =	simm.s32 @!p0 $0x0  }
0x12: {  	s1 =	sld [smem:$0x3F9D];
	s0 =	simm.s32 @p0 $0x1  }
0x13: {  	[smem:$0x3FB8] =	sst s0;
	s0 =	simm.s32 @!p1 $0x0  }
0x14: {  	s2 =	sld [smem:$0x3F9C];
	s0 =	simm.s32 @p1 $0x1  }
0x15: {  	[smem:$0x3FB9] =	sst s0;
	s0 =	simm.s32 @!p2 $0x0  }
0x16: {  	s3 =	sld [smem:$0x3FDB];
	s0 =	simm.s32 @p2 $0x1  }
0x17: {  	s4 =	simm.s32 $0x1BF5;
	[smem:$0x3FBB] =	sst s0  }
0x18: {  	s0 =	sld [smem:$0x3F9E];
	_ =	swait.ge [sflag:s4], $0x0  }
0x19: {  	s7 =	sld [smem:$0x3F9F]  }
0x1a: {  	s8 =	sadd.s32 $0xFFFFE003, lr  }
0x1b: {  	s9 =	sadd.s32 $0xFFFFFEF7, lr;
	s5 =	simm.s32 $0xFFFFFFFF;
	p2 =	slt.u32 s8, $0xFFFFF086  }
0x1c: {  	p1 =	slt.u32 s9, $0xF7A;
	s5 =	simm.s32 @!p2 $0x0  }
0x1d: {  	s5 =	simm.s32 @p1 $0x1;
	p0 =	seq.s32 s7, s2  }
0x1e: {  	s7 =	smul.u32 @!p0 $0xF7A, s2;
	p2 =	seq.s32 @!p0 s5, $0x0  }
0x1f: {  	s9 =	smul.u32 $0xF7A, s1;
	s8 =	simm.s32 @!p0 $0x1BF5;
	p2 =	por !p2, p0  }
0x20: {  	[sflag:s8] =	ssyncset.s32 @!p0 $0xFFFFF086;
	s6 =	sadd.s32 @!p0 s3, s7;
	s7 =	simm.s32 @!p0 $0x108  }
0x21: {  	s3 =	sadd.s32 s3, s9;
	s6 =	sadd.s32 @!p0 $0x88, s6;
	s7 =	simm.s32 @p2 $0x1082  }
0x22: {  	[simem:s7], [sflag:s8] =	dma.local @!p0 [hbm:s6], $0xF7A  }
0x23: {  	s9 =	sor.u32 $0xD0000000, s2;
	s6 =	simm.s32 $0x108;
	_ =	swait.ge @!p0 [sflag:s8], $0x0  }
0x24: {  	s3 =	sadd.s32 $0x88, s3;
	s6 =	simm.s32 @!p1 $0x1082;
	[sflag:s4] =	ssyncset.s32 $0xFFFFF086  }
0x25: {  	[simem:s6], [sflag:s4] =	dma.local [hbm:s3], $0xF7A  }
0x26: {  	[smem:$0x3F9F] =	sst s1;
	(tag) =	ssettag s2;
	_ =	strace s9  }
0x27: {  	s1 =	sld [smem:$0x3FAF]  }
0x28: {  	s2 =	sld [smem:$0x3FB0]  }
0x29: {  	s4 =	sld [smem:$0x3FB2]  }
0x2a: {  	p0 =	seq.s32 s5, $0x0;
	s5 =	sld [smem:$0x3FB3]  }
0x2b: {  	s6 =	sld [smem:$0x3FB4]  }
0x2c: {  	s7 =	sld [smem:$0x3FB5]  }
0x2d: {  	s3 =	simm.s32 $0x108;
	s8 =	sld [smem:$0x3FB6]  }
0x2e: {  	s3 =	simm.s32 @!p0 $0x1082;
	s9 =	sld [smem:$0x3FB7]  }
0x2f: {  	lr =	sadd.s32 s0, s3;
	s0 =	sld [smem:$0x3FAE]  }
0x30: {  	s3 =	sld [smem:$0x3FB1]  }
0x31: {  	[smem:$0x3FBA] =	sst s10  }
0x32: {  	s10 =	sld [smem:$0x3FB8];
	_ =	sdelay $0x3  }
0x33: {  	p0 =	seq.s32 s10, $0x1;
	s10 =	sld [smem:$0x3FBA];
	_ =	sdelay $0x3  }
0x34: {  	[smem:$0x3FBA] =	sst s10  }
0x35: {  	s10 =	sld [smem:$0x3FB9];
	_ =	sdelay $0x3  }
0x36: {  	p1 =	seq.s32 s10, $0x1;
	s10 =	sld [smem:$0x3FBA];
	_ =	sdelay $0x3  }
0x37: {  	[smem:$0x3FBA] =	sst s10  }
0x38: {  	s10 =	sld [smem:$0x3FBB]  }
0x39: {  	_ = 	snop;
	(pc) =	sbr.ind lr, $3  }
0x3a: {  	_ = 	snop  }
0x3b: {  	_ = 	snop  }
0x3c: {  	p2 =	seq.s32 s10, $0x1;
	s10 =	sld [smem:$0x3FBA]  }
0x3d: {  	_ =	shalt  }
0x3e: {  	_ =	shalt  }
0x3f: {  	_ =	shalt  }
0x40: {  	_ =	shalt  }
0x41: {  	_ =	shalt  }
0x42: {  	_ =	shalt  }
0x43: {  	_ =	shalt  }
0x44: {  	_ =	shalt  }
0x45: {  	_ =	shalt  }
0x46: {  	_ =	shalt  }
0x47: {  	_ =	shalt  }
0x48: {  	_ =	shalt  }
0x49: {  	_ =	shalt  }
0x4a: {  	_ =	shalt  }
0x4b: {  	_ =	shalt  }
0x4c: {  	_ =	shalt  }
0x4d: {  	_ =	shalt  }
0x4e: {  	_ =	shalt  }
0x4f: {  	_ =	shalt  }
0x50: {  	_ =	shalt  }
0x51: {  	_ =	shalt  }
0x52: {  	_ =	shalt  }
0x53: {  	_ =	shalt  }
0x54: {  	_ =	shalt  }
0x55: {  	_ =	shalt  }
0x56: {  	_ =	shalt  }
0x57: {  	_ =	shalt  }
0x58: {  	_ =	shalt  }
0x59: {  	_ =	shalt  }
0x5a: {  	_ =	shalt  }
0x5b: {  	_ =	shalt  }
0x5c: {  	_ =	shalt  }
0x5d: {  	_ =	shalt  }
0x5e: {  	_ =	shalt  }
0x5f: {  	_ =	shalt  }
0x60: {  	_ =	shalt  }
0x61: {  	_ =	shalt  }
0x62: {  	_ =	shalt  }
0x63: {  	_ =	shalt  }
0x64: {  	_ =	shalt  }
0x65: {  	_ =	shalt  }
0x66: {  	_ =	shalt  }
0x67: {  	_ =	shalt  }
0x68: {  	_ =	shalt  }
0x69: {  	_ =	shalt  }
0x6a: {  	_ =	shalt  }
0x6b: {  	_ =	shalt  }
0x6c: {  	_ =	shalt  }
0x6d: {  	_ =	shalt  }
0x6e: {  	_ =	shalt  }
0x6f: {  	_ =	shalt  }
0x70: {  	_ =	shalt  }
0x71: {  	_ =	shalt  }
0x72: {  	_ =	shalt  }
0x73: {  	_ =	shalt  }
0x74: {  	_ =	shalt  }
0x75: {  	_ =	shalt  }
0x76: {  	_ =	shalt  }
0x77: {  	_ =	shalt  }
0x78: {  	_ =	shalt  }
0x79: {  	_ =	shalt  }
0x7a: {  	_ =	shalt  }
0x7b: {  	_ =	shalt  }
0x7c: {  	_ =	shalt  }
0x7d: {  	_ =	shalt  }
0x7e: {  	_ =	shalt  }
0x7f: {  	_ =	shalt  }
0x80: {  	_ =	shalt  }
0x81: {  	_ =	shalt  }
0x82: {  	_ =	shalt  }
0x83: {  	_ =	shalt  }
0x84: {  	_ =	shalt  }
0x85: {  	_ =	shalt  }
0x86: {  	_ =	shalt  }
0x87: {  	_ =	shalt  }
.Lfunc_end0:
.L_simem_size_0:
called_computation_lowered:
.L_overlay_start_0:
0x88: {  	s2 =	sld [smem:$0x3FD9]  }
0x89: {  	s3 =	sld [smem:$0x3FFE];
	_ =	sdelay $0x1  }
0x8a: {  	s1 =	srdreg.scid  }
0x8b: {  	s0 =	sand.u32 $0x1, s1  }
0x8c: {  	s17 =	sshll.u32 s0, $0xA;
	s2 =	sadd.s32 s3, s2  }
0x8d: {  	s2 =	sadd.s32 s2, s17  }
0x8e: {  	[smem:$0x3FC6] =	sst s2  }
0x8f: {  	_ = 	snop  }
0x90: {  	s2 =	sld [smem:$0x3FD0];
	(tm) =	ssettm $0x1  }
0x91: {  	s18 =	sld [smem:$0x3FFB];
	_ =	sdelay $0x3  }
0x92: {  	_ =	strace s18  }
0x93: {  	s3 =	sld [smem:$0x3FFC];
	_ =	sdelay $0x3  }
0x94: {  	_ =	strace s3  }
0x95: {  	s3 =	sld [smem:$0x3FFD];
	_ =	sdelay $0x3  }
0x96: {  	_ =	strace s3  }
0x97: {  	_ =	strace $0x8FFFFFFF  }
0x98: {  	s19 =	sld [smem:$0x3FDB];
	_ =	sdelay $0x1  }
0x99: {  	s4 =	simm.s32 $_scs_section_size  }
0x9a: {  	s5 =	simm.s32 $_size__tile_overlayer_lowered;
	s6 =	simm.s32 $_tile_overlayer_lowered  }
0x9b: {  	s22 =	simm.s32 $0x1BFF;
	s21 =	sshll.u32 s6, $0x1;
	s3 =	sadd.s32 s4, s19  }
0x9c: {  	s7 =	simm.s32 $0x0;
	s20 =	sshll.u32 s5, $0x1;
	s5 =	sadd.s32 s21, s3  }
0x9d: {  	[timem:s7], [sflag:s22] =	dma.local [hbm:s5], s20  }
0x9e: {  	_ =	swait.ge [sflag:s22], s20  }
0x9f: {  	s4 =	ssub.s32 $0x0, s20;
	[sflag:s22] =	ssyncset.done $0x0  }
0xa0: {  	[sflag:s22] =	ssyncadd.s32 s4;
	_ =	sdelay $0x1  }
0xa1: {  	s23 =	simm.s32 $0x1B8B  }
0xa2: {  	_ =	swait.ge [sflag:s23], $0x1  }
0xa3: {  	[sflag:s23] =	ssyncset.done $0x0  }
0xa4: {  	s25 =	simm.s32 $0x1B8E;
	s24 =	sld [smem:$0x3FFE];
	[sflag:s23] =	ssyncadd.s32 $0xFFFFFFFF  }
0xa5: {  	s26 =	simm.s32 $execute0_lowered;
	[smem:$0x3FD2] =	sst s25  }
0xa6: {  	s5 =	sshll.u32 s26, $0x1;
	_ =	strace $0x80000046;
	[dreg:$0x1] =	wrdreg $0xFFFFFFFF  }
0xa7: {  	s28 =	simm.s32 $_size_execute0_lowered;
	s3 =	sadd.s32 s3, s5;
	[dreg:$0x0] =	wrdreg $0x0  }
0xa8: {  	s5 =	sshll.u32 s28, $0x1;
	[dreg:$0x2] =	wrdreg s3  }
0xa9: {  	[dreg:$0x3] =	wrdreg s5  }
0xaa: {  	[dreg:$0x4] =	wrdreg $0xC0  }
0xab: {  	_ =	task [dreg:s7], $0x5FFFF  }
0xac: {  	[dreg:$0x1] =	wrdreg $0xFFFFFFFF  }
0xad: {  	[dreg:$0x0] =	wrdreg $0x60  }
0xae: {  	[dreg:$0x2] =	wrdreg s24  }
0xaf: {  	[dreg:$0x3] =	wrdreg s2  }
0xb0: {  	[dreg:$0x4] =	wrdreg $0x9  }
0xb1: {  	_ =	task.clear_ibuf [dreg:s7], $0x5FFFF;
	_ =	strace $0x90000046  }
0xb2: {  	s29 =	simm.s32 $0x9;
	_ =	strace $0x80000048  }
0xb3: {  	_ =	swait.ge [sflag:s29], $0x1  }
0xb4: {  	[sflag:s29] =	ssyncadd.s32 $0xFFFFFFFF  }
0xb5: {  	_ =	strace $0x90000048  }
0xb6: {  	_ =	sfence  }
0xb7: {  	s30 =	sld [smem:$0x0];
	_ =	sdelay $0x2  }
0xb8: {  	s31 =	sshll.u32 s1, $0xD;
	s1 =	sshrl.u32 s1, $0x2  }
0xb9: {  	s3 =	sand.u32 $0x4000, s31;
	s1 =	sadd.s32 s1, s30  }
0xba: {  	s0 =	sor.u32 s3, s0;
	s1 =	sshll.u32 s1, $0x11  }
0xbb: {  	s0 =	sor.u32 s1, s0  }
0xbc: {  	s0 =	sadd.s32 $0x8F2B, s0  }
0xbd: {  	[sflag:s0] =	ssyncadd.remote.s32 $0x1  }
0xbe: {  	_ =	sfence.sel $0xFFFF  }
0xbf: {  	[dreg:$0x0] =	wrdreg $0xFFFFFFFF;
	(pc) =	sbr.abs _section_cstart, $3  }
0xc0: {  	[dreg:$0x1] =	wrdreg $0xFFFFFFFF  }
0xc1: {  	_ =	task.clear_ibuf [dreg:s7], $0x2FFFF;
	_ =	strace $0x9FFFFFFF  }
0xc2: {  	(tm) =	ssettm $0x7FFFFFFF  }
0xc3: {  	_ =	shalt  }
tec
execute0_lowered:
.L_overlay_start_1:
0x0: {  	(tag) =	ssettag $0x1  }
0x1: {  	s0 =	srdreg.scid;
	s1 =	rddreg [dreg:$0x0]  }
0x2: {  	s3 =	stileid.u32;
	s14 =	rddreg [dreg:$0x1];
	s13 =	sand.u32 $0x1, s0  }
0x3: {  	s2 =	simm.s32 $0x0;
	s28 =	simm.s32 $0xA000;
	s0 =	sor.u32 s13, s3  }
0x4: {  	s29 =	simm.s32 $0x14000;
	p0 =	seq.s32 s13, $0x1;
	p1 =	seq.s32 s0, $0x0  }
0x5: {  	s30 =	simm.s32 $0x2;
	s31 =	simm.s32 $0x16D00;
	p0 =	por !p1, !p0  }
0x6: {  	[smem:$0x7FF] =	sst s2;
	s0 =	simm.s32 $0x1;
	p0 =	por !p0, !p0  }
0x7: {  	s15 =	sadd.s32 $0x600, s1;
	_ =	strace $0x80000047;
	s0 =	simm.s32 @!p0 $0x0  }
0x8: {  	s23 =	ssub.s32 $0x2, s13;
	s16 =	smul.u32 $0xDBBA0, s13;
	s0 =	ssub.s32 s3, s0  }
0x9: {  	s6 =	sshll.u32 s13, $0x7;
	s24 =	sshrl.u32 s23, $0x1;
	s5 =	smul.u32 $0x1860, s0  }
0xa: {  	s13 =	sshll.u32 s13, $0x4;
	s1 =	ssub.s32 s23, s24;
	s4 =	smul.u32 $0x61800, s0  }
0xb: {  	s3 =	simm.s32 $0x1;
	s10 =	smul.u32 $0xDB60, s0;
	p0 =	sgt.s32 s0, $0xE  }
0xc: {  	p1 =	sne.s32 s0, $0xF;
	s0 =	simm.s32 $0x4;
	s7 =	sadd.s32 $0x4E0, s5  }
0xd: {  	s25 =	sor.u32 s6, s4;
	s17 =	sadd.s32 s16, s10;
	s10 =	sshll.u32 s5, $0x6  }
0xe: {  	s26 =	sshll.u32 s7, $0x6;
	s8 =	sshrl.u32 s25, $0x3;
	s7 =	smul.u32 $0x9, s7  }
0xf: {  	s11 =	sshrl.u32 s17, $0x3;
	s12 =	sor.u32 s6, s10;
	s21 =	sadd.s32 $0x57C0, s17  }
0x10: {  	s9 =	sor.u32 s6, s26;
	s4 =	sadd.s32 s15, s8;
	s6 =	sadd.s32 s14, s11  }
0x11: {  	v3 =	vlaneseq.u32;
	v4 =	vimm.s32 $0x7654321;
	s18 =	sadd.s32 $0x27000, s12;
	s11 =	sadd.s32 $0x3A800, s12;
	s10 =	sadd.s32 $0x4E000, s12  }
0x12: {  	v7 =	vimm.s32 $0x10765432;
	v10 =	vimm.s32 $0x21076543;
	v13 =	vimm.s32 $0x32107654;
	s9 =	sshrl.u32 s9, $0x3;
	s7 =	sadd.s32 s16, s7;
	s8 =	sshrl.u32 s18, $0x3  }
0x13: {  	v16 =	vimm.s32 $0x43210765;
	v19 =	vimm.s32 $0x54321076;
	v22 =	vimm.s32 $0x65432107;
	s20 =	sshrl.u32 s11, $0x3;
	s11 =	sshrl.u32 s21, $0x3;
	s12 =	sshrl.u32 s10, $0x3  }
0x14: {  	v0 =	vand.u32 $0x3, v3;
	v1 =	vmul.u32 $0x9, v3;
	v6 =	vunpack.c.l.s4.s8 v4;
	s18 =	sadd.s32 $0x83A0, s17;
	s17 =	sadd.s32 $0xAF80, s17;
	s16 =	sshrl.u32 s16, $0x3  }
0x15: {  	v9 =	vunpack.c.l.s4.s8 v7;
	v12 =	vunpack.c.l.s4.s8 v10;
	v15 =	vunpack.c.l.s4.s8 v13;
	s5 =	sadd.s32 s15, s9;
	s19 =	sshrl.u32 s7, $0x3;
	s7 =	sadd.s32 s15, s8  }
0x16: {  	v18 =	vunpack.c.l.s4.s8 v16;
	v21 =	vunpack.c.l.s4.s8 v19;
	v24 =	vunpack.c.l.s4.s8 v22;
	s9 =	sadd.s32 s15, s20;
	s10 =	sadd.s32 s14, s11;
	s11 =	sadd.s32 s15, s12  }
0x17: {  	v2 =	vmul.u32 $0x20, v0;
	v0 =	vmul.u32 $0x20, v3;
	v3 =	vand.u32 $0x7, v3;
	s22 =	sshrl.u32 s18, $0x3;
	s17 =	sshrl.u32 s17, $0x3;
	s15 =	sadd.s32 s13, s15  }
0x18: {  	v5 =	vadd.s32 $0x1, v1;
	v6 =	vunpack.c.0.s8.s32 v6;
	v8 =	vadd.s32 $0x2, v1;
	s8 =	sadd.s32 s14, s19;
	s12 =	sadd.s32 s14, s22;
	s13 =	sadd.s32 s14, s17  }
0x19: {  	v9 =	vunpack.c.0.s8.s32 v9;
	v11 =	vadd.s32 $0x3, v1;
	v12 =	vunpack.c.0.s8.s32 v12;
	s23 =	sadd.s32 $0xB6D00, s15;
	s14 =	sadd.s32 s14, s16;
	s24 =	sadd.s32 $0xB9500, s15  }
0x1a: {  	v14 =	vadd.s32 $0x4, v1;
	v15 =	vunpack.c.0.s8.s32 v15;
	v17 =	vadd.s32 $0x5, v1;
	s26 =	sadd.s32 $0xBBD00, s15;
	s19 =	sadd.s32 $0xBE500, s15;
	[dreg:$0x3] =	wrdreg s23  }
.Ltmp0:
0x1b: {  	v18 =	vunpack.c.0.s8.s32 v18;
	v20 =	vadd.s32 $0x6, v1;
	v21 =	vunpack.c.0.s8.s32 v21;
	s21 =	sadd.s32 $0xC0D00, s15;
	[dreg:$0x4] =	wrdreg s24;
	(pc) =	sbr.rel .LBB2_1-.Ltmp0, $4  }
0x1c: {  	v23 =	vadd.s32 $0x7, v1;
	v24 =	vunpack.c.0.s8.s32 v24;
	v26 =	vadd.s32 $0x8, v1;
	s25 =	sadd.s32 $0x19B54, s14;
	[dreg:$0x6] =	wrdreg s26;
	s18 =	sadd.s32 $0x1A0F4, s14  }
0x1d: {  	v2 =	vor.u32 $0xFFFFFF80, v2;
	v4 =	vor.u32 $0x2, v0;
	v7 =	vor.u32 $0x4, v0;
	s20 =	sadd.s32 $0x1A694, s14;
	s22 =	sadd.s32 $0x1AC34, s14;
	s23 =	sadd.s32 $0x1B1D4, s14  }
0x1e: {  	v10 =	vor.u32 $0x6, v0;
	v13 =	vor.u32 $0x8, v0;
	v16 =	vor.u32 $0xA, v0;
	s24 =	smax.u32 s1, $0x1;
	s26 =	simm.s32 $0x100;
	s1 =	simm.s32 $0x3  }
0x1f: {  	v19 =	vor.u32 $0xC, v0;
	v22 =	vor.u32 $0xE, v0;
	v25 =	vor.u32 $0x10, v0;
	s14 =	simm.s32 $0x0;
	[dreg:$0x5] =	wrdreg s25;
	s25 =	simm.s32 $0x80  }
.LBB2_24:
0x20: {  	v29 =	vand.u32 v2, v29;
	_ =	sdelay $0x1  }
0x21: {  	s15 =	sadd.s32 $0x90, s15  }
0x22: {  	v30 =	vadd.s32 s15, v1  }
0x23: {  	[tilespmem:v28+s29+$0x0] =	vst.idx.msk $0xffff, v27;
	v27 =	vand.u32 $0xFFF8, v30  }
0x24: {  	v27 =	vor.u32 v3, v27;
	v28 =	vld.idx.msk [tilespmem:v29+s2+$0x0], $0xffff  }
0x25: {  	v48 =	vor.u32 s16, v4;
	_ =	sdelay $0x2  }
0x26: {  	v49 =	vadd.s32 s15, v5  }
0x27: {  	[tilespmem:v27+s29+$0x0] =	vst.idx.msk $0xffff, v28;
	v27 =	vand.u32 $0xFFF8, v49  }
0x28: {  	v28 =	vld.idx.msk [tilespmem:v48+s2+$0x0], $0xffff;
	v27 =	vor.u32 v6, v27  }
0x29: {  	v50 =	vor.u32 s16, v7;
	_ =	sdelay $0x2  }
0x2a: {  	v51 =	vadd.s32 s15, v8  }
0x2b: {  	[tilespmem:v27+s29+$0x0] =	vst.idx.msk $0xffff, v28;
	v27 =	vand.u32 $0xFFF8, v51  }
0x2c: {  	v28 =	vld.idx.msk [tilespmem:v50+s2+$0x0], $0xffff;
	v27 =	vor.u32 v9, v27  }
0x2d: {  	v52 =	vor.u32 s16, v10;
	_ =	sdelay $0x2  }
0x2e: {  	v53 =	vadd.s32 s15, v11  }
0x2f: {  	[tilespmem:v27+s29+$0x0] =	vst.idx.msk $0xffff, v28;
	v27 =	vand.u32 $0xFFF8, v53  }
0x30: {  	v28 =	vld.idx.msk [tilespmem:v52+s2+$0x0], $0xffff;
	v27 =	vor.u32 v12, v27  }
0x31: {  	v54 =	vor.u32 s16, v13;
	_ =	sdelay $0x2  }
0x32: {  	v55 =	vadd.s32 s15, v14  }
0x33: {  	[tilespmem:v27+s29+$0x0] =	vst.idx.msk $0xffff, v28;
	v27 =	vand.u32 $0xFFF8, v55  }
0x34: {  	v28 =	vld.idx.msk [tilespmem:v54+s2+$0x0], $0xffff;
	v27 =	vor.u32 v15, v27  }
0x35: {  	v56 =	vor.u32 s16, v16;
	_ =	sdelay $0x2  }
0x36: {  	v57 =	vadd.s32 s15, v17  }
0x37: {  	[tilespmem:v27+s29+$0x0] =	vst.idx.msk $0xffff, v28;
	v27 =	vand.u32 $0xFFF8, v57  }
0x38: {  	v28 =	vld.idx.msk [tilespmem:v56+s2+$0x0], $0xffff;
	v27 =	vor.u32 v18, v27  }
0x39: {  	v58 =	vor.u32 s16, v19;
	_ =	sdelay $0x2  }
0x3a: {  	v59 =	vadd.s32 s15, v20  }
0x3b: {  	[tilespmem:v27+s29+$0x0] =	vst.idx.msk $0xffff, v28;
	v27 =	vand.u32 $0xFFF8, v59  }
0x3c: {  	v28 =	vld.idx.msk [tilespmem:v58+s2+$0x0], $0xffff;
	v27 =	vor.u32 v21, v27  }
0x3d: {  	v60 =	vor.u32 s16, v22;
	_ =	sdelay $0x2  }
0x3e: {  	v61 =	vadd.s32 s15, v23  }
0x3f: {  	[tilespmem:v27+s29+$0x0] =	vst.idx.msk $0xffff, v28;
	v27 =	vand.u32 $0xFFF8, v61  }
0x40: {  	v28 =	vld.idx.msk [tilespmem:v60+s2+$0x0], $0xffff;
	v27 =	vor.u32 v24, v27  }
0x41: {  	v62 =	vor.u32 s16, v25;
	_ =	sdelay $0x2  }
0x42: {  	v63 =	vadd.s32 s15, v26  }
0x43: {  	[tilespmem:v27+s29+$0x0] =	vst.idx.msk $0xffff, v28;
	v27 =	vand.u32 $0xFFF8, v63  }
0x44: {  	v28 =	vld.idx.msk [tilespmem:v62+s2+$0x0], $0xffff;
	v27 =	vor.u32 v3, v27;
	_ =	sdelay $0x4  }
0x45: {  	[tilespmem:v27+s29+$0x0] =	vst.idx.msk $0xffff, v28  }
0x46: {  	[hbm4b:s23+s2] =	stream.linear.scatter [tilespmem:s29], [sflag:$0x3], $0x2D00, $0x38;
	[tilespmem:$0x19A00] =	vst v63  }
0x47: {  	_ =	swait.ge [sflag:s0], $0x2D00  }
0x48: {  	[sflag:s0] =	ssyncset.done $0x0  }
0x49: {  	[sflag:s0] =	ssyncadd.s32 $0xFFFFD300  }
0x4a: {  	_ =	swait.ge [sflag:s1], $0x2D00  }
0x4b: {  	[sflag:s1] =	ssyncset.done $0x0  }
0x4c: {  	[sflag:s1] =	ssyncadd.s32 $0xFFFFD300  }
.LBB2_25:
0x4d: {  	s14 =	sadd.s32 $0x1, s14  }
0x4e: {  	p2 =	sne.s32 s14, s24  }
.Ltmp1:
0x4f: {  	_ = 	snop;
	(pc) =	sbr.rel @!p2 .LBB2_26-.Ltmp1, $1  }
0x50: {  	_ =	sdelay $0x3  }
.LBB2_1:
.Ltmp2:
0x51: {  	(pc) =	sbr.rel @p0 .LBB2_13-.Ltmp2, $1  }
0x52: {  	_ =	sdelay $0x3  }
0x53: {  	s15 =	simm.s32 $0x0  }
0x54: {  	[tilespmem:s15], [sflag:$0x1] =	stream.strided.gather [hbm4b:s4+s25], $0x9C00, s26, s25, $0x38;
	v27 =	vor.u32 s15, v0;
	[tilespmem:$0x19A00] =	vst v63  }
0x55: {  	v27 =	vand.u32 v2, v27  }
0x56: {  	[tilespmem:s28], [sflag:$0x2] =	stream.strided.gather [hbm4b:s5+s25], $0x9C00, s26, s25, $0x38;
	[tilespmem:$0x19A00] =	vst v63  }
0x57: {  	_ =	swait.ge [sflag:s3], $0x9C00  }
0x58: {  	v28 =	vadd.s32 s15, v1;
	[sflag:s3] =	ssyncset.done $0x0  }
0x59: {  	v28 =	vand.u32 $0xFFF8, v28;
	[sflag:s3] =	ssyncadd.s32 $0xFFFF6400  }
0x5a: {  	v28 =	vor.u32 v3, v28;
	v27 =	vld.idx.msk [tilespmem:v27+s2+$0x0], $0xffff  }
0x5b: {  	v29 =	vor.u32 s15, v4;
	_ =	sdelay $0x2  }
0x5c: {  	v30 =	vadd.s32 s15, v5  }
0x5d: {  	[tilespmem:v28+s29+$0x0] =	vst.idx.msk $0xffff, v27;
	v27 =	vand.u32 $0xFFF8, v30  }
0x5e: {  	v28 =	vld.idx.msk [tilespmem:v29+s2+$0x0], $0xffff;
	v27 =	vor.u32 v6, v27  }
0x5f: {  	v29 =	vor.u32 s15, v7;
	_ =	sdelay $0x2  }
0x60: {  	v30 =	vadd.s32 s15, v8  }
0x61: {  	[tilespmem:v27+s29+$0x0] =	vst.idx.msk $0xffff, v28;
	v27 =	vand.u32 $0xFFF8, v30  }
0x62: {  	v28 =	vld.idx.msk [tilespmem:v29+s2+$0x0], $0xffff;
	v27 =	vor.u32 v9, v27  }
0x63: {  	v29 =	vor.u32 s15, v10;
	_ =	sdelay $0x2  }
0x64: {  	v30 =	vadd.s32 s15, v11  }
0x65: {  	[tilespmem:v27+s29+$0x0] =	vst.idx.msk $0xffff, v28;
	v27 =	vand.u32 $0xFFF8, v30  }
0x66: {  	v28 =	vld.idx.msk [tilespmem:v29+s2+$0x0], $0xffff;
	v27 =	vor.u32 v12, v27  }
0x67: {  	v29 =	vor.u32 s15, v13;
	_ =	sdelay $0x2  }
0x68: {  	v30 =	vadd.s32 s15, v14  }
0x69: {  	[tilespmem:v27+s29+$0x0] =	vst.idx.msk $0xffff, v28;
	v27 =	vand.u32 $0xFFF8, v30  }
0x6a: {  	v28 =	vld.idx.msk [tilespmem:v29+s2+$0x0], $0xffff;
	v27 =	vor.u32 v15, v27  }
0x6b: {  	v29 =	vor.u32 s15, v16;
	_ =	sdelay $0x2  }
0x6c: {  	v30 =	vadd.s32 s15, v17  }
0x6d: {  	[tilespmem:v27+s29+$0x0] =	vst.idx.msk $0xffff, v28;
	v27 =	vand.u32 $0xFFF8, v30  }
0x6e: {  	v28 =	vld.idx.msk [tilespmem:v29+s2+$0x0], $0xffff;
	v27 =	vor.u32 v18, v27  }
0x6f: {  	v29 =	vor.u32 s15, v19;
	_ =	sdelay $0x2  }
0x70: {  	v30 =	vadd.s32 s15, v20  }
0x71: {  	[tilespmem:v27+s29+$0x0] =	vst.idx.msk $0xffff, v28;
	v27 =	vand.u32 $0xFFF8, v30  }
0x72: {  	v28 =	vld.idx.msk [tilespmem:v29+s2+$0x0], $0xffff;
	v27 =	vor.u32 v21, v27  }
0x73: {  	v29 =	vor.u32 s15, v22;
	_ =	sdelay $0x2  }
0x74: {  	v30 =	vadd.s32 s15, v23  }
0x75: {  	[tilespmem:v27+s29+$0x0] =	vst.idx.msk $0xffff, v28;
	v27 =	vand.u32 $0xFFF8, v30  }
0x76: {  	v28 =	vld.idx.msk [tilespmem:v29+s2+$0x0], $0xffff;
	v27 =	vor.u32 v24, v27  }
0x77: {  	v29 =	vor.u32 s15, v25;
	_ =	sdelay $0x2  }
0x78: {  	v30 =	vadd.s32 s15, v26  }
0x79: {  	s16 =	simm.s32 $0x200;
	[tilespmem:v27+s29+$0x0] =	vst.idx.msk $0xffff, v28;
	v28 =	vand.u32 $0xFFF8, v30  }
0x7a: {  	s17 =	simm.s32 $0x400;
	v27 =	vld.idx.msk [tilespmem:v29+s2+$0x0], $0xffff;
	v29 =	vor.u32 s16, v0;
	v28 =	vor.u32 v3, v28  }
.LBB2_3:
0x7b: {  	p2 =	sne.s32 s17, $0x9A00;
	v29 =	vand.u32 v2, v29;
	_ =	sdelay $0x2  }
0x7c: {  	s15 =	sadd.s32 $0x90, s15  }
0x7d: {  	v30 =	vadd.s32 s15, v1;
	[tilespmem:v28+s29+$0x0] =	vst.idx.msk $0xffff, v27  }
0x7e: {  	v28 =	vand.u32 $0xFFF8, v30;
	v27 =	vld.idx.msk [tilespmem:v29+s2+$0x0], $0xffff  }
0x7f: {  	v28 =	vor.u32 v3, v28  }
0x80: {  	v29 =	vor.u32 s16, v4;
	_ =	sdelay $0x3  }
0x81: {  	[tilespmem:v28+s29+$0x0] =	vst.idx.msk $0xffff, v27;
	v27 =	vadd.s32 s15, v5  }
0x82: {  	v28 =	vld.idx.msk [tilespmem:v29+s2+$0x0], $0xffff;
	v27 =	vand.u32 $0xFFF8, v27  }
0x83: {  	v27 =	vor.u32 v6, v27  }
0x84: {  	v29 =	vor.u32 s16, v7;
	_ =	sdelay $0x3  }
0x85: {  	[tilespmem:v27+s29+$0x0] =	vst.idx.msk $0xffff, v28;
	v27 =	vadd.s32 s15, v8  }
0x86: {  	v28 =	vld.idx.msk [tilespmem:v29+s2+$0x0], $0xffff;
	v27 =	vand.u32 $0xFFF8, v27  }
0x87: {  	v27 =	vor.u32 v9, v27  }
0x88: {  	v29 =	vor.u32 s16, v10;
	_ =	sdelay $0x3  }
0x89: {  	[tilespmem:v27+s29+$0x0] =	vst.idx.msk $0xffff, v28;
	v27 =	vadd.s32 s15, v11  }
0x8a: {  	v28 =	vld.idx.msk [tilespmem:v29+s2+$0x0], $0xffff;
	v27 =	vand.u32 $0xFFF8, v27  }
0x8b: {  	v27 =	vor.u32 v12, v27  }
0x8c: {  	v29 =	vor.u32 s16, v13;
	_ =	sdelay $0x3  }
0x8d: {  	[tilespmem:v27+s29+$0x0] =	vst.idx.msk $0xffff, v28;
	v27 =	vadd.s32 s15, v14  }
0x8e: {  	v28 =	vld.idx.msk [tilespmem:v29+s2+$0x0], $0xffff;
	v27 =	vand.u32 $0xFFF8, v27  }
0x8f: {  	v27 =	vor.u32 v15, v27  }
0x90: {  	v29 =	vor.u32 s16, v16;
	_ =	sdelay $0x3  }
0x91: {  	[tilespmem:v27+s29+$0x0] =	vst.idx.msk $0xffff, v28;
	v27 =	vadd.s32 s15, v17  }
0x92: {  	v28 =	vld.idx.msk [tilespmem:v29+s2+$0x0], $0xffff;
	v27 =	vand.u32 $0xFFF8, v27  }
0x93: {  	v27 =	vor.u32 v18, v27  }
0x94: {  	v29 =	vor.u32 s16, v19;
	_ =	sdelay $0x3  }
0x95: {  	[tilespmem:v27+s29+$0x0] =	vst.idx.msk $0xffff, v28;
	v27 =	vadd.s32 s15, v20  }
0x96: {  	v28 =	vld.idx.msk [tilespmem:v29+s2+$0x0], $0xffff;
	v27 =	vand.u32 $0xFFF8, v27  }
0x97: {  	v27 =	vor.u32 v21, v27  }
0x98: {  	v29 =	vor.u32 s16, v22;
	_ =	sdelay $0x3  }
0x99: {  	[tilespmem:v27+s29+$0x0] =	vst.idx.msk $0xffff, v28;
	v27 =	vadd.s32 s15, v23  }
0x9a: {  	v28 =	vld.idx.msk [tilespmem:v29+s2+$0x0], $0xffff;
	v27 =	vand.u32 $0xFFF8, v27  }
0x9b: {  	v27 =	vor.u32 v24, v27  }
0x9c: {  	v29 =	vor.u32 s16, v25;
	s16 =	smov.u32 s17;
	_ =	sdelay $0x1  }
.Ltmp3:
0x9d: {  	(pc) =	sbr.rel @p2 .LBB2_3-.Ltmp3, $4  }
0x9e: {  	_ = 	snop  }
0x9f: {  	[tilespmem:v27+s29+$0x0] =	vst.idx.msk $0xffff, v28;
	v28 =	vadd.s32 s15, v26  }
0xa0: {  	v27 =	vld.idx.msk [tilespmem:v29+s2+$0x0], $0xffff;
	v28 =	vand.u32 $0xFFF8, v28  }
0xa1: {  	s17 =	sadd.s32 $0x200, s17;
	v29 =	vor.u32 s16, v0;
	v28 =	vor.u32 v3, v28  }
0xa2: {  	v29 =	vand.u32 v2, v29;
	_ =	sdelay $0x1  }
0xa3: {  	s15 =	sadd.s32 $0x90, s15  }
0xa4: {  	v30 =	vadd.s32 s15, v1  }
0xa5: {  	[tilespmem:v28+s29+$0x0] =	vst.idx.msk $0xffff, v27;
	v27 =	vand.u32 $0xFFF8, v30  }
0xa6: {  	v27 =	vor.u32 v3, v27;
	v28 =	vld.idx.msk [tilespmem:v29+s2+$0x0], $0xffff  }
0xa7: {  	v29 =	vor.u32 s16, v4;
	_ =	sdelay $0x2  }
0xa8: {  	v30 =	vadd.s32 s15, v5  }
0xa9: {  	[tilespmem:v27+s29+$0x0] =	vst.idx.msk $0xffff, v28;
	v27 =	vand.u32 $0xFFF8, v30  }
0xaa: {  	v28 =	vld.idx.msk [tilespmem:v29+s2+$0x0], $0xffff;
	v27 =	vor.u32 v6, v27  }
0xab: {  	v29 =	vor.u32 s16, v7;
	_ =	sdelay $0x2  }
0xac: {  	v30 =	vadd.s32 s15, v8  }
0xad: {  	[tilespmem:v27+s29+$0x0] =	vst.idx.msk $0xffff, v28;
	v27 =	vand.u32 $0xFFF8, v30  }
0xae: {  	v28 =	vld.idx.msk [tilespmem:v29+s2+$0x0], $0xffff;
	v27 =	vor.u32 v9, v27  }
0xaf: {  	v29 =	vor.u32 s16, v10;
	_ =	sdelay $0x2  }
0xb0: {  	v30 =	vadd.s32 s15, v11  }
0xb1: {  	[tilespmem:v27+s29+$0x0] =	vst.idx.msk $0xffff, v28;
	v27 =	vand.u32 $0xFFF8, v30  }
0xb2: {  	v28 =	vld.idx.msk [tilespmem:v29+s2+$0x0], $0xffff;
	v27 =	vor.u32 v12, v27  }
0xb3: {  	v29 =	vor.u32 s16, v13;
	_ =	sdelay $0x2  }
0xb4: {  	v30 =	vadd.s32 s15, v14  }
0xb5: {  	[tilespmem:v27+s29+$0x0] =	vst.idx.msk $0xffff, v28;
	v27 =	vand.u32 $0xFFF8, v30  }
0xb6: {  	v28 =	vld.idx.msk [tilespmem:v29+s2+$0x0], $0xffff;
	v27 =	vor.u32 v15, v27  }
0xb7: {  	v29 =	vor.u32 s16, v16;
	_ =	sdelay $0x2  }
0xb8: {  	v30 =	vadd.s32 s15, v17  }
0xb9: {  	[tilespmem:v27+s29+$0x0] =	vst.idx.msk $0xffff, v28;
	v27 =	vand.u32 $0xFFF8, v30  }
0xba: {  	v28 =	vld.idx.msk [tilespmem:v29+s2+$0x0], $0xffff;
	v27 =	vor.u32 v18, v27  }
0xbb: {  	v29 =	vor.u32 s16, v19;
	_ =	sdelay $0x2  }
0xbc: {  	v30 =	vadd.s32 s15, v20  }
0xbd: {  	[tilespmem:v27+s29+$0x0] =	vst.idx.msk $0xffff, v28;
	v27 =	vand.u32 $0xFFF8, v30  }
0xbe: {  	v28 =	vld.idx.msk [tilespmem:v29+s2+$0x0], $0xffff;
	v27 =	vor.u32 v21, v27  }
0xbf: {  	v29 =	vor.u32 s16, v22;
	_ =	sdelay $0x2  }
0xc0: {  	v30 =	vadd.s32 s15, v23  }
0xc1: {  	[tilespmem:v27+s29+$0x0] =	vst.idx.msk $0xffff, v28;
	v27 =	vand.u32 $0xFFF8, v30  }
0xc2: {  	v28 =	vld.idx.msk [tilespmem:v29+s2+$0x0], $0xffff;
	v27 =	vor.u32 v24, v27  }
0xc3: {  	v29 =	vor.u32 s16, v25;
	_ =	sdelay $0x2  }
0xc4: {  	v30 =	vadd.s32 s15, v26  }
0xc5: {  	[tilespmem:v27+s29+$0x0] =	vst.idx.msk $0xffff, v28;
	v27 =	vand.u32 $0xFFF8, v30  }
0xc6: {  	v28 =	vld.idx.msk [tilespmem:v29+s2+$0x0], $0xffff;
	v27 =	vor.u32 v3, v27;
	_ =	sdelay $0x4  }
0xc7: {  	s15 =	simm.s32 $0x0;
	[tilespmem:v27+s29+$0x0] =	vst.idx.msk $0xffff, v28  }
0xc8: {  	v27 =	vor.u32 s15, v0;
	[hbm4b:s6+s15] =	stream.linear.scatter [tilespmem:s29], [sflag:$0x3], $0x2BE0, $0x38;
	[tilespmem:$0x19A00] =	vst v63  }
0xc9: {  	v27 =	vand.u32 v2, v27  }
0xca: {  	[tilespmem:s15], [sflag:$0x1] =	stream.strided.gather [hbm4b:s7+s25], $0x9C00, s26, s25, $0x38;
	[tilespmem:$0x19A00] =	vst v63  }
0xcb: {  	_ =	swait.ge [sflag:s30], $0x9C00  }
0xcc: {  	v28 =	vadd.s32 s15, v1;
	[sflag:s30] =	ssyncset.done $0x0  }
0xcd: {  	v28 =	vand.u32 $0xFFF8, v28;
	[sflag:s30] =	ssyncadd.s32 $0xFFFF6400  }
0xce: {  	v28 =	vor.u32 v3, v28;
	v27 =	vld.idx.msk [tilespmem:v27+s28+$0x0], $0xffff  }
0xcf: {  	v29 =	vor.u32 s15, v4;
	_ =	sdelay $0x2  }
0xd0: {  	v30 =	vadd.s32 s15, v5  }
0xd1: {  	[tilespmem:v28+s31+$0x0] =	vst.idx.msk $0xffff, v27;
	v27 =	vand.u32 $0xFFF8, v30  }
0xd2: {  	v28 =	vld.idx.msk [tilespmem:v29+s28+$0x0], $0xffff;
	v27 =	vor.u32 v6, v27  }
0xd3: {  	v29 =	vor.u32 s15, v7;
	_ =	sdelay $0x2  }
0xd4: {  	v30 =	vadd.s32 s15, v8  }
0xd5: {  	[tilespmem:v27+s31+$0x0] =	vst.idx.msk $0xffff, v28;
	v27 =	vand.u32 $0xFFF8, v30  }
0xd6: {  	v28 =	vld.idx.msk [tilespmem:v29+s28+$0x0], $0xffff;
	v27 =	vor.u32 v9, v27  }
0xd7: {  	v29 =	vor.u32 s15, v10;
	_ =	sdelay $0x2  }
0xd8: {  	v30 =	vadd.s32 s15, v11  }
0xd9: {  	[tilespmem:v27+s31+$0x0] =	vst.idx.msk $0xffff, v28;
	v27 =	vand.u32 $0xFFF8, v30  }
0xda: {  	v28 =	vld.idx.msk [tilespmem:v29+s28+$0x0], $0xffff;
	v27 =	vor.u32 v12, v27  }
0xdb: {  	v29 =	vor.u32 s15, v13;
	_ =	sdelay $0x2  }
0xdc: {  	v30 =	vadd.s32 s15, v14  }
0xdd: {  	[tilespmem:v27+s31+$0x0] =	vst.idx.msk $0xffff, v28;
	v27 =	vand.u32 $0xFFF8, v30  }
0xde: {  	v28 =	vld.idx.msk [tilespmem:v29+s28+$0x0], $0xffff;
	v27 =	vor.u32 v15, v27  }
0xdf: {  	v29 =	vor.u32 s15, v16;
	_ =	sdelay $0x2  }
0xe0: {  	v30 =	vadd.s32 s15, v17  }
0xe1: {  	[tilespmem:v27+s31+$0x0] =	vst.idx.msk $0xffff, v28;
	v27 =	vand.u32 $0xFFF8, v30  }
0xe2: {  	v28 =	vld.idx.msk [tilespmem:v29+s28+$0x0], $0xffff;
	v27 =	vor.u32 v18, v27  }
0xe3: {  	v29 =	vor.u32 s15, v19;
	_ =	sdelay $0x2  }
0xe4: {  	v30 =	vadd.s32 s15, v20  }
0xe5: {  	[tilespmem:v27+s31+$0x0] =	vst.idx.msk $0xffff, v28;
	v27 =	vand.u32 $0xFFF8, v30  }
0xe6: {  	v28 =	vld.idx.msk [tilespmem:v29+s28+$0x0], $0xffff;
	v27 =	vor.u32 v21, v27  }
0xe7: {  	v29 =	vor.u32 s15, v22;
	_ =	sdelay $0x2  }
0xe8: {  	v30 =	vadd.s32 s15, v23  }
0xe9: {  	[tilespmem:v27+s31+$0x0] =	vst.idx.msk $0xffff, v28;
	v27 =	vand.u32 $0xFFF8, v30  }
0xea: {  	v28 =	vld.idx.msk [tilespmem:v29+s28+$0x0], $0xffff;
	v27 =	vor.u32 v24, v27  }
0xeb: {  	v29 =	vor.u32 s15, v25;
	_ =	sdelay $0x2  }
0xec: {  	v30 =	vadd.s32 s15, v26  }
0xed: {  	s16 =	simm.s32 $0x200;
	[tilespmem:v27+s31+$0x0] =	vst.idx.msk $0xffff, v28;
	v28 =	vand.u32 $0xFFF8, v30  }
0xee: {  	s17 =	simm.s32 $0x400;
	v27 =	vld.idx.msk [tilespmem:v29+s28+$0x0], $0xffff;
	v29 =	vor.u32 s16, v0;
	v28 =	vor.u32 v3, v28  }
.LBB2_5:
0xef: {  	p2 =	sne.s32 s17, $0x9A00;
	v29 =	vand.u32 v2, v29;
	_ =	sdelay $0x2  }
0xf0: {  	s15 =	sadd.s32 $0x90, s15  }
0xf1: {  	v30 =	vadd.s32 s15, v1;
	[tilespmem:v28+s31+$0x0] =	vst.idx.msk $0xffff, v27  }
0xf2: {  	v28 =	vand.u32 $0xFFF8, v30;
	v27 =	vld.idx.msk [tilespmem:v29+s28+$0x0], $0xffff  }
0xf3: {  	v28 =	vor.u32 v3, v28  }
0xf4: {  	v29 =	vor.u32 s16, v4;
	_ =	sdelay $0x3  }
0xf5: {  	[tilespmem:v28+s31+$0x0] =	vst.idx.msk $0xffff, v27;
	v27 =	vadd.s32 s15, v5  }
0xf6: {  	v28 =	vld.idx.msk [tilespmem:v29+s28+$0x0], $0xffff;
	v27 =	vand.u32 $0xFFF8, v27  }
0xf7: {  	v27 =	vor.u32 v6, v27  }
0xf8: {  	v29 =	vor.u32 s16, v7;
	_ =	sdelay $0x3  }
0xf9: {  	[tilespmem:v27+s31+$0x0] =	vst.idx.msk $0xffff, v28;
	v27 =	vadd.s32 s15, v8  }
0xfa: {  	v28 =	vld.idx.msk [tilespmem:v29+s28+$0x0], $0xffff;
	v27 =	vand.u32 $0xFFF8, v27  }
0xfb: {  	v27 =	vor.u32 v9, v27  }
0xfc: {  	v29 =	vor.u32 s16, v10;
	_ =	sdelay $0x3  }
0xfd: {  	[tilespmem:v27+s31+$0x0] =	vst.idx.msk $0xffff, v28;
	v27 =	vadd.s32 s15, v11  }
0xfe: {  	v28 =	vld.idx.msk [tilespmem:v29+s28+$0x0], $0xffff;
	v27 =	vand.u32 $0xFFF8, v27  }
0xff: {  	v27 =	vor.u32 v12, v27  }
0x100: {  	v29 =	vor.u32 s16, v13;
	_ =	sdelay $0x3  }
0x101: {  	[tilespmem:v27+s31+$0x0] =	vst.idx.msk $0xffff, v28;
	v27 =	vadd.s32 s15, v14  }
0x102: {  	v28 =	vld.idx.msk [tilespmem:v29+s28+$0x0], $0xffff;
	v27 =	vand.u32 $0xFFF8, v27  }
0x103: {  	v27 =	vor.u32 v15, v27  }
0x104: {  	v29 =	vor.u32 s16, v16;
	_ =	sdelay $0x3  }
0x105: {  	[tilespmem:v27+s31+$0x0] =	vst.idx.msk $0xffff, v28;
	v27 =	vadd.s32 s15, v17  }
0x106: {  	v28 =	vld.idx.msk [tilespmem:v29+s28+$0x0], $0xffff;
	v27 =	vand.u32 $0xFFF8, v27  }
0x107: {  	v27 =	vor.u32 v18, v27  }
0x108: {  	v29 =	vor.u32 s16, v19;
	_ =	sdelay $0x3  }
0x109: {  	[tilespmem:v27+s31+$0x0] =	vst.idx.msk $0xffff, v28;
	v27 =	vadd.s32 s15, v20  }
0x10a: {  	v28 =	vld.idx.msk [tilespmem:v29+s28+$0x0], $0xffff;
	v27 =	vand.u32 $0xFFF8, v27  }
0x10b: {  	v27 =	vor.u32 v21, v27  }
0x10c: {  	v29 =	vor.u32 s16, v22;
	_ =	sdelay $0x3  }
0x10d: {  	[tilespmem:v27+s31+$0x0] =	vst.idx.msk $0xffff, v28;
	v27 =	vadd.s32 s15, v23  }
0x10e: {  	v28 =	vld.idx.msk [tilespmem:v29+s28+$0x0], $0xffff;
	v27 =	vand.u32 $0xFFF8, v27  }
0x10f: {  	v27 =	vor.u32 v24, v27  }
0x110: {  	v29 =	vor.u32 s16, v25;
	s16 =	smov.u32 s17;
	_ =	sdelay $0x1  }
.Ltmp4:
0x111: {  	(pc) =	sbr.rel @p2 .LBB2_5-.Ltmp4, $4  }
0x112: {  	_ = 	snop  }
0x113: {  	[tilespmem:v27+s31+$0x0] =	vst.idx.msk $0xffff, v28;
	v28 =	vadd.s32 s15, v26  }
0x114: {  	v27 =	vld.idx.msk [tilespmem:v29+s28+$0x0], $0xffff;
	v28 =	vand.u32 $0xFFF8, v28  }
0x115: {  	s17 =	sadd.s32 $0x200, s17;
	v29 =	vor.u32 s16, v0;
	v28 =	vor.u32 v3, v28  }
0x116: {  	v29 =	vand.u32 v2, v29;
	_ =	sdelay $0x1  }
0x117: {  	s15 =	sadd.s32 $0x90, s15  }
0x118: {  	v30 =	vadd.s32 s15, v1  }
0x119: {  	[tilespmem:v28+s31+$0x0] =	vst.idx.msk $0xffff, v27;
	v27 =	vand.u32 $0xFFF8, v30  }
0x11a: {  	v27 =	vor.u32 v3, v27;
	v28 =	vld.idx.msk [tilespmem:v29+s28+$0x0], $0xffff  }
0x11b: {  	v29 =	vor.u32 s16, v4;
	_ =	sdelay $0x2  }
0x11c: {  	v30 =	vadd.s32 s15, v5  }
0x11d: {  	[tilespmem:v27+s31+$0x0] =	vst.idx.msk $0xffff, v28;
	v27 =	vand.u32 $0xFFF8, v30  }
0x11e: {  	v28 =	vld.idx.msk [tilespmem:v29+s28+$0x0], $0xffff;
	v27 =	vor.u32 v6, v27  }
0x11f: {  	v29 =	vor.u32 s16, v7;
	_ =	sdelay $0x2  }
0x120: {  	v30 =	vadd.s32 s15, v8  }
0x121: {  	[tilespmem:v27+s31+$0x0] =	vst.idx.msk $0xffff, v28;
	v27 =	vand.u32 $0xFFF8, v30  }
0x122: {  	v28 =	vld.idx.msk [tilespmem:v29+s28+$0x0], $0xffff;
	v27 =	vor.u32 v9, v27  }
0x123: {  	v29 =	vor.u32 s16, v10;
	_ =	sdelay $0x2  }
0x124: {  	v30 =	vadd.s32 s15, v11  }
0x125: {  	[tilespmem:v27+s31+$0x0] =	vst.idx.msk $0xffff, v28;
	v27 =	vand.u32 $0xFFF8, v30  }
0x126: {  	v28 =	vld.idx.msk [tilespmem:v29+s28+$0x0], $0xffff;
	v27 =	vor.u32 v12, v27  }
0x127: {  	v29 =	vor.u32 s16, v13;
	_ =	sdelay $0x2  }
0x128: {  	v30 =	vadd.s32 s15, v14  }
0x129: {  	[tilespmem:v27+s31+$0x0] =	vst.idx.msk $0xffff, v28;
	v27 =	vand.u32 $0xFFF8, v30  }
0x12a: {  	v28 =	vld.idx.msk [tilespmem:v29+s28+$0x0], $0xffff;
	v27 =	vor.u32 v15, v27  }
0x12b: {  	v29 =	vor.u32 s16, v16;
	_ =	sdelay $0x2  }
0x12c: {  	v30 =	vadd.s32 s15, v17  }
0x12d: {  	[tilespmem:v27+s31+$0x0] =	vst.idx.msk $0xffff, v28;
	v27 =	vand.u32 $0xFFF8, v30  }
0x12e: {  	v28 =	vld.idx.msk [tilespmem:v29+s28+$0x0], $0xffff;
	v27 =	vor.u32 v18, v27  }
0x12f: {  	v29 =	vor.u32 s16, v19;
	_ =	sdelay $0x2  }
0x130: {  	v30 =	vadd.s32 s15, v20  }
0x131: {  	[tilespmem:v27+s31+$0x0] =	vst.idx.msk $0xffff, v28;
	v27 =	vand.u32 $0xFFF8, v30  }
0x132: {  	v28 =	vld.idx.msk [tilespmem:v29+s28+$0x0], $0xffff;
	v27 =	vor.u32 v21, v27  }
0x133: {  	v29 =	vor.u32 s16, v22;
	_ =	sdelay $0x2  }
0x134: {  	v30 =	vadd.s32 s15, v23  }
0x135: {  	[tilespmem:v27+s31+$0x0] =	vst.idx.msk $0xffff, v28;
	v27 =	vand.u32 $0xFFF8, v30  }
0x136: {  	v28 =	vld.idx.msk [tilespmem:v29+s28+$0x0], $0xffff;
	v27 =	vor.u32 v24, v27  }
0x137: {  	v29 =	vor.u32 s16, v25;
	_ =	sdelay $0x2  }
0x138: {  	v30 =	vadd.s32 s15, v26  }
0x139: {  	[tilespmem:v27+s31+$0x0] =	vst.idx.msk $0xffff, v28;
	v27 =	vand.u32 $0xFFF8, v30  }
0x13a: {  	v28 =	vld.idx.msk [tilespmem:v29+s28+$0x0], $0xffff;
	v27 =	vor.u32 v3, v27;
	_ =	sdelay $0x4  }
0x13b: {  	s15 =	simm.s32 $0x0;
	[tilespmem:v27+s31+$0x0] =	vst.idx.msk $0xffff, v28  }
0x13c: {  	[hbm4b:s8+s15] =	stream.linear.scatter [tilespmem:s31], [sflag:$0x4], $0x2BE0, $0x38;
	[tilespmem:$0x19A00] =	vst v63  }
0x13d: {  	_ = 	snop  }
0x13e: {  	[tilespmem:s28], [sflag:$0x2] =	stream.strided.gather [hbm4b:s9+s25], $0x9C00, s26, s25, $0x38;
	[tilespmem:$0x19A00] =	vst v63  }
0x13f: {  	v27 =	vor.u32 s15, v0;
	_ =	swait.ge [sflag:s3], $0x9C00  }
0x140: {  	v27 =	vand.u32 v2, v27;
	[sflag:s3] =	ssyncset.done $0x0  }
0x141: {  	[sflag:s3] =	ssyncadd.s32 $0xFFFF6400  }
0x142: {  	_ =	swait.ge [sflag:s1], $0x2BE0  }
0x143: {  	v28 =	vadd.s32 s15, v1;
	[sflag:s1] =	ssyncset.done $0x0  }
0x144: {  	v28 =	vand.u32 $0xFFF8, v28;
	[sflag:s1] =	ssyncadd.s32 $0xFFFFD420  }
0x145: {  	v28 =	vor.u32 v3, v28;
	v27 =	vld.idx.msk [tilespmem:v27+s2+$0x0], $0xffff  }
0x146: {  	v29 =	vor.u32 s15, v4;
	_ =	sdelay $0x2  }
0x147: {  	v30 =	vadd.s32 s15, v5  }
0x148: {  	[tilespmem:v28+s29+$0x0] =	vst.idx.msk $0xffff, v27;
	v27 =	vand.u32 $0xFFF8, v30  }
0x149: {  	v28 =	vld.idx.msk [tilespmem:v29+s2+$0x0], $0xffff;
	v27 =	vor.u32 v6, v27  }
0x14a: {  	v29 =	vor.u32 s15, v7;
	_ =	sdelay $0x2  }
0x14b: {  	v30 =	vadd.s32 s15, v8  }
0x14c: {  	[tilespmem:v27+s29+$0x0] =	vst.idx.msk $0xffff, v28;
	v27 =	vand.u32 $0xFFF8, v30  }
0x14d: {  	v28 =	vld.idx.msk [tilespmem:v29+s2+$0x0], $0xffff;
	v27 =	vor.u32 v9, v27  }
0x14e: {  	v29 =	vor.u32 s15, v10;
	_ =	sdelay $0x2  }
0x14f: {  	v30 =	vadd.s32 s15, v11  }
0x150: {  	[tilespmem:v27+s29+$0x0] =	vst.idx.msk $0xffff, v28;
	v27 =	vand.u32 $0xFFF8, v30  }
0x151: {  	v28 =	vld.idx.msk [tilespmem:v29+s2+$0x0], $0xffff;
	v27 =	vor.u32 v12, v27  }
0x152: {  	v29 =	vor.u32 s15, v13;
	_ =	sdelay $0x2  }
0x153: {  	v30 =	vadd.s32 s15, v14  }
0x154: {  	[tilespmem:v27+s29+$0x0] =	vst.idx.msk $0xffff, v28;
	v27 =	vand.u32 $0xFFF8, v30  }
0x155: {  	v28 =	vld.idx.msk [tilespmem:v29+s2+$0x0], $0xffff;
	v27 =	vor.u32 v15, v27  }
0x156: {  	v29 =	vor.u32 s15, v16;
	_ =	sdelay $0x2  }
0x157: {  	v30 =	vadd.s32 s15, v17  }
0x158: {  	[tilespmem:v27+s29+$0x0] =	vst.idx.msk $0xffff, v28;
	v27 =	vand.u32 $0xFFF8, v30  }
0x159: {  	v28 =	vld.idx.msk [tilespmem:v29+s2+$0x0], $0xffff;
	v27 =	vor.u32 v18, v27  }
0x15a: {  	v29 =	vor.u32 s15, v19;
	_ =	sdelay $0x2  }
0x15b: {  	v30 =	vadd.s32 s15, v20  }
0x15c: {  	[tilespmem:v27+s29+$0x0] =	vst.idx.msk $0xffff, v28;
	v27 =	vand.u32 $0xFFF8, v30  }
0x15d: {  	v28 =	vld.idx.msk [tilespmem:v29+s2+$0x0], $0xffff;
	v27 =	vor.u32 v21, v27  }
0x15e: {  	v29 =	vor.u32 s15, v22;
	_ =	sdelay $0x2  }
0x15f: {  	v30 =	vadd.s32 s15, v23  }
0x160: {  	[tilespmem:v27+s29+$0x0] =	vst.idx.msk $0xffff, v28;
	v27 =	vand.u32 $0xFFF8, v30  }
0x161: {  	v28 =	vld.idx.msk [tilespmem:v29+s2+$0x0], $0xffff;
	v27 =	vor.u32 v24, v27  }
0x162: {  	v29 =	vor.u32 s15, v25;
	_ =	sdelay $0x2  }
0x163: {  	v30 =	vadd.s32 s15, v26  }
0x164: {  	s16 =	simm.s32 $0x200;
	[tilespmem:v27+s29+$0x0] =	vst.idx.msk $0xffff, v28;
	v28 =	vand.u32 $0xFFF8, v30  }
0x165: {  	s17 =	simm.s32 $0x400;
	v27 =	vld.idx.msk [tilespmem:v29+s2+$0x0], $0xffff;
	v29 =	vor.u32 s16, v0;
	v28 =	vor.u32 v3, v28  }
.LBB2_7:
0x166: {  	p2 =	sne.s32 s17, $0x9A00;
	v29 =	vand.u32 v2, v29;
	_ =	sdelay $0x2  }
0x167: {  	s15 =	sadd.s32 $0x90, s15  }
0x168: {  	v30 =	vadd.s32 s15, v1;
	[tilespmem:v28+s29+$0x0] =	vst.idx.msk $0xffff, v27  }
0x169: {  	v28 =	vand.u32 $0xFFF8, v30;
	v27 =	vld.idx.msk [tilespmem:v29+s2+$0x0], $0xffff  }
0x16a: {  	v28 =	vor.u32 v3, v28  }
0x16b: {  	v29 =	vor.u32 s16, v4;
	_ =	sdelay $0x3  }
0x16c: {  	[tilespmem:v28+s29+$0x0] =	vst.idx.msk $0xffff, v27;
	v27 =	vadd.s32 s15, v5  }
0x16d: {  	v28 =	vld.idx.msk [tilespmem:v29+s2+$0x0], $0xffff;
	v27 =	vand.u32 $0xFFF8, v27  }
0x16e: {  	v27 =	vor.u32 v6, v27  }
0x16f: {  	v29 =	vor.u32 s16, v7;
	_ =	sdelay $0x3  }
0x170: {  	[tilespmem:v27+s29+$0x0] =	vst.idx.msk $0xffff, v28;
	v27 =	vadd.s32 s15, v8  }
0x171: {  	v28 =	vld.idx.msk [tilespmem:v29+s2+$0x0], $0xffff;
	v27 =	vand.u32 $0xFFF8, v27  }
0x172: {  	v27 =	vor.u32 v9, v27  }
0x173: {  	v29 =	vor.u32 s16, v10;
	_ =	sdelay $0x3  }
0x174: {  	[tilespmem:v27+s29+$0x0] =	vst.idx.msk $0xffff, v28;
	v27 =	vadd.s32 s15, v11  }
0x175: {  	v28 =	vld.idx.msk [tilespmem:v29+s2+$0x0], $0xffff;
	v27 =	vand.u32 $0xFFF8, v27  }
0x176: {  	v27 =	vor.u32 v12, v27  }
0x177: {  	v29 =	vor.u32 s16, v13;
	_ =	sdelay $0x3  }
0x178: {  	[tilespmem:v27+s29+$0x0] =	vst.idx.msk $0xffff, v28;
	v27 =	vadd.s32 s15, v14  }
0x179: {  	v28 =	vld.idx.msk [tilespmem:v29+s2+$0x0], $0xffff;
	v27 =	vand.u32 $0xFFF8, v27  }
0x17a: {  	v27 =	vor.u32 v15, v27  }
0x17b: {  	v29 =	vor.u32 s16, v16;
	_ =	sdelay $0x3  }
0x17c: {  	[tilespmem:v27+s29+$0x0] =	vst.idx.msk $0xffff, v28;
	v27 =	vadd.s32 s15, v17  }
0x17d: {  	v28 =	vld.idx.msk [tilespmem:v29+s2+$0x0], $0xffff;
	v27 =	vand.u32 $0xFFF8, v27  }
0x17e: {  	v27 =	vor.u32 v18, v27  }
0x17f: {  	v29 =	vor.u32 s16, v19;
	_ =	sdelay $0x3  }
0x180: {  	[tilespmem:v27+s29+$0x0] =	vst.idx.msk $0xffff, v28;
	v27 =	vadd.s32 s15, v20  }
0x181: {  	v28 =	vld.idx.msk [tilespmem:v29+s2+$0x0], $0xffff;
	v27 =	vand.u32 $0xFFF8, v27  }
0x182: {  	v27 =	vor.u32 v21, v27  }
0x183: {  	v29 =	vor.u32 s16, v22;
	_ =	sdelay $0x3  }
0x184: {  	[tilespmem:v27+s29+$0x0] =	vst.idx.msk $0xffff, v28;
	v27 =	vadd.s32 s15, v23  }
0x185: {  	v28 =	vld.idx.msk [tilespmem:v29+s2+$0x0], $0xffff;
	v27 =	vand.u32 $0xFFF8, v27  }
0x186: {  	v27 =	vor.u32 v24, v27  }
0x187: {  	v29 =	vor.u32 s16, v25;
	s16 =	smov.u32 s17;
	_ =	sdelay $0x1  }
.Ltmp5:
0x188: {  	(pc) =	sbr.rel @p2 .LBB2_7-.Ltmp5, $4  }
0x189: {  	_ = 	snop  }
0x18a: {  	[tilespmem:v27+s29+$0x0] =	vst.idx.msk $0xffff, v28;
	v28 =	vadd.s32 s15, v26  }
0x18b: {  	v27 =	vld.idx.msk [tilespmem:v29+s2+$0x0], $0xffff;
	v28 =	vand.u32 $0xFFF8, v28  }
0x18c: {  	s17 =	sadd.s32 $0x200, s17;
	v29 =	vor.u32 s16, v0;
	v28 =	vor.u32 v3, v28  }
0x18d: {  	v29 =	vand.u32 v2, v29;
	_ =	sdelay $0x1  }
0x18e: {  	s15 =	sadd.s32 $0x90, s15  }
0x18f: {  	v30 =	vadd.s32 s15, v1  }
0x190: {  	[tilespmem:v28+s29+$0x0] =	vst.idx.msk $0xffff, v27;
	v27 =	vand.u32 $0xFFF8, v30  }
0x191: {  	v27 =	vor.u32 v3, v27;
	v28 =	vld.idx.msk [tilespmem:v29+s2+$0x0], $0xffff  }
0x192: {  	v29 =	vor.u32 s16, v4;
	_ =	sdelay $0x2  }
0x193: {  	v30 =	vadd.s32 s15, v5  }
0x194: {  	[tilespmem:v27+s29+$0x0] =	vst.idx.msk $0xffff, v28;
	v27 =	vand.u32 $0xFFF8, v30  }
0x195: {  	v28 =	vld.idx.msk [tilespmem:v29+s2+$0x0], $0xffff;
	v27 =	vor.u32 v6, v27  }
0x196: {  	v29 =	vor.u32 s16, v7;
	_ =	sdelay $0x2  }
0x197: {  	v30 =	vadd.s32 s15, v8  }
0x198: {  	[tilespmem:v27+s29+$0x0] =	vst.idx.msk $0xffff, v28;
	v27 =	vand.u32 $0xFFF8, v30  }
0x199: {  	v28 =	vld.idx.msk [tilespmem:v29+s2+$0x0], $0xffff;
	v27 =	vor.u32 v9, v27  }
0x19a: {  	v29 =	vor.u32 s16, v10;
	_ =	sdelay $0x2  }
0x19b: {  	v30 =	vadd.s32 s15, v11  }
0x19c: {  	[tilespmem:v27+s29+$0x0] =	vst.idx.msk $0xffff, v28;
	v27 =	vand.u32 $0xFFF8, v30  }
0x19d: {  	v28 =	vld.idx.msk [tilespmem:v29+s2+$0x0], $0xffff;
	v27 =	vor.u32 v12, v27  }
0x19e: {  	v29 =	vor.u32 s16, v13;
	_ =	sdelay $0x2  }
0x19f: {  	v30 =	vadd.s32 s15, v14  }
0x1a0: {  	[tilespmem:v27+s29+$0x0] =	vst.idx.msk $0xffff, v28;
	v27 =	vand.u32 $0xFFF8, v30  }
0x1a1: {  	v28 =	vld.idx.msk [tilespmem:v29+s2+$0x0], $0xffff;
	v27 =	vor.u32 v15, v27  }
0x1a2: {  	v29 =	vor.u32 s16, v16;
	_ =	sdelay $0x2  }
0x1a3: {  	v30 =	vadd.s32 s15, v17  }
0x1a4: {  	[tilespmem:v27+s29+$0x0] =	vst.idx.msk $0xffff, v28;
	v27 =	vand.u32 $0xFFF8, v30  }
0x1a5: {  	v28 =	vld.idx.msk [tilespmem:v29+s2+$0x0], $0xffff;
	v27 =	vor.u32 v18, v27  }
0x1a6: {  	v29 =	vor.u32 s16, v19;
	_ =	sdelay $0x2  }
0x1a7: {  	v30 =	vadd.s32 s15, v20  }
0x1a8: {  	[tilespmem:v27+s29+$0x0] =	vst.idx.msk $0xffff, v28;
	v27 =	vand.u32 $0xFFF8, v30  }
0x1a9: {  	v28 =	vld.idx.msk [tilespmem:v29+s2+$0x0], $0xffff;
	v27 =	vor.u32 v21, v27  }
0x1aa: {  	v29 =	vor.u32 s16, v22;
	_ =	sdelay $0x2  }
0x1ab: {  	v30 =	vadd.s32 s15, v23  }
0x1ac: {  	[tilespmem:v27+s29+$0x0] =	vst.idx.msk $0xffff, v28;
	v27 =	vand.u32 $0xFFF8, v30  }
0x1ad: {  	v28 =	vld.idx.msk [tilespmem:v29+s2+$0x0], $0xffff;
	v27 =	vor.u32 v24, v27  }
0x1ae: {  	v29 =	vor.u32 s16, v25;
	_ =	sdelay $0x2  }
0x1af: {  	v30 =	vadd.s32 s15, v26  }
0x1b0: {  	[tilespmem:v27+s29+$0x0] =	vst.idx.msk $0xffff, v28;
	v27 =	vand.u32 $0xFFF8, v30  }
0x1b1: {  	v28 =	vld.idx.msk [tilespmem:v29+s2+$0x0], $0xffff;
	v27 =	vor.u32 v3, v27;
	_ =	sdelay $0x4  }
0x1b2: {  	s15 =	simm.s32 $0x0;
	[tilespmem:v27+s29+$0x0] =	vst.idx.msk $0xffff, v28  }
0x1b3: {  	[hbm4b:s10+s15] =	stream.linear.scatter [tilespmem:s29], [sflag:$0x3], $0x2BE0, $0x38;
	[tilespmem:$0x19A00] =	vst v63  }
0x1b4: {  	_ = 	snop  }
0x1b5: {  	[tilespmem:s15], [sflag:$0x1] =	stream.strided.gather [hbm4b:s11+s25], $0x9C00, s26, s25, $0x38;
	[tilespmem:$0x19A00] =	vst v63  }
0x1b6: {  	v27 =	vor.u32 s15, v0;
	_ =	swait.ge [sflag:s30], $0x9C00  }
0x1b7: {  	v27 =	vand.u32 v2, v27;
	[sflag:s30] =	ssyncset.done $0x0  }
0x1b8: {  	[sflag:s30] =	ssyncadd.s32 $0xFFFF6400  }
0x1b9: {  	_ =	swait.ge [sflag:s0], $0x2BE0  }
0x1ba: {  	v28 =	vadd.s32 s15, v1;
	[sflag:s0] =	ssyncset.done $0x0  }
0x1bb: {  	v28 =	vand.u32 $0xFFF8, v28;
	[sflag:s0] =	ssyncadd.s32 $0xFFFFD420  }
0x1bc: {  	v28 =	vor.u32 v3, v28;
	v27 =	vld.idx.msk [tilespmem:v27+s28+$0x0], $0xffff  }
0x1bd: {  	v29 =	vor.u32 s15, v4;
	_ =	sdelay $0x2  }
0x1be: {  	v30 =	vadd.s32 s15, v5  }
0x1bf: {  	[tilespmem:v28+s31+$0x0] =	vst.idx.msk $0xffff, v27;
	v27 =	vand.u32 $0xFFF8, v30  }
0x1c0: {  	v28 =	vld.idx.msk [tilespmem:v29+s28+$0x0], $0xffff;
	v27 =	vor.u32 v6, v27  }
0x1c1: {  	v29 =	vor.u32 s15, v7;
	_ =	sdelay $0x2  }
0x1c2: {  	v30 =	vadd.s32 s15, v8  }
0x1c3: {  	[tilespmem:v27+s31+$0x0] =	vst.idx.msk $0xffff, v28;
	v27 =	vand.u32 $0xFFF8, v30  }
0x1c4: {  	v28 =	vld.idx.msk [tilespmem:v29+s28+$0x0], $0xffff;
	v27 =	vor.u32 v9, v27  }
0x1c5: {  	v29 =	vor.u32 s15, v10;
	_ =	sdelay $0x2  }
0x1c6: {  	v30 =	vadd.s32 s15, v11  }
0x1c7: {  	[tilespmem:v27+s31+$0x0] =	vst.idx.msk $0xffff, v28;
	v27 =	vand.u32 $0xFFF8, v30  }
0x1c8: {  	v28 =	vld.idx.msk [tilespmem:v29+s28+$0x0], $0xffff;
	v27 =	vor.u32 v12, v27  }
0x1c9: {  	v29 =	vor.u32 s15, v13;
	_ =	sdelay $0x2  }
0x1ca: {  	v30 =	vadd.s32 s15, v14  }
0x1cb: {  	[tilespmem:v27+s31+$0x0] =	vst.idx.msk $0xffff, v28;
	v27 =	vand.u32 $0xFFF8, v30  }
0x1cc: {  	v28 =	vld.idx.msk [tilespmem:v29+s28+$0x0], $0xffff;
	v27 =	vor.u32 v15, v27  }
0x1cd: {  	v29 =	vor.u32 s15, v16;
	_ =	sdelay $0x2  }
0x1ce: {  	v30 =	vadd.s32 s15, v17  }
0x1cf: {  	[tilespmem:v27+s31+$0x0] =	vst.idx.msk $0xffff, v28;
	v27 =	vand.u32 $0xFFF8, v30  }
0x1d0: {  	v28 =	vld.idx.msk [tilespmem:v29+s28+$0x0], $0xffff;
	v27 =	vor.u32 v18, v27  }
0x1d1: {  	v29 =	vor.u32 s15, v19;
	_ =	sdelay $0x2  }
0x1d2: {  	v30 =	vadd.s32 s15, v20  }
0x1d3: {  	[tilespmem:v27+s31+$0x0] =	vst.idx.msk $0xffff, v28;
	v27 =	vand.u32 $0xFFF8, v30  }
0x1d4: {  	v28 =	vld.idx.msk [tilespmem:v29+s28+$0x0], $0xffff;
	v27 =	vor.u32 v21, v27  }
0x1d5: {  	v29 =	vor.u32 s15, v22;
	_ =	sdelay $0x2  }
0x1d6: {  	v30 =	vadd.s32 s15, v23  }
0x1d7: {  	[tilespmem:v27+s31+$0x0] =	vst.idx.msk $0xffff, v28;
	v27 =	vand.u32 $0xFFF8, v30  }
0x1d8: {  	v28 =	vld.idx.msk [tilespmem:v29+s28+$0x0], $0xffff;
	v27 =	vor.u32 v24, v27  }
0x1d9: {  	v29 =	vor.u32 s15, v25;
	_ =	sdelay $0x2  }
0x1da: {  	v30 =	vadd.s32 s15, v26  }
0x1db: {  	s16 =	simm.s32 $0x200;
	[tilespmem:v27+s31+$0x0] =	vst.idx.msk $0xffff, v28;
	v28 =	vand.u32 $0xFFF8, v30  }
0x1dc: {  	s17 =	simm.s32 $0x400;
	v27 =	vld.idx.msk [tilespmem:v29+s28+$0x0], $0xffff;
	v29 =	vor.u32 s16, v0;
	v28 =	vor.u32 v3, v28  }
.LBB2_9:
0x1dd: {  	p2 =	sne.s32 s17, $0x9A00;
	v29 =	vand.u32 v2, v29;
	_ =	sdelay $0x2  }
0x1de: {  	s15 =	sadd.s32 $0x90, s15  }
0x1df: {  	v30 =	vadd.s32 s15, v1;
	[tilespmem:v28+s31+$0x0] =	vst.idx.msk $0xffff, v27  }
0x1e0: {  	v28 =	vand.u32 $0xFFF8, v30;
	v27 =	vld.idx.msk [tilespmem:v29+s28+$0x0], $0xffff  }
0x1e1: {  	v28 =	vor.u32 v3, v28  }
0x1e2: {  	v29 =	vor.u32 s16, v4;
	_ =	sdelay $0x3  }
0x1e3: {  	[tilespmem:v28+s31+$0x0] =	vst.idx.msk $0xffff, v27;
	v27 =	vadd.s32 s15, v5  }
0x1e4: {  	v28 =	vld.idx.msk [tilespmem:v29+s28+$0x0], $0xffff;
	v27 =	vand.u32 $0xFFF8, v27  }
0x1e5: {  	v27 =	vor.u32 v6, v27  }
0x1e6: {  	v29 =	vor.u32 s16, v7;
	_ =	sdelay $0x3  }
0x1e7: {  	[tilespmem:v27+s31+$0x0] =	vst.idx.msk $0xffff, v28;
	v27 =	vadd.s32 s15, v8  }
0x1e8: {  	v28 =	vld.idx.msk [tilespmem:v29+s28+$0x0], $0xffff;
	v27 =	vand.u32 $0xFFF8, v27  }
0x1e9: {  	v27 =	vor.u32 v9, v27  }
0x1ea: {  	v29 =	vor.u32 s16, v10;
	_ =	sdelay $0x3  }
0x1eb: {  	[tilespmem:v27+s31+$0x0] =	vst.idx.msk $0xffff, v28;
	v27 =	vadd.s32 s15, v11  }
0x1ec: {  	v28 =	vld.idx.msk [tilespmem:v29+s28+$0x0], $0xffff;
	v27 =	vand.u32 $0xFFF8, v27  }
0x1ed: {  	v27 =	vor.u32 v12, v27  }
0x1ee: {  	v29 =	vor.u32 s16, v13;
	_ =	sdelay $0x3  }
0x1ef: {  	[tilespmem:v27+s31+$0x0] =	vst.idx.msk $0xffff, v28;
	v27 =	vadd.s32 s15, v14  }
0x1f0: {  	v28 =	vld.idx.msk [tilespmem:v29+s28+$0x0], $0xffff;
	v27 =	vand.u32 $0xFFF8, v27  }
0x1f1: {  	v27 =	vor.u32 v15, v27  }
0x1f2: {  	v29 =	vor.u32 s16, v16;
	_ =	sdelay $0x3  }
0x1f3: {  	[tilespmem:v27+s31+$0x0] =	vst.idx.msk $0xffff, v28;
	v27 =	vadd.s32 s15, v17  }
0x1f4: {  	v28 =	vld.idx.msk [tilespmem:v29+s28+$0x0], $0xffff;
	v27 =	vand.u32 $0xFFF8, v27  }
0x1f5: {  	v27 =	vor.u32 v18, v27  }
0x1f6: {  	v29 =	vor.u32 s16, v19;
	_ =	sdelay $0x3  }
0x1f7: {  	[tilespmem:v27+s31+$0x0] =	vst.idx.msk $0xffff, v28;
	v27 =	vadd.s32 s15, v20  }
0x1f8: {  	v28 =	vld.idx.msk [tilespmem:v29+s28+$0x0], $0xffff;
	v27 =	vand.u32 $0xFFF8, v27  }
0x1f9: {  	v27 =	vor.u32 v21, v27  }
0x1fa: {  	v29 =	vor.u32 s16, v22;
	_ =	sdelay $0x3  }
0x1fb: {  	[tilespmem:v27+s31+$0x0] =	vst.idx.msk $0xffff, v28;
	v27 =	vadd.s32 s15, v23  }
0x1fc: {  	v28 =	vld.idx.msk [tilespmem:v29+s28+$0x0], $0xffff;
	v27 =	vand.u32 $0xFFF8, v27  }
0x1fd: {  	v27 =	vor.u32 v24, v27  }
0x1fe: {  	v29 =	vor.u32 s16, v25;
	s16 =	smov.u32 s17;
	_ =	sdelay $0x1  }
.Ltmp6:
0x1ff: {  	(pc) =	sbr.rel @p2 .LBB2_9-.Ltmp6, $4  }
0x200: {  	_ = 	snop  }
0x201: {  	[tilespmem:v27+s31+$0x0] =	vst.idx.msk $0xffff, v28;
	v28 =	vadd.s32 s15, v26  }
0x202: {  	v27 =	vld.idx.msk [tilespmem:v29+s28+$0x0], $0xffff;
	v28 =	vand.u32 $0xFFF8, v28  }
0x203: {  	s17 =	sadd.s32 $0x200, s17;
	v29 =	vor.u32 s16, v0;
	v28 =	vor.u32 v3, v28  }
0x204: {  	v29 =	vand.u32 v2, v29;
	_ =	sdelay $0x1  }
0x205: {  	s15 =	sadd.s32 $0x90, s15  }
0x206: {  	v30 =	vadd.s32 s15, v1  }
0x207: {  	[tilespmem:v28+s31+$0x0] =	vst.idx.msk $0xffff, v27;
	v27 =	vand.u32 $0xFFF8, v30  }
0x208: {  	v27 =	vor.u32 v3, v27;
	v28 =	vld.idx.msk [tilespmem:v29+s28+$0x0], $0xffff  }
0x209: {  	v29 =	vor.u32 s16, v4;
	_ =	sdelay $0x2  }
0x20a: {  	v30 =	vadd.s32 s15, v5  }
0x20b: {  	[tilespmem:v27+s31+$0x0] =	vst.idx.msk $0xffff, v28;
	v27 =	vand.u32 $0xFFF8, v30  }
0x20c: {  	v28 =	vld.idx.msk [tilespmem:v29+s28+$0x0], $0xffff;
	v27 =	vor.u32 v6, v27  }
0x20d: {  	v29 =	vor.u32 s16, v7;
	_ =	sdelay $0x2  }
0x20e: {  	v30 =	vadd.s32 s15, v8  }
0x20f: {  	[tilespmem:v27+s31+$0x0] =	vst.idx.msk $0xffff, v28;
	v27 =	vand.u32 $0xFFF8, v30  }
0x210: {  	v28 =	vld.idx.msk [tilespmem:v29+s28+$0x0], $0xffff;
	v27 =	vor.u32 v9, v27  }
0x211: {  	v29 =	vor.u32 s16, v10;
	_ =	sdelay $0x2  }
0x212: {  	v30 =	vadd.s32 s15, v11  }
0x213: {  	[tilespmem:v27+s31+$0x0] =	vst.idx.msk $0xffff, v28;
	v27 =	vand.u32 $0xFFF8, v30  }
0x214: {  	v28 =	vld.idx.msk [tilespmem:v29+s28+$0x0], $0xffff;
	v27 =	vor.u32 v12, v27  }
0x215: {  	v29 =	vor.u32 s16, v13;
	_ =	sdelay $0x2  }
0x216: {  	v30 =	vadd.s32 s15, v14  }
0x217: {  	[tilespmem:v27+s31+$0x0] =	vst.idx.msk $0xffff, v28;
	v27 =	vand.u32 $0xFFF8, v30  }
0x218: {  	v28 =	vld.idx.msk [tilespmem:v29+s28+$0x0], $0xffff;
	v27 =	vor.u32 v15, v27  }
0x219: {  	v29 =	vor.u32 s16, v16;
	_ =	sdelay $0x2  }
0x21a: {  	v30 =	vadd.s32 s15, v17  }
0x21b: {  	[tilespmem:v27+s31+$0x0] =	vst.idx.msk $0xffff, v28;
	v27 =	vand.u32 $0xFFF8, v30  }
0x21c: {  	v28 =	vld.idx.msk [tilespmem:v29+s28+$0x0], $0xffff;
	v27 =	vor.u32 v18, v27  }
0x21d: {  	v29 =	vor.u32 s16, v19;
	_ =	sdelay $0x2  }
0x21e: {  	v30 =	vadd.s32 s15, v20  }
0x21f: {  	[tilespmem:v27+s31+$0x0] =	vst.idx.msk $0xffff, v28;
	v27 =	vand.u32 $0xFFF8, v30  }
0x220: {  	v28 =	vld.idx.msk [tilespmem:v29+s28+$0x0], $0xffff;
	v27 =	vor.u32 v21, v27  }
0x221: {  	v29 =	vor.u32 s16, v22;
	_ =	sdelay $0x2  }
0x222: {  	v30 =	vadd.s32 s15, v23  }
0x223: {  	[tilespmem:v27+s31+$0x0] =	vst.idx.msk $0xffff, v28;
	v27 =	vand.u32 $0xFFF8, v30  }
0x224: {  	v28 =	vld.idx.msk [tilespmem:v29+s28+$0x0], $0xffff;
	v27 =	vor.u32 v24, v27  }
0x225: {  	v29 =	vor.u32 s16, v25;
	_ =	sdelay $0x2  }
0x226: {  	v30 =	vadd.s32 s15, v26  }
0x227: {  	[tilespmem:v27+s31+$0x0] =	vst.idx.msk $0xffff, v28;
	v27 =	vand.u32 $0xFFF8, v30  }
0x228: {  	v28 =	vld.idx.msk [tilespmem:v29+s28+$0x0], $0xffff;
	v27 =	vor.u32 v3, v27;
	_ =	sdelay $0x4  }
0x229: {  	s15 =	simm.s32 $0x0;
	[tilespmem:v27+s31+$0x0] =	vst.idx.msk $0xffff, v28  }
0x22a: {  	[hbm4b:s12+s15] =	stream.linear.scatter [tilespmem:s31], [sflag:$0x4], $0x2BE0, $0x38;
	[tilespmem:$0x19A00] =	vst v63  }
0x22b: {  	v27 =	vor.u32 s15, v0;
	_ =	swait.ge [sflag:s3], $0x9C00  }
0x22c: {  	v27 =	vand.u32 v2, v27;
	[sflag:s3] =	ssyncset.done $0x0  }
0x22d: {  	[sflag:s3] =	ssyncadd.s32 $0xFFFF6400  }
0x22e: {  	_ =	swait.ge [sflag:s1], $0x2BE0  }
0x22f: {  	v28 =	vadd.s32 s15, v1;
	[sflag:s1] =	ssyncset.done $0x0  }
0x230: {  	v28 =	vand.u32 $0xFFF8, v28;
	[sflag:s1] =	ssyncadd.s32 $0xFFFFD420  }
0x231: {  	v28 =	vor.u32 v3, v28;
	v27 =	vld.idx.msk [tilespmem:v27+s2+$0x0], $0xffff  }
0x232: {  	v29 =	vor.u32 s15, v4;
	_ =	sdelay $0x2  }
0x233: {  	v30 =	vadd.s32 s15, v5  }
0x234: {  	[tilespmem:v28+s29+$0x0] =	vst.idx.msk $0xffff, v27;
	v27 =	vand.u32 $0xFFF8, v30  }
0x235: {  	v28 =	vld.idx.msk [tilespmem:v29+s2+$0x0], $0xffff;
	v27 =	vor.u32 v6, v27  }
0x236: {  	v29 =	vor.u32 s15, v7;
	_ =	sdelay $0x2  }
0x237: {  	v30 =	vadd.s32 s15, v8  }
0x238: {  	[tilespmem:v27+s29+$0x0] =	vst.idx.msk $0xffff, v28;
	v27 =	vand.u32 $0xFFF8, v30  }
0x239: {  	v28 =	vld.idx.msk [tilespmem:v29+s2+$0x0], $0xffff;
	v27 =	vor.u32 v9, v27  }
0x23a: {  	v29 =	vor.u32 s15, v10;
	_ =	sdelay $0x2  }
0x23b: {  	v30 =	vadd.s32 s15, v11  }
0x23c: {  	[tilespmem:v27+s29+$0x0] =	vst.idx.msk $0xffff, v28;
	v27 =	vand.u32 $0xFFF8, v30  }
0x23d: {  	v28 =	vld.idx.msk [tilespmem:v29+s2+$0x0], $0xffff;
	v27 =	vor.u32 v12, v27  }
0x23e: {  	v29 =	vor.u32 s15, v13;
	_ =	sdelay $0x2  }
0x23f: {  	v30 =	vadd.s32 s15, v14  }
0x240: {  	[tilespmem:v27+s29+$0x0] =	vst.idx.msk $0xffff, v28;
	v27 =	vand.u32 $0xFFF8, v30  }
0x241: {  	v28 =	vld.idx.msk [tilespmem:v29+s2+$0x0], $0xffff;
	v27 =	vor.u32 v15, v27  }
0x242: {  	v29 =	vor.u32 s15, v16;
	_ =	sdelay $0x2  }
0x243: {  	v30 =	vadd.s32 s15, v17  }
0x244: {  	[tilespmem:v27+s29+$0x0] =	vst.idx.msk $0xffff, v28;
	v27 =	vand.u32 $0xFFF8, v30  }
0x245: {  	v28 =	vld.idx.msk [tilespmem:v29+s2+$0x0], $0xffff;
	v27 =	vor.u32 v18, v27  }
0x246: {  	v29 =	vor.u32 s15, v19;
	_ =	sdelay $0x2  }
0x247: {  	v30 =	vadd.s32 s15, v20  }
0x248: {  	[tilespmem:v27+s29+$0x0] =	vst.idx.msk $0xffff, v28;
	v27 =	vand.u32 $0xFFF8, v30  }
0x249: {  	v28 =	vld.idx.msk [tilespmem:v29+s2+$0x0], $0xffff;
	v27 =	vor.u32 v21, v27  }
0x24a: {  	v29 =	vor.u32 s15, v22;
	_ =	sdelay $0x2  }
0x24b: {  	v30 =	vadd.s32 s15, v23  }
0x24c: {  	[tilespmem:v27+s29+$0x0] =	vst.idx.msk $0xffff, v28;
	v27 =	vand.u32 $0xFFF8, v30  }
0x24d: {  	v28 =	vld.idx.msk [tilespmem:v29+s2+$0x0], $0xffff;
	v27 =	vor.u32 v24, v27  }
0x24e: {  	v29 =	vor.u32 s15, v25;
	_ =	sdelay $0x2  }
0x24f: {  	v30 =	vadd.s32 s15, v26  }
0x250: {  	s16 =	simm.s32 $0x200;
	[tilespmem:v27+s29+$0x0] =	vst.idx.msk $0xffff, v28;
	v28 =	vand.u32 $0xFFF8, v30  }
0x251: {  	s17 =	simm.s32 $0x400;
	v27 =	vld.idx.msk [tilespmem:v29+s2+$0x0], $0xffff;
	v29 =	vor.u32 s16, v0;
	v28 =	vor.u32 v3, v28  }
.LBB2_11:
0x252: {  	p2 =	sne.s32 s17, $0x9A00;
	v29 =	vand.u32 v2, v29;
	_ =	sdelay $0x2  }
0x253: {  	s15 =	sadd.s32 $0x90, s15  }
0x254: {  	v30 =	vadd.s32 s15, v1;
	[tilespmem:v28+s29+$0x0] =	vst.idx.msk $0xffff, v27  }
0x255: {  	v28 =	vand.u32 $0xFFF8, v30;
	v27 =	vld.idx.msk [tilespmem:v29+s2+$0x0], $0xffff  }
0x256: {  	v28 =	vor.u32 v3, v28  }
0x257: {  	v29 =	vor.u32 s16, v4;
	_ =	sdelay $0x3  }
0x258: {  	[tilespmem:v28+s29+$0x0] =	vst.idx.msk $0xffff, v27;
	v27 =	vadd.s32 s15, v5  }
0x259: {  	v28 =	vld.idx.msk [tilespmem:v29+s2+$0x0], $0xffff;
	v27 =	vand.u32 $0xFFF8, v27  }
0x25a: {  	v27 =	vor.u32 v6, v27  }
0x25b: {  	v29 =	vor.u32 s16, v7;
	_ =	sdelay $0x3  }
0x25c: {  	[tilespmem:v27+s29+$0x0] =	vst.idx.msk $0xffff, v28;
	v27 =	vadd.s32 s15, v8  }
0x25d: {  	v28 =	vld.idx.msk [tilespmem:v29+s2+$0x0], $0xffff;
	v27 =	vand.u32 $0xFFF8, v27  }
0x25e: {  	v27 =	vor.u32 v9, v27  }
0x25f: {  	v29 =	vor.u32 s16, v10;
	_ =	sdelay $0x3  }
0x260: {  	[tilespmem:v27+s29+$0x0] =	vst.idx.msk $0xffff, v28;
	v27 =	vadd.s32 s15, v11  }
0x261: {  	v28 =	vld.idx.msk [tilespmem:v29+s2+$0x0], $0xffff;
	v27 =	vand.u32 $0xFFF8, v27  }
0x262: {  	v27 =	vor.u32 v12, v27  }
0x263: {  	v29 =	vor.u32 s16, v13;
	_ =	sdelay $0x3  }
0x264: {  	[tilespmem:v27+s29+$0x0] =	vst.idx.msk $0xffff, v28;
	v27 =	vadd.s32 s15, v14  }
0x265: {  	v28 =	vld.idx.msk [tilespmem:v29+s2+$0x0], $0xffff;
	v27 =	vand.u32 $0xFFF8, v27  }
0x266: {  	v27 =	vor.u32 v15, v27  }
0x267: {  	v29 =	vor.u32 s16, v16;
	_ =	sdelay $0x3  }
0x268: {  	[tilespmem:v27+s29+$0x0] =	vst.idx.msk $0xffff, v28;
	v27 =	vadd.s32 s15, v17  }
0x269: {  	v28 =	vld.idx.msk [tilespmem:v29+s2+$0x0], $0xffff;
	v27 =	vand.u32 $0xFFF8, v27  }
0x26a: {  	v27 =	vor.u32 v18, v27  }
0x26b: {  	v29 =	vor.u32 s16, v19;
	_ =	sdelay $0x3  }
0x26c: {  	[tilespmem:v27+s29+$0x0] =	vst.idx.msk $0xffff, v28;
	v27 =	vadd.s32 s15, v20  }
0x26d: {  	v28 =	vld.idx.msk [tilespmem:v29+s2+$0x0], $0xffff;
	v27 =	vand.u32 $0xFFF8, v27  }
0x26e: {  	v27 =	vor.u32 v21, v27  }
0x26f: {  	v29 =	vor.u32 s16, v22;
	_ =	sdelay $0x3  }
0x270: {  	[tilespmem:v27+s29+$0x0] =	vst.idx.msk $0xffff, v28;
	v27 =	vadd.s32 s15, v23  }
0x271: {  	v28 =	vld.idx.msk [tilespmem:v29+s2+$0x0], $0xffff;
	v27 =	vand.u32 $0xFFF8, v27  }
0x272: {  	v27 =	vor.u32 v24, v27  }
0x273: {  	v29 =	vor.u32 s16, v25;
	s16 =	smov.u32 s17;
	_ =	sdelay $0x1  }
.Ltmp7:
0x274: {  	(pc) =	sbr.rel @p2 .LBB2_11-.Ltmp7, $4  }
0x275: {  	_ = 	snop  }
0x276: {  	[tilespmem:v27+s29+$0x0] =	vst.idx.msk $0xffff, v28;
	v28 =	vadd.s32 s15, v26  }
0x277: {  	v27 =	vld.idx.msk [tilespmem:v29+s2+$0x0], $0xffff;
	v28 =	vand.u32 $0xFFF8, v28  }
0x278: {  	s17 =	sadd.s32 $0x200, s17;
	v29 =	vor.u32 s16, v0;
	v28 =	vor.u32 v3, v28  }
0x279: {  	v29 =	vand.u32 v2, v29;
	_ =	sdelay $0x1  }
0x27a: {  	s15 =	sadd.s32 $0x90, s15  }
0x27b: {  	v30 =	vadd.s32 s15, v1  }
0x27c: {  	[tilespmem:v28+s29+$0x0] =	vst.idx.msk $0xffff, v27;
	v27 =	vand.u32 $0xFFF8, v30  }
0x27d: {  	v27 =	vor.u32 v3, v27;
	v28 =	vld.idx.msk [tilespmem:v29+s2+$0x0], $0xffff  }
0x27e: {  	v48 =	vor.u32 s16, v4;
	_ =	sdelay $0x2  }
0x27f: {  	v49 =	vadd.s32 s15, v5  }
0x280: {  	[tilespmem:v27+s29+$0x0] =	vst.idx.msk $0xffff, v28;
	v27 =	vand.u32 $0xFFF8, v49  }
0x281: {  	v28 =	vld.idx.msk [tilespmem:v48+s2+$0x0], $0xffff;
	v27 =	vor.u32 v6, v27  }
0x282: {  	v50 =	vor.u32 s16, v7;
	_ =	sdelay $0x2  }
0x283: {  	v51 =	vadd.s32 s15, v8  }
0x284: {  	[tilespmem:v27+s29+$0x0] =	vst.idx.msk $0xffff, v28;
	v27 =	vand.u32 $0xFFF8, v51  }
0x285: {  	v28 =	vld.idx.msk [tilespmem:v50+s2+$0x0], $0xffff;
	v27 =	vor.u32 v9, v27  }
0x286: {  	v52 =	vor.u32 s16, v10;
	_ =	sdelay $0x2  }
0x287: {  	v53 =	vadd.s32 s15, v11  }
0x288: {  	[tilespmem:v27+s29+$0x0] =	vst.idx.msk $0xffff, v28;
	v27 =	vand.u32 $0xFFF8, v53  }
0x289: {  	v28 =	vld.idx.msk [tilespmem:v52+s2+$0x0], $0xffff;
	v27 =	vor.u32 v12, v27  }
0x28a: {  	v54 =	vor.u32 s16, v13;
	_ =	sdelay $0x2  }
0x28b: {  	v55 =	vadd.s32 s15, v14  }
0x28c: {  	[tilespmem:v27+s29+$0x0] =	vst.idx.msk $0xffff, v28;
	v27 =	vand.u32 $0xFFF8, v55  }
0x28d: {  	v28 =	vld.idx.msk [tilespmem:v54+s2+$0x0], $0xffff;
	v27 =	vor.u32 v15, v27  }
0x28e: {  	v56 =	vor.u32 s16, v16;
	_ =	sdelay $0x2  }
0x28f: {  	v57 =	vadd.s32 s15, v17  }
0x290: {  	[tilespmem:v27+s29+$0x0] =	vst.idx.msk $0xffff, v28;
	v27 =	vand.u32 $0xFFF8, v57  }
0x291: {  	v28 =	vld.idx.msk [tilespmem:v56+s2+$0x0], $0xffff;
	v27 =	vor.u32 v18, v27  }
0x292: {  	v58 =	vor.u32 s16, v19;
	_ =	sdelay $0x2  }
0x293: {  	v59 =	vadd.s32 s15, v20  }
0x294: {  	[tilespmem:v27+s29+$0x0] =	vst.idx.msk $0xffff, v28;
	v27 =	vand.u32 $0xFFF8, v59  }
0x295: {  	v28 =	vld.idx.msk [tilespmem:v58+s2+$0x0], $0xffff;
	v27 =	vor.u32 v21, v27  }
0x296: {  	v60 =	vor.u32 s16, v22;
	_ =	sdelay $0x2  }
0x297: {  	v61 =	vadd.s32 s15, v23  }
0x298: {  	[tilespmem:v27+s29+$0x0] =	vst.idx.msk $0xffff, v28;
	v27 =	vand.u32 $0xFFF8, v61  }
0x299: {  	v28 =	vld.idx.msk [tilespmem:v60+s2+$0x0], $0xffff;
	v27 =	vor.u32 v24, v27  }
0x29a: {  	v62 =	vor.u32 s16, v25;
	_ =	sdelay $0x2  }
0x29b: {  	v63 =	vadd.s32 s15, v26  }
0x29c: {  	[tilespmem:v27+s29+$0x0] =	vst.idx.msk $0xffff, v28;
	v27 =	vand.u32 $0xFFF8, v63  }
0x29d: {  	v28 =	vld.idx.msk [tilespmem:v62+s2+$0x0], $0xffff;
	v27 =	vor.u32 v3, v27;
	_ =	sdelay $0x4  }
0x29e: {  	[tilespmem:v27+s29+$0x0] =	vst.idx.msk $0xffff, v28  }
0x29f: {  	[hbm4b:s13+s2] =	stream.linear.scatter [tilespmem:s29], [sflag:$0x3], $0x2BE0, $0x38;
	[tilespmem:$0x19A00] =	vst v63  }
0x2a0: {  	_ =	swait.ge [sflag:s0], $0x2BE0  }
.Ltmp8:
0x2a1: {  	[sflag:s0] =	ssyncset.done $0x0;
	(pc) =	sbr.rel .LBB2_25-.Ltmp8, $4  }
0x2a2: {  	[sflag:s0] =	ssyncadd.s32 $0xFFFFD420  }
0x2a3: {  	_ =	swait.ge [sflag:s1], $0x2BE0  }
0x2a4: {  	[sflag:s1] =	ssyncset.done $0x0  }
0x2a5: {  	[sflag:s1] =	ssyncadd.s32 $0xFFFFD420  }
.LBB2_13:
.Ltmp9:
0x2a6: {  	(pc) =	sbr.rel @p1 .LBB2_25-.Ltmp9, $1  }
0x2a7: {  	_ =	sdelay $0x3  }
0x2a8: {  	s15 =	simm.s32 $0x0;
	s16 =	rddreg [dreg:$0x3]  }
0x2a9: {  	[tilespmem:s15], [sflag:$0x1] =	stream.strided.gather [hbm4b:s16+s25], $0xA000, s26, s25, $0x38;
	v27 =	vor.u32 s15, v0;
	[tilespmem:$0x19A00] =	vst v63  }
0x2aa: {  	s17 =	rddreg [dreg:$0x4];
	v27 =	vand.u32 v2, v27  }
0x2ab: {  	[tilespmem:s28], [sflag:$0x2] =	stream.strided.gather [hbm4b:s17+s25], $0xA000, s26, s25, $0x38;
	[tilespmem:$0x19A00] =	vst v63  }
0x2ac: {  	_ =	swait.ge [sflag:s3], $0xA000  }
0x2ad: {  	v28 =	vadd.s32 s15, v1;
	[sflag:s3] =	ssyncset.done $0x0  }
0x2ae: {  	v28 =	vand.u32 $0xFFF8, v28;
	[sflag:s3] =	ssyncadd.s32 $0xFFFF6000  }
0x2af: {  	v28 =	vor.u32 v3, v28;
	v27 =	vld.idx.msk [tilespmem:v27+s2+$0x0], $0xffff  }
0x2b0: {  	v29 =	vor.u32 s15, v4;
	_ =	sdelay $0x2  }
0x2b1: {  	v30 =	vadd.s32 s15, v5  }
0x2b2: {  	[tilespmem:v28+s29+$0x0] =	vst.idx.msk $0xffff, v27;
	v27 =	vand.u32 $0xFFF8, v30  }
0x2b3: {  	v28 =	vld.idx.msk [tilespmem:v29+s2+$0x0], $0xffff;
	v27 =	vor.u32 v6, v27  }
0x2b4: {  	v29 =	vor.u32 s15, v7;
	_ =	sdelay $0x2  }
0x2b5: {  	v30 =	vadd.s32 s15, v8  }
0x2b6: {  	[tilespmem:v27+s29+$0x0] =	vst.idx.msk $0xffff, v28;
	v27 =	vand.u32 $0xFFF8, v30  }
0x2b7: {  	v28 =	vld.idx.msk [tilespmem:v29+s2+$0x0], $0xffff;
	v27 =	vor.u32 v9, v27  }
0x2b8: {  	v29 =	vor.u32 s15, v10;
	_ =	sdelay $0x2  }
0x2b9: {  	v30 =	vadd.s32 s15, v11  }
0x2ba: {  	[tilespmem:v27+s29+$0x0] =	vst.idx.msk $0xffff, v28;
	v27 =	vand.u32 $0xFFF8, v30  }
0x2bb: {  	v28 =	vld.idx.msk [tilespmem:v29+s2+$0x0], $0xffff;
	v27 =	vor.u32 v12, v27  }
0x2bc: {  	v29 =	vor.u32 s15, v13;
	_ =	sdelay $0x2  }
0x2bd: {  	v30 =	vadd.s32 s15, v14  }
0x2be: {  	[tilespmem:v27+s29+$0x0] =	vst.idx.msk $0xffff, v28;
	v27 =	vand.u32 $0xFFF8, v30  }
0x2bf: {  	v28 =	vld.idx.msk [tilespmem:v29+s2+$0x0], $0xffff;
	v27 =	vor.u32 v15, v27  }
0x2c0: {  	v29 =	vor.u32 s15, v16;
	_ =	sdelay $0x2  }
0x2c1: {  	v30 =	vadd.s32 s15, v17  }
0x2c2: {  	[tilespmem:v27+s29+$0x0] =	vst.idx.msk $0xffff, v28;
	v27 =	vand.u32 $0xFFF8, v30  }
0x2c3: {  	v28 =	vld.idx.msk [tilespmem:v29+s2+$0x0], $0xffff;
	v27 =	vor.u32 v18, v27  }
0x2c4: {  	v29 =	vor.u32 s15, v19;
	_ =	sdelay $0x2  }
0x2c5: {  	v30 =	vadd.s32 s15, v20  }
0x2c6: {  	[tilespmem:v27+s29+$0x0] =	vst.idx.msk $0xffff, v28;
	v27 =	vand.u32 $0xFFF8, v30  }
0x2c7: {  	v28 =	vld.idx.msk [tilespmem:v29+s2+$0x0], $0xffff;
	v27 =	vor.u32 v21, v27  }
0x2c8: {  	v29 =	vor.u32 s15, v22;
	_ =	sdelay $0x2  }
0x2c9: {  	v30 =	vadd.s32 s15, v23  }
0x2ca: {  	[tilespmem:v27+s29+$0x0] =	vst.idx.msk $0xffff, v28;
	v27 =	vand.u32 $0xFFF8, v30  }
0x2cb: {  	v28 =	vld.idx.msk [tilespmem:v29+s2+$0x0], $0xffff;
	v27 =	vor.u32 v24, v27  }
0x2cc: {  	v29 =	vor.u32 s15, v25;
	_ =	sdelay $0x2  }
0x2cd: {  	v30 =	vadd.s32 s15, v26  }
0x2ce: {  	s16 =	simm.s32 $0x200;
	[tilespmem:v27+s29+$0x0] =	vst.idx.msk $0xffff, v28;
	v28 =	vand.u32 $0xFFF8, v30  }
0x2cf: {  	s17 =	simm.s32 $0x400;
	v27 =	vld.idx.msk [tilespmem:v29+s2+$0x0], $0xffff;
	v29 =	vor.u32 s16, v0;
	v28 =	vor.u32 v3, v28  }
.LBB2_15:
0x2d0: {  	p2 =	sne.s32 s17, $0x9E00;
	v29 =	vand.u32 v2, v29;
	_ =	sdelay $0x2  }
0x2d1: {  	s15 =	sadd.s32 $0x90, s15  }
0x2d2: {  	v30 =	vadd.s32 s15, v1;
	[tilespmem:v28+s29+$0x0] =	vst.idx.msk $0xffff, v27  }
0x2d3: {  	v28 =	vand.u32 $0xFFF8, v30;
	v27 =	vld.idx.msk [tilespmem:v29+s2+$0x0], $0xffff  }
0x2d4: {  	v28 =	vor.u32 v3, v28  }
0x2d5: {  	v29 =	vor.u32 s16, v4;
	_ =	sdelay $0x3  }
0x2d6: {  	[tilespmem:v28+s29+$0x0] =	vst.idx.msk $0xffff, v27;
	v27 =	vadd.s32 s15, v5  }
0x2d7: {  	v28 =	vld.idx.msk [tilespmem:v29+s2+$0x0], $0xffff;
	v27 =	vand.u32 $0xFFF8, v27  }
0x2d8: {  	v27 =	vor.u32 v6, v27  }
0x2d9: {  	v29 =	vor.u32 s16, v7;
	_ =	sdelay $0x3  }
0x2da: {  	[tilespmem:v27+s29+$0x0] =	vst.idx.msk $0xffff, v28;
	v27 =	vadd.s32 s15, v8  }
0x2db: {  	v28 =	vld.idx.msk [tilespmem:v29+s2+$0x0], $0xffff;
	v27 =	vand.u32 $0xFFF8, v27  }
0x2dc: {  	v27 =	vor.u32 v9, v27  }
0x2dd: {  	v29 =	vor.u32 s16, v10;
	_ =	sdelay $0x3  }
0x2de: {  	[tilespmem:v27+s29+$0x0] =	vst.idx.msk $0xffff, v28;
	v27 =	vadd.s32 s15, v11  }
0x2df: {  	v28 =	vld.idx.msk [tilespmem:v29+s2+$0x0], $0xffff;
	v27 =	vand.u32 $0xFFF8, v27  }
0x2e0: {  	v27 =	vor.u32 v12, v27  }
0x2e1: {  	v29 =	vor.u32 s16, v13;
	_ =	sdelay $0x3  }
0x2e2: {  	[tilespmem:v27+s29+$0x0] =	vst.idx.msk $0xffff, v28;
	v27 =	vadd.s32 s15, v14  }
0x2e3: {  	v28 =	vld.idx.msk [tilespmem:v29+s2+$0x0], $0xffff;
	v27 =	vand.u32 $0xFFF8, v27  }
0x2e4: {  	v27 =	vor.u32 v15, v27  }
0x2e5: {  	v29 =	vor.u32 s16, v16;
	_ =	sdelay $0x3  }
0x2e6: {  	[tilespmem:v27+s29+$0x0] =	vst.idx.msk $0xffff, v28;
	v27 =	vadd.s32 s15, v17  }
0x2e7: {  	v28 =	vld.idx.msk [tilespmem:v29+s2+$0x0], $0xffff;
	v27 =	vand.u32 $0xFFF8, v27  }
0x2e8: {  	v27 =	vor.u32 v18, v27  }
0x2e9: {  	v29 =	vor.u32 s16, v19;
	_ =	sdelay $0x3  }
0x2ea: {  	[tilespmem:v27+s29+$0x0] =	vst.idx.msk $0xffff, v28;
	v27 =	vadd.s32 s15, v20  }
0x2eb: {  	v28 =	vld.idx.msk [tilespmem:v29+s2+$0x0], $0xffff;
	v27 =	vand.u32 $0xFFF8, v27  }
0x2ec: {  	v27 =	vor.u32 v21, v27  }
0x2ed: {  	v29 =	vor.u32 s16, v22;
	_ =	sdelay $0x3  }
0x2ee: {  	[tilespmem:v27+s29+$0x0] =	vst.idx.msk $0xffff, v28;
	v27 =	vadd.s32 s15, v23  }
0x2ef: {  	v28 =	vld.idx.msk [tilespmem:v29+s2+$0x0], $0xffff;
	v27 =	vand.u32 $0xFFF8, v27  }
0x2f0: {  	v27 =	vor.u32 v24, v27  }
0x2f1: {  	v29 =	vor.u32 s16, v25;
	s16 =	smov.u32 s17;
	_ =	sdelay $0x1  }
.Ltmp10:
0x2f2: {  	(pc) =	sbr.rel @p2 .LBB2_15-.Ltmp10, $4  }
0x2f3: {  	_ = 	snop  }
0x2f4: {  	[tilespmem:v27+s29+$0x0] =	vst.idx.msk $0xffff, v28;
	v28 =	vadd.s32 s15, v26  }
0x2f5: {  	v27 =	vld.idx.msk [tilespmem:v29+s2+$0x0], $0xffff;
	v28 =	vand.u32 $0xFFF8, v28  }
0x2f6: {  	s17 =	sadd.s32 $0x200, s17;
	v29 =	vor.u32 s16, v0;
	v28 =	vor.u32 v3, v28  }
0x2f7: {  	v29 =	vand.u32 v2, v29;
	_ =	sdelay $0x1  }
0x2f8: {  	s15 =	sadd.s32 $0x90, s15  }
0x2f9: {  	v30 =	vadd.s32 s15, v1  }
0x2fa: {  	[tilespmem:v28+s29+$0x0] =	vst.idx.msk $0xffff, v27;
	v27 =	vand.u32 $0xFFF8, v30  }
0x2fb: {  	v27 =	vor.u32 v3, v27;
	v28 =	vld.idx.msk [tilespmem:v29+s2+$0x0], $0xffff  }
0x2fc: {  	v29 =	vor.u32 s16, v4;
	_ =	sdelay $0x2  }
0x2fd: {  	v30 =	vadd.s32 s15, v5  }
0x2fe: {  	[tilespmem:v27+s29+$0x0] =	vst.idx.msk $0xffff, v28;
	v27 =	vand.u32 $0xFFF8, v30  }
0x2ff: {  	v28 =	vld.idx.msk [tilespmem:v29+s2+$0x0], $0xffff;
	v27 =	vor.u32 v6, v27  }
0x300: {  	v29 =	vor.u32 s16, v7;
	_ =	sdelay $0x2  }
0x301: {  	v30 =	vadd.s32 s15, v8  }
0x302: {  	[tilespmem:v27+s29+$0x0] =	vst.idx.msk $0xffff, v28;
	v27 =	vand.u32 $0xFFF8, v30  }
0x303: {  	v28 =	vld.idx.msk [tilespmem:v29+s2+$0x0], $0xffff;
	v27 =	vor.u32 v9, v27  }
0x304: {  	v29 =	vor.u32 s16, v10;
	_ =	sdelay $0x2  }
0x305: {  	v30 =	vadd.s32 s15, v11  }
0x306: {  	[tilespmem:v27+s29+$0x0] =	vst.idx.msk $0xffff, v28;
	v27 =	vand.u32 $0xFFF8, v30  }
0x307: {  	v28 =	vld.idx.msk [tilespmem:v29+s2+$0x0], $0xffff;
	v27 =	vor.u32 v12, v27  }
0x308: {  	v29 =	vor.u32 s16, v13;
	_ =	sdelay $0x2  }
0x309: {  	v30 =	vadd.s32 s15, v14  }
0x30a: {  	[tilespmem:v27+s29+$0x0] =	vst.idx.msk $0xffff, v28;
	v27 =	vand.u32 $0xFFF8, v30  }
0x30b: {  	v28 =	vld.idx.msk [tilespmem:v29+s2+$0x0], $0xffff;
	v27 =	vor.u32 v15, v27  }
0x30c: {  	v29 =	vor.u32 s16, v16;
	_ =	sdelay $0x2  }
0x30d: {  	v30 =	vadd.s32 s15, v17  }
0x30e: {  	[tilespmem:v27+s29+$0x0] =	vst.idx.msk $0xffff, v28;
	v27 =	vand.u32 $0xFFF8, v30  }
0x30f: {  	v28 =	vld.idx.msk [tilespmem:v29+s2+$0x0], $0xffff;
	v27 =	vor.u32 v18, v27  }
0x310: {  	v29 =	vor.u32 s16, v19;
	_ =	sdelay $0x2  }
0x311: {  	v30 =	vadd.s32 s15, v20  }
0x312: {  	[tilespmem:v27+s29+$0x0] =	vst.idx.msk $0xffff, v28;
	v27 =	vand.u32 $0xFFF8, v30  }
0x313: {  	v28 =	vld.idx.msk [tilespmem:v29+s2+$0x0], $0xffff;
	v27 =	vor.u32 v21, v27  }
0x314: {  	v29 =	vor.u32 s16, v22;
	_ =	sdelay $0x2  }
0x315: {  	v30 =	vadd.s32 s15, v23  }
0x316: {  	[tilespmem:v27+s29+$0x0] =	vst.idx.msk $0xffff, v28;
	v27 =	vand.u32 $0xFFF8, v30  }
0x317: {  	v28 =	vld.idx.msk [tilespmem:v29+s2+$0x0], $0xffff;
	v27 =	vor.u32 v24, v27  }
0x318: {  	v29 =	vor.u32 s16, v25;
	_ =	sdelay $0x2  }
0x319: {  	v30 =	vadd.s32 s15, v26  }
0x31a: {  	[tilespmem:v27+s29+$0x0] =	vst.idx.msk $0xffff, v28;
	v27 =	vand.u32 $0xFFF8, v30  }
0x31b: {  	v28 =	vld.idx.msk [tilespmem:v29+s2+$0x0], $0xffff;
	v27 =	vor.u32 v3, v27;
	_ =	sdelay $0x4  }
0x31c: {  	s17 =	rddreg [dreg:$0x5];
	s15 =	simm.s32 $0x0;
	[tilespmem:v27+s29+$0x0] =	vst.idx.msk $0xffff, v28  }
0x31d: {  	v27 =	vor.u32 s15, v0;
	[hbm4b:s17+s15] =	stream.linear.scatter [tilespmem:s29], [sflag:$0x3], $0x2D00, $0x38;
	[tilespmem:$0x19A00] =	vst v63  }
0x31e: {  	v27 =	vand.u32 v2, v27;
	s17 =	rddreg [dreg:$0x6]  }
0x31f: {  	[tilespmem:s15], [sflag:$0x1] =	stream.strided.gather [hbm4b:s17+s25], $0xA000, s26, s25, $0x38;
	[tilespmem:$0x19A00] =	vst v63  }
0x320: {  	_ =	swait.ge [sflag:s30], $0xA000  }
0x321: {  	v28 =	vadd.s32 s15, v1;
	[sflag:s30] =	ssyncset.done $0x0  }
0x322: {  	v28 =	vand.u32 $0xFFF8, v28;
	[sflag:s30] =	ssyncadd.s32 $0xFFFF6000  }
0x323: {  	v28 =	vor.u32 v3, v28;
	v27 =	vld.idx.msk [tilespmem:v27+s28+$0x0], $0xffff  }
0x324: {  	v29 =	vor.u32 s15, v4;
	_ =	sdelay $0x2  }
0x325: {  	v30 =	vadd.s32 s15, v5  }
0x326: {  	[tilespmem:v28+s31+$0x0] =	vst.idx.msk $0xffff, v27;
	v27 =	vand.u32 $0xFFF8, v30  }
0x327: {  	v28 =	vld.idx.msk [tilespmem:v29+s28+$0x0], $0xffff;
	v27 =	vor.u32 v6, v27  }
0x328: {  	v29 =	vor.u32 s15, v7;
	_ =	sdelay $0x2  }
0x329: {  	v30 =	vadd.s32 s15, v8  }
0x32a: {  	[tilespmem:v27+s31+$0x0] =	vst.idx.msk $0xffff, v28;
	v27 =	vand.u32 $0xFFF8, v30  }
0x32b: {  	v28 =	vld.idx.msk [tilespmem:v29+s28+$0x0], $0xffff;
	v27 =	vor.u32 v9, v27  }
0x32c: {  	v29 =	vor.u32 s15, v10;
	_ =	sdelay $0x2  }
0x32d: {  	v30 =	vadd.s32 s15, v11  }
0x32e: {  	[tilespmem:v27+s31+$0x0] =	vst.idx.msk $0xffff, v28;
	v27 =	vand.u32 $0xFFF8, v30  }
0x32f: {  	v28 =	vld.idx.msk [tilespmem:v29+s28+$0x0], $0xffff;
	v27 =	vor.u32 v12, v27  }
0x330: {  	v29 =	vor.u32 s15, v13;
	_ =	sdelay $0x2  }
0x331: {  	v30 =	vadd.s32 s15, v14  }
0x332: {  	[tilespmem:v27+s31+$0x0] =	vst.idx.msk $0xffff, v28;
	v27 =	vand.u32 $0xFFF8, v30  }
0x333: {  	v28 =	vld.idx.msk [tilespmem:v29+s28+$0x0], $0xffff;
	v27 =	vor.u32 v15, v27  }
0x334: {  	v29 =	vor.u32 s15, v16;
	_ =	sdelay $0x2  }
0x335: {  	v30 =	vadd.s32 s15, v17  }
0x336: {  	[tilespmem:v27+s31+$0x0] =	vst.idx.msk $0xffff, v28;
	v27 =	vand.u32 $0xFFF8, v30  }
0x337: {  	v28 =	vld.idx.msk [tilespmem:v29+s28+$0x0], $0xffff;
	v27 =	vor.u32 v18, v27  }
0x338: {  	v29 =	vor.u32 s15, v19;
	_ =	sdelay $0x2  }
0x339: {  	v30 =	vadd.s32 s15, v20  }
0x33a: {  	[tilespmem:v27+s31+$0x0] =	vst.idx.msk $0xffff, v28;
	v27 =	vand.u32 $0xFFF8, v30  }
0x33b: {  	v28 =	vld.idx.msk [tilespmem:v29+s28+$0x0], $0xffff;
	v27 =	vor.u32 v21, v27  }
0x33c: {  	v29 =	vor.u32 s15, v22;
	_ =	sdelay $0x2  }
0x33d: {  	v30 =	vadd.s32 s15, v23  }
0x33e: {  	[tilespmem:v27+s31+$0x0] =	vst.idx.msk $0xffff, v28;
	v27 =	vand.u32 $0xFFF8, v30  }
0x33f: {  	v28 =	vld.idx.msk [tilespmem:v29+s28+$0x0], $0xffff;
	v27 =	vor.u32 v24, v27  }
0x340: {  	v29 =	vor.u32 s15, v25;
	_ =	sdelay $0x2  }
0x341: {  	v30 =	vadd.s32 s15, v26  }
0x342: {  	s16 =	simm.s32 $0x200;
	[tilespmem:v27+s31+$0x0] =	vst.idx.msk $0xffff, v28;
	v28 =	vand.u32 $0xFFF8, v30  }
0x343: {  	s17 =	simm.s32 $0x400;
	v27 =	vld.idx.msk [tilespmem:v29+s28+$0x0], $0xffff;
	v29 =	vor.u32 s16, v0;
	v28 =	vor.u32 v3, v28  }
.LBB2_17:
0x344: {  	p2 =	sne.s32 s17, $0x9E00;
	v29 =	vand.u32 v2, v29;
	_ =	sdelay $0x2  }
0x345: {  	s15 =	sadd.s32 $0x90, s15  }
0x346: {  	v30 =	vadd.s32 s15, v1;
	[tilespmem:v28+s31+$0x0] =	vst.idx.msk $0xffff, v27  }
0x347: {  	v28 =	vand.u32 $0xFFF8, v30;
	v27 =	vld.idx.msk [tilespmem:v29+s28+$0x0], $0xffff  }
0x348: {  	v28 =	vor.u32 v3, v28  }
0x349: {  	v29 =	vor.u32 s16, v4;
	_ =	sdelay $0x3  }
0x34a: {  	[tilespmem:v28+s31+$0x0] =	vst.idx.msk $0xffff, v27;
	v27 =	vadd.s32 s15, v5  }
0x34b: {  	v28 =	vld.idx.msk [tilespmem:v29+s28+$0x0], $0xffff;
	v27 =	vand.u32 $0xFFF8, v27  }
0x34c: {  	v27 =	vor.u32 v6, v27  }
0x34d: {  	v29 =	vor.u32 s16, v7;
	_ =	sdelay $0x3  }
0x34e: {  	[tilespmem:v27+s31+$0x0] =	vst.idx.msk $0xffff, v28;
	v27 =	vadd.s32 s15, v8  }
0x34f: {  	v28 =	vld.idx.msk [tilespmem:v29+s28+$0x0], $0xffff;
	v27 =	vand.u32 $0xFFF8, v27  }
0x350: {  	v27 =	vor.u32 v9, v27  }
0x351: {  	v29 =	vor.u32 s16, v10;
	_ =	sdelay $0x3  }
0x352: {  	[tilespmem:v27+s31+$0x0] =	vst.idx.msk $0xffff, v28;
	v27 =	vadd.s32 s15, v11  }
0x353: {  	v28 =	vld.idx.msk [tilespmem:v29+s28+$0x0], $0xffff;
	v27 =	vand.u32 $0xFFF8, v27  }
0x354: {  	v27 =	vor.u32 v12, v27  }
0x355: {  	v29 =	vor.u32 s16, v13;
	_ =	sdelay $0x3  }
0x356: {  	[tilespmem:v27+s31+$0x0] =	vst.idx.msk $0xffff, v28;
	v27 =	vadd.s32 s15, v14  }
0x357: {  	v28 =	vld.idx.msk [tilespmem:v29+s28+$0x0], $0xffff;
	v27 =	vand.u32 $0xFFF8, v27  }
0x358: {  	v27 =	vor.u32 v15, v27  }
0x359: {  	v29 =	vor.u32 s16, v16;
	_ =	sdelay $0x3  }
0x35a: {  	[tilespmem:v27+s31+$0x0] =	vst.idx.msk $0xffff, v28;
	v27 =	vadd.s32 s15, v17  }
0x35b: {  	v28 =	vld.idx.msk [tilespmem:v29+s28+$0x0], $0xffff;
	v27 =	vand.u32 $0xFFF8, v27  }
0x35c: {  	v27 =	vor.u32 v18, v27  }
0x35d: {  	v29 =	vor.u32 s16, v19;
	_ =	sdelay $0x3  }
0x35e: {  	[tilespmem:v27+s31+$0x0] =	vst.idx.msk $0xffff, v28;
	v27 =	vadd.s32 s15, v20  }
0x35f: {  	v28 =	vld.idx.msk [tilespmem:v29+s28+$0x0], $0xffff;
	v27 =	vand.u32 $0xFFF8, v27  }
0x360: {  	v27 =	vor.u32 v21, v27  }
0x361: {  	v29 =	vor.u32 s16, v22;
	_ =	sdelay $0x3  }
0x362: {  	[tilespmem:v27+s31+$0x0] =	vst.idx.msk $0xffff, v28;
	v27 =	vadd.s32 s15, v23  }
0x363: {  	v28 =	vld.idx.msk [tilespmem:v29+s28+$0x0], $0xffff;
	v27 =	vand.u32 $0xFFF8, v27  }
0x364: {  	v27 =	vor.u32 v24, v27  }
0x365: {  	v29 =	vor.u32 s16, v25;
	s16 =	smov.u32 s17;
	_ =	sdelay $0x1  }
.Ltmp11:
0x366: {  	(pc) =	sbr.rel @p2 .LBB2_17-.Ltmp11, $4  }
0x367: {  	_ = 	snop  }
0x368: {  	[tilespmem:v27+s31+$0x0] =	vst.idx.msk $0xffff, v28;
	v28 =	vadd.s32 s15, v26  }
0x369: {  	v27 =	vld.idx.msk [tilespmem:v29+s28+$0x0], $0xffff;
	v28 =	vand.u32 $0xFFF8, v28  }
0x36a: {  	s17 =	sadd.s32 $0x200, s17;
	v29 =	vor.u32 s16, v0;
	v28 =	vor.u32 v3, v28  }
0x36b: {  	v29 =	vand.u32 v2, v29;
	_ =	sdelay $0x1  }
0x36c: {  	s15 =	sadd.s32 $0x90, s15  }
0x36d: {  	v30 =	vadd.s32 s15, v1  }
0x36e: {  	[tilespmem:v28+s31+$0x0] =	vst.idx.msk $0xffff, v27;
	v27 =	vand.u32 $0xFFF8, v30  }
0x36f: {  	v27 =	vor.u32 v3, v27;
	v28 =	vld.idx.msk [tilespmem:v29+s28+$0x0], $0xffff  }
0x370: {  	v29 =	vor.u32 s16, v4;
	_ =	sdelay $0x2  }
0x371: {  	v30 =	vadd.s32 s15, v5  }
0x372: {  	[tilespmem:v27+s31+$0x0] =	vst.idx.msk $0xffff, v28;
	v27 =	vand.u32 $0xFFF8, v30  }
0x373: {  	v28 =	vld.idx.msk [tilespmem:v29+s28+$0x0], $0xffff;
	v27 =	vor.u32 v6, v27  }
0x374: {  	v29 =	vor.u32 s16, v7;
	_ =	sdelay $0x2  }
0x375: {  	v30 =	vadd.s32 s15, v8  }
0x376: {  	[tilespmem:v27+s31+$0x0] =	vst.idx.msk $0xffff, v28;
	v27 =	vand.u32 $0xFFF8, v30  }
0x377: {  	v28 =	vld.idx.msk [tilespmem:v29+s28+$0x0], $0xffff;
	v27 =	vor.u32 v9, v27  }
0x378: {  	v29 =	vor.u32 s16, v10;
	_ =	sdelay $0x2  }
0x379: {  	v30 =	vadd.s32 s15, v11  }
0x37a: {  	[tilespmem:v27+s31+$0x0] =	vst.idx.msk $0xffff, v28;
	v27 =	vand.u32 $0xFFF8, v30  }
0x37b: {  	v28 =	vld.idx.msk [tilespmem:v29+s28+$0x0], $0xffff;
	v27 =	vor.u32 v12, v27  }
0x37c: {  	v29 =	vor.u32 s16, v13;
	_ =	sdelay $0x2  }
0x37d: {  	v30 =	vadd.s32 s15, v14  }
0x37e: {  	[tilespmem:v27+s31+$0x0] =	vst.idx.msk $0xffff, v28;
	v27 =	vand.u32 $0xFFF8, v30  }
0x37f: {  	v28 =	vld.idx.msk [tilespmem:v29+s28+$0x0], $0xffff;
	v27 =	vor.u32 v15, v27  }
0x380: {  	v29 =	vor.u32 s16, v16;
	_ =	sdelay $0x2  }
0x381: {  	v30 =	vadd.s32 s15, v17  }
0x382: {  	[tilespmem:v27+s31+$0x0] =	vst.idx.msk $0xffff, v28;
	v27 =	vand.u32 $0xFFF8, v30  }
0x383: {  	v28 =	vld.idx.msk [tilespmem:v29+s28+$0x0], $0xffff;
	v27 =	vor.u32 v18, v27  }
0x384: {  	v29 =	vor.u32 s16, v19;
	_ =	sdelay $0x2  }
0x385: {  	v30 =	vadd.s32 s15, v20  }
0x386: {  	[tilespmem:v27+s31+$0x0] =	vst.idx.msk $0xffff, v28;
	v27 =	vand.u32 $0xFFF8, v30  }
0x387: {  	v28 =	vld.idx.msk [tilespmem:v29+s28+$0x0], $0xffff;
	v27 =	vor.u32 v21, v27  }
0x388: {  	v29 =	vor.u32 s16, v22;
	_ =	sdelay $0x2  }
0x389: {  	v30 =	vadd.s32 s15, v23  }
0x38a: {  	[tilespmem:v27+s31+$0x0] =	vst.idx.msk $0xffff, v28;
	v27 =	vand.u32 $0xFFF8, v30  }
0x38b: {  	v28 =	vld.idx.msk [tilespmem:v29+s28+$0x0], $0xffff;
	v27 =	vor.u32 v24, v27  }
0x38c: {  	v29 =	vor.u32 s16, v25;
	_ =	sdelay $0x2  }
0x38d: {  	v30 =	vadd.s32 s15, v26  }
0x38e: {  	[tilespmem:v27+s31+$0x0] =	vst.idx.msk $0xffff, v28;
	v27 =	vand.u32 $0xFFF8, v30  }
0x38f: {  	v28 =	vld.idx.msk [tilespmem:v29+s28+$0x0], $0xffff;
	v27 =	vor.u32 v3, v27;
	_ =	sdelay $0x4  }
0x390: {  	s15 =	simm.s32 $0x0;
	[tilespmem:v27+s31+$0x0] =	vst.idx.msk $0xffff, v28  }
0x391: {  	[hbm4b:s18+s15] =	stream.linear.scatter [tilespmem:s31], [sflag:$0x4], $0x2D00, $0x38;
	[tilespmem:$0x19A00] =	vst v63  }
0x392: {  	_ = 	snop  }
0x393: {  	[tilespmem:s28], [sflag:$0x2] =	stream.strided.gather [hbm4b:s19+s25], $0xA000, s26, s25, $0x38;
	[tilespmem:$0x19A00] =	vst v63  }
0x394: {  	v27 =	vor.u32 s15, v0;
	_ =	swait.ge [sflag:s3], $0xA000  }
0x395: {  	v27 =	vand.u32 v2, v27;
	[sflag:s3] =	ssyncset.done $0x0  }
0x396: {  	[sflag:s3] =	ssyncadd.s32 $0xFFFF6000  }
0x397: {  	_ =	swait.ge [sflag:s1], $0x2D00  }
0x398: {  	v28 =	vadd.s32 s15, v1;
	[sflag:s1] =	ssyncset.done $0x0  }
0x399: {  	v28 =	vand.u32 $0xFFF8, v28;
	[sflag:s1] =	ssyncadd.s32 $0xFFFFD300  }
0x39a: {  	v28 =	vor.u32 v3, v28;
	v27 =	vld.idx.msk [tilespmem:v27+s2+$0x0], $0xffff  }
0x39b: {  	v29 =	vor.u32 s15, v4;
	_ =	sdelay $0x2  }
0x39c: {  	v30 =	vadd.s32 s15, v5  }
0x39d: {  	[tilespmem:v28+s29+$0x0] =	vst.idx.msk $0xffff, v27;
	v27 =	vand.u32 $0xFFF8, v30  }
0x39e: {  	v28 =	vld.idx.msk [tilespmem:v29+s2+$0x0], $0xffff;
	v27 =	vor.u32 v6, v27  }
0x39f: {  	v29 =	vor.u32 s15, v7;
	_ =	sdelay $0x2  }
0x3a0: {  	v30 =	vadd.s32 s15, v8  }
0x3a1: {  	[tilespmem:v27+s29+$0x0] =	vst.idx.msk $0xffff, v28;
	v27 =	vand.u32 $0xFFF8, v30  }
0x3a2: {  	v28 =	vld.idx.msk [tilespmem:v29+s2+$0x0], $0xffff;
	v27 =	vor.u32 v9, v27  }
0x3a3: {  	v29 =	vor.u32 s15, v10;
	_ =	sdelay $0x2  }
0x3a4: {  	v30 =	vadd.s32 s15, v11  }
0x3a5: {  	[tilespmem:v27+s29+$0x0] =	vst.idx.msk $0xffff, v28;
	v27 =	vand.u32 $0xFFF8, v30  }
0x3a6: {  	v28 =	vld.idx.msk [tilespmem:v29+s2+$0x0], $0xffff;
	v27 =	vor.u32 v12, v27  }
0x3a7: {  	v29 =	vor.u32 s15, v13;
	_ =	sdelay $0x2  }
0x3a8: {  	v30 =	vadd.s32 s15, v14  }
0x3a9: {  	[tilespmem:v27+s29+$0x0] =	vst.idx.msk $0xffff, v28;
	v27 =	vand.u32 $0xFFF8, v30  }
0x3aa: {  	v28 =	vld.idx.msk [tilespmem:v29+s2+$0x0], $0xffff;
	v27 =	vor.u32 v15, v27  }
0x3ab: {  	v29 =	vor.u32 s15, v16;
	_ =	sdelay $0x2  }
0x3ac: {  	v30 =	vadd.s32 s15, v17  }
0x3ad: {  	[tilespmem:v27+s29+$0x0] =	vst.idx.msk $0xffff, v28;
	v27 =	vand.u32 $0xFFF8, v30  }
0x3ae: {  	v28 =	vld.idx.msk [tilespmem:v29+s2+$0x0], $0xffff;
	v27 =	vor.u32 v18, v27  }
0x3af: {  	v29 =	vor.u32 s15, v19;
	_ =	sdelay $0x2  }
0x3b0: {  	v30 =	vadd.s32 s15, v20  }
0x3b1: {  	[tilespmem:v27+s29+$0x0] =	vst.idx.msk $0xffff, v28;
	v27 =	vand.u32 $0xFFF8, v30  }
0x3b2: {  	v28 =	vld.idx.msk [tilespmem:v29+s2+$0x0], $0xffff;
	v27 =	vor.u32 v21, v27  }
0x3b3: {  	v29 =	vor.u32 s15, v22;
	_ =	sdelay $0x2  }
0x3b4: {  	v30 =	vadd.s32 s15, v23  }
0x3b5: {  	[tilespmem:v27+s29+$0x0] =	vst.idx.msk $0xffff, v28;
	v27 =	vand.u32 $0xFFF8, v30  }
0x3b6: {  	v28 =	vld.idx.msk [tilespmem:v29+s2+$0x0], $0xffff;
	v27 =	vor.u32 v24, v27  }
0x3b7: {  	v29 =	vor.u32 s15, v25;
	_ =	sdelay $0x2  }
0x3b8: {  	v30 =	vadd.s32 s15, v26  }
0x3b9: {  	s16 =	simm.s32 $0x200;
	[tilespmem:v27+s29+$0x0] =	vst.idx.msk $0xffff, v28;
	v28 =	vand.u32 $0xFFF8, v30  }
0x3ba: {  	s17 =	simm.s32 $0x400;
	v27 =	vld.idx.msk [tilespmem:v29+s2+$0x0], $0xffff;
	v29 =	vor.u32 s16, v0;
	v28 =	vor.u32 v3, v28  }
.LBB2_19:
0x3bb: {  	p2 =	sne.s32 s17, $0x9E00;
	v29 =	vand.u32 v2, v29;
	_ =	sdelay $0x2  }
0x3bc: {  	s15 =	sadd.s32 $0x90, s15  }
0x3bd: {  	v30 =	vadd.s32 s15, v1;
	[tilespmem:v28+s29+$0x0] =	vst.idx.msk $0xffff, v27  }
0x3be: {  	v28 =	vand.u32 $0xFFF8, v30;
	v27 =	vld.idx.msk [tilespmem:v29+s2+$0x0], $0xffff  }
0x3bf: {  	v28 =	vor.u32 v3, v28  }
0x3c0: {  	v29 =	vor.u32 s16, v4;
	_ =	sdelay $0x3  }
0x3c1: {  	[tilespmem:v28+s29+$0x0] =	vst.idx.msk $0xffff, v27;
	v27 =	vadd.s32 s15, v5  }
0x3c2: {  	v28 =	vld.idx.msk [tilespmem:v29+s2+$0x0], $0xffff;
	v27 =	vand.u32 $0xFFF8, v27  }
0x3c3: {  	v27 =	vor.u32 v6, v27  }
0x3c4: {  	v29 =	vor.u32 s16, v7;
	_ =	sdelay $0x3  }
0x3c5: {  	[tilespmem:v27+s29+$0x0] =	vst.idx.msk $0xffff, v28;
	v27 =	vadd.s32 s15, v8  }
0x3c6: {  	v28 =	vld.idx.msk [tilespmem:v29+s2+$0x0], $0xffff;
	v27 =	vand.u32 $0xFFF8, v27  }
0x3c7: {  	v27 =	vor.u32 v9, v27  }
0x3c8: {  	v29 =	vor.u32 s16, v10;
	_ =	sdelay $0x3  }
0x3c9: {  	[tilespmem:v27+s29+$0x0] =	vst.idx.msk $0xffff, v28;
	v27 =	vadd.s32 s15, v11  }
0x3ca: {  	v28 =	vld.idx.msk [tilespmem:v29+s2+$0x0], $0xffff;
	v27 =	vand.u32 $0xFFF8, v27  }
0x3cb: {  	v27 =	vor.u32 v12, v27  }
0x3cc: {  	v29 =	vor.u32 s16, v13;
	_ =	sdelay $0x3  }
0x3cd: {  	[tilespmem:v27+s29+$0x0] =	vst.idx.msk $0xffff, v28;
	v27 =	vadd.s32 s15, v14  }
0x3ce: {  	v28 =	vld.idx.msk [tilespmem:v29+s2+$0x0], $0xffff;
	v27 =	vand.u32 $0xFFF8, v27  }
0x3cf: {  	v27 =	vor.u32 v15, v27  }
0x3d0: {  	v29 =	vor.u32 s16, v16;
	_ =	sdelay $0x3  }
0x3d1: {  	[tilespmem:v27+s29+$0x0] =	vst.idx.msk $0xffff, v28;
	v27 =	vadd.s32 s15, v17  }
0x3d2: {  	v28 =	vld.idx.msk [tilespmem:v29+s2+$0x0], $0xffff;
	v27 =	vand.u32 $0xFFF8, v27  }
0x3d3: {  	v27 =	vor.u32 v18, v27  }
0x3d4: {  	v29 =	vor.u32 s16, v19;
	_ =	sdelay $0x3  }
0x3d5: {  	[tilespmem:v27+s29+$0x0] =	vst.idx.msk $0xffff, v28;
	v27 =	vadd.s32 s15, v20  }
0x3d6: {  	v28 =	vld.idx.msk [tilespmem:v29+s2+$0x0], $0xffff;
	v27 =	vand.u32 $0xFFF8, v27  }
0x3d7: {  	v27 =	vor.u32 v21, v27  }
0x3d8: {  	v29 =	vor.u32 s16, v22;
	_ =	sdelay $0x3  }
0x3d9: {  	[tilespmem:v27+s29+$0x0] =	vst.idx.msk $0xffff, v28;
	v27 =	vadd.s32 s15, v23  }
0x3da: {  	v28 =	vld.idx.msk [tilespmem:v29+s2+$0x0], $0xffff;
	v27 =	vand.u32 $0xFFF8, v27  }
0x3db: {  	v27 =	vor.u32 v24, v27  }
0x3dc: {  	v29 =	vor.u32 s16, v25;
	s16 =	smov.u32 s17;
	_ =	sdelay $0x1  }
.Ltmp12:
0x3dd: {  	(pc) =	sbr.rel @p2 .LBB2_19-.Ltmp12, $4  }
0x3de: {  	_ = 	snop  }
0x3df: {  	[tilespmem:v27+s29+$0x0] =	vst.idx.msk $0xffff, v28;
	v28 =	vadd.s32 s15, v26  }
0x3e0: {  	v27 =	vld.idx.msk [tilespmem:v29+s2+$0x0], $0xffff;
	v28 =	vand.u32 $0xFFF8, v28  }
0x3e1: {  	s17 =	sadd.s32 $0x200, s17;
	v29 =	vor.u32 s16, v0;
	v28 =	vor.u32 v3, v28  }
0x3e2: {  	v29 =	vand.u32 v2, v29;
	_ =	sdelay $0x1  }
0x3e3: {  	s15 =	sadd.s32 $0x90, s15  }
0x3e4: {  	v30 =	vadd.s32 s15, v1  }
0x3e5: {  	[tilespmem:v28+s29+$0x0] =	vst.idx.msk $0xffff, v27;
	v27 =	vand.u32 $0xFFF8, v30  }
0x3e6: {  	v27 =	vor.u32 v3, v27;
	v28 =	vld.idx.msk [tilespmem:v29+s2+$0x0], $0xffff  }
0x3e7: {  	v29 =	vor.u32 s16, v4;
	_ =	sdelay $0x2  }
0x3e8: {  	v30 =	vadd.s32 s15, v5  }
0x3e9: {  	[tilespmem:v27+s29+$0x0] =	vst.idx.msk $0xffff, v28;
	v27 =	vand.u32 $0xFFF8, v30  }
0x3ea: {  	v28 =	vld.idx.msk [tilespmem:v29+s2+$0x0], $0xffff;
	v27 =	vor.u32 v6, v27  }
0x3eb: {  	v29 =	vor.u32 s16, v7;
	_ =	sdelay $0x2  }
0x3ec: {  	v30 =	vadd.s32 s15, v8  }
0x3ed: {  	[tilespmem:v27+s29+$0x0] =	vst.idx.msk $0xffff, v28;
	v27 =	vand.u32 $0xFFF8, v30  }
0x3ee: {  	v28 =	vld.idx.msk [tilespmem:v29+s2+$0x0], $0xffff;
	v27 =	vor.u32 v9, v27  }
0x3ef: {  	v29 =	vor.u32 s16, v10;
	_ =	sdelay $0x2  }
0x3f0: {  	v30 =	vadd.s32 s15, v11  }
0x3f1: {  	[tilespmem:v27+s29+$0x0] =	vst.idx.msk $0xffff, v28;
	v27 =	vand.u32 $0xFFF8, v30  }
0x3f2: {  	v28 =	vld.idx.msk [tilespmem:v29+s2+$0x0], $0xffff;
	v27 =	vor.u32 v12, v27  }
0x3f3: {  	v29 =	vor.u32 s16, v13;
	_ =	sdelay $0x2  }
0x3f4: {  	v30 =	vadd.s32 s15, v14  }
0x3f5: {  	[tilespmem:v27+s29+$0x0] =	vst.idx.msk $0xffff, v28;
	v27 =	vand.u32 $0xFFF8, v30  }
0x3f6: {  	v28 =	vld.idx.msk [tilespmem:v29+s2+$0x0], $0xffff;
	v27 =	vor.u32 v15, v27  }
0x3f7: {  	v29 =	vor.u32 s16, v16;
	_ =	sdelay $0x2  }
0x3f8: {  	v30 =	vadd.s32 s15, v17  }
0x3f9: {  	[tilespmem:v27+s29+$0x0] =	vst.idx.msk $0xffff, v28;
	v27 =	vand.u32 $0xFFF8, v30  }
0x3fa: {  	v28 =	vld.idx.msk [tilespmem:v29+s2+$0x0], $0xffff;
	v27 =	vor.u32 v18, v27  }
0x3fb: {  	v29 =	vor.u32 s16, v19;
	_ =	sdelay $0x2  }
0x3fc: {  	v30 =	vadd.s32 s15, v20  }
0x3fd: {  	[tilespmem:v27+s29+$0x0] =	vst.idx.msk $0xffff, v28;
	v27 =	vand.u32 $0xFFF8, v30  }
0x3fe: {  	v28 =	vld.idx.msk [tilespmem:v29+s2+$0x0], $0xffff;
	v27 =	vor.u32 v21, v27  }
0x3ff: {  	v29 =	vor.u32 s16, v22;
	_ =	sdelay $0x2  }
0x400: {  	v30 =	vadd.s32 s15, v23  }
0x401: {  	[tilespmem:v27+s29+$0x0] =	vst.idx.msk $0xffff, v28;
	v27 =	vand.u32 $0xFFF8, v30  }
0x402: {  	v28 =	vld.idx.msk [tilespmem:v29+s2+$0x0], $0xffff;
	v27 =	vor.u32 v24, v27  }
0x403: {  	v29 =	vor.u32 s16, v25;
	_ =	sdelay $0x2  }
0x404: {  	v30 =	vadd.s32 s15, v26  }
0x405: {  	[tilespmem:v27+s29+$0x0] =	vst.idx.msk $0xffff, v28;
	v27 =	vand.u32 $0xFFF8, v30  }
0x406: {  	v28 =	vld.idx.msk [tilespmem:v29+s2+$0x0], $0xffff;
	v27 =	vor.u32 v3, v27;
	_ =	sdelay $0x4  }
0x407: {  	s15 =	simm.s32 $0x0;
	[tilespmem:v27+s29+$0x0] =	vst.idx.msk $0xffff, v28  }
0x408: {  	[hbm4b:s20+s15] =	stream.linear.scatter [tilespmem:s29], [sflag:$0x3], $0x2D00, $0x38;
	[tilespmem:$0x19A00] =	vst v63  }
0x409: {  	_ = 	snop  }
0x40a: {  	[tilespmem:s15], [sflag:$0x1] =	stream.strided.gather [hbm4b:s21+s25], $0xA000, s26, s25, $0x38;
	[tilespmem:$0x19A00] =	vst v63  }
0x40b: {  	v27 =	vor.u32 s15, v0;
	_ =	swait.ge [sflag:s30], $0xA000  }
0x40c: {  	v27 =	vand.u32 v2, v27;
	[sflag:s30] =	ssyncset.done $0x0  }
0x40d: {  	[sflag:s30] =	ssyncadd.s32 $0xFFFF6000  }
0x40e: {  	_ =	swait.ge [sflag:s0], $0x2D00  }
0x40f: {  	v28 =	vadd.s32 s15, v1;
	[sflag:s0] =	ssyncset.done $0x0  }
0x410: {  	v28 =	vand.u32 $0xFFF8, v28;
	[sflag:s0] =	ssyncadd.s32 $0xFFFFD300  }
0x411: {  	v28 =	vor.u32 v3, v28;
	v27 =	vld.idx.msk [tilespmem:v27+s28+$0x0], $0xffff  }
0x412: {  	v29 =	vor.u32 s15, v4;
	_ =	sdelay $0x2  }
0x413: {  	v30 =	vadd.s32 s15, v5  }
0x414: {  	[tilespmem:v28+s31+$0x0] =	vst.idx.msk $0xffff, v27;
	v27 =	vand.u32 $0xFFF8, v30  }
0x415: {  	v28 =	vld.idx.msk [tilespmem:v29+s28+$0x0], $0xffff;
	v27 =	vor.u32 v6, v27  }
0x416: {  	v29 =	vor.u32 s15, v7;
	_ =	sdelay $0x2  }
0x417: {  	v30 =	vadd.s32 s15, v8  }
0x418: {  	[tilespmem:v27+s31+$0x0] =	vst.idx.msk $0xffff, v28;
	v27 =	vand.u32 $0xFFF8, v30  }
0x419: {  	v28 =	vld.idx.msk [tilespmem:v29+s28+$0x0], $0xffff;
	v27 =	vor.u32 v9, v27  }
0x41a: {  	v29 =	vor.u32 s15, v10;
	_ =	sdelay $0x2  }
0x41b: {  	v30 =	vadd.s32 s15, v11  }
0x41c: {  	[tilespmem:v27+s31+$0x0] =	vst.idx.msk $0xffff, v28;
	v27 =	vand.u32 $0xFFF8, v30  }
0x41d: {  	v28 =	vld.idx.msk [tilespmem:v29+s28+$0x0], $0xffff;
	v27 =	vor.u32 v12, v27  }
0x41e: {  	v29 =	vor.u32 s15, v13;
	_ =	sdelay $0x2  }
0x41f: {  	v30 =	vadd.s32 s15, v14  }
0x420: {  	[tilespmem:v27+s31+$0x0] =	vst.idx.msk $0xffff, v28;
	v27 =	vand.u32 $0xFFF8, v30  }
0x421: {  	v28 =	vld.idx.msk [tilespmem:v29+s28+$0x0], $0xffff;
	v27 =	vor.u32 v15, v27  }
0x422: {  	v29 =	vor.u32 s15, v16;
	_ =	sdelay $0x2  }
0x423: {  	v30 =	vadd.s32 s15, v17  }
0x424: {  	[tilespmem:v27+s31+$0x0] =	vst.idx.msk $0xffff, v28;
	v27 =	vand.u32 $0xFFF8, v30  }
0x425: {  	v28 =	vld.idx.msk [tilespmem:v29+s28+$0x0], $0xffff;
	v27 =	vor.u32 v18, v27  }
0x426: {  	v29 =	vor.u32 s15, v19;
	_ =	sdelay $0x2  }
0x427: {  	v30 =	vadd.s32 s15, v20  }
0x428: {  	[tilespmem:v27+s31+$0x0] =	vst.idx.msk $0xffff, v28;
	v27 =	vand.u32 $0xFFF8, v30  }
0x429: {  	v28 =	vld.idx.msk [tilespmem:v29+s28+$0x0], $0xffff;
	v27 =	vor.u32 v21, v27  }
0x42a: {  	v29 =	vor.u32 s15, v22;
	_ =	sdelay $0x2  }
0x42b: {  	v30 =	vadd.s32 s15, v23  }
0x42c: {  	[tilespmem:v27+s31+$0x0] =	vst.idx.msk $0xffff, v28;
	v27 =	vand.u32 $0xFFF8, v30  }
0x42d: {  	v28 =	vld.idx.msk [tilespmem:v29+s28+$0x0], $0xffff;
	v27 =	vor.u32 v24, v27  }
0x42e: {  	v29 =	vor.u32 s15, v25;
	_ =	sdelay $0x2  }
0x42f: {  	v30 =	vadd.s32 s15, v26  }
0x430: {  	s16 =	simm.s32 $0x200;
	[tilespmem:v27+s31+$0x0] =	vst.idx.msk $0xffff, v28;
	v28 =	vand.u32 $0xFFF8, v30  }
0x431: {  	s17 =	simm.s32 $0x400;
	v27 =	vld.idx.msk [tilespmem:v29+s28+$0x0], $0xffff;
	v29 =	vor.u32 s16, v0;
	v28 =	vor.u32 v3, v28  }
.LBB2_21:
0x432: {  	p2 =	sne.s32 s17, $0x9E00;
	v29 =	vand.u32 v2, v29;
	_ =	sdelay $0x2  }
0x433: {  	s15 =	sadd.s32 $0x90, s15  }
0x434: {  	v30 =	vadd.s32 s15, v1;
	[tilespmem:v28+s31+$0x0] =	vst.idx.msk $0xffff, v27  }
0x435: {  	v28 =	vand.u32 $0xFFF8, v30;
	v27 =	vld.idx.msk [tilespmem:v29+s28+$0x0], $0xffff  }
0x436: {  	v28 =	vor.u32 v3, v28  }
0x437: {  	v29 =	vor.u32 s16, v4;
	_ =	sdelay $0x3  }
0x438: {  	[tilespmem:v28+s31+$0x0] =	vst.idx.msk $0xffff, v27;
	v27 =	vadd.s32 s15, v5  }
0x439: {  	v28 =	vld.idx.msk [tilespmem:v29+s28+$0x0], $0xffff;
	v27 =	vand.u32 $0xFFF8, v27  }
0x43a: {  	v27 =	vor.u32 v6, v27  }
0x43b: {  	v29 =	vor.u32 s16, v7;
	_ =	sdelay $0x3  }
0x43c: {  	[tilespmem:v27+s31+$0x0] =	vst.idx.msk $0xffff, v28;
	v27 =	vadd.s32 s15, v8  }
0x43d: {  	v28 =	vld.idx.msk [tilespmem:v29+s28+$0x0], $0xffff;
	v27 =	vand.u32 $0xFFF8, v27  }
0x43e: {  	v27 =	vor.u32 v9, v27  }
0x43f: {  	v29 =	vor.u32 s16, v10;
	_ =	sdelay $0x3  }
0x440: {  	[tilespmem:v27+s31+$0x0] =	vst.idx.msk $0xffff, v28;
	v27 =	vadd.s32 s15, v11  }
0x441: {  	v28 =	vld.idx.msk [tilespmem:v29+s28+$0x0], $0xffff;
	v27 =	vand.u32 $0xFFF8, v27  }
0x442: {  	v27 =	vor.u32 v12, v27  }
0x443: {  	v29 =	vor.u32 s16, v13;
	_ =	sdelay $0x3  }
0x444: {  	[tilespmem:v27+s31+$0x0] =	vst.idx.msk $0xffff, v28;
	v27 =	vadd.s32 s15, v14  }
0x445: {  	v28 =	vld.idx.msk [tilespmem:v29+s28+$0x0], $0xffff;
	v27 =	vand.u32 $0xFFF8, v27  }
0x446: {  	v27 =	vor.u32 v15, v27  }
0x447: {  	v29 =	vor.u32 s16, v16;
	_ =	sdelay $0x3  }
0x448: {  	[tilespmem:v27+s31+$0x0] =	vst.idx.msk $0xffff, v28;
	v27 =	vadd.s32 s15, v17  }
0x449: {  	v28 =	vld.idx.msk [tilespmem:v29+s28+$0x0], $0xffff;
	v27 =	vand.u32 $0xFFF8, v27  }
0x44a: {  	v27 =	vor.u32 v18, v27  }
0x44b: {  	v29 =	vor.u32 s16, v19;
	_ =	sdelay $0x3  }
0x44c: {  	[tilespmem:v27+s31+$0x0] =	vst.idx.msk $0xffff, v28;
	v27 =	vadd.s32 s15, v20  }
0x44d: {  	v28 =	vld.idx.msk [tilespmem:v29+s28+$0x0], $0xffff;
	v27 =	vand.u32 $0xFFF8, v27  }
0x44e: {  	v27 =	vor.u32 v21, v27  }
0x44f: {  	v29 =	vor.u32 s16, v22;
	_ =	sdelay $0x3  }
0x450: {  	[tilespmem:v27+s31+$0x0] =	vst.idx.msk $0xffff, v28;
	v27 =	vadd.s32 s15, v23  }
0x451: {  	v28 =	vld.idx.msk [tilespmem:v29+s28+$0x0], $0xffff;
	v27 =	vand.u32 $0xFFF8, v27  }
0x452: {  	v27 =	vor.u32 v24, v27  }
0x453: {  	v29 =	vor.u32 s16, v25;
	s16 =	smov.u32 s17;
	_ =	sdelay $0x1  }
.Ltmp13:
0x454: {  	(pc) =	sbr.rel @p2 .LBB2_21-.Ltmp13, $4  }
0x455: {  	_ = 	snop  }
0x456: {  	[tilespmem:v27+s31+$0x0] =	vst.idx.msk $0xffff, v28;
	v28 =	vadd.s32 s15, v26  }
0x457: {  	v27 =	vld.idx.msk [tilespmem:v29+s28+$0x0], $0xffff;
	v28 =	vand.u32 $0xFFF8, v28  }
0x458: {  	s17 =	sadd.s32 $0x200, s17;
	v29 =	vor.u32 s16, v0;
	v28 =	vor.u32 v3, v28  }
0x459: {  	v29 =	vand.u32 v2, v29;
	_ =	sdelay $0x1  }
0x45a: {  	s15 =	sadd.s32 $0x90, s15  }
0x45b: {  	v30 =	vadd.s32 s15, v1  }
0x45c: {  	[tilespmem:v28+s31+$0x0] =	vst.idx.msk $0xffff, v27;
	v27 =	vand.u32 $0xFFF8, v30  }
0x45d: {  	v27 =	vor.u32 v3, v27;
	v28 =	vld.idx.msk [tilespmem:v29+s28+$0x0], $0xffff  }
0x45e: {  	v29 =	vor.u32 s16, v4;
	_ =	sdelay $0x2  }
0x45f: {  	v30 =	vadd.s32 s15, v5  }
0x460: {  	[tilespmem:v27+s31+$0x0] =	vst.idx.msk $0xffff, v28;
	v27 =	vand.u32 $0xFFF8, v30  }
0x461: {  	v28 =	vld.idx.msk [tilespmem:v29+s28+$0x0], $0xffff;
	v27 =	vor.u32 v6, v27  }
0x462: {  	v29 =	vor.u32 s16, v7;
	_ =	sdelay $0x2  }
0x463: {  	v30 =	vadd.s32 s15, v8  }
0x464: {  	[tilespmem:v27+s31+$0x0] =	vst.idx.msk $0xffff, v28;
	v27 =	vand.u32 $0xFFF8, v30  }
0x465: {  	v28 =	vld.idx.msk [tilespmem:v29+s28+$0x0], $0xffff;
	v27 =	vor.u32 v9, v27  }
0x466: {  	v29 =	vor.u32 s16, v10;
	_ =	sdelay $0x2  }
0x467: {  	v30 =	vadd.s32 s15, v11  }
0x468: {  	[tilespmem:v27+s31+$0x0] =	vst.idx.msk $0xffff, v28;
	v27 =	vand.u32 $0xFFF8, v30  }
0x469: {  	v28 =	vld.idx.msk [tilespmem:v29+s28+$0x0], $0xffff;
	v27 =	vor.u32 v12, v27  }
0x46a: {  	v29 =	vor.u32 s16, v13;
	_ =	sdelay $0x2  }
0x46b: {  	v30 =	vadd.s32 s15, v14  }
0x46c: {  	[tilespmem:v27+s31+$0x0] =	vst.idx.msk $0xffff, v28;
	v27 =	vand.u32 $0xFFF8, v30  }
0x46d: {  	v28 =	vld.idx.msk [tilespmem:v29+s28+$0x0], $0xffff;
	v27 =	vor.u32 v15, v27  }
0x46e: {  	v29 =	vor.u32 s16, v16;
	_ =	sdelay $0x2  }
0x46f: {  	v30 =	vadd.s32 s15, v17  }
0x470: {  	[tilespmem:v27+s31+$0x0] =	vst.idx.msk $0xffff, v28;
	v27 =	vand.u32 $0xFFF8, v30  }
0x471: {  	v28 =	vld.idx.msk [tilespmem:v29+s28+$0x0], $0xffff;
	v27 =	vor.u32 v18, v27  }
0x472: {  	v29 =	vor.u32 s16, v19;
	_ =	sdelay $0x2  }
0x473: {  	v30 =	vadd.s32 s15, v20  }
0x474: {  	[tilespmem:v27+s31+$0x0] =	vst.idx.msk $0xffff, v28;
	v27 =	vand.u32 $0xFFF8, v30  }
0x475: {  	v28 =	vld.idx.msk [tilespmem:v29+s28+$0x0], $0xffff;
	v27 =	vor.u32 v21, v27  }
0x476: {  	v29 =	vor.u32 s16, v22;
	_ =	sdelay $0x2  }
0x477: {  	v30 =	vadd.s32 s15, v23  }
0x478: {  	[tilespmem:v27+s31+$0x0] =	vst.idx.msk $0xffff, v28;
	v27 =	vand.u32 $0xFFF8, v30  }
0x479: {  	v28 =	vld.idx.msk [tilespmem:v29+s28+$0x0], $0xffff;
	v27 =	vor.u32 v24, v27  }
0x47a: {  	v29 =	vor.u32 s16, v25;
	_ =	sdelay $0x2  }
0x47b: {  	v30 =	vadd.s32 s15, v26  }
0x47c: {  	[tilespmem:v27+s31+$0x0] =	vst.idx.msk $0xffff, v28;
	v27 =	vand.u32 $0xFFF8, v30  }
0x47d: {  	v28 =	vld.idx.msk [tilespmem:v29+s28+$0x0], $0xffff;
	v27 =	vor.u32 v3, v27;
	_ =	sdelay $0x4  }
0x47e: {  	s15 =	simm.s32 $0x0;
	[tilespmem:v27+s31+$0x0] =	vst.idx.msk $0xffff, v28  }
0x47f: {  	[hbm4b:s22+s15] =	stream.linear.scatter [tilespmem:s31], [sflag:$0x4], $0x2D00, $0x38;
	[tilespmem:$0x19A00] =	vst v63  }
0x480: {  	v27 =	vor.u32 s15, v0;
	_ =	swait.ge [sflag:s3], $0xA000  }
0x481: {  	v27 =	vand.u32 v2, v27;
	[sflag:s3] =	ssyncset.done $0x0  }
0x482: {  	[sflag:s3] =	ssyncadd.s32 $0xFFFF6000  }
0x483: {  	_ =	swait.ge [sflag:s1], $0x2D00  }
0x484: {  	v28 =	vadd.s32 s15, v1;
	[sflag:s1] =	ssyncset.done $0x0  }
0x485: {  	v28 =	vand.u32 $0xFFF8, v28;
	[sflag:s1] =	ssyncadd.s32 $0xFFFFD300  }
0x486: {  	v28 =	vor.u32 v3, v28;
	v27 =	vld.idx.msk [tilespmem:v27+s2+$0x0], $0xffff  }
0x487: {  	v29 =	vor.u32 s15, v4;
	_ =	sdelay $0x2  }
0x488: {  	v30 =	vadd.s32 s15, v5  }
0x489: {  	[tilespmem:v28+s29+$0x0] =	vst.idx.msk $0xffff, v27;
	v27 =	vand.u32 $0xFFF8, v30  }
0x48a: {  	v28 =	vld.idx.msk [tilespmem:v29+s2+$0x0], $0xffff;
	v27 =	vor.u32 v6, v27  }
0x48b: {  	v29 =	vor.u32 s15, v7;
	_ =	sdelay $0x2  }
0x48c: {  	v30 =	vadd.s32 s15, v8  }
0x48d: {  	[tilespmem:v27+s29+$0x0] =	vst.idx.msk $0xffff, v28;
	v27 =	vand.u32 $0xFFF8, v30  }
0x48e: {  	v28 =	vld.idx.msk [tilespmem:v29+s2+$0x0], $0xffff;
	v27 =	vor.u32 v9, v27  }
0x48f: {  	v29 =	vor.u32 s15, v10;
	_ =	sdelay $0x2  }
0x490: {  	v30 =	vadd.s32 s15, v11  }
0x491: {  	[tilespmem:v27+s29+$0x0] =	vst.idx.msk $0xffff, v28;
	v27 =	vand.u32 $0xFFF8, v30  }
0x492: {  	v28 =	vld.idx.msk [tilespmem:v29+s2+$0x0], $0xffff;
	v27 =	vor.u32 v12, v27  }
0x493: {  	v29 =	vor.u32 s15, v13;
	_ =	sdelay $0x2  }
0x494: {  	v30 =	vadd.s32 s15, v14  }
0x495: {  	[tilespmem:v27+s29+$0x0] =	vst.idx.msk $0xffff, v28;
	v27 =	vand.u32 $0xFFF8, v30  }
0x496: {  	v28 =	vld.idx.msk [tilespmem:v29+s2+$0x0], $0xffff;
	v27 =	vor.u32 v15, v27  }
0x497: {  	v29 =	vor.u32 s15, v16;
	_ =	sdelay $0x2  }
0x498: {  	v30 =	vadd.s32 s15, v17  }
0x499: {  	[tilespmem:v27+s29+$0x0] =	vst.idx.msk $0xffff, v28;
	v27 =	vand.u32 $0xFFF8, v30  }
0x49a: {  	v28 =	vld.idx.msk [tilespmem:v29+s2+$0x0], $0xffff;
	v27 =	vor.u32 v18, v27  }
0x49b: {  	v29 =	vor.u32 s15, v19;
	_ =	sdelay $0x2  }
0x49c: {  	v30 =	vadd.s32 s15, v20  }
0x49d: {  	[tilespmem:v27+s29+$0x0] =	vst.idx.msk $0xffff, v28;
	v27 =	vand.u32 $0xFFF8, v30  }
0x49e: {  	v28 =	vld.idx.msk [tilespmem:v29+s2+$0x0], $0xffff;
	v27 =	vor.u32 v21, v27  }
0x49f: {  	v29 =	vor.u32 s15, v22;
	_ =	sdelay $0x2  }
0x4a0: {  	v30 =	vadd.s32 s15, v23  }
0x4a1: {  	[tilespmem:v27+s29+$0x0] =	vst.idx.msk $0xffff, v28;
	v27 =	vand.u32 $0xFFF8, v30  }
0x4a2: {  	v28 =	vld.idx.msk [tilespmem:v29+s2+$0x0], $0xffff;
	v27 =	vor.u32 v24, v27  }
0x4a3: {  	v29 =	vor.u32 s15, v25;
	_ =	sdelay $0x2  }
0x4a4: {  	v30 =	vadd.s32 s15, v26  }
0x4a5: {  	s16 =	simm.s32 $0x200;
	[tilespmem:v27+s29+$0x0] =	vst.idx.msk $0xffff, v28;
	v28 =	vand.u32 $0xFFF8, v30  }
0x4a6: {  	s17 =	simm.s32 $0x400;
	v27 =	vld.idx.msk [tilespmem:v29+s2+$0x0], $0xffff;
	v29 =	vor.u32 s16, v0;
	v28 =	vor.u32 v3, v28  }
.LBB2_23:
0x4a7: {  	p2 =	sne.s32 s17, $0x9E00;
	v29 =	vand.u32 v2, v29;
	_ =	sdelay $0x2  }
0x4a8: {  	s15 =	sadd.s32 $0x90, s15  }
0x4a9: {  	v30 =	vadd.s32 s15, v1;
	[tilespmem:v28+s29+$0x0] =	vst.idx.msk $0xffff, v27  }
0x4aa: {  	v28 =	vand.u32 $0xFFF8, v30;
	v27 =	vld.idx.msk [tilespmem:v29+s2+$0x0], $0xffff  }
0x4ab: {  	v28 =	vor.u32 v3, v28  }
0x4ac: {  	v29 =	vor.u32 s16, v4;
	_ =	sdelay $0x3  }
0x4ad: {  	[tilespmem:v28+s29+$0x0] =	vst.idx.msk $0xffff, v27;
	v27 =	vadd.s32 s15, v5  }
0x4ae: {  	v28 =	vld.idx.msk [tilespmem:v29+s2+$0x0], $0xffff;
	v27 =	vand.u32 $0xFFF8, v27  }
0x4af: {  	v27 =	vor.u32 v6, v27  }
0x4b0: {  	v29 =	vor.u32 s16, v7;
	_ =	sdelay $0x3  }
0x4b1: {  	[tilespmem:v27+s29+$0x0] =	vst.idx.msk $0xffff, v28;
	v27 =	vadd.s32 s15, v8  }
0x4b2: {  	v28 =	vld.idx.msk [tilespmem:v29+s2+$0x0], $0xffff;
	v27 =	vand.u32 $0xFFF8, v27  }
0x4b3: {  	v27 =	vor.u32 v9, v27  }
0x4b4: {  	v29 =	vor.u32 s16, v10;
	_ =	sdelay $0x3  }
0x4b5: {  	[tilespmem:v27+s29+$0x0] =	vst.idx.msk $0xffff, v28;
	v27 =	vadd.s32 s15, v11  }
0x4b6: {  	v28 =	vld.idx.msk [tilespmem:v29+s2+$0x0], $0xffff;
	v27 =	vand.u32 $0xFFF8, v27  }
0x4b7: {  	v27 =	vor.u32 v12, v27  }
0x4b8: {  	v29 =	vor.u32 s16, v13;
	_ =	sdelay $0x3  }
0x4b9: {  	[tilespmem:v27+s29+$0x0] =	vst.idx.msk $0xffff, v28;
	v27 =	vadd.s32 s15, v14  }
0x4ba: {  	v28 =	vld.idx.msk [tilespmem:v29+s2+$0x0], $0xffff;
	v27 =	vand.u32 $0xFFF8, v27  }
0x4bb: {  	v27 =	vor.u32 v15, v27  }
0x4bc: {  	v29 =	vor.u32 s16, v16;
	_ =	sdelay $0x3  }
0x4bd: {  	[tilespmem:v27+s29+$0x0] =	vst.idx.msk $0xffff, v28;
	v27 =	vadd.s32 s15, v17  }
0x4be: {  	v28 =	vld.idx.msk [tilespmem:v29+s2+$0x0], $0xffff;
	v27 =	vand.u32 $0xFFF8, v27  }
0x4bf: {  	v27 =	vor.u32 v18, v27  }
0x4c0: {  	v29 =	vor.u32 s16, v19;
	_ =	sdelay $0x3  }
0x4c1: {  	[tilespmem:v27+s29+$0x0] =	vst.idx.msk $0xffff, v28;
	v27 =	vadd.s32 s15, v20  }
0x4c2: {  	v28 =	vld.idx.msk [tilespmem:v29+s2+$0x0], $0xffff;
	v27 =	vand.u32 $0xFFF8, v27  }
0x4c3: {  	v27 =	vor.u32 v21, v27  }
0x4c4: {  	v29 =	vor.u32 s16, v22;
	_ =	sdelay $0x3  }
0x4c5: {  	[tilespmem:v27+s29+$0x0] =	vst.idx.msk $0xffff, v28;
	v27 =	vadd.s32 s15, v23  }
0x4c6: {  	v28 =	vld.idx.msk [tilespmem:v29+s2+$0x0], $0xffff;
	v27 =	vand.u32 $0xFFF8, v27  }
0x4c7: {  	v27 =	vor.u32 v24, v27  }
0x4c8: {  	v29 =	vor.u32 s16, v25;
	s16 =	smov.u32 s17;
	_ =	sdelay $0x1  }
.Ltmp14:
0x4c9: {  	(pc) =	sbr.rel @p2 .LBB2_23-.Ltmp14, $4  }
0x4ca: {  	_ = 	snop  }
0x4cb: {  	[tilespmem:v27+s29+$0x0] =	vst.idx.msk $0xffff, v28;
	v28 =	vadd.s32 s15, v26  }
0x4cc: {  	v27 =	vld.idx.msk [tilespmem:v29+s2+$0x0], $0xffff;
	v28 =	vand.u32 $0xFFF8, v28  }
0x4cd: {  	s17 =	sadd.s32 $0x200, s17;
	v29 =	vor.u32 s16, v0;
	v28 =	vor.u32 v3, v28  }
.Ltmp15:
0x4ce: {  	_ = 	snop;
	(pc) =	sbr.rel .LBB2_24-.Ltmp15, $1  }
0x4cf: {  	_ =	sdelay $0x3  }
.LBB2_26:
0x4d0: {  	_ =	sfence.sel $0x180000  }
0x4d1: {  	[bflag:$0x0] =	sbarrier.arrive $0xFFFF  }
0x4d2: {  	_ =	strace $0x90000047  }
0x4d3: {  	s0 =	stileid.u32;
	[bflag:$0x2] =	sbarrier.arrive $0xFFFF  }
0x4d4: {  	p0 =	sne.s32 s0, $0x0;
	s0 =	rddreg [dreg:$0x2]  }
0x4d5: {  	s0 =	sadd.s32 @!p0 $0x100000, s0  }
0x4d6: {  	[sflag:s0] =	ssyncadd.tile.s32 @!p0 $0x1;
	_ =	shalt  }
.Lfunc_end2:
_tile_overlayer_lowered:
.L_overlay_start_2:
0x4d7: {  	(tag) =	ssettag $0x2  }
0x4d8: {  	s0 =	rddreg [dreg:$0x0];
	s2 =	stileid.u32  }
0x4d9: {  	s1 =	rddreg [dreg:$0x1];
	p0 =	sne.s32 s2, $0x0  }
0x4da: {  	s3 =	rddreg [dreg:$0x2];
	[bflag:$0x3] =	sbarrier.arrive $0xFFFF;
	s2 =	simm.s32 @!p0 $0x1C05  }
0x4db: {  	[timem:s3], [sflag:s2] =	dma.local @!p0 [hbm:s0], s1  }
0x4dc: {  	s0 =	simm.s32 @!p0 $0x5  }
0x4dd: {  	_ =	swait.ge @!p0 [sflag:s0], s1  }
0x4de: {  	s1 =	ssub.s32 @!p0 $0x0, s1;
	[sflag:s0] =	ssyncset.done @!p0 $0x0  }
0x4df: {  	[sflag:s0] =	ssyncadd.s32 @!p0 s1  }
0x4e0: {  	[bflag:$0x3] =	sbarrier.arrive $0xFFFF  }
0x4e1: {  	_ =	shalt  }

</sc_bundles>
